<compile_context>
chip_gen: v7x
topology: tpu7x:2x2x1
jax: 0.10.2.dev20260603
libtpu: 0.0.44.dev20260713+nightly
codegen_flags: <defaults>
</compile_context>

<pallas_src>
import functools

import jax
import jax.numpy as jnp
from jax import lax
from jax.experimental import pallas as pl
from jax.experimental.pallas import tpu as pltpu
from jax.experimental.pallas import tpu_sc as plsc

L = 16
NC = 2
NS = 16
NW = NC * NS

B = 8
N = 8192
C = 384
H = 96
W = 96
PW = (B * N) // NW
NG = PW // L
ROWS = B * H * W
WPB = N // PW
CG = C // L


def _body(verts, img_rows, proj, out, stage, verts_v, xyz_v, idx_v, w_v,
          pos_v, zbuf, gbuf0, gbuf1, obuf0, obuf1, pvec, mm_v, grp_v,
          sem0, sem1, osem0, osem1):
    c = lax.axis_index("c")
    s = lax.axis_index("s")
    wid = c * NS + s
    b = wid // WPB
    noff = (wid % WPB) * PW
    row0 = wid * PW

    pltpu.sync_copy(verts.at[b, :, pl.ds(noff, PW)], verts_v)
    pltpu.sync_copy(proj.at[b], pvec)

    def bf16r(v):
        u = plsc.bitcast(v, jnp.int32)
        bias = 0x7FFF + ((u >> 16) & 1)
        return plsc.bitcast((u + bias) & jnp.int32(-65536), jnp.float32)

    p00, p01, p02, p03 = (bf16r(pvec[k]) for k in range(0, 4))
    p10, p11, p12, p13 = (bf16r(pvec[k]) for k in range(4, 8))
    p20, p21, p22, p23 = (bf16r(pvec[k]) for k in range(8, 12))
    p30, p31, p32, p33 = (bf16r(pvec[k]) for k in range(12, 16))

    def pa(g, carry):
        mn, mx = carry
        sl = pl.ds(g * L, L)
        vx = bf16r(verts_v[0, sl])
        vy = bf16r(verts_v[1, sl])
        vz = bf16r(verts_v[2, sl])
        cx = p00 * vx + p01 * vy + p02 * vz + p03
        cy = p10 * vx + p11 * vy + p12 * vz + p13
        cz = p20 * vx + p21 * vy + p22 * vz + p23
        cw = p30 * vx + p31 * vy + p32 * vz + p33
        x = (cx / cw + 1.0) * 0.5
        y = 1.0 - (cy / cw + 1.0) * 0.5
        z = cz / cw
        xyz_v[0, sl] = jnp.clip(x * float(W), 0.0, float(W - 1))
        xyz_v[1, sl] = jnp.clip(y * float(H), 0.0, float(H - 1))
        xyz_v[2, sl] = z
        return jnp.minimum(mn, z), jnp.maximum(mx, z)

    big = jnp.full((L,), 3.0e38, jnp.float32)
    mn, mx = lax.fori_loop(0, NG, pa, (big, -big))

    lanes = lax.iota(jnp.int32, L)
    zeros = jnp.zeros((L,), jnp.int32)

    def lane_reduce(v, op):
        for sh in (8, 4, 2, 1):
            mm_v[0] = v
            perm = plsc.load_gather(mm_v, [zeros, lanes ^ sh])
            v = op(v, perm)
        return v

    rmn = lane_reduce(mn, jnp.minimum)
    rmx = lane_reduce(mx, jnp.maximum)
    mm_v[0] = rmn
    mm_v[1] = rmx
    pltpu.sync_copy(mm_v, stage.at[wid])
    plsc.subcore_barrier()
    pltpu.sync_copy(stage.at[pl.ds((wid // WPB) * WPB, WPB)], grp_v)
    bmn = jnp.minimum(jnp.minimum(grp_v[0, 0], grp_v[1, 0]),
                      jnp.minimum(grp_v[2, 0], grp_v[3, 0]))
    bmx = jnp.maximum(jnp.maximum(grp_v[0, 1], grp_v[1, 1]),
                      jnp.maximum(grp_v[2, 1], grp_v[3, 1]))
    rng = bmx - bmn

    base = b * (H * W)

    def pb(g, carry):
        cnt, zcnt = carry
        sl = pl.ds(g * L, L)
        x0 = xyz_v[0, sl]
        y0 = xyz_v[1, sl]
        z = xyz_v[2, sl]
        x1i = x0.astype(jnp.int32)
        x1f = x1i.astype(jnp.float32)
        x2i = jnp.where(x0 == x1f, x1i, x1i + 1)
        x2f = x2i.astype(jnp.float32)
        y1i = y0.astype(jnp.int32)
        y1f = y1i.astype(jnp.float32)
        y2i = jnp.where(y0 == y1f, y1i, y1i + 1)
        y2f = y2i.astype(jnp.float32)
        zw = jnp.exp((bmn - z) / rng)
        ax = x0 - x1f
        bx = x2f - x0
        ay = y0 - y1f
        by = y2f - y0
        w_v[g, pl.ds(0, L)] = bx * by * zw
        w_v[g, pl.ds(L, L)] = ax * by * zw
        w_v[g, pl.ds(2 * L, L)] = bx * ay * zw
        w_v[g, pl.ds(3 * L, L)] = ax * ay * zw
        r1 = base + y1i * W
        r2 = base + y2i * W
        idx_v[g, pl.ds(0, L)] = jnp.clip(r1 + x1i, 0, ROWS - 1)
        idx_v[g, pl.ds(L, L)] = jnp.clip(r1 + x2i, 0, ROWS - 1)
        idx_v[g, pl.ds(2 * L, L)] = jnp.clip(r2 + x1i, 0, ROWS - 1)
        idx_v[g, pl.ds(3 * L, L)] = jnp.clip(r2 + x2i, 0, ROWS - 1)
        pid = g * L + lanes
        mask = jnp.logical_and(x1i != x2i, y1i != y2i)
        fsum = plsc.cumsum(mask.astype(jnp.int32))
        plsc.store_scatter(pos_v, [cnt + fsum - 1], pid, mask=mask)
        nmask = jnp.logical_not(mask)
        zsum = plsc.cumsum(nmask.astype(jnp.int32))
        plsc.store_scatter(pos_v, [(PW - 1) - (zcnt + zsum - 1)], pid,
                           mask=nmask)
        return (cnt + plsc.all_reduce_population_count(mask),
                zcnt + plsc.all_reduce_population_count(nmask))

    n_vec, _ = lax.fori_loop(0, NG, pb, (zeros, zeros))

    def zb(r, _):
        for cg in range(CG):
            zbuf[r, pl.ds(cg * L, L)] = jnp.zeros((L,), jnp.float32)
        return 0

    lax.fori_loop(0, L, zb, 0)

    def blend_c(g, gb, ob):
        def pbody(p, _):
            pid = plsc.load_gather(
                pos_v, [jnp.full((L,), g * L + p, jnp.int32)])
            hi = pid >> 4
            lo = pid & (L - 1)
            w11 = plsc.load_gather(w_v, [hi, lo])
            w21 = plsc.load_gather(w_v, [hi, lo + L])
            w12 = plsc.load_gather(w_v, [hi, lo + 2 * L])
            w22 = plsc.load_gather(w_v, [hi, lo + 3 * L])
            for cg in range(CG):
                sl = pl.ds(cg * L, L)
                ob[p, sl] = (w11 * gb[p, sl] + w21 * gb[p + L, sl]
                             + w12 * gb[p + 2 * L, sl]
                             + w22 * gb[p + 3 * L, sl])
            return 0

        lax.fori_loop(0, L, pbody, 0)

    def owait(ob, osem):
        pltpu.make_async_copy(ob, out.at[pl.ds(row0, L)], osem).wait()

    def chunk(g, gb, sem, ob, osem):
        pidv = pos_v[pl.ds(g * L, L)]
        rows_out = row0 + pidv
        hi = pidv >> 4
        lo = pidv & (L - 1)
        live = jnp.any(n_vec > g * L)

        @pl.when(live)
        def _():
            for q in range(4):
                rq = plsc.load_gather(idx_v, [hi, lo + q * L])
                pltpu.async_copy(
                    img_rows.at[rq], gb.at[pl.ds(q * L, L)], sem)
            for q in range(4):
                rq = plsc.load_gather(idx_v, [hi, lo + q * L])
                pltpu.make_async_copy(
                    img_rows.at[rq], gb.at[pl.ds(q * L, L)], sem).wait()
            blend_c(g, gb, ob)
            pltpu.async_copy(ob, out.at[rows_out], osem)

        @pl.when(jnp.logical_not(live))
        def _():
            pltpu.async_copy(zbuf, out.at[rows_out], osem)

    def pc(i, _):
        @pl.when(i > 0)
        def _():
            owait(obuf0, osem0)

        chunk(2 * i, gbuf0, sem0, obuf0, osem0)

        @pl.when(i > 0)
        def _():
            owait(obuf1, osem1)

        chunk(2 * i + 1, gbuf1, sem1, obuf1, osem1)
        return 0

    lax.fori_loop(0, NG // 2, pc, 0)
    owait(obuf0, osem0)
    owait(obuf1, osem1)


@jax.jit
def _run(verts_t, img_rows, proj_splat):
    mesh = plsc.VectorSubcoreMesh(core_axis_name="c", subcore_axis_name="s",
                                  num_cores=NC, num_subcores=NS)
    fn = pl.kernel(
        _body,
        out_type=(jax.ShapeDtypeStruct((B * N, C), jnp.float32),
                  jax.ShapeDtypeStruct((NW, 2, L), jnp.float32)),
        mesh=mesh,
        compiler_params=pltpu.CompilerParams(needs_layout_passes=False),
        scratch_types=[
            pltpu.VMEM((3, PW), jnp.float32),
            pltpu.VMEM((3, PW), jnp.float32),
            pltpu.VMEM((NG, 4 * L), jnp.int32),
            pltpu.VMEM((NG, 4 * L), jnp.float32),
            pltpu.VMEM((PW,), jnp.int32),
            pltpu.VMEM((L, C), jnp.float32),
            pltpu.VMEM((4 * L, C), jnp.float32),
            pltpu.VMEM((4 * L, C), jnp.float32),
            pltpu.VMEM((L, C), jnp.float32),
            pltpu.VMEM((L, C), jnp.float32),
            pltpu.VMEM((16, L), jnp.float32),
            pltpu.VMEM((2, L), jnp.float32),
            pltpu.VMEM((WPB, 2, L), jnp.float32),
            pltpu.SemaphoreType.DMA,
            pltpu.SemaphoreType.DMA,
            pltpu.SemaphoreType.DMA,
            pltpu.SemaphoreType.DMA,
        ],
    )
    return fn(verts_t, img_rows, proj_splat)


def kernel(vertices, img_feats, proj_mat):
    img_rows = img_feats.transpose(0, 2, 3, 1).reshape(B * H * W, C)
    verts_t = vertices.transpose(0, 2, 1)
    proj_splat = jnp.broadcast_to(
        proj_mat.reshape(B, 16)[:, :, None], (B, 16, L))
    out, _ = _run(verts_t, img_rows, proj_splat)
    return out.reshape(B, N, C)

# --- scband reference (transcript-rebuilt; emitter-appended) ---
"""Pipeline reference for scband-graph-project-upoint-19799799234728 (READ-ONLY COPY).

The authoritative reference and input builder live on the scoring server;
editing this copy changes nothing except your own understanding.
"""

import jax, jax.numpy as jnp
import numpy as np


def setup_inputs(seed: int = 0):
    key = jax.random.key(seed)
    k1, k2, k3 = jax.random.split(key, 3)
    vertices = jax.random.normal(k1, (8, 8192, 3), dtype=jnp.float32)
    img_feats = jax.random.normal(k2, (8, 384, 96, 96), dtype=jnp.float32)
    proj_mat = jax.random.normal(k3, (8, 4, 4), dtype=jnp.float32)
    return {"vertices": vertices, "img_feats": img_feats, "proj_mat": proj_mat}


def _bilinear_interpolate(img_feat, x, y):
    # img_feat: [B, C, H, W]; x, y: [B, N] float coords (x in [0, W-1], y in [0, H-1])
    B, C, H, W = img_feat.shape
    x1 = jnp.floor(x).astype(jnp.int32)
    x2 = jnp.ceil(x).astype(jnp.int32)
    y1 = jnp.floor(y).astype(jnp.int32)
    y2 = jnp.ceil(y).astype(jnp.int32)
    # torch: img_feat.transpose(1, 3) -> [B, W, H, C]
    img_t = jnp.transpose(img_feat, (0, 3, 2, 1))
    gather = jax.vmap(lambda im, xi, yi: im[xi, yi])
    Q11 = gather(img_t, x1, y1)
    Q12 = gather(img_t, x1, y2)
    Q21 = gather(img_t, x2, y1)
    Q22 = gather(img_t, x2, y2)
    x1f = x1.astype(jnp.float32)
    x2f = x2.astype(jnp.float32)
    y1f = y1.astype(jnp.float32)
    y2f = y2.astype(jnp.float32)
    w11 = ((x2f - x) * (y2f - y))[..., None]
    w12 = ((x2f - x) * (y - y1f))[..., None]
    w21 = ((x - x1f) * (y2f - y))[..., None]
    w22 = ((x - x1f) * (y - y1f))[..., None]
    return w11 * Q11 + w21 * Q21 + w12 * Q12 + w22 * Q22


def reference(vertices, img_feats, proj_mat):
    B, N, _ = vertices.shape
    ones = jnp.ones((B, N, 1), dtype=vertices.dtype)
    point4d = jnp.concatenate([vertices, ones], axis=-1)
    # torch: bmm(proj_mat, point4d.transpose(1,2)).transpose(1,2) -> [B, N, 4]
    coords = jnp.einsum('bij,bnj->bni', proj_mat, point4d)
    x = (coords[:, :, 0] / coords[:, :, 3] + 1.0) / 2.0
    y = 1.0 - (coords[:, :, 1] / coords[:, :, 3] + 1.0) / 2.0
    # use_z_weight=True branch
    z = coords[:, :, 2] / coords[:, :, 3]
    min_z = jnp.min(z, axis=1, keepdims=True)
    max_z = jnp.max(z, axis=1, keepdims=True)
    kz = (min_z - z) / (max_z - min_z)
    z_weight = jnp.exp(kz)
    H = img_feats.shape[-2]
    W = img_feats.shape[-1]
    x0 = jnp.clip(x * W, 0.0, W - 1.0)
    y0 = jnp.clip(y * H, 0.0, H - 1.0)
    out = _bilinear_interpolate(img_feats, x0, y0)
    out = z_weight[..., None] * out
    return out

if __name__ == "__main__":
    import jax
    _d = setup_inputs()
    print(jax.jit(kernel)(*tuple(_d.values())))

</pallas_src>

<mosaic_0001>
#map = affine_map<(d0, d1) -> (0, 0, 0)>
#map1 = affine_map<(d0, d1) -> (0, 0)>
module attributes {stable_mosaic.version = 14 : i64} {
  func.func @_body(%arg0: i32, %arg1: i32, %arg2: memref<8x3x8192xf32, #tpu.memory_space<hbm>>, %arg3: memref<73728x384xf32, #tpu.memory_space<hbm>>, %arg4: memref<8x16x16xf32, #tpu.memory_space<hbm>>, %arg5: memref<65536x384xf32, #tpu.memory_space<hbm>>, %arg6: memref<32x2x16xf32, #tpu.memory_space<hbm>>, %arg7: memref<3x2048xf32, #tpu.memory_space<vmem>>, %arg8: memref<3x2048xf32, #tpu.memory_space<vmem>>, %arg9: memref<128x64xi32, #tpu.memory_space<vmem>>, %arg10: memref<128x64xf32, #tpu.memory_space<vmem>>, %arg11: memref<2048xi32, #tpu.memory_space<vmem>>, %arg12: memref<16x384xf32, #tpu.memory_space<vmem>>, %arg13: memref<64x384xf32, #tpu.memory_space<vmem>>, %arg14: memref<64x384xf32, #tpu.memory_space<vmem>>, %arg15: memref<16x384xf32, #tpu.memory_space<vmem>>, %arg16: memref<16x384xf32, #tpu.memory_space<vmem>>, %arg17: memref<16x16xf32, #tpu.memory_space<vmem>>, %arg18: memref<2x16xf32, #tpu.memory_space<vmem>>, %arg19: memref<4x2x16xf32, #tpu.memory_space<vmem>>, %arg20: memref<!tpu.dma_semaphore, #tpu.memory_space<semaphore_mem>>, %arg21: memref<!tpu.dma_semaphore, #tpu.memory_space<semaphore_mem>>, %arg22: memref<!tpu.dma_semaphore, #tpu.memory_space<semaphore_mem>>, %arg23: memref<!tpu.dma_semaphore, #tpu.memory_space<semaphore_mem>>) attributes {dimension_semantics = [#tpu.dimension_semantics<core_parallel>, #tpu.dimension_semantics<subcore_parallel>], iteration_bounds = array<i64: 2, 16>, scalar_prefetch = 0 : i64, scratch_operands = 17 : i64, tpu.core_type = #tpu.core_type<sc_vector_subcore>, window_params = [{transform_indices = #map}, {transform_indices = #map1}, {transform_indices = #map}, {transform_indices = #map1}, {transform_indices = #map}]} {
    %mul3A = arith.constant 16 : i32
    %mul3A_0 = arith.muli %arg0, %mul3A : i32
    %add3A = arith.addi %mul3A_0, %arg1 : i32
    %jit3A = arith.constant 4 : i32
    %div3A = arith.divsi %add3A, %jit3A : i32
    %sign3A = arith.constant 0 : i32
    %sign3A_1 = arith.cmpi sgt, %add3A, %sign3A : i32
    %sign3A_2 = arith.extui %sign3A_1 : i1 to i32
    %sign3A_3 = arith.constant 0 : i32
    %sign3A_4 = arith.cmpi slt, %add3A, %sign3A_3 : i32
    %sign3A_5 = arith.extui %sign3A_4 : i1 to i32
    %sign3A_6 = arith.subi %sign3A_2, %sign3A_5 : i32
    %sign3A_7 = arith.constant 0 : i32
    %sign3A_8 = arith.cmpi sgt, %jit3A, %sign3A_7 : i32
    %sign3A_9 = arith.extui %sign3A_8 : i1 to i32
    %sign3A_10 = arith.constant 0 : i32
    %sign3A_11 = arith.cmpi slt, %jit3A, %sign3A_10 : i32
    %sign3A_12 = arith.extui %sign3A_11 : i1 to i32
    %sign3A_13 = arith.subi %sign3A_9, %sign3A_12 : i32
    %ne3A = arith.cmpi ne, %sign3A_6, %sign3A_13 : i32
    %rem3A = arith.remsi %add3A, %jit3A : i32
    %ne3A_14 = arith.constant 0 : i32
    %ne3A_15 = arith.cmpi ne, %rem3A, %ne3A_14 : i32
    %and3A = arith.andi %ne3A, %ne3A_15 : i1
    %sub3A = arith.constant 1 : i32
    %sub3A_16 = arith.subi %div3A, %sub3A : i32
    %select_n3A = arith.select %and3A, %sub3A_16, %div3A : i32
    %jit3A_17 = arith.constant 4 : i32
    %eq3A = arith.constant 0 : i32
    %eq3A_18 = arith.cmpi eq, %jit3A_17, %eq3A : i32
    %jit3A_19 = arith.constant 1 : i32
    %select_n3A_20 = arith.select %eq3A_18, %jit3A_19, %jit3A_17 : i32
    %rem3A_21 = arith.remsi %add3A, %select_n3A_20 : i32
    %ne3A_22 = arith.constant 0 : i32
    %ne3A_23 = arith.cmpi ne, %rem3A_21, %ne3A_22 : i32
    %lt3A = arith.constant 0 : i32
    %lt3A_24 = arith.cmpi slt, %rem3A_21, %lt3A : i32
    %lt3A_25 = arith.constant 0 : i32
    %lt3A_26 = arith.cmpi slt, %select_n3A_20, %lt3A_25 : i32
    %ne3A_27 = arith.xori %lt3A_24, %lt3A_26 : i1
    %and3A_28 = arith.andi %ne3A_27, %ne3A_23 : i1
    %add3A_29 = arith.addi %rem3A_21, %select_n3A_20 : i32
    %select_n3A_30 = arith.select %and3A_28, %add3A_29, %rem3A_21 : i32
    %mul3A_31 = arith.constant 2048 : i32
    %mul3A_32 = arith.muli %select_n3A_30, %mul3A_31 : i32
    %mul3A_33 = arith.constant 2048 : i32
    %mul3A_34 = arith.muli %add3A, %mul3A_33 : i32
    "tpu.region"() ({
      %run_scoped3A = tpu.sem_alloc : memref<!tpu.dma_semaphore, #tpu.memory_space<semaphore_mem>>
      %dma_start3A = arith.constant 0 : i32
      %dma_start3A_531 = tpu.memref_slice %arg2[%select_n3A, %dma_start3A, %mul3A_32] : memref<8x3x8192xf32, #tpu.memory_space<hbm>> -> memref<1x3x2048xf32, #tpu.memory_space<hbm>>
      %dma_start3A_532 = tpu.memref_squeeze %dma_start3A_531 : memref<1x3x2048xf32, #tpu.memory_space<hbm>> -> memref<3x2048xf32, #tpu.memory_space<hbm>>
      %dma_start3A_533 = arith.constant 0 : i32
      %dma_start3A_534 = tpu.memref_slice %arg2[%select_n3A, %dma_start3A_533, %mul3A_32] : memref<8x3x8192xf32, #tpu.memory_space<hbm>> -> memref<1x3x2048xf32, #tpu.memory_space<hbm>>
      %dma_start3A_535 = tpu.memref_squeeze %dma_start3A_534 : memref<1x3x2048xf32, #tpu.memory_space<hbm>> -> memref<3x2048xf32, #tpu.memory_space<hbm>>
      tpu.enqueue_dma source(%dma_start3A_535 : memref<3x2048xf32, #tpu.memory_space<hbm>>) target(%arg7 : memref<3x2048xf32, #tpu.memory_space<vmem>>) target_semaphore(%run_scoped3A : memref<!tpu.dma_semaphore, #tpu.memory_space<semaphore_mem>>)
      %dma_wait3A_536 = arith.constant 0 : i32
      %dma_wait3A_537 = tpu.memref_slice %arg2[%select_n3A, %dma_wait3A_536, %mul3A_32] : memref<8x3x8192xf32, #tpu.memory_space<hbm>> -> memref<1x3x2048xf32, #tpu.memory_space<hbm>>
      %dma_wait3A_538 = tpu.memref_squeeze %dma_wait3A_537 : memref<1x3x2048xf32, #tpu.memory_space<hbm>> -> memref<3x2048xf32, #tpu.memory_space<hbm>>
      %dma_wait3A_539 = arith.constant 0 : i32
      %dma_wait3A_540 = tpu.memref_slice %arg2[%select_n3A, %dma_wait3A_539, %mul3A_32] : memref<8x3x8192xf32, #tpu.memory_space<hbm>> -> memref<1x3x2048xf32, #tpu.memory_space<hbm>>
      %dma_wait3A_541 = tpu.memref_squeeze %dma_wait3A_540 : memref<1x3x2048xf32, #tpu.memory_space<hbm>> -> memref<3x2048xf32, #tpu.memory_space<hbm>>
      tpu.wait_dma2 semaphore(%run_scoped3A : memref<!tpu.dma_semaphore, #tpu.memory_space<semaphore_mem>>) src(%dma_wait3A_541 : memref<3x2048xf32, #tpu.memory_space<hbm>>) dst(%arg7 : memref<3x2048xf32, #tpu.memory_space<vmem>>)
      tpu.yield
    }) : () -> ()
    "tpu.region"() ({
      %run_scoped3A = tpu.sem_alloc : memref<!tpu.dma_semaphore, #tpu.memory_space<semaphore_mem>>
      %dma_start3A = arith.constant 0 : i32
      %dma_start3A_531 = arith.constant 0 : i32
      %dma_start3A_532 = tpu.memref_slice %arg4[%select_n3A, %dma_start3A, %dma_start3A_531] : memref<8x16x16xf32, #tpu.memory_space<hbm>> -> memref<1x16x16xf32, #tpu.memory_space<hbm>>
      %dma_start3A_533 = tpu.memref_squeeze %dma_start3A_532 : memref<1x16x16xf32, #tpu.memory_space<hbm>> -> memref<16x16xf32, #tpu.memory_space<hbm>>
      %dma_start3A_534 = arith.constant 0 : i32
      %dma_start3A_535 = arith.constant 0 : i32
      %dma_start3A_536 = tpu.memref_slice %arg4[%select_n3A, %dma_start3A_534, %dma_start3A_535] : memref<8x16x16xf32, #tpu.memory_space<hbm>> -> memref<1x16x16xf32, #tpu.memory_space<hbm>>
      %dma_start3A_537 = tpu.memref_squeeze %dma_start3A_536 : memref<1x16x16xf32, #tpu.memory_space<hbm>> -> memref<16x16xf32, #tpu.memory_space<hbm>>
      tpu.enqueue_dma source(%dma_start3A_537 : memref<16x16xf32, #tpu.memory_space<hbm>>) target(%arg17 : memref<16x16xf32, #tpu.memory_space<vmem>>) target_semaphore(%run_scoped3A : memref<!tpu.dma_semaphore, #tpu.memory_space<semaphore_mem>>)
      %dma_wait3A_538 = arith.constant 0 : i32
      %dma_wait3A_539 = arith.constant 0 : i32
      %dma_wait3A_540 = tpu.memref_slice %arg4[%select_n3A, %dma_wait3A_538, %dma_wait3A_539] : memref<8x16x16xf32, #tpu.memory_space<hbm>> -> memref<1x16x16xf32, #tpu.memory_space<hbm>>
      %dma_wait3A_541 = tpu.memref_squeeze %dma_wait3A_540 : memref<1x16x16xf32, #tpu.memory_space<hbm>> -> memref<16x16xf32, #tpu.memory_space<hbm>>
      %dma_wait3A_542 = arith.constant 0 : i32
      %dma_wait3A_543 = arith.constant 0 : i32
      %dma_wait3A_544 = tpu.memref_slice %arg4[%select_n3A, %dma_wait3A_542, %dma_wait3A_543] : memref<8x16x16xf32, #tpu.memory_space<hbm>> -> memref<1x16x16xf32, #tpu.memory_space<hbm>>
      %dma_wait3A_545 = tpu.memref_squeeze %dma_wait3A_544 : memref<1x16x16xf32, #tpu.memory_space<hbm>> -> memref<16x16xf32, #tpu.memory_space<hbm>>
      tpu.wait_dma2 semaphore(%run_scoped3A : memref<!tpu.dma_semaphore, #tpu.memory_space<semaphore_mem>>) src(%dma_wait3A_545 : memref<16x16xf32, #tpu.memory_space<hbm>>) dst(%arg17 : memref<16x16xf32, #tpu.memory_space<vmem>>)
      tpu.yield
    }) : () -> ()
    %get3A = arith.constant 0 : i32
    %get3A_35 = arith.index_cast %get3A : i32 to index
    %get3A_36 = arith.constant 0 : index
    %get3A_37 = tpu.vector_load %arg17[%get3A_35, %get3A_36] {strides = array<i32>} : memref<16x16xf32, #tpu.memory_space<vmem>>, vector<16xf32>,
    %bitcast3A = vector.bitcast %get3A_37 : vector<16xf32> to vector<16xi32>
    %shift_right_arithmetic3A = arith.constant 16 : i32
    %shift_right_arithmetic3A_38 = vector.broadcast %shift_right_arithmetic3A : i32 to vector<16xi32>
    %shift_right_arithmetic3A_39 = arith.shrsi %bitcast3A, %shift_right_arithmetic3A_38 : vector<16xi32>
    %and3A_40 = arith.constant 1 : i32
    %and3A_41 = vector.broadcast %and3A_40 : i32 to vector<16xi32>
    %and3A_42 = arith.andi %shift_right_arithmetic3A_39, %and3A_41 : vector<16xi32>
    %add3A_43 = arith.constant 32767 : i32
    %add3A_44 = vector.broadcast %add3A_43 : i32 to vector<16xi32>
    %add3A_45 = arith.addi %add3A_44, %and3A_42 : vector<16xi32>
    %add3A_46 = arith.addi %bitcast3A, %add3A_45 : vector<16xi32>
    %and3A_47 = arith.constant -65536 : i32
    %and3A_48 = vector.broadcast %and3A_47 : i32 to vector<16xi32>
    %and3A_49 = arith.andi %add3A_46, %and3A_48 : vector<16xi32>
    %bitcast3A_50 = vector.bitcast %and3A_49 : vector<16xi32> to vector<16xf32>
    %get3A_51 = arith.constant 1 : i32
    %get3A_52 = arith.index_cast %get3A_51 : i32 to index
    %get3A_53 = arith.constant 0 : index
    %get3A_54 = tpu.vector_load %arg17[%get3A_52, %get3A_53] {strides = array<i32>} : memref<16x16xf32, #tpu.memory_space<vmem>>, vector<16xf32>,
    %bitcast3A_55 = vector.bitcast %get3A_54 : vector<16xf32> to vector<16xi32>
    %shift_right_arithmetic3A_56 = arith.constant 16 : i32
    %shift_right_arithmetic3A_57 = vector.broadcast %shift_right_arithmetic3A_56 : i32 to vector<16xi32>
    %shift_right_arithmetic3A_58 = arith.shrsi %bitcast3A_55, %shift_right_arithmetic3A_57 : vector<16xi32>
    %and3A_59 = arith.constant 1 : i32
    %and3A_60 = vector.broadcast %and3A_59 : i32 to vector<16xi32>
    %and3A_61 = arith.andi %shift_right_arithmetic3A_58, %and3A_60 : vector<16xi32>
    %add3A_62 = arith.constant 32767 : i32
    %add3A_63 = vector.broadcast %add3A_62 : i32 to vector<16xi32>
    %add3A_64 = arith.addi %add3A_63, %and3A_61 : vector<16xi32>
    %add3A_65 = arith.addi %bitcast3A_55, %add3A_64 : vector<16xi32>
    %and3A_66 = arith.constant -65536 : i32
    %and3A_67 = vector.broadcast %and3A_66 : i32 to vector<16xi32>
    %and3A_68 = arith.andi %add3A_65, %and3A_67 : vector<16xi32>
    %bitcast3A_69 = vector.bitcast %and3A_68 : vector<16xi32> to vector<16xf32>
    %get3A_70 = arith.constant 2 : i32
    %get3A_71 = arith.index_cast %get3A_70 : i32 to index
    %get3A_72 = arith.constant 0 : index
    %get3A_73 = tpu.vector_load %arg17[%get3A_71, %get3A_72] {strides = array<i32>} : memref<16x16xf32, #tpu.memory_space<vmem>>, vector<16xf32>,
    %bitcast3A_74 = vector.bitcast %get3A_73 : vector<16xf32> to vector<16xi32>
    %shift_right_arithmetic3A_75 = arith.constant 16 : i32
    %shift_right_arithmetic3A_76 = vector.broadcast %shift_right_arithmetic3A_75 : i32 to vector<16xi32>
    %shift_right_arithmetic3A_77 = arith.shrsi %bitcast3A_74, %shift_right_arithmetic3A_76 : vector<16xi32>
    %and3A_78 = arith.constant 1 : i32
    %and3A_79 = vector.broadcast %and3A_78 : i32 to vector<16xi32>
    %and3A_80 = arith.andi %shift_right_arithmetic3A_77, %and3A_79 : vector<16xi32>
    %add3A_81 = arith.constant 32767 : i32
    %add3A_82 = vector.broadcast %add3A_81 : i32 to vector<16xi32>
    %add3A_83 = arith.addi %add3A_82, %and3A_80 : vector<16xi32>
    %add3A_84 = arith.addi %bitcast3A_74, %add3A_83 : vector<16xi32>
    %and3A_85 = arith.constant -65536 : i32
    %and3A_86 = vector.broadcast %and3A_85 : i32 to vector<16xi32>
    %and3A_87 = arith.andi %add3A_84, %and3A_86 : vector<16xi32>
    %bitcast3A_88 = vector.bitcast %and3A_87 : vector<16xi32> to vector<16xf32>
    %get3A_89 = arith.constant 3 : i32
    %get3A_90 = arith.index_cast %get3A_89 : i32 to index
    %get3A_91 = arith.constant 0 : index
    %get3A_92 = tpu.vector_load %arg17[%get3A_90, %get3A_91] {strides = array<i32>} : memref<16x16xf32, #tpu.memory_space<vmem>>, vector<16xf32>,
    %bitcast3A_93 = vector.bitcast %get3A_92 : vector<16xf32> to vector<16xi32>
    %shift_right_arithmetic3A_94 = arith.constant 16 : i32
    %shift_right_arithmetic3A_95 = vector.broadcast %shift_right_arithmetic3A_94 : i32 to vector<16xi32>
    %shift_right_arithmetic3A_96 = arith.shrsi %bitcast3A_93, %shift_right_arithmetic3A_95 : vector<16xi32>
    %and3A_97 = arith.constant 1 : i32
    %and3A_98 = vector.broadcast %and3A_97 : i32 to vector<16xi32>
    %and3A_99 = arith.andi %shift_right_arithmetic3A_96, %and3A_98 : vector<16xi32>
    %add3A_100 = arith.constant 32767 : i32
    %add3A_101 = vector.broadcast %add3A_100 : i32 to vector<16xi32>
    %add3A_102 = arith.addi %add3A_101, %and3A_99 : vector<16xi32>
    %add3A_103 = arith.addi %bitcast3A_93, %add3A_102 : vector<16xi32>
    %and3A_104 = arith.constant -65536 : i32
    %and3A_105 = vector.broadcast %and3A_104 : i32 to vector<16xi32>
    %and3A_106 = arith.andi %add3A_103, %and3A_105 : vector<16xi32>
    %bitcast3A_107 = vector.bitcast %and3A_106 : vector<16xi32> to vector<16xf32>
    %get3A_108 = arith.constant 4 : i32
    %get3A_109 = arith.index_cast %get3A_108 : i32 to index
    %get3A_110 = arith.constant 0 : index
    %get3A_111 = tpu.vector_load %arg17[%get3A_109, %get3A_110] {strides = array<i32>} : memref<16x16xf32, #tpu.memory_space<vmem>>, vector<16xf32>,
    %bitcast3A_112 = vector.bitcast %get3A_111 : vector<16xf32> to vector<16xi32>
    %shift_right_arithmetic3A_113 = arith.constant 16 : i32
    %shift_right_arithmetic3A_114 = vector.broadcast %shift_right_arithmetic3A_113 : i32 to vector<16xi32>
    %shift_right_arithmetic3A_115 = arith.shrsi %bitcast3A_112, %shift_right_arithmetic3A_114 : vector<16xi32>
    %and3A_116 = arith.constant 1 : i32
    %and3A_117 = vector.broadcast %and3A_116 : i32 to vector<16xi32>
    %and3A_118 = arith.andi %shift_right_arithmetic3A_115, %and3A_117 : vector<16xi32>
    %add3A_119 = arith.constant 32767 : i32
    %add3A_120 = vector.broadcast %add3A_119 : i32 to vector<16xi32>
    %add3A_121 = arith.addi %add3A_120, %and3A_118 : vector<16xi32>
    %add3A_122 = arith.addi %bitcast3A_112, %add3A_121 : vector<16xi32>
    %and3A_123 = arith.constant -65536 : i32
    %and3A_124 = vector.broadcast %and3A_123 : i32 to vector<16xi32>
    %and3A_125 = arith.andi %add3A_122, %and3A_124 : vector<16xi32>
    %bitcast3A_126 = vector.bitcast %and3A_125 : vector<16xi32> to vector<16xf32>
    %get3A_127 = arith.constant 5 : i32
    %get3A_128 = arith.index_cast %get3A_127 : i32 to index
    %get3A_129 = arith.constant 0 : index
    %get3A_130 = tpu.vector_load %arg17[%get3A_128, %get3A_129] {strides = array<i32>} : memref<16x16xf32, #tpu.memory_space<vmem>>, vector<16xf32>,
    %bitcast3A_131 = vector.bitcast %get3A_130 : vector<16xf32> to vector<16xi32>
    %shift_right_arithmetic3A_132 = arith.constant 16 : i32
    %shift_right_arithmetic3A_133 = vector.broadcast %shift_right_arithmetic3A_132 : i32 to vector<16xi32>
    %shift_right_arithmetic3A_134 = arith.shrsi %bitcast3A_131, %shift_right_arithmetic3A_133 : vector<16xi32>
    %and3A_135 = arith.constant 1 : i32
    %and3A_136 = vector.broadcast %and3A_135 : i32 to vector<16xi32>
    %and3A_137 = arith.andi %shift_right_arithmetic3A_134, %and3A_136 : vector<16xi32>
    %add3A_138 = arith.constant 32767 : i32
    %add3A_139 = vector.broadcast %add3A_138 : i32 to vector<16xi32>
    %add3A_140 = arith.addi %add3A_139, %and3A_137 : vector<16xi32>
    %add3A_141 = arith.addi %bitcast3A_131, %add3A_140 : vector<16xi32>
    %and3A_142 = arith.constant -65536 : i32
    %and3A_143 = vector.broadcast %and3A_142 : i32 to vector<16xi32>
    %and3A_144 = arith.andi %add3A_141, %and3A_143 : vector<16xi32>
    %bitcast3A_145 = vector.bitcast %and3A_144 : vector<16xi32> to vector<16xf32>
    %get3A_146 = arith.constant 6 : i32
    %get3A_147 = arith.index_cast %get3A_146 : i32 to index
    %get3A_148 = arith.constant 0 : index
    %get3A_149 = tpu.vector_load %arg17[%get3A_147, %get3A_148] {strides = array<i32>} : memref<16x16xf32, #tpu.memory_space<vmem>>, vector<16xf32>,
    %bitcast3A_150 = vector.bitcast %get3A_149 : vector<16xf32> to vector<16xi32>
    %shift_right_arithmetic3A_151 = arith.constant 16 : i32
    %shift_right_arithmetic3A_152 = vector.broadcast %shift_right_arithmetic3A_151 : i32 to vector<16xi32>
    %shift_right_arithmetic3A_153 = arith.shrsi %bitcast3A_150, %shift_right_arithmetic3A_152 : vector<16xi32>
    %and3A_154 = arith.constant 1 : i32
    %and3A_155 = vector.broadcast %and3A_154 : i32 to vector<16xi32>
    %and3A_156 = arith.andi %shift_right_arithmetic3A_153, %and3A_155 : vector<16xi32>
    %add3A_157 = arith.constant 32767 : i32
    %add3A_158 = vector.broadcast %add3A_157 : i32 to vector<16xi32>
    %add3A_159 = arith.addi %add3A_158, %and3A_156 : vector<16xi32>
    %add3A_160 = arith.addi %bitcast3A_150, %add3A_159 : vector<16xi32>
    %and3A_161 = arith.constant -65536 : i32
    %and3A_162 = vector.broadcast %and3A_161 : i32 to vector<16xi32>
    %and3A_163 = arith.andi %add3A_160, %and3A_162 : vector<16xi32>
    %bitcast3A_164 = vector.bitcast %and3A_163 : vector<16xi32> to vector<16xf32>
    %get3A_165 = arith.constant 7 : i32
    %get3A_166 = arith.index_cast %get3A_165 : i32 to index
    %get3A_167 = arith.constant 0 : index
    %get3A_168 = tpu.vector_load %arg17[%get3A_166, %get3A_167] {strides = array<i32>} : memref<16x16xf32, #tpu.memory_space<vmem>>, vector<16xf32>,
    %bitcast3A_169 = vector.bitcast %get3A_168 : vector<16xf32> to vector<16xi32>
    %shift_right_arithmetic3A_170 = arith.constant 16 : i32
    %shift_right_arithmetic3A_171 = vector.broadcast %shift_right_arithmetic3A_170 : i32 to vector<16xi32>
    %shift_right_arithmetic3A_172 = arith.shrsi %bitcast3A_169, %shift_right_arithmetic3A_171 : vector<16xi32>
    %and3A_173 = arith.constant 1 : i32
    %and3A_174 = vector.broadcast %and3A_173 : i32 to vector<16xi32>
    %and3A_175 = arith.andi %shift_right_arithmetic3A_172, %and3A_174 : vector<16xi32>
    %add3A_176 = arith.constant 32767 : i32
    %add3A_177 = vector.broadcast %add3A_176 : i32 to vector<16xi32>
    %add3A_178 = arith.addi %add3A_177, %and3A_175 : vector<16xi32>
    %add3A_179 = arith.addi %bitcast3A_169, %add3A_178 : vector<16xi32>
    %and3A_180 = arith.constant -65536 : i32
    %and3A_181 = vector.broadcast %and3A_180 : i32 to vector<16xi32>
    %and3A_182 = arith.andi %add3A_179, %and3A_181 : vector<16xi32>
    %bitcast3A_183 = vector.bitcast %and3A_182 : vector<16xi32> to vector<16xf32>
    %get3A_184 = arith.constant 8 : i32
    %get3A_185 = arith.index_cast %get3A_184 : i32 to index
    %get3A_186 = arith.constant 0 : index
    %get3A_187 = tpu.vector_load %arg17[%get3A_185, %get3A_186] {strides = array<i32>} : memref<16x16xf32, #tpu.memory_space<vmem>>, vector<16xf32>,
    %bitcast3A_188 = vector.bitcast %get3A_187 : vector<16xf32> to vector<16xi32>
    %shift_right_arithmetic3A_189 = arith.constant 16 : i32
    %shift_right_arithmetic3A_190 = vector.broadcast %shift_right_arithmetic3A_189 : i32 to vector<16xi32>
    %shift_right_arithmetic3A_191 = arith.shrsi %bitcast3A_188, %shift_right_arithmetic3A_190 : vector<16xi32>
    %and3A_192 = arith.constant 1 : i32
    %and3A_193 = vector.broadcast %and3A_192 : i32 to vector<16xi32>
    %and3A_194 = arith.andi %shift_right_arithmetic3A_191, %and3A_193 : vector<16xi32>
    %add3A_195 = arith.constant 32767 : i32
    %add3A_196 = vector.broadcast %add3A_195 : i32 to vector<16xi32>
    %add3A_197 = arith.addi %add3A_196, %and3A_194 : vector<16xi32>
    %add3A_198 = arith.addi %bitcast3A_188, %add3A_197 : vector<16xi32>
    %and3A_199 = arith.constant -65536 : i32
    %and3A_200 = vector.broadcast %and3A_199 : i32 to vector<16xi32>
    %and3A_201 = arith.andi %add3A_198, %and3A_200 : vector<16xi32>
    %bitcast3A_202 = vector.bitcast %and3A_201 : vector<16xi32> to vector<16xf32>
    %get3A_203 = arith.constant 9 : i32
    %get3A_204 = arith.index_cast %get3A_203 : i32 to index
    %get3A_205 = arith.constant 0 : index
    %get3A_206 = tpu.vector_load %arg17[%get3A_204, %get3A_205] {strides = array<i32>} : memref<16x16xf32, #tpu.memory_space<vmem>>, vector<16xf32>,
    %bitcast3A_207 = vector.bitcast %get3A_206 : vector<16xf32> to vector<16xi32>
    %shift_right_arithmetic3A_208 = arith.constant 16 : i32
    %shift_right_arithmetic3A_209 = vector.broadcast %shift_right_arithmetic3A_208 : i32 to vector<16xi32>
    %shift_right_arithmetic3A_210 = arith.shrsi %bitcast3A_207, %shift_right_arithmetic3A_209 : vector<16xi32>
    %and3A_211 = arith.constant 1 : i32
    %and3A_212 = vector.broadcast %and3A_211 : i32 to vector<16xi32>
    %and3A_213 = arith.andi %shift_right_arithmetic3A_210, %and3A_212 : vector<16xi32>
    %add3A_214 = arith.constant 32767 : i32
    %add3A_215 = vector.broadcast %add3A_214 : i32 to vector<16xi32>
    %add3A_216 = arith.addi %add3A_215, %and3A_213 : vector<16xi32>
    %add3A_217 = arith.addi %bitcast3A_207, %add3A_216 : vector<16xi32>
    %and3A_218 = arith.constant -65536 : i32
    %and3A_219 = vector.broadcast %and3A_218 : i32 to vector<16xi32>
    %and3A_220 = arith.andi %add3A_217, %and3A_219 : vector<16xi32>
    %bitcast3A_221 = vector.bitcast %and3A_220 : vector<16xi32> to vector<16xf32>
    %get3A_222 = arith.constant 10 : i32
    %get3A_223 = arith.index_cast %get3A_222 : i32 to index
    %get3A_224 = arith.constant 0 : index
    %get3A_225 = tpu.vector_load %arg17[%get3A_223, %get3A_224] {strides = array<i32>} : memref<16x16xf32, #tpu.memory_space<vmem>>, vector<16xf32>,
    %bitcast3A_226 = vector.bitcast %get3A_225 : vector<16xf32> to vector<16xi32>
    %shift_right_arithmetic3A_227 = arith.constant 16 : i32
    %shift_right_arithmetic3A_228 = vector.broadcast %shift_right_arithmetic3A_227 : i32 to vector<16xi32>
    %shift_right_arithmetic3A_229 = arith.shrsi %bitcast3A_226, %shift_right_arithmetic3A_228 : vector<16xi32>
    %and3A_230 = arith.constant 1 : i32
    %and3A_231 = vector.broadcast %and3A_230 : i32 to vector<16xi32>
    %and3A_232 = arith.andi %shift_right_arithmetic3A_229, %and3A_231 : vector<16xi32>
    %add3A_233 = arith.constant 32767 : i32
    %add3A_234 = vector.broadcast %add3A_233 : i32 to vector<16xi32>
    %add3A_235 = arith.addi %add3A_234, %and3A_232 : vector<16xi32>
    %add3A_236 = arith.addi %bitcast3A_226, %add3A_235 : vector<16xi32>
    %and3A_237 = arith.constant -65536 : i32
    %and3A_238 = vector.broadcast %and3A_237 : i32 to vector<16xi32>
    %and3A_239 = arith.andi %add3A_236, %and3A_238 : vector<16xi32>
    %bitcast3A_240 = vector.bitcast %and3A_239 : vector<16xi32> to vector<16xf32>
    %get3A_241 = arith.constant 11 : i32
    %get3A_242 = arith.index_cast %get3A_241 : i32 to index
    %get3A_243 = arith.constant 0 : index
    %get3A_244 = tpu.vector_load %arg17[%get3A_242, %get3A_243] {strides = array<i32>} : memref<16x16xf32, #tpu.memory_space<vmem>>, vector<16xf32>,
    %bitcast3A_245 = vector.bitcast %get3A_244 : vector<16xf32> to vector<16xi32>
    %shift_right_arithmetic3A_246 = arith.constant 16 : i32
    %shift_right_arithmetic3A_247 = vector.broadcast %shift_right_arithmetic3A_246 : i32 to vector<16xi32>
    %shift_right_arithmetic3A_248 = arith.shrsi %bitcast3A_245, %shift_right_arithmetic3A_247 : vector<16xi32>
    %and3A_249 = arith.constant 1 : i32
    %and3A_250 = vector.broadcast %and3A_249 : i32 to vector<16xi32>
    %and3A_251 = arith.andi %shift_right_arithmetic3A_248, %and3A_250 : vector<16xi32>
    %add3A_252 = arith.constant 32767 : i32
    %add3A_253 = vector.broadcast %add3A_252 : i32 to vector<16xi32>
    %add3A_254 = arith.addi %add3A_253, %and3A_251 : vector<16xi32>
    %add3A_255 = arith.addi %bitcast3A_245, %add3A_254 : vector<16xi32>
    %and3A_256 = arith.constant -65536 : i32
    %and3A_257 = vector.broadcast %and3A_256 : i32 to vector<16xi32>
    %and3A_258 = arith.andi %add3A_255, %and3A_257 : vector<16xi32>
    %bitcast3A_259 = vector.bitcast %and3A_258 : vector<16xi32> to vector<16xf32>
    %get3A_260 = arith.constant 12 : i32
    %get3A_261 = arith.index_cast %get3A_260 : i32 to index
    %get3A_262 = arith.constant 0 : index
    %get3A_263 = tpu.vector_load %arg17[%get3A_261, %get3A_262] {strides = array<i32>} : memref<16x16xf32, #tpu.memory_space<vmem>>, vector<16xf32>,
    %bitcast3A_264 = vector.bitcast %get3A_263 : vector<16xf32> to vector<16xi32>
    %shift_right_arithmetic3A_265 = arith.constant 16 : i32
    %shift_right_arithmetic3A_266 = vector.broadcast %shift_right_arithmetic3A_265 : i32 to vector<16xi32>
    %shift_right_arithmetic3A_267 = arith.shrsi %bitcast3A_264, %shift_right_arithmetic3A_266 : vector<16xi32>
    %and3A_268 = arith.constant 1 : i32
    %and3A_269 = vector.broadcast %and3A_268 : i32 to vector<16xi32>
    %and3A_270 = arith.andi %shift_right_arithmetic3A_267, %and3A_269 : vector<16xi32>
    %add3A_271 = arith.constant 32767 : i32
    %add3A_272 = vector.broadcast %add3A_271 : i32 to vector<16xi32>
    %add3A_273 = arith.addi %add3A_272, %and3A_270 : vector<16xi32>
    %add3A_274 = arith.addi %bitcast3A_264, %add3A_273 : vector<16xi32>
    %and3A_275 = arith.constant -65536 : i32
    %and3A_276 = vector.broadcast %and3A_275 : i32 to vector<16xi32>
    %and3A_277 = arith.andi %add3A_274, %and3A_276 : vector<16xi32>
    %bitcast3A_278 = vector.bitcast %and3A_277 : vector<16xi32> to vector<16xf32>
    %get3A_279 = arith.constant 13 : i32
    %get3A_280 = arith.index_cast %get3A_279 : i32 to index
    %get3A_281 = arith.constant 0 : index
    %get3A_282 = tpu.vector_load %arg17[%get3A_280, %get3A_281] {strides = array<i32>} : memref<16x16xf32, #tpu.memory_space<vmem>>, vector<16xf32>,
    %bitcast3A_283 = vector.bitcast %get3A_282 : vector<16xf32> to vector<16xi32>
    %shift_right_arithmetic3A_284 = arith.constant 16 : i32
    %shift_right_arithmetic3A_285 = vector.broadcast %shift_right_arithmetic3A_284 : i32 to vector<16xi32>
    %shift_right_arithmetic3A_286 = arith.shrsi %bitcast3A_283, %shift_right_arithmetic3A_285 : vector<16xi32>
    %and3A_287 = arith.constant 1 : i32
    %and3A_288 = vector.broadcast %and3A_287 : i32 to vector<16xi32>
    %and3A_289 = arith.andi %shift_right_arithmetic3A_286, %and3A_288 : vector<16xi32>
    %add3A_290 = arith.constant 32767 : i32
    %add3A_291 = vector.broadcast %add3A_290 : i32 to vector<16xi32>
    %add3A_292 = arith.addi %add3A_291, %and3A_289 : vector<16xi32>
    %add3A_293 = arith.addi %bitcast3A_283, %add3A_292 : vector<16xi32>
    %and3A_294 = arith.constant -65536 : i32
    %and3A_295 = vector.broadcast %and3A_294 : i32 to vector<16xi32>
    %and3A_296 = arith.andi %add3A_293, %and3A_295 : vector<16xi32>
    %bitcast3A_297 = vector.bitcast %and3A_296 : vector<16xi32> to vector<16xf32>
    %get3A_298 = arith.constant 14 : i32
    %get3A_299 = arith.index_cast %get3A_298 : i32 to index
    %get3A_300 = arith.constant 0 : index
    %get3A_301 = tpu.vector_load %arg17[%get3A_299, %get3A_300] {strides = array<i32>} : memref<16x16xf32, #tpu.memory_space<vmem>>, vector<16xf32>,
    %bitcast3A_302 = vector.bitcast %get3A_301 : vector<16xf32> to vector<16xi32>
    %shift_right_arithmetic3A_303 = arith.constant 16 : i32
    %shift_right_arithmetic3A_304 = vector.broadcast %shift_right_arithmetic3A_303 : i32 to vector<16xi32>
    %shift_right_arithmetic3A_305 = arith.shrsi %bitcast3A_302, %shift_right_arithmetic3A_304 : vector<16xi32>
    %and3A_306 = arith.constant 1 : i32
    %and3A_307 = vector.broadcast %and3A_306 : i32 to vector<16xi32>
    %and3A_308 = arith.andi %shift_right_arithmetic3A_305, %and3A_307 : vector<16xi32>
    %add3A_309 = arith.constant 32767 : i32
    %add3A_310 = vector.broadcast %add3A_309 : i32 to vector<16xi32>
    %add3A_311 = arith.addi %add3A_310, %and3A_308 : vector<16xi32>
    %add3A_312 = arith.addi %bitcast3A_302, %add3A_311 : vector<16xi32>
    %and3A_313 = arith.constant -65536 : i32
    %and3A_314 = vector.broadcast %and3A_313 : i32 to vector<16xi32>
    %and3A_315 = arith.andi %add3A_312, %and3A_314 : vector<16xi32>
    %bitcast3A_316 = vector.bitcast %and3A_315 : vector<16xi32> to vector<16xf32>
    %get3A_317 = arith.constant 15 : i32
    %get3A_318 = arith.index_cast %get3A_317 : i32 to index
    %get3A_319 = arith.constant 0 : index
    %get3A_320 = tpu.vector_load %arg17[%get3A_318, %get3A_319] {strides = array<i32>} : memref<16x16xf32, #tpu.memory_space<vmem>>, vector<16xf32>,
    %bitcast3A_321 = vector.bitcast %get3A_320 : vector<16xf32> to vector<16xi32>
    %shift_right_arithmetic3A_322 = arith.constant 16 : i32
    %shift_right_arithmetic3A_323 = vector.broadcast %shift_right_arithmetic3A_322 : i32 to vector<16xi32>
    %shift_right_arithmetic3A_324 = arith.shrsi %bitcast3A_321, %shift_right_arithmetic3A_323 : vector<16xi32>
    %and3A_325 = arith.constant 1 : i32
    %and3A_326 = vector.broadcast %and3A_325 : i32 to vector<16xi32>
    %and3A_327 = arith.andi %shift_right_arithmetic3A_324, %and3A_326 : vector<16xi32>
    %add3A_328 = arith.constant 32767 : i32
    %add3A_329 = vector.broadcast %add3A_328 : i32 to vector<16xi32>
    %add3A_330 = arith.addi %add3A_329, %and3A_327 : vector<16xi32>
    %add3A_331 = arith.addi %bitcast3A_321, %add3A_330 : vector<16xi32>
    %and3A_332 = arith.constant -65536 : i32
    %and3A_333 = vector.broadcast %and3A_332 : i32 to vector<16xi32>
    %and3A_334 = arith.andi %add3A_331, %and3A_333 : vector<16xi32>
    %bitcast3A_335 = vector.bitcast %and3A_334 : vector<16xi32> to vector<16xf32>
    %broadcast_in_dim3A = arith.constant 3.000000e+38 : f32
    %broadcast_in_dim3A_336 = vector.broadcast %broadcast_in_dim3A : f32 to vector<16xf32>
    %neg3A = arith.constant 0.000000e+00 : f32
    %neg3A_337 = vector.broadcast %neg3A : f32 to vector<16xf32>
    %neg3A_338 = arith.subf %neg3A_337, %broadcast_in_dim3A_336 : vector<16xf32>
    %scan3A = arith.constant 0 : i32
    %scan3A_339 = arith.constant 128 : i32
    %scan3A_340 = arith.addi %scan3A, %scan3A_339 : i32
    %scan3A_341 = arith.constant 1 : i32
    %scan3A_342:2 = scf.for %scan3A_531 = %scan3A to %scan3A_340 step %scan3A_341 iter_args(%scan3A_532 = %broadcast_in_dim3A_336, %scan3A_533 = %neg3A_338) -> (vector<16xf32>, vector<16xf32>)  : i32 {
      %mul3A_534 = arith.constant 16 : i32
      %mul3A_535 = arith.muli %scan3A_531, %mul3A_534 : i32
      %get3A_536 = arith.constant 0 : i32
      %get3A_537 = arith.index_cast %get3A_536 : i32 to index
      %get3A_538 = arith.index_cast %mul3A_535 : i32 to index
      %get3A_539 = tpu.vector_load %arg7[%get3A_537, %get3A_538] {strides = array<i32>} : memref<3x2048xf32, #tpu.memory_space<vmem>>, vector<16xf32>,
      %bitcast3A_540 = vector.bitcast %get3A_539 : vector<16xf32> to vector<16xi32>
      %shift_right_arithmetic3A_541 = arith.constant 16 : i32
      %shift_right_arithmetic3A_542 = vector.broadcast %shift_right_arithmetic3A_541 : i32 to vector<16xi32>
      %shift_right_arithmetic3A_543 = arith.shrsi %bitcast3A_540, %shift_right_arithmetic3A_542 : vector<16xi32>
      %and3A_544 = arith.constant 1 : i32
      %and3A_545 = vector.broadcast %and3A_544 : i32 to vector<16xi32>
      %and3A_546 = arith.andi %shift_right_arithmetic3A_543, %and3A_545 : vector<16xi32>
      %add3A_547 = arith.constant 32767 : i32
      %add3A_548 = vector.broadcast %add3A_547 : i32 to vector<16xi32>
      %add3A_549 = arith.addi %add3A_548, %and3A_546 : vector<16xi32>
      %add3A_550 = arith.addi %bitcast3A_540, %add3A_549 : vector<16xi32>
      %and3A_551 = arith.constant -65536 : i32
      %and3A_552 = vector.broadcast %and3A_551 : i32 to vector<16xi32>
      %and3A_553 = arith.andi %add3A_550, %and3A_552 : vector<16xi32>
      %bitcast3A_554 = vector.bitcast %and3A_553 : vector<16xi32> to vector<16xf32>
      %get3A_555 = arith.constant 1 : i32
      %get3A_556 = arith.index_cast %get3A_555 : i32 to index
      %get3A_557 = arith.index_cast %mul3A_535 : i32 to index
      %get3A_558 = tpu.vector_load %arg7[%get3A_556, %get3A_557] {strides = array<i32>} : memref<3x2048xf32, #tpu.memory_space<vmem>>, vector<16xf32>,
      %bitcast3A_559 = vector.bitcast %get3A_558 : vector<16xf32> to vector<16xi32>
      %shift_right_arithmetic3A_560 = arith.constant 16 : i32
      %shift_right_arithmetic3A_561 = vector.broadcast %shift_right_arithmetic3A_560 : i32 to vector<16xi32>
      %shift_right_arithmetic3A_562 = arith.shrsi %bitcast3A_559, %shift_right_arithmetic3A_561 : vector<16xi32>
      %and3A_563 = arith.constant 1 : i32
      %and3A_564 = vector.broadcast %and3A_563 : i32 to vector<16xi32>
      %and3A_565 = arith.andi %shift_right_arithmetic3A_562, %and3A_564 : vector<16xi32>
      %add3A_566 = arith.constant 32767 : i32
      %add3A_567 = vector.broadcast %add3A_566 : i32 to vector<16xi32>
      %add3A_568 = arith.addi %add3A_567, %and3A_565 : vector<16xi32>
      %add3A_569 = arith.addi %bitcast3A_559, %add3A_568 : vector<16xi32>
      %and3A_570 = arith.constant -65536 : i32
      %and3A_571 = vector.broadcast %and3A_570 : i32 to vector<16xi32>
      %and3A_572 = arith.andi %add3A_569, %and3A_571 : vector<16xi32>
      %bitcast3A_573 = vector.bitcast %and3A_572 : vector<16xi32> to vector<16xf32>
      %get3A_574 = arith.constant 2 : i32
      %get3A_575 = arith.index_cast %get3A_574 : i32 to index
      %get3A_576 = arith.index_cast %mul3A_535 : i32 to index
      %get3A_577 = tpu.vector_load %arg7[%get3A_575, %get3A_576] {strides = array<i32>} : memref<3x2048xf32, #tpu.memory_space<vmem>>, vector<16xf32>,
      %bitcast3A_578 = vector.bitcast %get3A_577 : vector<16xf32> to vector<16xi32>
      %shift_right_arithmetic3A_579 = arith.constant 16 : i32
      %shift_right_arithmetic3A_580 = vector.broadcast %shift_right_arithmetic3A_579 : i32 to vector<16xi32>
      %shift_right_arithmetic3A_581 = arith.shrsi %bitcast3A_578, %shift_right_arithmetic3A_580 : vector<16xi32>
      %and3A_582 = arith.constant 1 : i32
      %and3A_583 = vector.broadcast %and3A_582 : i32 to vector<16xi32>
      %and3A_584 = arith.andi %shift_right_arithmetic3A_581, %and3A_583 : vector<16xi32>
      %add3A_585 = arith.constant 32767 : i32
      %add3A_586 = vector.broadcast %add3A_585 : i32 to vector<16xi32>
      %add3A_587 = arith.addi %add3A_586, %and3A_584 : vector<16xi32>
      %add3A_588 = arith.addi %bitcast3A_578, %add3A_587 : vector<16xi32>
      %and3A_589 = arith.constant -65536 : i32
      %and3A_590 = vector.broadcast %and3A_589 : i32 to vector<16xi32>
      %and3A_591 = arith.andi %add3A_588, %and3A_590 : vector<16xi32>
      %bitcast3A_592 = vector.bitcast %and3A_591 : vector<16xi32> to vector<16xf32>
      %mul3A_593 = arith.mulf %bitcast3A_50, %bitcast3A_554 : vector<16xf32>
      %mul3A_594 = arith.mulf %bitcast3A_69, %bitcast3A_573 : vector<16xf32>
      %add3A_595 = arith.addf %mul3A_593, %mul3A_594 : vector<16xf32>
      %mul3A_596 = arith.mulf %bitcast3A_88, %bitcast3A_592 : vector<16xf32>
      %add3A_597 = arith.addf %add3A_595, %mul3A_596 : vector<16xf32>
      %add3A_598 = arith.addf %add3A_597, %bitcast3A_107 : vector<16xf32>
      %mul3A_599 = arith.mulf %bitcast3A_126, %bitcast3A_554 : vector<16xf32>
      %mul3A_600 = arith.mulf %bitcast3A_145, %bitcast3A_573 : vector<16xf32>
      %add3A_601 = arith.addf %mul3A_599, %mul3A_600 : vector<16xf32>
      %mul3A_602 = arith.mulf %bitcast3A_164, %bitcast3A_592 : vector<16xf32>
      %add3A_603 = arith.addf %add3A_601, %mul3A_602 : vector<16xf32>
      %add3A_604 = arith.addf %add3A_603, %bitcast3A_183 : vector<16xf32>
      %mul3A_605 = arith.mulf %bitcast3A_202, %bitcast3A_554 : vector<16xf32>
      %mul3A_606 = arith.mulf %bitcast3A_221, %bitcast3A_573 : vector<16xf32>
      %add3A_607 = arith.addf %mul3A_605, %mul3A_606 : vector<16xf32>
      %mul3A_608 = arith.mulf %bitcast3A_240, %bitcast3A_592 : vector<16xf32>
      %add3A_609 = arith.addf %add3A_607, %mul3A_608 : vector<16xf32>
      %add3A_610 = arith.addf %add3A_609, %bitcast3A_259 : vector<16xf32>
      %mul3A_611 = arith.mulf %bitcast3A_278, %bitcast3A_554 : vector<16xf32>
      %mul3A_612 = arith.mulf %bitcast3A_297, %bitcast3A_573 : vector<16xf32>
      %add3A_613 = arith.addf %mul3A_611, %mul3A_612 : vector<16xf32>
      %mul3A_614 = arith.mulf %bitcast3A_316, %bitcast3A_592 : vector<16xf32>
      %add3A_615 = arith.addf %add3A_613, %mul3A_614 : vector<16xf32>
      %add3A_616 = arith.addf %add3A_615, %bitcast3A_335 : vector<16xf32>
      %div3A_617 = arith.divf %add3A_598, %add3A_616 : vector<16xf32>
      %add3A_618 = arith.constant 1.000000e+00 : f32
      %add3A_619 = vector.broadcast %add3A_618 : f32 to vector<16xf32>
      %add3A_620 = arith.addf %div3A_617, %add3A_619 : vector<16xf32>
      %mul3A_621 = arith.constant 5.000000e-01 : f32
      %mul3A_622 = vector.broadcast %mul3A_621 : f32 to vector<16xf32>
      %mul3A_623 = arith.mulf %add3A_620, %mul3A_622 : vector<16xf32>
      %div3A_624 = arith.divf %add3A_604, %add3A_616 : vector<16xf32>
      %add3A_625 = arith.constant 1.000000e+00 : f32
      %add3A_626 = vector.broadcast %add3A_625 : f32 to vector<16xf32>
      %add3A_627 = arith.addf %div3A_624, %add3A_626 : vector<16xf32>
      %mul3A_628 = arith.constant 5.000000e-01 : f32
      %mul3A_629 = vector.broadcast %mul3A_628 : f32 to vector<16xf32>
      %mul3A_630 = arith.mulf %add3A_627, %mul3A_629 : vector<16xf32>
      %sub3A_631 = arith.constant 1.000000e+00 : f32
      %sub3A_632 = vector.broadcast %sub3A_631 : f32 to vector<16xf32>
      %sub3A_633 = arith.subf %sub3A_632, %mul3A_630 : vector<16xf32>
      %div3A_634 = arith.divf %add3A_610, %add3A_616 : vector<16xf32>
      %mul3A_635 = arith.constant 9.600000e+01 : f32
      %mul3A_636 = vector.broadcast %mul3A_635 : f32 to vector<16xf32>
      %mul3A_637 = arith.mulf %mul3A_623, %mul3A_636 : vector<16xf32>
      %jit3A_638 = arith.constant 0.000000e+00 : f32
      %jit3A_639 = arith.constant 9.500000e+01 : f32
      %max3A_640 = vector.broadcast %jit3A_638 : f32 to vector<16xf32>
      %max3A_641 = arith.maximumf %max3A_640, %mul3A_637 : vector<16xf32>
      %min3A_642 = vector.broadcast %jit3A_639 : f32 to vector<16xf32>
      %min3A_643 = arith.minimumf %min3A_642, %max3A_641 : vector<16xf32>
      %swap3A_644 = arith.constant 0 : i32
      %swap3A_645 = arith.index_cast %swap3A_644 : i32 to index
      %swap3A_646 = arith.index_cast %mul3A_535 : i32 to index
      %swap3A_647 = tpu.vector_load %arg8[%swap3A_645, %swap3A_646] {strides = array<i32>} : memref<3x2048xf32, #tpu.memory_space<vmem>>, vector<16xf32>,
      tpu.vector_store %arg8[%swap3A_645, %swap3A_646], %min3A_643 {strides = array<i32>} : memref<3x2048xf32, #tpu.memory_space<vmem>>, vector<16xf32>,
      %mul3A_648 = arith.constant 9.600000e+01 : f32
      %mul3A_649 = vector.broadcast %mul3A_648 : f32 to vector<16xf32>
      %mul3A_650 = arith.mulf %sub3A_633, %mul3A_649 : vector<16xf32>
      %jit3A_651 = arith.constant 0.000000e+00 : f32
      %jit3A_652 = arith.constant 9.500000e+01 : f32
      %max3A_653 = vector.broadcast %jit3A_651 : f32 to vector<16xf32>
      %max3A_654 = arith.maximumf %max3A_653, %mul3A_650 : vector<16xf32>
      %min3A_655 = vector.broadcast %jit3A_652 : f32 to vector<16xf32>
      %min3A_656 = arith.minimumf %min3A_655, %max3A_654 : vector<16xf32>
      %swap3A_657 = arith.constant 1 : i32
      %swap3A_658 = arith.index_cast %swap3A_657 : i32 to index
      %swap3A_659 = arith.index_cast %mul3A_535 : i32 to index
      %swap3A_660 = tpu.vector_load %arg8[%swap3A_658, %swap3A_659] {strides = array<i32>} : memref<3x2048xf32, #tpu.memory_space<vmem>>, vector<16xf32>,
      tpu.vector_store %arg8[%swap3A_658, %swap3A_659], %min3A_656 {strides = array<i32>} : memref<3x2048xf32, #tpu.memory_space<vmem>>, vector<16xf32>,
      %swap3A_661 = arith.constant 2 : i32
      %swap3A_662 = arith.index_cast %swap3A_661 : i32 to index
      %swap3A_663 = arith.index_cast %mul3A_535 : i32 to index
      %swap3A_664 = tpu.vector_load %arg8[%swap3A_662, %swap3A_663] {strides = array<i32>} : memref<3x2048xf32, #tpu.memory_space<vmem>>, vector<16xf32>,
      tpu.vector_store %arg8[%swap3A_662, %swap3A_663], %div3A_634 {strides = array<i32>} : memref<3x2048xf32, #tpu.memory_space<vmem>>, vector<16xf32>,
      %min3A_665 = arith.minimumf %scan3A_532, %div3A_634 : vector<16xf32>
      %max3A_666 = arith.maximumf %scan3A_533, %div3A_634 : vector<16xf32>
      scf.yield %min3A_665, %max3A_666 : vector<16xf32>, vector<16xf32>
    }
    %scan3A_343 = arith.constant 128 : i32
    %iota3A = tpu.iota {dimensions = array<i32: 0>} : vector<16xi32>
    %broadcast_in_dim3A_344 = arith.constant 0 : i32
    %broadcast_in_dim3A_345 = vector.broadcast %broadcast_in_dim3A_344 : i32 to vector<16xi32>
    %swap3A = arith.constant 0 : i32
    %swap3A_346 = arith.index_cast %swap3A : i32 to index
    %swap3A_347 = arith.constant 0 : index
    %swap3A_348 = tpu.vector_load %arg18[%swap3A_346, %swap3A_347] {strides = array<i32>} : memref<2x16xf32, #tpu.memory_space<vmem>>, vector<16xf32>,
    tpu.vector_store %arg18[%swap3A_346, %swap3A_347], %scan3A_342#0 {strides = array<i32>} : memref<2x16xf32, #tpu.memory_space<vmem>>, vector<16xf32>,
    %xor3A = arith.constant 8 : i32
    %xor3A_349 = vector.broadcast %xor3A : i32 to vector<16xi32>
    %xor3A_350 = arith.xori %iota3A, %xor3A_349 : vector<16xi32>
    %gather3A = tpu.vector_load_idx %arg18[%broadcast_in_dim3A_345, %xor3A_350] : memref<2x16xf32, #tpu.memory_space<vmem>>[vector<16xi32>, vector<16xi32>], vector<16xf32>,
    %min3A = arith.minimumf %scan3A_342#0, %gather3A : vector<16xf32>
    %swap3A_351 = arith.constant 0 : i32
    %swap3A_352 = arith.index_cast %swap3A_351 : i32 to index
    %swap3A_353 = arith.constant 0 : index
    %swap3A_354 = tpu.vector_load %arg18[%swap3A_352, %swap3A_353] {strides = array<i32>} : memref<2x16xf32, #tpu.memory_space<vmem>>, vector<16xf32>,
    tpu.vector_store %arg18[%swap3A_352, %swap3A_353], %min3A {strides = array<i32>} : memref<2x16xf32, #tpu.memory_space<vmem>>, vector<16xf32>,
    %xor3A_355 = arith.constant 4 : i32
    %xor3A_356 = vector.broadcast %xor3A_355 : i32 to vector<16xi32>
    %xor3A_357 = arith.xori %iota3A, %xor3A_356 : vector<16xi32>
    %gather3A_358 = tpu.vector_load_idx %arg18[%broadcast_in_dim3A_345, %xor3A_357] : memref<2x16xf32, #tpu.memory_space<vmem>>[vector<16xi32>, vector<16xi32>], vector<16xf32>,
    %min3A_359 = arith.minimumf %min3A, %gather3A_358 : vector<16xf32>
    %swap3A_360 = arith.constant 0 : i32
    %swap3A_361 = arith.index_cast %swap3A_360 : i32 to index
    %swap3A_362 = arith.constant 0 : index
    %swap3A_363 = tpu.vector_load %arg18[%swap3A_361, %swap3A_362] {strides = array<i32>} : memref<2x16xf32, #tpu.memory_space<vmem>>, vector<16xf32>,
    tpu.vector_store %arg18[%swap3A_361, %swap3A_362], %min3A_359 {strides = array<i32>} : memref<2x16xf32, #tpu.memory_space<vmem>>, vector<16xf32>,
    %xor3A_364 = arith.constant 2 : i32
    %xor3A_365 = vector.broadcast %xor3A_364 : i32 to vector<16xi32>
    %xor3A_366 = arith.xori %iota3A, %xor3A_365 : vector<16xi32>
    %gather3A_367 = tpu.vector_load_idx %arg18[%broadcast_in_dim3A_345, %xor3A_366] : memref<2x16xf32, #tpu.memory_space<vmem>>[vector<16xi32>, vector<16xi32>], vector<16xf32>,
    %min3A_368 = arith.minimumf %min3A_359, %gather3A_367 : vector<16xf32>
    %swap3A_369 = arith.constant 0 : i32
    %swap3A_370 = arith.index_cast %swap3A_369 : i32 to index
    %swap3A_371 = arith.constant 0 : index
    %swap3A_372 = tpu.vector_load %arg18[%swap3A_370, %swap3A_371] {strides = array<i32>} : memref<2x16xf32, #tpu.memory_space<vmem>>, vector<16xf32>,
    tpu.vector_store %arg18[%swap3A_370, %swap3A_371], %min3A_368 {strides = array<i32>} : memref<2x16xf32, #tpu.memory_space<vmem>>, vector<16xf32>,
    %xor3A_373 = arith.constant 1 : i32
    %xor3A_374 = vector.broadcast %xor3A_373 : i32 to vector<16xi32>
    %xor3A_375 = arith.xori %iota3A, %xor3A_374 : vector<16xi32>
    %gather3A_376 = tpu.vector_load_idx %arg18[%broadcast_in_dim3A_345, %xor3A_375] : memref<2x16xf32, #tpu.memory_space<vmem>>[vector<16xi32>, vector<16xi32>], vector<16xf32>,
    %min3A_377 = arith.minimumf %min3A_368, %gather3A_376 : vector<16xf32>
    %swap3A_378 = arith.constant 0 : i32
    %swap3A_379 = arith.index_cast %swap3A_378 : i32 to index
    %swap3A_380 = arith.constant 0 : index
    %swap3A_381 = tpu.vector_load %arg18[%swap3A_379, %swap3A_380] {strides = array<i32>} : memref<2x16xf32, #tpu.memory_space<vmem>>, vector<16xf32>,
    tpu.vector_store %arg18[%swap3A_379, %swap3A_380], %scan3A_342#1 {strides = array<i32>} : memref<2x16xf32, #tpu.memory_space<vmem>>, vector<16xf32>,
    %xor3A_382 = arith.constant 8 : i32
    %xor3A_383 = vector.broadcast %xor3A_382 : i32 to vector<16xi32>
    %xor3A_384 = arith.xori %iota3A, %xor3A_383 : vector<16xi32>
    %gather3A_385 = tpu.vector_load_idx %arg18[%broadcast_in_dim3A_345, %xor3A_384] : memref<2x16xf32, #tpu.memory_space<vmem>>[vector<16xi32>, vector<16xi32>], vector<16xf32>,
    %max3A = arith.maximumf %scan3A_342#1, %gather3A_385 : vector<16xf32>
    %swap3A_386 = arith.constant 0 : i32
    %swap3A_387 = arith.index_cast %swap3A_386 : i32 to index
    %swap3A_388 = arith.constant 0 : index
    %swap3A_389 = tpu.vector_load %arg18[%swap3A_387, %swap3A_388] {strides = array<i32>} : memref<2x16xf32, #tpu.memory_space<vmem>>, vector<16xf32>,
    tpu.vector_store %arg18[%swap3A_387, %swap3A_388], %max3A {strides = array<i32>} : memref<2x16xf32, #tpu.memory_space<vmem>>, vector<16xf32>,
    %xor3A_390 = arith.constant 4 : i32
    %xor3A_391 = vector.broadcast %xor3A_390 : i32 to vector<16xi32>
    %xor3A_392 = arith.xori %iota3A, %xor3A_391 : vector<16xi32>
    %gather3A_393 = tpu.vector_load_idx %arg18[%broadcast_in_dim3A_345, %xor3A_392] : memref<2x16xf32, #tpu.memory_space<vmem>>[vector<16xi32>, vector<16xi32>], vector<16xf32>,
    %max3A_394 = arith.maximumf %max3A, %gather3A_393 : vector<16xf32>
    %swap3A_395 = arith.constant 0 : i32
    %swap3A_396 = arith.index_cast %swap3A_395 : i32 to index
    %swap3A_397 = arith.constant 0 : index
    %swap3A_398 = tpu.vector_load %arg18[%swap3A_396, %swap3A_397] {strides = array<i32>} : memref<2x16xf32, #tpu.memory_space<vmem>>, vector<16xf32>,
    tpu.vector_store %arg18[%swap3A_396, %swap3A_397], %max3A_394 {strides = array<i32>} : memref<2x16xf32, #tpu.memory_space<vmem>>, vector<16xf32>,
    %xor3A_399 = arith.constant 2 : i32
    %xor3A_400 = vector.broadcast %xor3A_399 : i32 to vector<16xi32>
    %xor3A_401 = arith.xori %iota3A, %xor3A_400 : vector<16xi32>
    %gather3A_402 = tpu.vector_load_idx %arg18[%broadcast_in_dim3A_345, %xor3A_401] : memref<2x16xf32, #tpu.memory_space<vmem>>[vector<16xi32>, vector<16xi32>], vector<16xf32>,
    %max3A_403 = arith.maximumf %max3A_394, %gather3A_402 : vector<16xf32>
    %swap3A_404 = arith.constant 0 : i32
    %swap3A_405 = arith.index_cast %swap3A_404 : i32 to index
    %swap3A_406 = arith.constant 0 : index
    %swap3A_407 = tpu.vector_load %arg18[%swap3A_405, %swap3A_406] {strides = array<i32>} : memref<2x16xf32, #tpu.memory_space<vmem>>, vector<16xf32>,
    tpu.vector_store %arg18[%swap3A_405, %swap3A_406], %max3A_403 {strides = array<i32>} : memref<2x16xf32, #tpu.memory_space<vmem>>, vector<16xf32>,
    %xor3A_408 = arith.constant 1 : i32
    %xor3A_409 = vector.broadcast %xor3A_408 : i32 to vector<16xi32>
    %xor3A_410 = arith.xori %iota3A, %xor3A_409 : vector<16xi32>
    %gather3A_411 = tpu.vector_load_idx %arg18[%broadcast_in_dim3A_345, %xor3A_410] : memref<2x16xf32, #tpu.memory_space<vmem>>[vector<16xi32>, vector<16xi32>], vector<16xf32>,
    %max3A_412 = arith.maximumf %max3A_403, %gather3A_411 : vector<16xf32>
    %swap3A_413 = arith.constant 0 : i32
    %swap3A_414 = arith.index_cast %swap3A_413 : i32 to index
    %swap3A_415 = arith.constant 0 : index
    %swap3A_416 = tpu.vector_load %arg18[%swap3A_414, %swap3A_415] {strides = array<i32>} : memref<2x16xf32, #tpu.memory_space<vmem>>, vector<16xf32>,
    tpu.vector_store %arg18[%swap3A_414, %swap3A_415], %min3A_377 {strides = array<i32>} : memref<2x16xf32, #tpu.memory_space<vmem>>, vector<16xf32>,
    %swap3A_417 = arith.constant 1 : i32
    %swap3A_418 = arith.index_cast %swap3A_417 : i32 to index
    %swap3A_419 = arith.constant 0 : index
    %swap3A_420 = tpu.vector_load %arg18[%swap3A_418, %swap3A_419] {strides = array<i32>} : memref<2x16xf32, #tpu.memory_space<vmem>>, vector<16xf32>,
    tpu.vector_store %arg18[%swap3A_418, %swap3A_419], %max3A_412 {strides = array<i32>} : memref<2x16xf32, #tpu.memory_space<vmem>>, vector<16xf32>,
    "tpu.region"() ({
      %run_scoped3A = tpu.sem_alloc : memref<!tpu.dma_semaphore, #tpu.memory_space<semaphore_mem>>
      %dma_start3A = arith.constant 0 : i32
      %dma_start3A_531 = arith.constant 0 : i32
      %dma_start3A_532 = tpu.memref_slice %arg6[%add3A, %dma_start3A, %dma_start3A_531] : memref<32x2x16xf32, #tpu.memory_space<hbm>> -> memref<1x2x16xf32, #tpu.memory_space<hbm>>
      %dma_start3A_533 = tpu.memref_squeeze %dma_start3A_532 : memref<1x2x16xf32, #tpu.memory_space<hbm>> -> memref<2x16xf32, #tpu.memory_space<hbm>>
      %dma_start3A_534 = arith.constant 0 : i32
      %dma_start3A_535 = arith.constant 0 : i32
      %dma_start3A_536 = tpu.memref_slice %arg6[%add3A, %dma_start3A_534, %dma_start3A_535] : memref<32x2x16xf32, #tpu.memory_space<hbm>> -> memref<1x2x16xf32, #tpu.memory_space<hbm>>
      %dma_start3A_537 = tpu.memref_squeeze %dma_start3A_536 : memref<1x2x16xf32, #tpu.memory_space<hbm>> -> memref<2x16xf32, #tpu.memory_space<hbm>>
      tpu.enqueue_dma source(%arg18 : memref<2x16xf32, #tpu.memory_space<vmem>>) target(%dma_start3A_537 : memref<2x16xf32, #tpu.memory_space<hbm>>) target_semaphore(%run_scoped3A : memref<!tpu.dma_semaphore, #tpu.memory_space<semaphore_mem>>)
      %dma_wait3A_538 = arith.constant 0 : i32
      %dma_wait3A_539 = arith.constant 0 : i32
      %dma_wait3A_540 = tpu.memref_slice %arg6[%add3A, %dma_wait3A_538, %dma_wait3A_539] : memref<32x2x16xf32, #tpu.memory_space<hbm>> -> memref<1x2x16xf32, #tpu.memory_space<hbm>>
      %dma_wait3A_541 = tpu.memref_squeeze %dma_wait3A_540 : memref<1x2x16xf32, #tpu.memory_space<hbm>> -> memref<2x16xf32, #tpu.memory_space<hbm>>
      %dma_wait3A_542 = arith.constant 0 : i32
      %dma_wait3A_543 = arith.constant 0 : i32
      %dma_wait3A_544 = tpu.memref_slice %arg6[%add3A, %dma_wait3A_542, %dma_wait3A_543] : memref<32x2x16xf32, #tpu.memory_space<hbm>> -> memref<1x2x16xf32, #tpu.memory_space<hbm>>
      %dma_wait3A_545 = tpu.memref_squeeze %dma_wait3A_544 : memref<1x2x16xf32, #tpu.memory_space<hbm>> -> memref<2x16xf32, #tpu.memory_space<hbm>>
      tpu.wait_dma2 semaphore(%run_scoped3A : memref<!tpu.dma_semaphore, #tpu.memory_space<semaphore_mem>>) src(%arg18 : memref<2x16xf32, #tpu.memory_space<vmem>>) dst(%dma_wait3A_545 : memref<2x16xf32, #tpu.memory_space<hbm>>)
      tpu.yield
    }) : () -> ()
    %barrier3A = arith.constant 0 : index
    tpu.barrier barrier_id(%barrier3A)
    %jit3A_421 = arith.constant 4 : i32
    %div3A_422 = arith.divsi %add3A, %jit3A_421 : i32
    %sign3A_423 = arith.constant 0 : i32
    %sign3A_424 = arith.cmpi sgt, %add3A, %sign3A_423 : i32
    %sign3A_425 = arith.extui %sign3A_424 : i1 to i32
    %sign3A_426 = arith.constant 0 : i32
    %sign3A_427 = arith.cmpi slt, %add3A, %sign3A_426 : i32
    %sign3A_428 = arith.extui %sign3A_427 : i1 to i32
    %sign3A_429 = arith.subi %sign3A_425, %sign3A_428 : i32
    %sign3A_430 = arith.constant 0 : i32
    %sign3A_431 = arith.cmpi sgt, %jit3A_421, %sign3A_430 : i32
    %sign3A_432 = arith.extui %sign3A_431 : i1 to i32
    %sign3A_433 = arith.constant 0 : i32
    %sign3A_434 = arith.cmpi slt, %jit3A_421, %sign3A_433 : i32
    %sign3A_435 = arith.extui %sign3A_434 : i1 to i32
    %sign3A_436 = arith.subi %sign3A_432, %sign3A_435 : i32
    %ne3A_437 = arith.cmpi ne, %sign3A_429, %sign3A_436 : i32
    %rem3A_438 = arith.remsi %add3A, %jit3A_421 : i32
    %ne3A_439 = arith.constant 0 : i32
    %ne3A_440 = arith.cmpi ne, %rem3A_438, %ne3A_439 : i32
    %and3A_441 = arith.andi %ne3A_437, %ne3A_440 : i1
    %sub3A_442 = arith.constant 1 : i32
    %sub3A_443 = arith.subi %div3A_422, %sub3A_442 : i32
    %select_n3A_444 = arith.select %and3A_441, %sub3A_443, %div3A_422 : i32
    %mul3A_445 = arith.constant 4 : i32
    %mul3A_446 = arith.muli %select_n3A_444, %mul3A_445 : i32
    "tpu.region"() ({
      %run_scoped3A = tpu.sem_alloc : memref<!tpu.dma_semaphore, #tpu.memory_space<semaphore_mem>>
      %dma_start3A = arith.constant 0 : i32
      %dma_start3A_531 = arith.constant 0 : i32
      %dma_start3A_532 = tpu.memref_slice %arg6[%mul3A_446, %dma_start3A, %dma_start3A_531] : memref<32x2x16xf32, #tpu.memory_space<hbm>> -> memref<4x2x16xf32, #tpu.memory_space<hbm>>
      %dma_start3A_533 = arith.constant 0 : i32
      %dma_start3A_534 = arith.constant 0 : i32
      %dma_start3A_535 = tpu.memref_slice %arg6[%mul3A_446, %dma_start3A_533, %dma_start3A_534] : memref<32x2x16xf32, #tpu.memory_space<hbm>> -> memref<4x2x16xf32, #tpu.memory_space<hbm>>
      tpu.enqueue_dma source(%dma_start3A_535 : memref<4x2x16xf32, #tpu.memory_space<hbm>>) target(%arg19 : memref<4x2x16xf32, #tpu.memory_space<vmem>>) target_semaphore(%run_scoped3A : memref<!tpu.dma_semaphore, #tpu.memory_space<semaphore_mem>>)
      %dma_wait3A_536 = arith.constant 0 : i32
      %dma_wait3A_537 = arith.constant 0 : i32
      %dma_wait3A_538 = tpu.memref_slice %arg6[%mul3A_446, %dma_wait3A_536, %dma_wait3A_537] : memref<32x2x16xf32, #tpu.memory_space<hbm>> -> memref<4x2x16xf32, #tpu.memory_space<hbm>>
      %dma_wait3A_539 = arith.constant 0 : i32
      %dma_wait3A_540 = arith.constant 0 : i32
      %dma_wait3A_541 = tpu.memref_slice %arg6[%mul3A_446, %dma_wait3A_539, %dma_wait3A_540] : memref<32x2x16xf32, #tpu.memory_space<hbm>> -> memref<4x2x16xf32, #tpu.memory_space<hbm>>
      tpu.wait_dma2 semaphore(%run_scoped3A : memref<!tpu.dma_semaphore, #tpu.memory_space<semaphore_mem>>) src(%dma_wait3A_541 : memref<4x2x16xf32, #tpu.memory_space<hbm>>) dst(%arg19 : memref<4x2x16xf32, #tpu.memory_space<vmem>>)
      tpu.yield
    }) : () -> ()
    %get3A_447 = arith.constant 0 : i32
    %get3A_448 = arith.constant 0 : i32
    %get3A_449 = arith.index_cast %get3A_447 : i32 to index
    %get3A_450 = arith.index_cast %get3A_448 : i32 to index
    %get3A_451 = arith.constant 0 : index
    %get3A_452 = tpu.vector_load %arg19[%get3A_449, %get3A_450, %get3A_451] {strides = array<i32>} : memref<4x2x16xf32, #tpu.memory_space<vmem>>, vector<16xf32>,
    %get3A_453 = arith.constant 1 : i32
    %get3A_454 = arith.constant 0 : i32
    %get3A_455 = arith.index_cast %get3A_453 : i32 to index
    %get3A_456 = arith.index_cast %get3A_454 : i32 to index
    %get3A_457 = arith.constant 0 : index
    %get3A_458 = tpu.vector_load %arg19[%get3A_455, %get3A_456, %get3A_457] {strides = array<i32>} : memref<4x2x16xf32, #tpu.memory_space<vmem>>, vector<16xf32>,
    %min3A_459 = arith.minimumf %get3A_452, %get3A_458 : vector<16xf32>
    %get3A_460 = arith.constant 2 : i32
    %get3A_461 = arith.constant 0 : i32
    %get3A_462 = arith.index_cast %get3A_460 : i32 to index
    %get3A_463 = arith.index_cast %get3A_461 : i32 to index
    %get3A_464 = arith.constant 0 : index
    %get3A_465 = tpu.vector_load %arg19[%get3A_462, %get3A_463, %get3A_464] {strides = array<i32>} : memref<4x2x16xf32, #tpu.memory_space<vmem>>, vector<16xf32>,
    %get3A_466 = arith.constant 3 : i32
    %get3A_467 = arith.constant 0 : i32
    %get3A_468 = arith.index_cast %get3A_466 : i32 to index
    %get3A_469 = arith.index_cast %get3A_467 : i32 to index
    %get3A_470 = arith.constant 0 : index
    %get3A_471 = tpu.vector_load %arg19[%get3A_468, %get3A_469, %get3A_470] {strides = array<i32>} : memref<4x2x16xf32, #tpu.memory_space<vmem>>, vector<16xf32>,
    %min3A_472 = arith.minimumf %get3A_465, %get3A_471 : vector<16xf32>
    %min3A_473 = arith.minimumf %min3A_459, %min3A_472 : vector<16xf32>
    %get3A_474 = arith.constant 0 : i32
    %get3A_475 = arith.constant 1 : i32
    %get3A_476 = arith.index_cast %get3A_474 : i32 to index
    %get3A_477 = arith.index_cast %get3A_475 : i32 to index
    %get3A_478 = arith.constant 0 : index
    %get3A_479 = tpu.vector_load %arg19[%get3A_476, %get3A_477, %get3A_478] {strides = array<i32>} : memref<4x2x16xf32, #tpu.memory_space<vmem>>, vector<16xf32>,
    %get3A_480 = arith.constant 1 : i32
    %get3A_481 = arith.constant 1 : i32
    %get3A_482 = arith.index_cast %get3A_480 : i32 to index
    %get3A_483 = arith.index_cast %get3A_481 : i32 to index
    %get3A_484 = arith.constant 0 : index
    %get3A_485 = tpu.vector_load %arg19[%get3A_482, %get3A_483, %get3A_484] {strides = array<i32>} : memref<4x2x16xf32, #tpu.memory_space<vmem>>, vector<16xf32>,
    %max3A_486 = arith.maximumf %get3A_479, %get3A_485 : vector<16xf32>
    %get3A_487 = arith.constant 2 : i32
    %get3A_488 = arith.constant 1 : i32
    %get3A_489 = arith.index_cast %get3A_487 : i32 to index
    %get3A_490 = arith.index_cast %get3A_488 : i32 to index
    %get3A_491 = arith.constant 0 : index
    %get3A_492 = tpu.vector_load %arg19[%get3A_489, %get3A_490, %get3A_491] {strides = array<i32>} : memref<4x2x16xf32, #tpu.memory_space<vmem>>, vector<16xf32>,
    %get3A_493 = arith.constant 3 : i32
    %get3A_494 = arith.constant 1 : i32
    %get3A_495 = arith.index_cast %get3A_493 : i32 to index
    %get3A_496 = arith.index_cast %get3A_494 : i32 to index
    %get3A_497 = arith.constant 0 : index
    %get3A_498 = tpu.vector_load %arg19[%get3A_495, %get3A_496, %get3A_497] {strides = array<i32>} : memref<4x2x16xf32, #tpu.memory_space<vmem>>, vector<16xf32>,
    %max3A_499 = arith.maximumf %get3A_492, %get3A_498 : vector<16xf32>
    %max3A_500 = arith.maximumf %max3A_486, %max3A_499 : vector<16xf32>
    %sub3A_501 = arith.subf %max3A_500, %min3A_473 : vector<16xf32>
    %mul3A_502 = arith.constant 9216 : i32
    %mul3A_503 = arith.muli %select_n3A, %mul3A_502 : i32
    %scan3A_504 = arith.constant 0 : i32
    %scan3A_505 = arith.constant 128 : i32
    %scan3A_506 = arith.addi %scan3A_504, %scan3A_505 : i32
    %scan3A_507 = arith.constant 1 : i32
    %scan3A_508:2 = scf.for %scan3A_531 = %scan3A_504 to %scan3A_506 step %scan3A_507 iter_args(%scan3A_532 = %broadcast_in_dim3A_345, %scan3A_533 = %broadcast_in_dim3A_345) -> (vector<16xi32>, vector<16xi32>)  : i32 {
      %mul3A_534 = arith.constant 16 : i32
      %mul3A_535 = arith.muli %scan3A_531, %mul3A_534 : i32
      %get3A_536 = arith.constant 0 : i32
      %get3A_537 = arith.index_cast %get3A_536 : i32 to index
      %get3A_538 = arith.index_cast %mul3A_535 : i32 to index
      %get3A_539 = tpu.vector_load %arg8[%get3A_537, %get3A_538] {strides = array<i32>} : memref<3x2048xf32, #tpu.memory_space<vmem>>, vector<16xf32>,
      %get3A_540 = arith.constant 1 : i32
      %get3A_541 = arith.index_cast %get3A_540 : i32 to index
      %get3A_542 = arith.index_cast %mul3A_535 : i32 to index
      %get3A_543 = tpu.vector_load %arg8[%get3A_541, %get3A_542] {strides = array<i32>} : memref<3x2048xf32, #tpu.memory_space<vmem>>, vector<16xf32>,
      %get3A_544 = arith.constant 2 : i32
      %get3A_545 = arith.index_cast %get3A_544 : i32 to index
      %get3A_546 = arith.index_cast %mul3A_535 : i32 to index
      %get3A_547 = tpu.vector_load %arg8[%get3A_545, %get3A_546] {strides = array<i32>} : memref<3x2048xf32, #tpu.memory_space<vmem>>, vector<16xf32>,
      %convert_element_type3A = arith.fptosi %get3A_539 : vector<16xf32> to vector<16xi32>
      %convert_element_type3A_548 = arith.sitofp %convert_element_type3A : vector<16xi32> to vector<16xf32>
      %eq3A_549 = arith.cmpf oeq, %get3A_539, %convert_element_type3A_548 : vector<16xf32>
      %add3A_550 = arith.constant 1 : i32
      %add3A_551 = vector.broadcast %add3A_550 : i32 to vector<16xi32>
      %add3A_552 = arith.addi %convert_element_type3A, %add3A_551 : vector<16xi32>
      %select_n3A_553 = arith.select %eq3A_549, %convert_element_type3A, %add3A_552 : vector<16xi1>, vector<16xi32>
      %convert_element_type3A_554 = arith.sitofp %select_n3A_553 : vector<16xi32> to vector<16xf32>
      %convert_element_type3A_555 = arith.fptosi %get3A_543 : vector<16xf32> to vector<16xi32>
      %convert_element_type3A_556 = arith.sitofp %convert_element_type3A_555 : vector<16xi32> to vector<16xf32>
      %eq3A_557 = arith.cmpf oeq, %get3A_543, %convert_element_type3A_556 : vector<16xf32>
      %add3A_558 = arith.constant 1 : i32
      %add3A_559 = vector.broadcast %add3A_558 : i32 to vector<16xi32>
      %add3A_560 = arith.addi %convert_element_type3A_555, %add3A_559 : vector<16xi32>
      %select_n3A_561 = arith.select %eq3A_557, %convert_element_type3A_555, %add3A_560 : vector<16xi1>, vector<16xi32>
      %convert_element_type3A_562 = arith.sitofp %select_n3A_561 : vector<16xi32> to vector<16xf32>
      %sub3A_563 = arith.subf %min3A_473, %get3A_547 : vector<16xf32>
      %div3A_564 = arith.divf %sub3A_563, %sub3A_501 : vector<16xf32>
      %exp3A = math.exp %div3A_564 : vector<16xf32>
      %sub3A_565 = arith.subf %get3A_539, %convert_element_type3A_548 : vector<16xf32>
      %sub3A_566 = arith.subf %convert_element_type3A_554, %get3A_539 : vector<16xf32>
      %sub3A_567 = arith.subf %get3A_543, %convert_element_type3A_556 : vector<16xf32>
      %sub3A_568 = arith.subf %convert_element_type3A_562, %get3A_543 : vector<16xf32>
      %mul3A_569 = arith.mulf %sub3A_566, %sub3A_568 : vector<16xf32>
      %mul3A_570 = arith.mulf %mul3A_569, %exp3A : vector<16xf32>
      %swap3A_571 = arith.index_cast %scan3A_531 : i32 to index
      %swap3A_572 = arith.constant 0 : index
      %swap3A_573 = tpu.vector_load %arg10[%swap3A_571, %swap3A_572] {strides = array<i32>} : memref<128x64xf32, #tpu.memory_space<vmem>>, vector<16xf32>,
      tpu.vector_store %arg10[%swap3A_571, %swap3A_572], %mul3A_570 {strides = array<i32>} : memref<128x64xf32, #tpu.memory_space<vmem>>, vector<16xf32>,
      %mul3A_574 = arith.mulf %sub3A_565, %sub3A_568 : vector<16xf32>
      %mul3A_575 = arith.mulf %mul3A_574, %exp3A : vector<16xf32>
      %swap3A_576 = arith.index_cast %scan3A_531 : i32 to index
      %swap3A_577 = arith.constant 16 : index
      %swap3A_578 = tpu.vector_load %arg10[%swap3A_576, %swap3A_577] {strides = array<i32>} : memref<128x64xf32, #tpu.memory_space<vmem>>, vector<16xf32>,
      tpu.vector_store %arg10[%swap3A_576, %swap3A_577], %mul3A_575 {strides = array<i32>} : memref<128x64xf32, #tpu.memory_space<vmem>>, vector<16xf32>,
      %mul3A_579 = arith.mulf %sub3A_566, %sub3A_567 : vector<16xf32>
      %mul3A_580 = arith.mulf %mul3A_579, %exp3A : vector<16xf32>
      %swap3A_581 = arith.index_cast %scan3A_531 : i32 to index
      %swap3A_582 = arith.constant 32 : index
      %swap3A_583 = tpu.vector_load %arg10[%swap3A_581, %swap3A_582] {strides = array<i32>} : memref<128x64xf32, #tpu.memory_space<vmem>>, vector<16xf32>,
      tpu.vector_store %arg10[%swap3A_581, %swap3A_582], %mul3A_580 {strides = array<i32>} : memref<128x64xf32, #tpu.memory_space<vmem>>, vector<16xf32>,
      %mul3A_584 = arith.mulf %sub3A_565, %sub3A_567 : vector<16xf32>
      %mul3A_585 = arith.mulf %mul3A_584, %exp3A : vector<16xf32>
      %swap3A_586 = arith.index_cast %scan3A_531 : i32 to index
      %swap3A_587 = arith.constant 48 : index
      %swap3A_588 = tpu.vector_load %arg10[%swap3A_586, %swap3A_587] {strides = array<i32>} : memref<128x64xf32, #tpu.memory_space<vmem>>, vector<16xf32>,
      tpu.vector_store %arg10[%swap3A_586, %swap3A_587], %mul3A_585 {strides = array<i32>} : memref<128x64xf32, #tpu.memory_space<vmem>>, vector<16xf32>,
      %mul3A_589 = arith.constant 96 : i32
      %mul3A_590 = vector.broadcast %mul3A_589 : i32 to vector<16xi32>
      %mul3A_591 = arith.muli %convert_element_type3A_555, %mul3A_590 : vector<16xi32>
      %add3A_592 = vector.broadcast %mul3A_503 : i32 to vector<16xi32>
      %add3A_593 = arith.addi %add3A_592, %mul3A_591 : vector<16xi32>
      %mul3A_594 = arith.constant 96 : i32
      %mul3A_595 = vector.broadcast %mul3A_594 : i32 to vector<16xi32>
      %mul3A_596 = arith.muli %select_n3A_561, %mul3A_595 : vector<16xi32>
      %add3A_597 = vector.broadcast %mul3A_503 : i32 to vector<16xi32>
      %add3A_598 = arith.addi %add3A_597, %mul3A_596 : vector<16xi32>
      %add3A_599 = arith.addi %add3A_593, %convert_element_type3A : vector<16xi32>
      %jit3A_600 = arith.constant 0 : i32
      %jit3A_601 = arith.constant 73727 : i32
      %max3A_602 = vector.broadcast %jit3A_600 : i32 to vector<16xi32>
      %max3A_603 = arith.maxsi %max3A_602, %add3A_599 : vector<16xi32>
      %min3A_604 = vector.broadcast %jit3A_601 : i32 to vector<16xi32>
      %min3A_605 = arith.minsi %min3A_604, %max3A_603 : vector<16xi32>
      %swap3A_606 = arith.index_cast %scan3A_531 : i32 to index
      %swap3A_607 = arith.constant 0 : index
      %swap3A_608 = tpu.vector_load %arg9[%swap3A_606, %swap3A_607] {strides = array<i32>} : memref<128x64xi32, #tpu.memory_space<vmem>>, vector<16xi32>,
      tpu.vector_store %arg9[%swap3A_606, %swap3A_607], %min3A_605 {strides = array<i32>} : memref<128x64xi32, #tpu.memory_space<vmem>>, vector<16xi32>,
      %add3A_609 = arith.addi %add3A_593, %select_n3A_553 : vector<16xi32>
      %jit3A_610 = arith.constant 0 : i32
      %jit3A_611 = arith.constant 73727 : i32
      %max3A_612 = vector.broadcast %jit3A_610 : i32 to vector<16xi32>
      %max3A_613 = arith.maxsi %max3A_612, %add3A_609 : vector<16xi32>
      %min3A_614 = vector.broadcast %jit3A_611 : i32 to vector<16xi32>
      %min3A_615 = arith.minsi %min3A_614, %max3A_613 : vector<16xi32>
      %swap3A_616 = arith.index_cast %scan3A_531 : i32 to index
      %swap3A_617 = arith.constant 16 : index
      %swap3A_618 = tpu.vector_load %arg9[%swap3A_616, %swap3A_617] {strides = array<i32>} : memref<128x64xi32, #tpu.memory_space<vmem>>, vector<16xi32>,
      tpu.vector_store %arg9[%swap3A_616, %swap3A_617], %min3A_615 {strides = array<i32>} : memref<128x64xi32, #tpu.memory_space<vmem>>, vector<16xi32>,
      %add3A_619 = arith.addi %add3A_598, %convert_element_type3A : vector<16xi32>
      %jit3A_620 = arith.constant 0 : i32
      %jit3A_621 = arith.constant 73727 : i32
      %max3A_622 = vector.broadcast %jit3A_620 : i32 to vector<16xi32>
      %max3A_623 = arith.maxsi %max3A_622, %add3A_619 : vector<16xi32>
      %min3A_624 = vector.broadcast %jit3A_621 : i32 to vector<16xi32>
      %min3A_625 = arith.minsi %min3A_624, %max3A_623 : vector<16xi32>
      %swap3A_626 = arith.index_cast %scan3A_531 : i32 to index
      %swap3A_627 = arith.constant 32 : index
      %swap3A_628 = tpu.vector_load %arg9[%swap3A_626, %swap3A_627] {strides = array<i32>} : memref<128x64xi32, #tpu.memory_space<vmem>>, vector<16xi32>,
      tpu.vector_store %arg9[%swap3A_626, %swap3A_627], %min3A_625 {strides = array<i32>} : memref<128x64xi32, #tpu.memory_space<vmem>>, vector<16xi32>,
      %add3A_629 = arith.addi %add3A_598, %select_n3A_553 : vector<16xi32>
      %jit3A_630 = arith.constant 0 : i32
      %jit3A_631 = arith.constant 73727 : i32
      %max3A_632 = vector.broadcast %jit3A_630 : i32 to vector<16xi32>
      %max3A_633 = arith.maxsi %max3A_632, %add3A_629 : vector<16xi32>
      %min3A_634 = vector.broadcast %jit3A_631 : i32 to vector<16xi32>
      %min3A_635 = arith.minsi %min3A_634, %max3A_633 : vector<16xi32>
      %swap3A_636 = arith.index_cast %scan3A_531 : i32 to index
      %swap3A_637 = arith.constant 48 : index
      %swap3A_638 = tpu.vector_load %arg9[%swap3A_636, %swap3A_637] {strides = array<i32>} : memref<128x64xi32, #tpu.memory_space<vmem>>, vector<16xi32>,
      tpu.vector_store %arg9[%swap3A_636, %swap3A_637], %min3A_635 {strides = array<i32>} : memref<128x64xi32, #tpu.memory_space<vmem>>, vector<16xi32>,
      %mul3A_639 = arith.constant 16 : i32
      %mul3A_640 = arith.muli %scan3A_531, %mul3A_639 : i32
      %add3A_641 = vector.broadcast %mul3A_640 : i32 to vector<16xi32>
      %add3A_642 = arith.addi %add3A_641, %iota3A : vector<16xi32>
      %ne3A_643 = arith.cmpi ne, %convert_element_type3A, %select_n3A_553 : vector<16xi32>
      %ne3A_644 = arith.cmpi ne, %convert_element_type3A_555, %select_n3A_561 : vector<16xi32>
      %and3A_645 = arith.andi %ne3A_643, %ne3A_644 : vector<16xi1>
      %convert_element_type3A_646 = arith.extui %and3A_645 : vector<16xi1> to vector<16xi32>
      %broadcast_in_dim3A_647 = arith.constant true
      %broadcast_in_dim3A_648 = vector.broadcast %broadcast_in_dim3A_647 : i1 to vector<16xi1>
      %masked_cumsum3A = tpu.scan <sum>, %convert_element_type3A_646 masked %broadcast_in_dim3A_648 : vector<16xi32>, vector<16xi1> -> vector<16xi32>
      %add3A_649 = arith.addi %scan3A_532, %masked_cumsum3A : vector<16xi32>
      %sub3A_650 = arith.constant 1 : i32
      %sub3A_651 = vector.broadcast %sub3A_650 : i32 to vector<16xi32>
      %sub3A_652 = arith.subi %add3A_649, %sub3A_651 : vector<16xi32>
      tpu.vector_store_idx %arg11[%sub3A_652], %add3A_642 masked %and3A_645 : memref<2048xi32, #tpu.memory_space<vmem>>[vector<16xi32>], vector<16xi32>, vector<16xi1>
      %not3A = arith.constant dense<true> : vector<16xi1>
      %not3A_653 = arith.xori %and3A_645, %not3A : vector<16xi1>
      %convert_element_type3A_654 = arith.extui %not3A_653 : vector<16xi1> to vector<16xi32>
      %broadcast_in_dim3A_655 = arith.constant true
      %broadcast_in_dim3A_656 = vector.broadcast %broadcast_in_dim3A_655 : i1 to vector<16xi1>
      %masked_cumsum3A_657 = tpu.scan <sum>, %convert_element_type3A_654 masked %broadcast_in_dim3A_656 : vector<16xi32>, vector<16xi1> -> vector<16xi32>
      %add3A_658 = arith.addi %scan3A_533, %masked_cumsum3A_657 : vector<16xi32>
      %sub3A_659 = arith.constant 1 : i32
      %sub3A_660 = vector.broadcast %sub3A_659 : i32 to vector<16xi32>
      %sub3A_661 = arith.subi %add3A_658, %sub3A_660 : vector<16xi32>
      %sub3A_662 = arith.constant 2047 : i32
      %sub3A_663 = vector.broadcast %sub3A_662 : i32 to vector<16xi32>
      %sub3A_664 = arith.subi %sub3A_663, %sub3A_661 : vector<16xi32>
      tpu.vector_store_idx %arg11[%sub3A_664], %add3A_642 masked %not3A_653 : memref<2048xi32, #tpu.memory_space<vmem>>[vector<16xi32>], vector<16xi32>, vector<16xi1>
      %all_reduce_population_count3A = tpu.all_reduce %and3A_645 {dim = 0 : i64, kind = #tpu.reduction_kind<sum>} : vector<16xi1> -> vector<16xi32>
      %add3A_665 = arith.addi %scan3A_532, %all_reduce_population_count3A : vector<16xi32>
      %all_reduce_population_count3A_666 = tpu.all_reduce %not3A_653 {dim = 0 : i64, kind = #tpu.reduction_kind<sum>} : vector<16xi1> -> vector<16xi32>
      %add3A_667 = arith.addi %scan3A_533, %all_reduce_population_count3A_666 : vector<16xi32>
      scf.yield %add3A_665, %add3A_667 : vector<16xi32>, vector<16xi32>
    }
    %scan3A_509 = arith.constant 128 : i32
    %scan3A_510 = arith.constant 0 : i32
    %scan3A_511 = arith.constant 0 : i32
    %scan3A_512 = arith.constant 16 : i32
    %scan3A_513 = arith.addi %scan3A_511, %scan3A_512 : i32
    %scan3A_514 = arith.constant 1 : i32
    %scan3A_515 = scf.for %scan3A_531 = %scan3A_511 to %scan3A_513 step %scan3A_514 iter_args(%scan3A_532 = %scan3A_510) -> (i32)  : i32 {
      %broadcast_in_dim3A_533 = arith.constant 0.000000e+00 : f32
      %broadcast_in_dim3A_534 = vector.broadcast %broadcast_in_dim3A_533 : f32 to vector<16xf32>
      %swap3A_535 = arith.index_cast %scan3A_531 : i32 to index
      %swap3A_536 = arith.constant 0 : index
      %swap3A_537 = tpu.vector_load %arg12[%swap3A_535, %swap3A_536] {strides = array<i32>} : memref<16x384xf32, #tpu.memory_space<vmem>>, vector<16xf32>,
      tpu.vector_store %arg12[%swap3A_535, %swap3A_536], %broadcast_in_dim3A_534 {strides = array<i32>} : memref<16x384xf32, #tpu.memory_space<vmem>>, vector<16xf32>,
      %broadcast_in_dim3A_538 = arith.constant 0.000000e+00 : f32
      %broadcast_in_dim3A_539 = vector.broadcast %broadcast_in_dim3A_538 : f32 to vector<16xf32>
      %swap3A_540 = arith.index_cast %scan3A_531 : i32 to index
      %swap3A_541 = arith.constant 16 : index
      %swap3A_542 = tpu.vector_load %arg12[%swap3A_540, %swap3A_541] {strides = array<i32>} : memref<16x384xf32, #tpu.memory_space<vmem>>, vector<16xf32>,
      tpu.vector_store %arg12[%swap3A_540, %swap3A_541], %broadcast_in_dim3A_539 {strides = array<i32>} : memref<16x384xf32, #tpu.memory_space<vmem>>, vector<16xf32>,
      %broadcast_in_dim3A_543 = arith.constant 0.000000e+00 : f32
      %broadcast_in_dim3A_544 = vector.broadcast %broadcast_in_dim3A_543 : f32 to vector<16xf32>
      %swap3A_545 = arith.index_cast %scan3A_531 : i32 to index
      %swap3A_546 = arith.constant 32 : index
      %swap3A_547 = tpu.vector_load %arg12[%swap3A_545, %swap3A_546] {strides = array<i32>} : memref<16x384xf32, #tpu.memory_space<vmem>>, vector<16xf32>,
      tpu.vector_store %arg12[%swap3A_545, %swap3A_546], %broadcast_in_dim3A_544 {strides = array<i32>} : memref<16x384xf32, #tpu.memory_space<vmem>>, vector<16xf32>,
      %broadcast_in_dim3A_548 = arith.constant 0.000000e+00 : f32
      %broadcast_in_dim3A_549 = vector.broadcast %broadcast_in_dim3A_548 : f32 to vector<16xf32>
      %swap3A_550 = arith.index_cast %scan3A_531 : i32 to index
      %swap3A_551 = arith.constant 48 : index
      %swap3A_552 = tpu.vector_load %arg12[%swap3A_550, %swap3A_551] {strides = array<i32>} : memref<16x384xf32, #tpu.memory_space<vmem>>, vector<16xf32>,
      tpu.vector_store %arg12[%swap3A_550, %swap3A_551], %broadcast_in_dim3A_549 {strides = array<i32>} : memref<16x384xf32, #tpu.memory_space<vmem>>, vector<16xf32>,
      %broadcast_in_dim3A_553 = arith.constant 0.000000e+00 : f32
      %broadcast_in_dim3A_554 = vector.broadcast %broadcast_in_dim3A_553 : f32 to vector<16xf32>
      %swap3A_555 = arith.index_cast %scan3A_531 : i32 to index
      %swap3A_556 = arith.constant 64 : index
      %swap3A_557 = tpu.vector_load %arg12[%swap3A_555, %swap3A_556] {strides = array<i32>} : memref<16x384xf32, #tpu.memory_space<vmem>>, vector<16xf32>,
      tpu.vector_store %arg12[%swap3A_555, %swap3A_556], %broadcast_in_dim3A_554 {strides = array<i32>} : memref<16x384xf32, #tpu.memory_space<vmem>>, vector<16xf32>,
      %broadcast_in_dim3A_558 = arith.constant 0.000000e+00 : f32
      %broadcast_in_dim3A_559 = vector.broadcast %broadcast_in_dim3A_558 : f32 to vector<16xf32>
      %swap3A_560 = arith.index_cast %scan3A_531 : i32 to index
      %swap3A_561 = arith.constant 80 : index
      %swap3A_562 = tpu.vector_load %arg12[%swap3A_560, %swap3A_561] {strides = array<i32>} : memref<16x384xf32, #tpu.memory_space<vmem>>, vector<16xf32>,
      tpu.vector_store %arg12[%swap3A_560, %swap3A_561], %broadcast_in_dim3A_559 {strides = array<i32>} : memref<16x384xf32, #tpu.memory_space<vmem>>, vector<16xf32>,
      %broadcast_in_dim3A_563 = arith.constant 0.000000e+00 : f32
      %broadcast_in_dim3A_564 = vector.broadcast %broadcast_in_dim3A_563 : f32 to vector<16xf32>
      %swap3A_565 = arith.index_cast %scan3A_531 : i32 to index
      %swap3A_566 = arith.constant 96 : index
      %swap3A_567 = tpu.vector_load %arg12[%swap3A_565, %swap3A_566] {strides = array<i32>} : memref<16x384xf32, #tpu.memory_space<vmem>>, vector<16xf32>,
      tpu.vector_store %arg12[%swap3A_565, %swap3A_566], %broadcast_in_dim3A_564 {strides = array<i32>} : memref<16x384xf32, #tpu.memory_space<vmem>>, vector<16xf32>,
      %broadcast_in_dim3A_568 = arith.constant 0.000000e+00 : f32
      %broadcast_in_dim3A_569 = vector.broadcast %broadcast_in_dim3A_568 : f32 to vector<16xf32>
      %swap3A_570 = arith.index_cast %scan3A_531 : i32 to index
      %swap3A_571 = arith.constant 112 : index
      %swap3A_572 = tpu.vector_load %arg12[%swap3A_570, %swap3A_571] {strides = array<i32>} : memref<16x384xf32, #tpu.memory_space<vmem>>, vector<16xf32>,
      tpu.vector_store %arg12[%swap3A_570, %swap3A_571], %broadcast_in_dim3A_569 {strides = array<i32>} : memref<16x384xf32, #tpu.memory_space<vmem>>, vector<16xf32>,
      %broadcast_in_dim3A_573 = arith.constant 0.000000e+00 : f32
      %broadcast_in_dim3A_574 = vector.broadcast %broadcast_in_dim3A_573 : f32 to vector<16xf32>
      %swap3A_575 = arith.index_cast %scan3A_531 : i32 to index
      %swap3A_576 = arith.constant 128 : index
      %swap3A_577 = tpu.vector_load %arg12[%swap3A_575, %swap3A_576] {strides = array<i32>} : memref<16x384xf32, #tpu.memory_space<vmem>>, vector<16xf32>,
      tpu.vector_store %arg12[%swap3A_575, %swap3A_576], %broadcast_in_dim3A_574 {strides = array<i32>} : memref<16x384xf32, #tpu.memory_space<vmem>>, vector<16xf32>,
      %broadcast_in_dim3A_578 = arith.constant 0.000000e+00 : f32
      %broadcast_in_dim3A_579 = vector.broadcast %broadcast_in_dim3A_578 : f32 to vector<16xf32>
      %swap3A_580 = arith.index_cast %scan3A_531 : i32 to index
      %swap3A_581 = arith.constant 144 : index
      %swap3A_582 = tpu.vector_load %arg12[%swap3A_580, %swap3A_581] {strides = array<i32>} : memref<16x384xf32, #tpu.memory_space<vmem>>, vector<16xf32>,
      tpu.vector_store %arg12[%swap3A_580, %swap3A_581], %broadcast_in_dim3A_579 {strides = array<i32>} : memref<16x384xf32, #tpu.memory_space<vmem>>, vector<16xf32>,
      %broadcast_in_dim3A_583 = arith.constant 0.000000e+00 : f32
      %broadcast_in_dim3A_584 = vector.broadcast %broadcast_in_dim3A_583 : f32 to vector<16xf32>
      %swap3A_585 = arith.index_cast %scan3A_531 : i32 to index
      %swap3A_586 = arith.constant 160 : index
      %swap3A_587 = tpu.vector_load %arg12[%swap3A_585, %swap3A_586] {strides = array<i32>} : memref<16x384xf32, #tpu.memory_space<vmem>>, vector<16xf32>,
      tpu.vector_store %arg12[%swap3A_585, %swap3A_586], %broadcast_in_dim3A_584 {strides = array<i32>} : memref<16x384xf32, #tpu.memory_space<vmem>>, vector<16xf32>,
      %broadcast_in_dim3A_588 = arith.constant 0.000000e+00 : f32
      %broadcast_in_dim3A_589 = vector.broadcast %broadcast_in_dim3A_588 : f32 to vector<16xf32>
      %swap3A_590 = arith.index_cast %scan3A_531 : i32 to index
      %swap3A_591 = arith.constant 176 : index
      %swap3A_592 = tpu.vector_load %arg12[%swap3A_590, %swap3A_591] {strides = array<i32>} : memref<16x384xf32, #tpu.memory_space<vmem>>, vector<16xf32>,
      tpu.vector_store %arg12[%swap3A_590, %swap3A_591], %broadcast_in_dim3A_589 {strides = array<i32>} : memref<16x384xf32, #tpu.memory_space<vmem>>, vector<16xf32>,
      %broadcast_in_dim3A_593 = arith.constant 0.000000e+00 : f32
      %broadcast_in_dim3A_594 = vector.broadcast %broadcast_in_dim3A_593 : f32 to vector<16xf32>
      %swap3A_595 = arith.index_cast %scan3A_531 : i32 to index
      %swap3A_596 = arith.constant 192 : index
      %swap3A_597 = tpu.vector_load %arg12[%swap3A_595, %swap3A_596] {strides = array<i32>} : memref<16x384xf32, #tpu.memory_space<vmem>>, vector<16xf32>,
      tpu.vector_store %arg12[%swap3A_595, %swap3A_596], %broadcast_in_dim3A_594 {strides = array<i32>} : memref<16x384xf32, #tpu.memory_space<vmem>>, vector<16xf32>,
      %broadcast_in_dim3A_598 = arith.constant 0.000000e+00 : f32
      %broadcast_in_dim3A_599 = vector.broadcast %broadcast_in_dim3A_598 : f32 to vector<16xf32>
      %swap3A_600 = arith.index_cast %scan3A_531 : i32 to index
      %swap3A_601 = arith.constant 208 : index
      %swap3A_602 = tpu.vector_load %arg12[%swap3A_600, %swap3A_601] {strides = array<i32>} : memref<16x384xf32, #tpu.memory_space<vmem>>, vector<16xf32>,
      tpu.vector_store %arg12[%swap3A_600, %swap3A_601], %broadcast_in_dim3A_599 {strides = array<i32>} : memref<16x384xf32, #tpu.memory_space<vmem>>, vector<16xf32>,
      %broadcast_in_dim3A_603 = arith.constant 0.000000e+00 : f32
      %broadcast_in_dim3A_604 = vector.broadcast %broadcast_in_dim3A_603 : f32 to vector<16xf32>
      %swap3A_605 = arith.index_cast %scan3A_531 : i32 to index
      %swap3A_606 = arith.constant 224 : index
      %swap3A_607 = tpu.vector_load %arg12[%swap3A_605, %swap3A_606] {strides = array<i32>} : memref<16x384xf32, #tpu.memory_space<vmem>>, vector<16xf32>,
      tpu.vector_store %arg12[%swap3A_605, %swap3A_606], %broadcast_in_dim3A_604 {strides = array<i32>} : memref<16x384xf32, #tpu.memory_space<vmem>>, vector<16xf32>,
      %broadcast_in_dim3A_608 = arith.constant 0.000000e+00 : f32
      %broadcast_in_dim3A_609 = vector.broadcast %broadcast_in_dim3A_608 : f32 to vector<16xf32>
      %swap3A_610 = arith.index_cast %scan3A_531 : i32 to index
      %swap3A_611 = arith.constant 240 : index
      %swap3A_612 = tpu.vector_load %arg12[%swap3A_610, %swap3A_611] {strides = array<i32>} : memref<16x384xf32, #tpu.memory_space<vmem>>, vector<16xf32>,
      tpu.vector_store %arg12[%swap3A_610, %swap3A_611], %broadcast_in_dim3A_609 {strides = array<i32>} : memref<16x384xf32, #tpu.memory_space<vmem>>, vector<16xf32>,
      %broadcast_in_dim3A_613 = arith.constant 0.000000e+00 : f32
      %broadcast_in_dim3A_614 = vector.broadcast %broadcast_in_dim3A_613 : f32 to vector<16xf32>
      %swap3A_615 = arith.index_cast %scan3A_531 : i32 to index
      %swap3A_616 = arith.constant 256 : index
      %swap3A_617 = tpu.vector_load %arg12[%swap3A_615, %swap3A_616] {strides = array<i32>} : memref<16x384xf32, #tpu.memory_space<vmem>>, vector<16xf32>,
      tpu.vector_store %arg12[%swap3A_615, %swap3A_616], %broadcast_in_dim3A_614 {strides = array<i32>} : memref<16x384xf32, #tpu.memory_space<vmem>>, vector<16xf32>,
      %broadcast_in_dim3A_618 = arith.constant 0.000000e+00 : f32
      %broadcast_in_dim3A_619 = vector.broadcast %broadcast_in_dim3A_618 : f32 to vector<16xf32>
      %swap3A_620 = arith.index_cast %scan3A_531 : i32 to index
      %swap3A_621 = arith.constant 272 : index
      %swap3A_622 = tpu.vector_load %arg12[%swap3A_620, %swap3A_621] {strides = array<i32>} : memref<16x384xf32, #tpu.memory_space<vmem>>, vector<16xf32>,
      tpu.vector_store %arg12[%swap3A_620, %swap3A_621], %broadcast_in_dim3A_619 {strides = array<i32>} : memref<16x384xf32, #tpu.memory_space<vmem>>, vector<16xf32>,
      %broadcast_in_dim3A_623 = arith.constant 0.000000e+00 : f32
      %broadcast_in_dim3A_624 = vector.broadcast %broadcast_in_dim3A_623 : f32 to vector<16xf32>
      %swap3A_625 = arith.index_cast %scan3A_531 : i32 to index
      %swap3A_626 = arith.constant 288 : index
      %swap3A_627 = tpu.vector_load %arg12[%swap3A_625, %swap3A_626] {strides = array<i32>} : memref<16x384xf32, #tpu.memory_space<vmem>>, vector<16xf32>,
      tpu.vector_store %arg12[%swap3A_625, %swap3A_626], %broadcast_in_dim3A_624 {strides = array<i32>} : memref<16x384xf32, #tpu.memory_space<vmem>>, vector<16xf32>,
      %broadcast_in_dim3A_628 = arith.constant 0.000000e+00 : f32
      %broadcast_in_dim3A_629 = vector.broadcast %broadcast_in_dim3A_628 : f32 to vector<16xf32>
      %swap3A_630 = arith.index_cast %scan3A_531 : i32 to index
      %swap3A_631 = arith.constant 304 : index
      %swap3A_632 = tpu.vector_load %arg12[%swap3A_630, %swap3A_631] {strides = array<i32>} : memref<16x384xf32, #tpu.memory_space<vmem>>, vector<16xf32>,
      tpu.vector_store %arg12[%swap3A_630, %swap3A_631], %broadcast_in_dim3A_629 {strides = array<i32>} : memref<16x384xf32, #tpu.memory_space<vmem>>, vector<16xf32>,
      %broadcast_in_dim3A_633 = arith.constant 0.000000e+00 : f32
      %broadcast_in_dim3A_634 = vector.broadcast %broadcast_in_dim3A_633 : f32 to vector<16xf32>
      %swap3A_635 = arith.index_cast %scan3A_531 : i32 to index
      %swap3A_636 = arith.constant 320 : index
      %swap3A_637 = tpu.vector_load %arg12[%swap3A_635, %swap3A_636] {strides = array<i32>} : memref<16x384xf32, #tpu.memory_space<vmem>>, vector<16xf32>,
      tpu.vector_store %arg12[%swap3A_635, %swap3A_636], %broadcast_in_dim3A_634 {strides = array<i32>} : memref<16x384xf32, #tpu.memory_space<vmem>>, vector<16xf32>,
      %broadcast_in_dim3A_638 = arith.constant 0.000000e+00 : f32
      %broadcast_in_dim3A_639 = vector.broadcast %broadcast_in_dim3A_638 : f32 to vector<16xf32>
      %swap3A_640 = arith.index_cast %scan3A_531 : i32 to index
      %swap3A_641 = arith.constant 336 : index
      %swap3A_642 = tpu.vector_load %arg12[%swap3A_640, %swap3A_641] {strides = array<i32>} : memref<16x384xf32, #tpu.memory_space<vmem>>, vector<16xf32>,
      tpu.vector_store %arg12[%swap3A_640, %swap3A_641], %broadcast_in_dim3A_639 {strides = array<i32>} : memref<16x384xf32, #tpu.memory_space<vmem>>, vector<16xf32>,
      %broadcast_in_dim3A_643 = arith.constant 0.000000e+00 : f32
      %broadcast_in_dim3A_644 = vector.broadcast %broadcast_in_dim3A_643 : f32 to vector<16xf32>
      %swap3A_645 = arith.index_cast %scan3A_531 : i32 to index
      %swap3A_646 = arith.constant 352 : index
      %swap3A_647 = tpu.vector_load %arg12[%swap3A_645, %swap3A_646] {strides = array<i32>} : memref<16x384xf32, #tpu.memory_space<vmem>>, vector<16xf32>,
      tpu.vector_store %arg12[%swap3A_645, %swap3A_646], %broadcast_in_dim3A_644 {strides = array<i32>} : memref<16x384xf32, #tpu.memory_space<vmem>>, vector<16xf32>,
      %broadcast_in_dim3A_648 = arith.constant 0.000000e+00 : f32
      %broadcast_in_dim3A_649 = vector.broadcast %broadcast_in_dim3A_648 : f32 to vector<16xf32>
      %swap3A_650 = arith.index_cast %scan3A_531 : i32 to index
      %swap3A_651 = arith.constant 368 : index
      %swap3A_652 = tpu.vector_load %arg12[%swap3A_650, %swap3A_651] {strides = array<i32>} : memref<16x384xf32, #tpu.memory_space<vmem>>, vector<16xf32>,
      tpu.vector_store %arg12[%swap3A_650, %swap3A_651], %broadcast_in_dim3A_649 {strides = array<i32>} : memref<16x384xf32, #tpu.memory_space<vmem>>, vector<16xf32>,
      %scan3A_653 = arith.constant 0 : i32
      scf.yield %scan3A_653 : i32
    }
    %scan3A_516 = arith.constant 16 : i32
    %scan3A_517 = arith.constant 0 : i32
    %scan3A_518 = arith.constant 0 : i32
    %scan3A_519 = arith.constant 64 : i32
    %scan3A_520 = arith.addi %scan3A_518, %scan3A_519 : i32
    %scan3A_521 = arith.constant 1 : i32
    %scan3A_522 = scf.for %scan3A_531 = %scan3A_518 to %scan3A_520 step %scan3A_521 iter_args(%scan3A_532 = %scan3A_517) -> (i32)  : i32 {
      %gt3A = arith.constant 0 : i32
      %gt3A_533 = arith.cmpi sgt, %scan3A_531, %gt3A : i32
      %convert_element_type3A = arith.extui %gt3A_533 : i1 to i32
      %cond3A = arith.constant 0 : i32
      %cond3A_534 = arith.cmpi ne, %convert_element_type3A, %cond3A : i32
      scf.if %cond3A_534 {
        %dma_wait3A_615 = arith.constant 0 : i32
        %dma_wait3A_616 = tpu.memref_slice %arg5[%mul3A_34, %dma_wait3A_615] : memref<65536x384xf32, #tpu.memory_space<hbm>> -> memref<16x384xf32, #tpu.memory_space<hbm>>
        %dma_wait3A_617 = arith.constant 0 : i32
        %dma_wait3A_618 = tpu.memref_slice %arg5[%mul3A_34, %dma_wait3A_617] : memref<65536x384xf32, #tpu.memory_space<hbm>> -> memref<16x384xf32, #tpu.memory_space<hbm>>
        tpu.wait_dma2 semaphore(%arg22 : memref<!tpu.dma_semaphore, #tpu.memory_space<semaphore_mem>>) src(%arg15 : memref<16x384xf32, #tpu.memory_space<vmem>>) dst(%dma_wait3A_618 : memref<16x384xf32, #tpu.memory_space<hbm>>)
      } else {
      }
      %mul3A_535 = arith.constant 2 : i32
      %mul3A_536 = arith.muli %mul3A_535, %scan3A_531 : i32
      %mul3A_537 = arith.constant 16 : i32
      %mul3A_538 = arith.muli %mul3A_536, %mul3A_537 : i32
      %get3A_539 = arith.index_cast %mul3A_538 : i32 to index
      %get3A_540 = tpu.vector_load %arg11[%get3A_539] {strides = array<i32>} : memref<2048xi32, #tpu.memory_space<vmem>>, vector<16xi32>,
      %add3A_541 = vector.broadcast %mul3A_34 : i32 to vector<16xi32>
      %add3A_542 = arith.addi %add3A_541, %get3A_540 : vector<16xi32>
      %shift_right_arithmetic3A_543 = arith.constant 4 : i32
      %shift_right_arithmetic3A_544 = vector.broadcast %shift_right_arithmetic3A_543 : i32 to vector<16xi32>
      %shift_right_arithmetic3A_545 = arith.shrsi %get3A_540, %shift_right_arithmetic3A_544 : vector<16xi32>
      %and3A_546 = arith.constant 15 : i32
      %and3A_547 = vector.broadcast %and3A_546 : i32 to vector<16xi32>
      %and3A_548 = arith.andi %get3A_540, %and3A_547 : vector<16xi32>
      %mul3A_549 = arith.constant 16 : i32
      %mul3A_550 = arith.muli %mul3A_536, %mul3A_549 : i32
      %gt3A_551 = vector.broadcast %mul3A_550 : i32 to vector<16xi32>
      %gt3A_552 = arith.cmpi sgt, %scan3A_508#0, %gt3A_551 : vector<16xi32>
      %reduce_or3A = arith.constant 1.000000e+00 : f32
      %reduce_or3A_553 = arith.constant 0.000000e+00 : f32
      %reduce_or3A_554 = vector.broadcast %reduce_or3A : f32 to vector<16xf32>
      %reduce_or3A_555 = vector.broadcast %reduce_or3A_553 : f32 to vector<16xf32>
      %reduce_or3A_556 = arith.select %gt3A_552, %reduce_or3A_554, %reduce_or3A_555 : vector<16xi1>, vector<16xf32>
      %reduce_or3A_557 = arith.constant true
      %reduce_or3A_558 = vector.broadcast %reduce_or3A_557 : i1 to vector<16xi1>
      %reduce_or3A_559 = tpu.scan <max>, %reduce_or3A_556 masked %reduce_or3A_558 : vector<16xf32>, vector<16xi1> -> vector<16xf32>
      %reduce_or3A_560 = vector.extract %reduce_or3A_559[15] : f32 from vector<16xf32>
      %reduce_or3A_561 = arith.constant 0.000000e+00 : f32
      %reduce_or3A_562 = arith.cmpf ogt, %reduce_or3A_560, %reduce_or3A_561 : f32
      %convert_element_type3A_563 = arith.extui %reduce_or3A_562 : i1 to i32
      %cond3A_564 = arith.constant 0 : i32
      %cond3A_565 = arith.cmpi ne, %convert_element_type3A_563, %cond3A_564 : i32
      scf.if %cond3A_565 {
        %add3A_615 = arith.constant 0 : i32
        %add3A_616 = vector.broadcast %add3A_615 : i32 to vector<16xi32>
        %add3A_617 = arith.addi %and3A_548, %add3A_616 : vector<16xi32>
        %gather3A_618 = tpu.vector_load_idx %arg9[%shift_right_arithmetic3A_545, %add3A_617] : memref<128x64xi32, #tpu.memory_space<vmem>>[vector<16xi32>, vector<16xi32>], vector<16xi32>,
        %dma_start3A = arith.constant 0 : i32
        %dma_start3A_619 = arith.constant 0 : i32
        %dma_start3A_620 = tpu.memref_slice %arg13[%dma_start3A, %dma_start3A_619] : memref<64x384xf32, #tpu.memory_space<vmem>> -> memref<16x384xf32, #tpu.memory_space<vmem>>
        %dma_start3A_621 = arith.constant 0 : i32
        %dma_start3A_622 = arith.constant 0 : i32
        %dma_start3A_623 = tpu.memref_slice %arg3[%dma_start3A_621, %dma_start3A_622] : memref<73728x384xf32, #tpu.memory_space<hbm>> -> memref<73728x384xf32, #tpu.memory_space<hbm>>
        tpu.enqueue_indirect_dma source(%dma_start3A_623 : memref<73728x384xf32, #tpu.memory_space<hbm>>) target(%dma_start3A_620 : memref<16x384xf32, #tpu.memory_space<vmem>>) offsets(%gather3A_618 : vector<16xi32>) semaphore(%arg20 : memref<!tpu.dma_semaphore, #tpu.memory_space<semaphore_mem>>)
        %add3A_624 = arith.constant 16 : i32
        %add3A_625 = vector.broadcast %add3A_624 : i32 to vector<16xi32>
        %add3A_626 = arith.addi %and3A_548, %add3A_625 : vector<16xi32>
        %gather3A_627 = tpu.vector_load_idx %arg9[%shift_right_arithmetic3A_545, %add3A_626] : memref<128x64xi32, #tpu.memory_space<vmem>>[vector<16xi32>, vector<16xi32>], vector<16xi32>,
        %dma_start3A_628 = arith.constant 16 : i32
        %dma_start3A_629 = arith.constant 0 : i32
        %dma_start3A_630 = tpu.memref_slice %arg13[%dma_start3A_628, %dma_start3A_629] : memref<64x384xf32, #tpu.memory_space<vmem>> -> memref<16x384xf32, #tpu.memory_space<vmem>>
        %dma_start3A_631 = arith.constant 0 : i32
        %dma_start3A_632 = arith.constant 0 : i32
        %dma_start3A_633 = tpu.memref_slice %arg3[%dma_start3A_631, %dma_start3A_632] : memref<73728x384xf32, #tpu.memory_space<hbm>> -> memref<73728x384xf32, #tpu.memory_space<hbm>>
        tpu.enqueue_indirect_dma source(%dma_start3A_633 : memref<73728x384xf32, #tpu.memory_space<hbm>>) target(%dma_start3A_630 : memref<16x384xf32, #tpu.memory_space<vmem>>) offsets(%gather3A_627 : vector<16xi32>) semaphore(%arg20 : memref<!tpu.dma_semaphore, #tpu.memory_space<semaphore_mem>>)
        %add3A_634 = arith.constant 32 : i32
        %add3A_635 = vector.broadcast %add3A_634 : i32 to vector<16xi32>
        %add3A_636 = arith.addi %and3A_548, %add3A_635 : vector<16xi32>
        %gather3A_637 = tpu.vector_load_idx %arg9[%shift_right_arithmetic3A_545, %add3A_636] : memref<128x64xi32, #tpu.memory_space<vmem>>[vector<16xi32>, vector<16xi32>], vector<16xi32>,
        %dma_start3A_638 = arith.constant 32 : i32
        %dma_start3A_639 = arith.constant 0 : i32
        %dma_start3A_640 = tpu.memref_slice %arg13[%dma_start3A_638, %dma_start3A_639] : memref<64x384xf32, #tpu.memory_space<vmem>> -> memref<16x384xf32, #tpu.memory_space<vmem>>
        %dma_start3A_641 = arith.constant 0 : i32
        %dma_start3A_642 = arith.constant 0 : i32
        %dma_start3A_643 = tpu.memref_slice %arg3[%dma_start3A_641, %dma_start3A_642] : memref<73728x384xf32, #tpu.memory_space<hbm>> -> memref<73728x384xf32, #tpu.memory_space<hbm>>
        tpu.enqueue_indirect_dma source(%dma_start3A_643 : memref<73728x384xf32, #tpu.memory_space<hbm>>) target(%dma_start3A_640 : memref<16x384xf32, #tpu.memory_space<vmem>>) offsets(%gather3A_637 : vector<16xi32>) semaphore(%arg20 : memref<!tpu.dma_semaphore, #tpu.memory_space<semaphore_mem>>)
        %add3A_644 = arith.constant 48 : i32
        %add3A_645 = vector.broadcast %add3A_644 : i32 to vector<16xi32>
        %add3A_646 = arith.addi %and3A_548, %add3A_645 : vector<16xi32>
        %gather3A_647 = tpu.vector_load_idx %arg9[%shift_right_arithmetic3A_545, %add3A_646] : memref<128x64xi32, #tpu.memory_space<vmem>>[vector<16xi32>, vector<16xi32>], vector<16xi32>,
        %dma_start3A_648 = arith.constant 48 : i32
        %dma_start3A_649 = arith.constant 0 : i32
        %dma_start3A_650 = tpu.memref_slice %arg13[%dma_start3A_648, %dma_start3A_649] : memref<64x384xf32, #tpu.memory_space<vmem>> -> memref<16x384xf32, #tpu.memory_space<vmem>>
        %dma_start3A_651 = arith.constant 0 : i32
        %dma_start3A_652 = arith.constant 0 : i32
        %dma_start3A_653 = tpu.memref_slice %arg3[%dma_start3A_651, %dma_start3A_652] : memref<73728x384xf32, #tpu.memory_space<hbm>> -> memref<73728x384xf32, #tpu.memory_space<hbm>>
        tpu.enqueue_indirect_dma source(%dma_start3A_653 : memref<73728x384xf32, #tpu.memory_space<hbm>>) target(%dma_start3A_650 : memref<16x384xf32, #tpu.memory_space<vmem>>) offsets(%gather3A_647 : vector<16xi32>) semaphore(%arg20 : memref<!tpu.dma_semaphore, #tpu.memory_space<semaphore_mem>>)
        %add3A_654 = arith.constant 0 : i32
        %add3A_655 = vector.broadcast %add3A_654 : i32 to vector<16xi32>
        %add3A_656 = arith.addi %and3A_548, %add3A_655 : vector<16xi32>
        %gather3A_657 = tpu.vector_load_idx %arg9[%shift_right_arithmetic3A_545, %add3A_656] : memref<128x64xi32, #tpu.memory_space<vmem>>[vector<16xi32>, vector<16xi32>], vector<16xi32>,
        %dma_wait3A_658 = arith.constant 0 : i32
        %dma_wait3A_659 = arith.constant 0 : i32
        %dma_wait3A_660 = tpu.memref_slice %arg13[%dma_wait3A_658, %dma_wait3A_659] : memref<64x384xf32, #tpu.memory_space<vmem>> -> memref<16x384xf32, #tpu.memory_space<vmem>>
        %dma_wait3A_661 = arith.constant 0 : i32
        %dma_wait3A_662 = arith.constant 0 : i32
        %dma_wait3A_663 = tpu.memref_slice %arg3[%dma_wait3A_661, %dma_wait3A_662] : memref<73728x384xf32, #tpu.memory_space<hbm>> -> memref<73728x384xf32, #tpu.memory_space<hbm>>
        tpu.wait_indirect_dma semaphore(%arg20 : memref<!tpu.dma_semaphore, #tpu.memory_space<semaphore_mem>>) src(%dma_wait3A_663 : memref<73728x384xf32, #tpu.memory_space<hbm>>) dst(%dma_wait3A_660 : memref<16x384xf32, #tpu.memory_space<vmem>>)
        %add3A_664 = arith.constant 16 : i32
        %add3A_665 = vector.broadcast %add3A_664 : i32 to vector<16xi32>
        %add3A_666 = arith.addi %and3A_548, %add3A_665 : vector<16xi32>
        %gather3A_667 = tpu.vector_load_idx %arg9[%shift_right_arithmetic3A_545, %add3A_666] : memref<128x64xi32, #tpu.memory_space<vmem>>[vector<16xi32>, vector<16xi32>], vector<16xi32>,
        %dma_wait3A_668 = arith.constant 16 : i32
        %dma_wait3A_669 = arith.constant 0 : i32
        %dma_wait3A_670 = tpu.memref_slice %arg13[%dma_wait3A_668, %dma_wait3A_669] : memref<64x384xf32, #tpu.memory_space<vmem>> -> memref<16x384xf32, #tpu.memory_space<vmem>>
        %dma_wait3A_671 = arith.constant 0 : i32
        %dma_wait3A_672 = arith.constant 0 : i32
        %dma_wait3A_673 = tpu.memref_slice %arg3[%dma_wait3A_671, %dma_wait3A_672] : memref<73728x384xf32, #tpu.memory_space<hbm>> -> memref<73728x384xf32, #tpu.memory_space<hbm>>
        tpu.wait_indirect_dma semaphore(%arg20 : memref<!tpu.dma_semaphore, #tpu.memory_space<semaphore_mem>>) src(%dma_wait3A_673 : memref<73728x384xf32, #tpu.memory_space<hbm>>) dst(%dma_wait3A_670 : memref<16x384xf32, #tpu.memory_space<vmem>>)
        %add3A_674 = arith.constant 32 : i32
        %add3A_675 = vector.broadcast %add3A_674 : i32 to vector<16xi32>
        %add3A_676 = arith.addi %and3A_548, %add3A_675 : vector<16xi32>
        %gather3A_677 = tpu.vector_load_idx %arg9[%shift_right_arithmetic3A_545, %add3A_676] : memref<128x64xi32, #tpu.memory_space<vmem>>[vector<16xi32>, vector<16xi32>], vector<16xi32>,
        %dma_wait3A_678 = arith.constant 32 : i32
        %dma_wait3A_679 = arith.constant 0 : i32
        %dma_wait3A_680 = tpu.memref_slice %arg13[%dma_wait3A_678, %dma_wait3A_679] : memref<64x384xf32, #tpu.memory_space<vmem>> -> memref<16x384xf32, #tpu.memory_space<vmem>>
        %dma_wait3A_681 = arith.constant 0 : i32
        %dma_wait3A_682 = arith.constant 0 : i32
        %dma_wait3A_683 = tpu.memref_slice %arg3[%dma_wait3A_681, %dma_wait3A_682] : memref<73728x384xf32, #tpu.memory_space<hbm>> -> memref<73728x384xf32, #tpu.memory_space<hbm>>
        tpu.wait_indirect_dma semaphore(%arg20 : memref<!tpu.dma_semaphore, #tpu.memory_space<semaphore_mem>>) src(%dma_wait3A_683 : memref<73728x384xf32, #tpu.memory_space<hbm>>) dst(%dma_wait3A_680 : memref<16x384xf32, #tpu.memory_space<vmem>>)
        %add3A_684 = arith.constant 48 : i32
        %add3A_685 = vector.broadcast %add3A_684 : i32 to vector<16xi32>
        %add3A_686 = arith.addi %and3A_548, %add3A_685 : vector<16xi32>
        %gather3A_687 = tpu.vector_load_idx %arg9[%shift_right_arithmetic3A_545, %add3A_686] : memref<128x64xi32, #tpu.memory_space<vmem>>[vector<16xi32>, vector<16xi32>], vector<16xi32>,
        %dma_wait3A_688 = arith.constant 48 : i32
        %dma_wait3A_689 = arith.constant 0 : i32
        %dma_wait3A_690 = tpu.memref_slice %arg13[%dma_wait3A_688, %dma_wait3A_689] : memref<64x384xf32, #tpu.memory_space<vmem>> -> memref<16x384xf32, #tpu.memory_space<vmem>>
        %dma_wait3A_691 = arith.constant 0 : i32
        %dma_wait3A_692 = arith.constant 0 : i32
        %dma_wait3A_693 = tpu.memref_slice %arg3[%dma_wait3A_691, %dma_wait3A_692] : memref<73728x384xf32, #tpu.memory_space<hbm>> -> memref<73728x384xf32, #tpu.memory_space<hbm>>
        tpu.wait_indirect_dma semaphore(%arg20 : memref<!tpu.dma_semaphore, #tpu.memory_space<semaphore_mem>>) src(%dma_wait3A_693 : memref<73728x384xf32, #tpu.memory_space<hbm>>) dst(%dma_wait3A_690 : memref<16x384xf32, #tpu.memory_space<vmem>>)
        %scan3A_694 = arith.constant 0 : i32
        %scan3A_695 = arith.constant 0 : i32
        %scan3A_696 = arith.constant 16 : i32
        %scan3A_697 = arith.addi %scan3A_695, %scan3A_696 : i32
        %scan3A_698 = arith.constant 1 : i32
        %scan3A_699 = scf.for %scan3A_704 = %scan3A_695 to %scan3A_697 step %scan3A_698 iter_args(%scan3A_705 = %scan3A_694) -> (i32)  : i32 {
          %mul3A_706 = arith.constant 16 : i32
          %mul3A_707 = arith.muli %mul3A_536, %mul3A_706 : i32
          %add3A_708 = arith.addi %mul3A_707, %scan3A_704 : i32
          %broadcast_in_dim3A_709 = vector.broadcast %add3A_708 : i32 to vector<16xi32>
          %gather3A_710 = tpu.vector_load_idx %arg11[%broadcast_in_dim3A_709] : memref<2048xi32, #tpu.memory_space<vmem>>[vector<16xi32>], vector<16xi32>,
          %shift_right_arithmetic3A_711 = arith.constant 4 : i32
          %shift_right_arithmetic3A_712 = vector.broadcast %shift_right_arithmetic3A_711 : i32 to vector<16xi32>
          %shift_right_arithmetic3A_713 = arith.shrsi %gather3A_710, %shift_right_arithmetic3A_712 : vector<16xi32>
          %and3A_714 = arith.constant 15 : i32
          %and3A_715 = vector.broadcast %and3A_714 : i32 to vector<16xi32>
          %and3A_716 = arith.andi %gather3A_710, %and3A_715 : vector<16xi32>
          %gather3A_717 = tpu.vector_load_idx %arg10[%shift_right_arithmetic3A_713, %and3A_716] : memref<128x64xf32, #tpu.memory_space<vmem>>[vector<16xi32>, vector<16xi32>], vector<16xf32>,
          %add3A_718 = arith.constant 16 : i32
          %add3A_719 = vector.broadcast %add3A_718 : i32 to vector<16xi32>
          %add3A_720 = arith.addi %and3A_716, %add3A_719 : vector<16xi32>
          %gather3A_721 = tpu.vector_load_idx %arg10[%shift_right_arithmetic3A_713, %add3A_720] : memref<128x64xf32, #tpu.memory_space<vmem>>[vector<16xi32>, vector<16xi32>], vector<16xf32>,
          %add3A_722 = arith.constant 32 : i32
          %add3A_723 = vector.broadcast %add3A_722 : i32 to vector<16xi32>
          %add3A_724 = arith.addi %and3A_716, %add3A_723 : vector<16xi32>
          %gather3A_725 = tpu.vector_load_idx %arg10[%shift_right_arithmetic3A_713, %add3A_724] : memref<128x64xf32, #tpu.memory_space<vmem>>[vector<16xi32>, vector<16xi32>], vector<16xf32>,
          %add3A_726 = arith.constant 48 : i32
          %add3A_727 = vector.broadcast %add3A_726 : i32 to vector<16xi32>
          %add3A_728 = arith.addi %and3A_716, %add3A_727 : vector<16xi32>
          %gather3A_729 = tpu.vector_load_idx %arg10[%shift_right_arithmetic3A_713, %add3A_728] : memref<128x64xf32, #tpu.memory_space<vmem>>[vector<16xi32>, vector<16xi32>], vector<16xf32>,
          %get3A_730 = arith.index_cast %scan3A_704 : i32 to index
          %get3A_731 = arith.constant 0 : index
          %get3A_732 = tpu.vector_load %arg13[%get3A_730, %get3A_731] {strides = array<i32>} : memref<64x384xf32, #tpu.memory_space<vmem>>, vector<16xf32>,
          %mul3A_733 = arith.mulf %gather3A_717, %get3A_732 : vector<16xf32>
          %add3A_734 = arith.constant 16 : i32
          %add3A_735 = arith.addi %scan3A_704, %add3A_734 : i32
          %get3A_736 = arith.index_cast %add3A_735 : i32 to index
          %get3A_737 = arith.constant 0 : index
          %get3A_738 = tpu.vector_load %arg13[%get3A_736, %get3A_737] {strides = array<i32>} : memref<64x384xf32, #tpu.memory_space<vmem>>, vector<16xf32>,
          %mul3A_739 = arith.mulf %gather3A_721, %get3A_738 : vector<16xf32>
          %add3A_740 = arith.addf %mul3A_733, %mul3A_739 : vector<16xf32>
          %add3A_741 = arith.constant 32 : i32
          %add3A_742 = arith.addi %scan3A_704, %add3A_741 : i32
          %get3A_743 = arith.index_cast %add3A_742 : i32 to index
          %get3A_744 = arith.constant 0 : index
          %get3A_745 = tpu.vector_load %arg13[%get3A_743, %get3A_744] {strides = array<i32>} : memref<64x384xf32, #tpu.memory_space<vmem>>, vector<16xf32>,
          %mul3A_746 = arith.mulf %gather3A_725, %get3A_745 : vector<16xf32>
          %add3A_747 = arith.addf %add3A_740, %mul3A_746 : vector<16xf32>
          %add3A_748 = arith.constant 48 : i32
          %add3A_749 = arith.addi %scan3A_704, %add3A_748 : i32
          %get3A_750 = arith.index_cast %add3A_749 : i32 to index
          %get3A_751 = arith.constant 0 : index
          %get3A_752 = tpu.vector_load %arg13[%get3A_750, %get3A_751] {strides = array<i32>} : memref<64x384xf32, #tpu.memory_space<vmem>>, vector<16xf32>,
          %mul3A_753 = arith.mulf %gather3A_729, %get3A_752 : vector<16xf32>
          %add3A_754 = arith.addf %add3A_747, %mul3A_753 : vector<16xf32>
          %swap3A_755 = arith.index_cast %scan3A_704 : i32 to index
          %swap3A_756 = arith.constant 0 : index
          %swap3A_757 = tpu.vector_load %arg15[%swap3A_755, %swap3A_756] {strides = array<i32>} : memref<16x384xf32, #tpu.memory_space<vmem>>, vector<16xf32>,
          tpu.vector_store %arg15[%swap3A_755, %swap3A_756], %add3A_754 {strides = array<i32>} : memref<16x384xf32, #tpu.memory_space<vmem>>, vector<16xf32>,
          %get3A_758 = arith.index_cast %scan3A_704 : i32 to index
          %get3A_759 = arith.constant 16 : index
          %get3A_760 = tpu.vector_load %arg13[%get3A_758, %get3A_759] {strides = array<i32>} : memref<64x384xf32, #tpu.memory_space<vmem>>, vector<16xf32>,
          %mul3A_761 = arith.mulf %gather3A_717, %get3A_760 : vector<16xf32>
          %add3A_762 = arith.constant 16 : i32
          %add3A_763 = arith.addi %scan3A_704, %add3A_762 : i32
          %get3A_764 = arith.index_cast %add3A_763 : i32 to index
          %get3A_765 = arith.constant 16 : index
          %get3A_766 = tpu.vector_load %arg13[%get3A_764, %get3A_765] {strides = array<i32>} : memref<64x384xf32, #tpu.memory_space<vmem>>, vector<16xf32>,
          %mul3A_767 = arith.mulf %gather3A_721, %get3A_766 : vector<16xf32>
          %add3A_768 = arith.addf %mul3A_761, %mul3A_767 : vector<16xf32>
          %add3A_769 = arith.constant 32 : i32
          %add3A_770 = arith.addi %scan3A_704, %add3A_769 : i32
          %get3A_771 = arith.index_cast %add3A_770 : i32 to index
          %get3A_772 = arith.constant 16 : index
          %get3A_773 = tpu.vector_load %arg13[%get3A_771, %get3A_772] {strides = array<i32>} : memref<64x384xf32, #tpu.memory_space<vmem>>, vector<16xf32>,
          %mul3A_774 = arith.mulf %gather3A_725, %get3A_773 : vector<16xf32>
          %add3A_775 = arith.addf %add3A_768, %mul3A_774 : vector<16xf32>
          %add3A_776 = arith.constant 48 : i32
          %add3A_777 = arith.addi %scan3A_704, %add3A_776 : i32
          %get3A_778 = arith.index_cast %add3A_777 : i32 to index
          %get3A_779 = arith.constant 16 : index
          %get3A_780 = tpu.vector_load %arg13[%get3A_778, %get3A_779] {strides = array<i32>} : memref<64x384xf32, #tpu.memory_space<vmem>>, vector<16xf32>,
          %mul3A_781 = arith.mulf %gather3A_729, %get3A_780 : vector<16xf32>
          %add3A_782 = arith.addf %add3A_775, %mul3A_781 : vector<16xf32>
          %swap3A_783 = arith.index_cast %scan3A_704 : i32 to index
          %swap3A_784 = arith.constant 16 : index
          %swap3A_785 = tpu.vector_load %arg15[%swap3A_783, %swap3A_784] {strides = array<i32>} : memref<16x384xf32, #tpu.memory_space<vmem>>, vector<16xf32>,
          tpu.vector_store %arg15[%swap3A_783, %swap3A_784], %add3A_782 {strides = array<i32>} : memref<16x384xf32, #tpu.memory_space<vmem>>, vector<16xf32>,
          %get3A_786 = arith.index_cast %scan3A_704 : i32 to index
          %get3A_787 = arith.constant 32 : index
          %get3A_788 = tpu.vector_load %arg13[%get3A_786, %get3A_787] {strides = array<i32>} : memref<64x384xf32, #tpu.memory_space<vmem>>, vector<16xf32>,
          %mul3A_789 = arith.mulf %gather3A_717, %get3A_788 : vector<16xf32>
          %add3A_790 = arith.constant 16 : i32
          %add3A_791 = arith.addi %scan3A_704, %add3A_790 : i32
          %get3A_792 = arith.index_cast %add3A_791 : i32 to index
          %get3A_793 = arith.constant 32 : index
          %get3A_794 = tpu.vector_load %arg13[%get3A_792, %get3A_793] {strides = array<i32>} : memref<64x384xf32, #tpu.memory_space<vmem>>, vector<16xf32>,
          %mul3A_795 = arith.mulf %gather3A_721, %get3A_794 : vector<16xf32>
          %add3A_796 = arith.addf %mul3A_789, %mul3A_795 : vector<16xf32>
          %add3A_797 = arith.constant 32 : i32
          %add3A_798 = arith.addi %scan3A_704, %add3A_797 : i32
          %get3A_799 = arith.index_cast %add3A_798 : i32 to index
          %get3A_800 = arith.constant 32 : index
          %get3A_801 = tpu.vector_load %arg13[%get3A_799, %get3A_800] {strides = array<i32>} : memref<64x384xf32, #tpu.memory_space<vmem>>, vector<16xf32>,
          %mul3A_802 = arith.mulf %gather3A_725, %get3A_801 : vector<16xf32>
          %add3A_803 = arith.addf %add3A_796, %mul3A_802 : vector<16xf32>
          %add3A_804 = arith.constant 48 : i32
          %add3A_805 = arith.addi %scan3A_704, %add3A_804 : i32
          %get3A_806 = arith.index_cast %add3A_805 : i32 to index
          %get3A_807 = arith.constant 32 : index
          %get3A_808 = tpu.vector_load %arg13[%get3A_806, %get3A_807] {strides = array<i32>} : memref<64x384xf32, #tpu.memory_space<vmem>>, vector<16xf32>,
          %mul3A_809 = arith.mulf %gather3A_729, %get3A_808 : vector<16xf32>
          %add3A_810 = arith.addf %add3A_803, %mul3A_809 : vector<16xf32>
          %swap3A_811 = arith.index_cast %scan3A_704 : i32 to index
          %swap3A_812 = arith.constant 32 : index
          %swap3A_813 = tpu.vector_load %arg15[%swap3A_811, %swap3A_812] {strides = array<i32>} : memref<16x384xf32, #tpu.memory_space<vmem>>, vector<16xf32>,
          tpu.vector_store %arg15[%swap3A_811, %swap3A_812], %add3A_810 {strides = array<i32>} : memref<16x384xf32, #tpu.memory_space<vmem>>, vector<16xf32>,
          %get3A_814 = arith.index_cast %scan3A_704 : i32 to index
          %get3A_815 = arith.constant 48 : index
          %get3A_816 = tpu.vector_load %arg13[%get3A_814, %get3A_815] {strides = array<i32>} : memref<64x384xf32, #tpu.memory_space<vmem>>, vector<16xf32>,
          %mul3A_817 = arith.mulf %gather3A_717, %get3A_816 : vector<16xf32>
          %add3A_818 = arith.constant 16 : i32
          %add3A_819 = arith.addi %scan3A_704, %add3A_818 : i32
          %get3A_820 = arith.index_cast %add3A_819 : i32 to index
          %get3A_821 = arith.constant 48 : index
          %get3A_822 = tpu.vector_load %arg13[%get3A_820, %get3A_821] {strides = array<i32>} : memref<64x384xf32, #tpu.memory_space<vmem>>, vector<16xf32>,
          %mul3A_823 = arith.mulf %gather3A_721, %get3A_822 : vector<16xf32>
          %add3A_824 = arith.addf %mul3A_817, %mul3A_823 : vector<16xf32>
          %add3A_825 = arith.constant 32 : i32
          %add3A_826 = arith.addi %scan3A_704, %add3A_825 : i32
          %get3A_827 = arith.index_cast %add3A_826 : i32 to index
          %get3A_828 = arith.constant 48 : index
          %get3A_829 = tpu.vector_load %arg13[%get3A_827, %get3A_828] {strides = array<i32>} : memref<64x384xf32, #tpu.memory_space<vmem>>, vector<16xf32>,
          %mul3A_830 = arith.mulf %gather3A_725, %get3A_829 : vector<16xf32>
          %add3A_831 = arith.addf %add3A_824, %mul3A_830 : vector<16xf32>
          %add3A_832 = arith.constant 48 : i32
          %add3A_833 = arith.addi %scan3A_704, %add3A_832 : i32
          %get3A_834 = arith.index_cast %add3A_833 : i32 to index
          %get3A_835 = arith.constant 48 : index
          %get3A_836 = tpu.vector_load %arg13[%get3A_834, %get3A_835] {strides = array<i32>} : memref<64x384xf32, #tpu.memory_space<vmem>>, vector<16xf32>,
          %mul3A_837 = arith.mulf %gather3A_729, %get3A_836 : vector<16xf32>
          %add3A_838 = arith.addf %add3A_831, %mul3A_837 : vector<16xf32>
          %swap3A_839 = arith.index_cast %scan3A_704 : i32 to index
          %swap3A_840 = arith.constant 48 : index
          %swap3A_841 = tpu.vector_load %arg15[%swap3A_839, %swap3A_840] {strides = array<i32>} : memref<16x384xf32, #tpu.memory_space<vmem>>, vector<16xf32>,
          tpu.vector_store %arg15[%swap3A_839, %swap3A_840], %add3A_838 {strides = array<i32>} : memref<16x384xf32, #tpu.memory_space<vmem>>, vector<16xf32>,
          %get3A_842 = arith.index_cast %scan3A_704 : i32 to index
          %get3A_843 = arith.constant 64 : index
          %get3A_844 = tpu.vector_load %arg13[%get3A_842, %get3A_843] {strides = array<i32>} : memref<64x384xf32, #tpu.memory_space<vmem>>, vector<16xf32>,
          %mul3A_845 = arith.mulf %gather3A_717, %get3A_844 : vector<16xf32>
          %add3A_846 = arith.constant 16 : i32
          %add3A_847 = arith.addi %scan3A_704, %add3A_846 : i32
          %get3A_848 = arith.index_cast %add3A_847 : i32 to index
          %get3A_849 = arith.constant 64 : index
          %get3A_850 = tpu.vector_load %arg13[%get3A_848, %get3A_849] {strides = array<i32>} : memref<64x384xf32, #tpu.memory_space<vmem>>, vector<16xf32>,
          %mul3A_851 = arith.mulf %gather3A_721, %get3A_850 : vector<16xf32>
          %add3A_852 = arith.addf %mul3A_845, %mul3A_851 : vector<16xf32>
          %add3A_853 = arith.constant 32 : i32
          %add3A_854 = arith.addi %scan3A_704, %add3A_853 : i32
          %get3A_855 = arith.index_cast %add3A_854 : i32 to index
          %get3A_856 = arith.constant 64 : index
          %get3A_857 = tpu.vector_load %arg13[%get3A_855, %get3A_856] {strides = array<i32>} : memref<64x384xf32, #tpu.memory_space<vmem>>, vector<16xf32>,
          %mul3A_858 = arith.mulf %gather3A_725, %get3A_857 : vector<16xf32>
          %add3A_859 = arith.addf %add3A_852, %mul3A_858 : vector<16xf32>
          %add3A_860 = arith.constant 48 : i32
          %add3A_861 = arith.addi %scan3A_704, %add3A_860 : i32
          %get3A_862 = arith.index_cast %add3A_861 : i32 to index
          %get3A_863 = arith.constant 64 : index
          %get3A_864 = tpu.vector_load %arg13[%get3A_862, %get3A_863] {strides = array<i32>} : memref<64x384xf32, #tpu.memory_space<vmem>>, vector<16xf32>,
          %mul3A_865 = arith.mulf %gather3A_729, %get3A_864 : vector<16xf32>
          %add3A_866 = arith.addf %add3A_859, %mul3A_865 : vector<16xf32>
          %swap3A_867 = arith.index_cast %scan3A_704 : i32 to index
          %swap3A_868 = arith.constant 64 : index
          %swap3A_869 = tpu.vector_load %arg15[%swap3A_867, %swap3A_868] {strides = array<i32>} : memref<16x384xf32, #tpu.memory_space<vmem>>, vector<16xf32>,
          tpu.vector_store %arg15[%swap3A_867, %swap3A_868], %add3A_866 {strides = array<i32>} : memref<16x384xf32, #tpu.memory_space<vmem>>, vector<16xf32>,
          %get3A_870 = arith.index_cast %scan3A_704 : i32 to index
          %get3A_871 = arith.constant 80 : index
          %get3A_872 = tpu.vector_load %arg13[%get3A_870, %get3A_871] {strides = array<i32>} : memref<64x384xf32, #tpu.memory_space<vmem>>, vector<16xf32>,
          %mul3A_873 = arith.mulf %gather3A_717, %get3A_872 : vector<16xf32>
          %add3A_874 = arith.constant 16 : i32
          %add3A_875 = arith.addi %scan3A_704, %add3A_874 : i32
          %get3A_876 = arith.index_cast %add3A_875 : i32 to index
          %get3A_877 = arith.constant 80 : index
          %get3A_878 = tpu.vector_load %arg13[%get3A_876, %get3A_877] {strides = array<i32>} : memref<64x384xf32, #tpu.memory_space<vmem>>, vector<16xf32>,
          %mul3A_879 = arith.mulf %gather3A_721, %get3A_878 : vector<16xf32>
          %add3A_880 = arith.addf %mul3A_873, %mul3A_879 : vector<16xf32>
          %add3A_881 = arith.constant 32 : i32
          %add3A_882 = arith.addi %scan3A_704, %add3A_881 : i32
          %get3A_883 = arith.index_cast %add3A_882 : i32 to index
          %get3A_884 = arith.constant 80 : index
          %get3A_885 = tpu.vector_load %arg13[%get3A_883, %get3A_884] {strides = array<i32>} : memref<64x384xf32, #tpu.memory_space<vmem>>, vector<16xf32>,
          %mul3A_886 = arith.mulf %gather3A_725, %get3A_885 : vector<16xf32>
          %add3A_887 = arith.addf %add3A_880, %mul3A_886 : vector<16xf32>
          %add3A_888 = arith.constant 48 : i32
          %add3A_889 = arith.addi %scan3A_704, %add3A_888 : i32
          %get3A_890 = arith.index_cast %add3A_889 : i32 to index
          %get3A_891 = arith.constant 80 : index
          %get3A_892 = tpu.vector_load %arg13[%get3A_890, %get3A_891] {strides = array<i32>} : memref<64x384xf32, #tpu.memory_space<vmem>>, vector<16xf32>,
          %mul3A_893 = arith.mulf %gather3A_729, %get3A_892 : vector<16xf32>
          %add3A_894 = arith.addf %add3A_887, %mul3A_893 : vector<16xf32>
          %swap3A_895 = arith.index_cast %scan3A_704 : i32 to index
          %swap3A_896 = arith.constant 80 : index
          %swap3A_897 = tpu.vector_load %arg15[%swap3A_895, %swap3A_896] {strides = array<i32>} : memref<16x384xf32, #tpu.memory_space<vmem>>, vector<16xf32>,
          tpu.vector_store %arg15[%swap3A_895, %swap3A_896], %add3A_894 {strides = array<i32>} : memref<16x384xf32, #tpu.memory_space<vmem>>, vector<16xf32>,
          %get3A_898 = arith.index_cast %scan3A_704 : i32 to index
          %get3A_899 = arith.constant 96 : index
          %get3A_900 = tpu.vector_load %arg13[%get3A_898, %get3A_899] {strides = array<i32>} : memref<64x384xf32, #tpu.memory_space<vmem>>, vector<16xf32>,
          %mul3A_901 = arith.mulf %gather3A_717, %get3A_900 : vector<16xf32>
          %add3A_902 = arith.constant 16 : i32
          %add3A_903 = arith.addi %scan3A_704, %add3A_902 : i32
          %get3A_904 = arith.index_cast %add3A_903 : i32 to index
          %get3A_905 = arith.constant 96 : index
          %get3A_906 = tpu.vector_load %arg13[%get3A_904, %get3A_905] {strides = array<i32>} : memref<64x384xf32, #tpu.memory_space<vmem>>, vector<16xf32>,
          %mul3A_907 = arith.mulf %gather3A_721, %get3A_906 : vector<16xf32>
          %add3A_908 = arith.addf %mul3A_901, %mul3A_907 : vector<16xf32>
          %add3A_909 = arith.constant 32 : i32
          %add3A_910 = arith.addi %scan3A_704, %add3A_909 : i32
          %get3A_911 = arith.index_cast %add3A_910 : i32 to index
          %get3A_912 = arith.constant 96 : index
          %get3A_913 = tpu.vector_load %arg13[%get3A_911, %get3A_912] {strides = array<i32>} : memref<64x384xf32, #tpu.memory_space<vmem>>, vector<16xf32>,
          %mul3A_914 = arith.mulf %gather3A_725, %get3A_913 : vector<16xf32>
          %add3A_915 = arith.addf %add3A_908, %mul3A_914 : vector<16xf32>
          %add3A_916 = arith.constant 48 : i32
          %add3A_917 = arith.addi %scan3A_704, %add3A_916 : i32
          %get3A_918 = arith.index_cast %add3A_917 : i32 to index
          %get3A_919 = arith.constant 96 : index
          %get3A_920 = tpu.vector_load %arg13[%get3A_918, %get3A_919] {strides = array<i32>} : memref<64x384xf32, #tpu.memory_space<vmem>>, vector<16xf32>,
          %mul3A_921 = arith.mulf %gather3A_729, %get3A_920 : vector<16xf32>
          %add3A_922 = arith.addf %add3A_915, %mul3A_921 : vector<16xf32>
          %swap3A_923 = arith.index_cast %scan3A_704 : i32 to index
          %swap3A_924 = arith.constant 96 : index
          %swap3A_925 = tpu.vector_load %arg15[%swap3A_923, %swap3A_924] {strides = array<i32>} : memref<16x384xf32, #tpu.memory_space<vmem>>, vector<16xf32>,
          tpu.vector_store %arg15[%swap3A_923, %swap3A_924], %add3A_922 {strides = array<i32>} : memref<16x384xf32, #tpu.memory_space<vmem>>, vector<16xf32>,
          %get3A_926 = arith.index_cast %scan3A_704 : i32 to index
          %get3A_927 = arith.constant 112 : index
          %get3A_928 = tpu.vector_load %arg13[%get3A_926, %get3A_927] {strides = array<i32>} : memref<64x384xf32, #tpu.memory_space<vmem>>, vector<16xf32>,
          %mul3A_929 = arith.mulf %gather3A_717, %get3A_928 : vector<16xf32>
          %add3A_930 = arith.constant 16 : i32
          %add3A_931 = arith.addi %scan3A_704, %add3A_930 : i32
          %get3A_932 = arith.index_cast %add3A_931 : i32 to index
          %get3A_933 = arith.constant 112 : index
          %get3A_934 = tpu.vector_load %arg13[%get3A_932, %get3A_933] {strides = array<i32>} : memref<64x384xf32, #tpu.memory_space<vmem>>, vector<16xf32>,
          %mul3A_935 = arith.mulf %gather3A_721, %get3A_934 : vector<16xf32>
          %add3A_936 = arith.addf %mul3A_929, %mul3A_935 : vector<16xf32>
          %add3A_937 = arith.constant 32 : i32
          %add3A_938 = arith.addi %scan3A_704, %add3A_937 : i32
          %get3A_939 = arith.index_cast %add3A_938 : i32 to index
          %get3A_940 = arith.constant 112 : index
          %get3A_941 = tpu.vector_load %arg13[%get3A_939, %get3A_940] {strides = array<i32>} : memref<64x384xf32, #tpu.memory_space<vmem>>, vector<16xf32>,
          %mul3A_942 = arith.mulf %gather3A_725, %get3A_941 : vector<16xf32>
          %add3A_943 = arith.addf %add3A_936, %mul3A_942 : vector<16xf32>
          %add3A_944 = arith.constant 48 : i32
          %add3A_945 = arith.addi %scan3A_704, %add3A_944 : i32
          %get3A_946 = arith.index_cast %add3A_945 : i32 to index
          %get3A_947 = arith.constant 112 : index
          %get3A_948 = tpu.vector_load %arg13[%get3A_946, %get3A_947] {strides = array<i32>} : memref<64x384xf32, #tpu.memory_space<vmem>>, vector<16xf32>,
          %mul3A_949 = arith.mulf %gather3A_729, %get3A_948 : vector<16xf32>
          %add3A_950 = arith.addf %add3A_943, %mul3A_949 : vector<16xf32>
          %swap3A_951 = arith.index_cast %scan3A_704 : i32 to index
          %swap3A_952 = arith.constant 112 : index
          %swap3A_953 = tpu.vector_load %arg15[%swap3A_951, %swap3A_952] {strides = array<i32>} : memref<16x384xf32, #tpu.memory_space<vmem>>, vector<16xf32>,
          tpu.vector_store %arg15[%swap3A_951, %swap3A_952], %add3A_950 {strides = array<i32>} : memref<16x384xf32, #tpu.memory_space<vmem>>, vector<16xf32>,
          %get3A_954 = arith.index_cast %scan3A_704 : i32 to index
          %get3A_955 = arith.constant 128 : index
          %get3A_956 = tpu.vector_load %arg13[%get3A_954, %get3A_955] {strides = array<i32>} : memref<64x384xf32, #tpu.memory_space<vmem>>, vector<16xf32>,
          %mul3A_957 = arith.mulf %gather3A_717, %get3A_956 : vector<16xf32>
          %add3A_958 = arith.constant 16 : i32
          %add3A_959 = arith.addi %scan3A_704, %add3A_958 : i32
          %get3A_960 = arith.index_cast %add3A_959 : i32 to index
          %get3A_961 = arith.constant 128 : index
          %get3A_962 = tpu.vector_load %arg13[%get3A_960, %get3A_961] {strides = array<i32>} : memref<64x384xf32, #tpu.memory_space<vmem>>, vector<16xf32>,
          %mul3A_963 = arith.mulf %gather3A_721, %get3A_962 : vector<16xf32>
          %add3A_964 = arith.addf %mul3A_957, %mul3A_963 : vector<16xf32>
          %add3A_965 = arith.constant 32 : i32
          %add3A_966 = arith.addi %scan3A_704, %add3A_965 : i32
          %get3A_967 = arith.index_cast %add3A_966 : i32 to index
          %get3A_968 = arith.constant 128 : index
          %get3A_969 = tpu.vector_load %arg13[%get3A_967, %get3A_968] {strides = array<i32>} : memref<64x384xf32, #tpu.memory_space<vmem>>, vector<16xf32>,
          %mul3A_970 = arith.mulf %gather3A_725, %get3A_969 : vector<16xf32>
          %add3A_971 = arith.addf %add3A_964, %mul3A_970 : vector<16xf32>
          %add3A_972 = arith.constant 48 : i32
          %add3A_973 = arith.addi %scan3A_704, %add3A_972 : i32
          %get3A_974 = arith.index_cast %add3A_973 : i32 to index
          %get3A_975 = arith.constant 128 : index
          %get3A_976 = tpu.vector_load %arg13[%get3A_974, %get3A_975] {strides = array<i32>} : memref<64x384xf32, #tpu.memory_space<vmem>>, vector<16xf32>,
          %mul3A_977 = arith.mulf %gather3A_729, %get3A_976 : vector<16xf32>
          %add3A_978 = arith.addf %add3A_971, %mul3A_977 : vector<16xf32>
          %swap3A_979 = arith.index_cast %scan3A_704 : i32 to index
          %swap3A_980 = arith.constant 128 : index
          %swap3A_981 = tpu.vector_load %arg15[%swap3A_979, %swap3A_980] {strides = array<i32>} : memref<16x384xf32, #tpu.memory_space<vmem>>, vector<16xf32>,
          tpu.vector_store %arg15[%swap3A_979, %swap3A_980], %add3A_978 {strides = array<i32>} : memref<16x384xf32, #tpu.memory_space<vmem>>, vector<16xf32>,
          %get3A_982 = arith.index_cast %scan3A_704 : i32 to index
          %get3A_983 = arith.constant 144 : index
          %get3A_984 = tpu.vector_load %arg13[%get3A_982, %get3A_983] {strides = array<i32>} : memref<64x384xf32, #tpu.memory_space<vmem>>, vector<16xf32>,
          %mul3A_985 = arith.mulf %gather3A_717, %get3A_984 : vector<16xf32>
          %add3A_986 = arith.constant 16 : i32
          %add3A_987 = arith.addi %scan3A_704, %add3A_986 : i32
          %get3A_988 = arith.index_cast %add3A_987 : i32 to index
          %get3A_989 = arith.constant 144 : index
          %get3A_990 = tpu.vector_load %arg13[%get3A_988, %get3A_989] {strides = array<i32>} : memref<64x384xf32, #tpu.memory_space<vmem>>, vector<16xf32>,
          %mul3A_991 = arith.mulf %gather3A_721, %get3A_990 : vector<16xf32>
          %add3A_992 = arith.addf %mul3A_985, %mul3A_991 : vector<16xf32>
          %add3A_993 = arith.constant 32 : i32
          %add3A_994 = arith.addi %scan3A_704, %add3A_993 : i32
          %get3A_995 = arith.index_cast %add3A_994 : i32 to index
          %get3A_996 = arith.constant 144 : index
          %get3A_997 = tpu.vector_load %arg13[%get3A_995, %get3A_996] {strides = array<i32>} : memref<64x384xf32, #tpu.memory_space<vmem>>, vector<16xf32>,
          %mul3A_998 = arith.mulf %gather3A_725, %get3A_997 : vector<16xf32>
          %add3A_999 = arith.addf %add3A_992, %mul3A_998 : vector<16xf32>
          %add3A_1000 = arith.constant 48 : i32
          %add3A_1001 = arith.addi %scan3A_704, %add3A_1000 : i32
          %get3A_1002 = arith.index_cast %add3A_1001 : i32 to index
          %get3A_1003 = arith.constant 144 : index
          %get3A_1004 = tpu.vector_load %arg13[%get3A_1002, %get3A_1003] {strides = array<i32>} : memref<64x384xf32, #tpu.memory_space<vmem>>, vector<16xf32>,
          %mul3A_1005 = arith.mulf %gather3A_729, %get3A_1004 : vector<16xf32>
          %add3A_1006 = arith.addf %add3A_999, %mul3A_1005 : vector<16xf32>
          %swap3A_1007 = arith.index_cast %scan3A_704 : i32 to index
          %swap3A_1008 = arith.constant 144 : index
          %swap3A_1009 = tpu.vector_load %arg15[%swap3A_1007, %swap3A_1008] {strides = array<i32>} : memref<16x384xf32, #tpu.memory_space<vmem>>, vector<16xf32>,
          tpu.vector_store %arg15[%swap3A_1007, %swap3A_1008], %add3A_1006 {strides = array<i32>} : memref<16x384xf32, #tpu.memory_space<vmem>>, vector<16xf32>,
          %get3A_1010 = arith.index_cast %scan3A_704 : i32 to index
          %get3A_1011 = arith.constant 160 : index
          %get3A_1012 = tpu.vector_load %arg13[%get3A_1010, %get3A_1011] {strides = array<i32>} : memref<64x384xf32, #tpu.memory_space<vmem>>, vector<16xf32>,
          %mul3A_1013 = arith.mulf %gather3A_717, %get3A_1012 : vector<16xf32>
          %add3A_1014 = arith.constant 16 : i32
          %add3A_1015 = arith.addi %scan3A_704, %add3A_1014 : i32
          %get3A_1016 = arith.index_cast %add3A_1015 : i32 to index
          %get3A_1017 = arith.constant 160 : index
          %get3A_1018 = tpu.vector_load %arg13[%get3A_1016, %get3A_1017] {strides = array<i32>} : memref<64x384xf32, #tpu.memory_space<vmem>>, vector<16xf32>,
          %mul3A_1019 = arith.mulf %gather3A_721, %get3A_1018 : vector<16xf32>
          %add3A_1020 = arith.addf %mul3A_1013, %mul3A_1019 : vector<16xf32>
          %add3A_1021 = arith.constant 32 : i32
          %add3A_1022 = arith.addi %scan3A_704, %add3A_1021 : i32
          %get3A_1023 = arith.index_cast %add3A_1022 : i32 to index
          %get3A_1024 = arith.constant 160 : index
          %get3A_1025 = tpu.vector_load %arg13[%get3A_1023, %get3A_1024] {strides = array<i32>} : memref<64x384xf32, #tpu.memory_space<vmem>>, vector<16xf32>,
          %mul3A_1026 = arith.mulf %gather3A_725, %get3A_1025 : vector<16xf32>
          %add3A_1027 = arith.addf %add3A_1020, %mul3A_1026 : vector<16xf32>
          %add3A_1028 = arith.constant 48 : i32
          %add3A_1029 = arith.addi %scan3A_704, %add3A_1028 : i32
          %get3A_1030 = arith.index_cast %add3A_1029 : i32 to index
          %get3A_1031 = arith.constant 160 : index
          %get3A_1032 = tpu.vector_load %arg13[%get3A_1030, %get3A_1031] {strides = array<i32>} : memref<64x384xf32, #tpu.memory_space<vmem>>, vector<16xf32>,
          %mul3A_1033 = arith.mulf %gather3A_729, %get3A_1032 : vector<16xf32>
          %add3A_1034 = arith.addf %add3A_1027, %mul3A_1033 : vector<16xf32>
          %swap3A_1035 = arith.index_cast %scan3A_704 : i32 to index
          %swap3A_1036 = arith.constant 160 : index
          %swap3A_1037 = tpu.vector_load %arg15[%swap3A_1035, %swap3A_1036] {strides = array<i32>} : memref<16x384xf32, #tpu.memory_space<vmem>>, vector<16xf32>,
          tpu.vector_store %arg15[%swap3A_1035, %swap3A_1036], %add3A_1034 {strides = array<i32>} : memref<16x384xf32, #tpu.memory_space<vmem>>, vector<16xf32>,
          %get3A_1038 = arith.index_cast %scan3A_704 : i32 to index
          %get3A_1039 = arith.constant 176 : index
          %get3A_1040 = tpu.vector_load %arg13[%get3A_1038, %get3A_1039] {strides = array<i32>} : memref<64x384xf32, #tpu.memory_space<vmem>>, vector<16xf32>,
          %mul3A_1041 = arith.mulf %gather3A_717, %get3A_1040 : vector<16xf32>
          %add3A_1042 = arith.constant 16 : i32
          %add3A_1043 = arith.addi %scan3A_704, %add3A_1042 : i32
          %get3A_1044 = arith.index_cast %add3A_1043 : i32 to index
          %get3A_1045 = arith.constant 176 : index
          %get3A_1046 = tpu.vector_load %arg13[%get3A_1044, %get3A_1045] {strides = array<i32>} : memref<64x384xf32, #tpu.memory_space<vmem>>, vector<16xf32>,
          %mul3A_1047 = arith.mulf %gather3A_721, %get3A_1046 : vector<16xf32>
          %add3A_1048 = arith.addf %mul3A_1041, %mul3A_1047 : vector<16xf32>
          %add3A_1049 = arith.constant 32 : i32
          %add3A_1050 = arith.addi %scan3A_704, %add3A_1049 : i32
          %get3A_1051 = arith.index_cast %add3A_1050 : i32 to index
          %get3A_1052 = arith.constant 176 : index
          %get3A_1053 = tpu.vector_load %arg13[%get3A_1051, %get3A_1052] {strides = array<i32>} : memref<64x384xf32, #tpu.memory_space<vmem>>, vector<16xf32>,
          %mul3A_1054 = arith.mulf %gather3A_725, %get3A_1053 : vector<16xf32>
          %add3A_1055 = arith.addf %add3A_1048, %mul3A_1054 : vector<16xf32>
          %add3A_1056 = arith.constant 48 : i32
          %add3A_1057 = arith.addi %scan3A_704, %add3A_1056 : i32
          %get3A_1058 = arith.index_cast %add3A_1057 : i32 to index
          %get3A_1059 = arith.constant 176 : index
          %get3A_1060 = tpu.vector_load %arg13[%get3A_1058, %get3A_1059] {strides = array<i32>} : memref<64x384xf32, #tpu.memory_space<vmem>>, vector<16xf32>,
          %mul3A_1061 = arith.mulf %gather3A_729, %get3A_1060 : vector<16xf32>
          %add3A_1062 = arith.addf %add3A_1055, %mul3A_1061 : vector<16xf32>
          %swap3A_1063 = arith.index_cast %scan3A_704 : i32 to index
          %swap3A_1064 = arith.constant 176 : index
          %swap3A_1065 = tpu.vector_load %arg15[%swap3A_1063, %swap3A_1064] {strides = array<i32>} : memref<16x384xf32, #tpu.memory_space<vmem>>, vector<16xf32>,
          tpu.vector_store %arg15[%swap3A_1063, %swap3A_1064], %add3A_1062 {strides = array<i32>} : memref<16x384xf32, #tpu.memory_space<vmem>>, vector<16xf32>,
          %get3A_1066 = arith.index_cast %scan3A_704 : i32 to index
          %get3A_1067 = arith.constant 192 : index
          %get3A_1068 = tpu.vector_load %arg13[%get3A_1066, %get3A_1067] {strides = array<i32>} : memref<64x384xf32, #tpu.memory_space<vmem>>, vector<16xf32>,
          %mul3A_1069 = arith.mulf %gather3A_717, %get3A_1068 : vector<16xf32>
          %add3A_1070 = arith.constant 16 : i32
          %add3A_1071 = arith.addi %scan3A_704, %add3A_1070 : i32
          %get3A_1072 = arith.index_cast %add3A_1071 : i32 to index
          %get3A_1073 = arith.constant 192 : index
          %get3A_1074 = tpu.vector_load %arg13[%get3A_1072, %get3A_1073] {strides = array<i32>} : memref<64x384xf32, #tpu.memory_space<vmem>>, vector<16xf32>,
          %mul3A_1075 = arith.mulf %gather3A_721, %get3A_1074 : vector<16xf32>
          %add3A_1076 = arith.addf %mul3A_1069, %mul3A_1075 : vector<16xf32>
          %add3A_1077 = arith.constant 32 : i32
          %add3A_1078 = arith.addi %scan3A_704, %add3A_1077 : i32
          %get3A_1079 = arith.index_cast %add3A_1078 : i32 to index
          %get3A_1080 = arith.constant 192 : index
          %get3A_1081 = tpu.vector_load %arg13[%get3A_1079, %get3A_1080] {strides = array<i32>} : memref<64x384xf32, #tpu.memory_space<vmem>>, vector<16xf32>,
          %mul3A_1082 = arith.mulf %gather3A_725, %get3A_1081 : vector<16xf32>
          %add3A_1083 = arith.addf %add3A_1076, %mul3A_1082 : vector<16xf32>
          %add3A_1084 = arith.constant 48 : i32
          %add3A_1085 = arith.addi %scan3A_704, %add3A_1084 : i32
          %get3A_1086 = arith.index_cast %add3A_1085 : i32 to index
          %get3A_1087 = arith.constant 192 : index
          %get3A_1088 = tpu.vector_load %arg13[%get3A_1086, %get3A_1087] {strides = array<i32>} : memref<64x384xf32, #tpu.memory_space<vmem>>, vector<16xf32>,
          %mul3A_1089 = arith.mulf %gather3A_729, %get3A_1088 : vector<16xf32>
          %add3A_1090 = arith.addf %add3A_1083, %mul3A_1089 : vector<16xf32>
          %swap3A_1091 = arith.index_cast %scan3A_704 : i32 to index
          %swap3A_1092 = arith.constant 192 : index
          %swap3A_1093 = tpu.vector_load %arg15[%swap3A_1091, %swap3A_1092] {strides = array<i32>} : memref<16x384xf32, #tpu.memory_space<vmem>>, vector<16xf32>,
          tpu.vector_store %arg15[%swap3A_1091, %swap3A_1092], %add3A_1090 {strides = array<i32>} : memref<16x384xf32, #tpu.memory_space<vmem>>, vector<16xf32>,
          %get3A_1094 = arith.index_cast %scan3A_704 : i32 to index
          %get3A_1095 = arith.constant 208 : index
          %get3A_1096 = tpu.vector_load %arg13[%get3A_1094, %get3A_1095] {strides = array<i32>} : memref<64x384xf32, #tpu.memory_space<vmem>>, vector<16xf32>,
          %mul3A_1097 = arith.mulf %gather3A_717, %get3A_1096 : vector<16xf32>
          %add3A_1098 = arith.constant 16 : i32
          %add3A_1099 = arith.addi %scan3A_704, %add3A_1098 : i32
          %get3A_1100 = arith.index_cast %add3A_1099 : i32 to index
          %get3A_1101 = arith.constant 208 : index
          %get3A_1102 = tpu.vector_load %arg13[%get3A_1100, %get3A_1101] {strides = array<i32>} : memref<64x384xf32, #tpu.memory_space<vmem>>, vector<16xf32>,
          %mul3A_1103 = arith.mulf %gather3A_721, %get3A_1102 : vector<16xf32>
          %add3A_1104 = arith.addf %mul3A_1097, %mul3A_1103 : vector<16xf32>
          %add3A_1105 = arith.constant 32 : i32
          %add3A_1106 = arith.addi %scan3A_704, %add3A_1105 : i32
          %get3A_1107 = arith.index_cast %add3A_1106 : i32 to index
          %get3A_1108 = arith.constant 208 : index
          %get3A_1109 = tpu.vector_load %arg13[%get3A_1107, %get3A_1108] {strides = array<i32>} : memref<64x384xf32, #tpu.memory_space<vmem>>, vector<16xf32>,
          %mul3A_1110 = arith.mulf %gather3A_725, %get3A_1109 : vector<16xf32>
          %add3A_1111 = arith.addf %add3A_1104, %mul3A_1110 : vector<16xf32>
          %add3A_1112 = arith.constant 48 : i32
          %add3A_1113 = arith.addi %scan3A_704, %add3A_1112 : i32
          %get3A_1114 = arith.index_cast %add3A_1113 : i32 to index
          %get3A_1115 = arith.constant 208 : index
          %get3A_1116 = tpu.vector_load %arg13[%get3A_1114, %get3A_1115] {strides = array<i32>} : memref<64x384xf32, #tpu.memory_space<vmem>>, vector<16xf32>,
          %mul3A_1117 = arith.mulf %gather3A_729, %get3A_1116 : vector<16xf32>
          %add3A_1118 = arith.addf %add3A_1111, %mul3A_1117 : vector<16xf32>
          %swap3A_1119 = arith.index_cast %scan3A_704 : i32 to index
          %swap3A_1120 = arith.constant 208 : index
          %swap3A_1121 = tpu.vector_load %arg15[%swap3A_1119, %swap3A_1120] {strides = array<i32>} : memref<16x384xf32, #tpu.memory_space<vmem>>, vector<16xf32>,
          tpu.vector_store %arg15[%swap3A_1119, %swap3A_1120], %add3A_1118 {strides = array<i32>} : memref<16x384xf32, #tpu.memory_space<vmem>>, vector<16xf32>,
          %get3A_1122 = arith.index_cast %scan3A_704 : i32 to index
          %get3A_1123 = arith.constant 224 : index
          %get3A_1124 = tpu.vector_load %arg13[%get3A_1122, %get3A_1123] {strides = array<i32>} : memref<64x384xf32, #tpu.memory_space<vmem>>, vector<16xf32>,
          %mul3A_1125 = arith.mulf %gather3A_717, %get3A_1124 : vector<16xf32>
          %add3A_1126 = arith.constant 16 : i32
          %add3A_1127 = arith.addi %scan3A_704, %add3A_1126 : i32
          %get3A_1128 = arith.index_cast %add3A_1127 : i32 to index
          %get3A_1129 = arith.constant 224 : index
          %get3A_1130 = tpu.vector_load %arg13[%get3A_1128, %get3A_1129] {strides = array<i32>} : memref<64x384xf32, #tpu.memory_space<vmem>>, vector<16xf32>,
          %mul3A_1131 = arith.mulf %gather3A_721, %get3A_1130 : vector<16xf32>
          %add3A_1132 = arith.addf %mul3A_1125, %mul3A_1131 : vector<16xf32>
          %add3A_1133 = arith.constant 32 : i32
          %add3A_1134 = arith.addi %scan3A_704, %add3A_1133 : i32
          %get3A_1135 = arith.index_cast %add3A_1134 : i32 to index
          %get3A_1136 = arith.constant 224 : index
          %get3A_1137 = tpu.vector_load %arg13[%get3A_1135, %get3A_1136] {strides = array<i32>} : memref<64x384xf32, #tpu.memory_space<vmem>>, vector<16xf32>,
          %mul3A_1138 = arith.mulf %gather3A_725, %get3A_1137 : vector<16xf32>
          %add3A_1139 = arith.addf %add3A_1132, %mul3A_1138 : vector<16xf32>
          %add3A_1140 = arith.constant 48 : i32
          %add3A_1141 = arith.addi %scan3A_704, %add3A_1140 : i32
          %get3A_1142 = arith.index_cast %add3A_1141 : i32 to index
          %get3A_1143 = arith.constant 224 : index
          %get3A_1144 = tpu.vector_load %arg13[%get3A_1142, %get3A_1143] {strides = array<i32>} : memref<64x384xf32, #tpu.memory_space<vmem>>, vector<16xf32>,
          %mul3A_1145 = arith.mulf %gather3A_729, %get3A_1144 : vector<16xf32>
          %add3A_1146 = arith.addf %add3A_1139, %mul3A_1145 : vector<16xf32>
          %swap3A_1147 = arith.index_cast %scan3A_704 : i32 to index
          %swap3A_1148 = arith.constant 224 : index
          %swap3A_1149 = tpu.vector_load %arg15[%swap3A_1147, %swap3A_1148] {strides = array<i32>} : memref<16x384xf32, #tpu.memory_space<vmem>>, vector<16xf32>,
          tpu.vector_store %arg15[%swap3A_1147, %swap3A_1148], %add3A_1146 {strides = array<i32>} : memref<16x384xf32, #tpu.memory_space<vmem>>, vector<16xf32>,
          %get3A_1150 = arith.index_cast %scan3A_704 : i32 to index
          %get3A_1151 = arith.constant 240 : index
          %get3A_1152 = tpu.vector_load %arg13[%get3A_1150, %get3A_1151] {strides = array<i32>} : memref<64x384xf32, #tpu.memory_space<vmem>>, vector<16xf32>,
          %mul3A_1153 = arith.mulf %gather3A_717, %get3A_1152 : vector<16xf32>
          %add3A_1154 = arith.constant 16 : i32
          %add3A_1155 = arith.addi %scan3A_704, %add3A_1154 : i32
          %get3A_1156 = arith.index_cast %add3A_1155 : i32 to index
          %get3A_1157 = arith.constant 240 : index
          %get3A_1158 = tpu.vector_load %arg13[%get3A_1156, %get3A_1157] {strides = array<i32>} : memref<64x384xf32, #tpu.memory_space<vmem>>, vector<16xf32>,
          %mul3A_1159 = arith.mulf %gather3A_721, %get3A_1158 : vector<16xf32>
          %add3A_1160 = arith.addf %mul3A_1153, %mul3A_1159 : vector<16xf32>
          %add3A_1161 = arith.constant 32 : i32
          %add3A_1162 = arith.addi %scan3A_704, %add3A_1161 : i32
          %get3A_1163 = arith.index_cast %add3A_1162 : i32 to index
          %get3A_1164 = arith.constant 240 : index
          %get3A_1165 = tpu.vector_load %arg13[%get3A_1163, %get3A_1164] {strides = array<i32>} : memref<64x384xf32, #tpu.memory_space<vmem>>, vector<16xf32>,
          %mul3A_1166 = arith.mulf %gather3A_725, %get3A_1165 : vector<16xf32>
          %add3A_1167 = arith.addf %add3A_1160, %mul3A_1166 : vector<16xf32>
          %add3A_1168 = arith.constant 48 : i32
          %add3A_1169 = arith.addi %scan3A_704, %add3A_1168 : i32
          %get3A_1170 = arith.index_cast %add3A_1169 : i32 to index
          %get3A_1171 = arith.constant 240 : index
          %get3A_1172 = tpu.vector_load %arg13[%get3A_1170, %get3A_1171] {strides = array<i32>} : memref<64x384xf32, #tpu.memory_space<vmem>>, vector<16xf32>,
          %mul3A_1173 = arith.mulf %gather3A_729, %get3A_1172 : vector<16xf32>
          %add3A_1174 = arith.addf %add3A_1167, %mul3A_1173 : vector<16xf32>
          %swap3A_1175 = arith.index_cast %scan3A_704 : i32 to index
          %swap3A_1176 = arith.constant 240 : index
          %swap3A_1177 = tpu.vector_load %arg15[%swap3A_1175, %swap3A_1176] {strides = array<i32>} : memref<16x384xf32, #tpu.memory_space<vmem>>, vector<16xf32>,
          tpu.vector_store %arg15[%swap3A_1175, %swap3A_1176], %add3A_1174 {strides = array<i32>} : memref<16x384xf32, #tpu.memory_space<vmem>>, vector<16xf32>,
          %get3A_1178 = arith.index_cast %scan3A_704 : i32 to index
          %get3A_1179 = arith.constant 256 : index
          %get3A_1180 = tpu.vector_load %arg13[%get3A_1178, %get3A_1179] {strides = array<i32>} : memref<64x384xf32, #tpu.memory_space<vmem>>, vector<16xf32>,
          %mul3A_1181 = arith.mulf %gather3A_717, %get3A_1180 : vector<16xf32>
          %add3A_1182 = arith.constant 16 : i32
          %add3A_1183 = arith.addi %scan3A_704, %add3A_1182 : i32
          %get3A_1184 = arith.index_cast %add3A_1183 : i32 to index
          %get3A_1185 = arith.constant 256 : index
          %get3A_1186 = tpu.vector_load %arg13[%get3A_1184, %get3A_1185] {strides = array<i32>} : memref<64x384xf32, #tpu.memory_space<vmem>>, vector<16xf32>,
          %mul3A_1187 = arith.mulf %gather3A_721, %get3A_1186 : vector<16xf32>
          %add3A_1188 = arith.addf %mul3A_1181, %mul3A_1187 : vector<16xf32>
          %add3A_1189 = arith.constant 32 : i32
          %add3A_1190 = arith.addi %scan3A_704, %add3A_1189 : i32
          %get3A_1191 = arith.index_cast %add3A_1190 : i32 to index
          %get3A_1192 = arith.constant 256 : index
          %get3A_1193 = tpu.vector_load %arg13[%get3A_1191, %get3A_1192] {strides = array<i32>} : memref<64x384xf32, #tpu.memory_space<vmem>>, vector<16xf32>,
          %mul3A_1194 = arith.mulf %gather3A_725, %get3A_1193 : vector<16xf32>
          %add3A_1195 = arith.addf %add3A_1188, %mul3A_1194 : vector<16xf32>
          %add3A_1196 = arith.constant 48 : i32
          %add3A_1197 = arith.addi %scan3A_704, %add3A_1196 : i32
          %get3A_1198 = arith.index_cast %add3A_1197 : i32 to index
          %get3A_1199 = arith.constant 256 : index
          %get3A_1200 = tpu.vector_load %arg13[%get3A_1198, %get3A_1199] {strides = array<i32>} : memref<64x384xf32, #tpu.memory_space<vmem>>, vector<16xf32>,
          %mul3A_1201 = arith.mulf %gather3A_729, %get3A_1200 : vector<16xf32>
          %add3A_1202 = arith.addf %add3A_1195, %mul3A_1201 : vector<16xf32>
          %swap3A_1203 = arith.index_cast %scan3A_704 : i32 to index
          %swap3A_1204 = arith.constant 256 : index
          %swap3A_1205 = tpu.vector_load %arg15[%swap3A_1203, %swap3A_1204] {strides = array<i32>} : memref<16x384xf32, #tpu.memory_space<vmem>>, vector<16xf32>,
          tpu.vector_store %arg15[%swap3A_1203, %swap3A_1204], %add3A_1202 {strides = array<i32>} : memref<16x384xf32, #tpu.memory_space<vmem>>, vector<16xf32>,
          %get3A_1206 = arith.index_cast %scan3A_704 : i32 to index
          %get3A_1207 = arith.constant 272 : index
          %get3A_1208 = tpu.vector_load %arg13[%get3A_1206, %get3A_1207] {strides = array<i32>} : memref<64x384xf32, #tpu.memory_space<vmem>>, vector<16xf32>,
          %mul3A_1209 = arith.mulf %gather3A_717, %get3A_1208 : vector<16xf32>
          %add3A_1210 = arith.constant 16 : i32
          %add3A_1211 = arith.addi %scan3A_704, %add3A_1210 : i32
          %get3A_1212 = arith.index_cast %add3A_1211 : i32 to index
          %get3A_1213 = arith.constant 272 : index
          %get3A_1214 = tpu.vector_load %arg13[%get3A_1212, %get3A_1213] {strides = array<i32>} : memref<64x384xf32, #tpu.memory_space<vmem>>, vector<16xf32>,
          %mul3A_1215 = arith.mulf %gather3A_721, %get3A_1214 : vector<16xf32>
          %add3A_1216 = arith.addf %mul3A_1209, %mul3A_1215 : vector<16xf32>
          %add3A_1217 = arith.constant 32 : i32
          %add3A_1218 = arith.addi %scan3A_704, %add3A_1217 : i32
          %get3A_1219 = arith.index_cast %add3A_1218 : i32 to index
          %get3A_1220 = arith.constant 272 : index
          %get3A_1221 = tpu.vector_load %arg13[%get3A_1219, %get3A_1220] {strides = array<i32>} : memref<64x384xf32, #tpu.memory_space<vmem>>, vector<16xf32>,
          %mul3A_1222 = arith.mulf %gather3A_725, %get3A_1221 : vector<16xf32>
          %add3A_1223 = arith.addf %add3A_1216, %mul3A_1222 : vector<16xf32>
          %add3A_1224 = arith.constant 48 : i32
          %add3A_1225 = arith.addi %scan3A_704, %add3A_1224 : i32
          %get3A_1226 = arith.index_cast %add3A_1225 : i32 to index
          %get3A_1227 = arith.constant 272 : index
          %get3A_1228 = tpu.vector_load %arg13[%get3A_1226, %get3A_1227] {strides = array<i32>} : memref<64x384xf32, #tpu.memory_space<vmem>>, vector<16xf32>,
          %mul3A_1229 = arith.mulf %gather3A_729, %get3A_1228 : vector<16xf32>
          %add3A_1230 = arith.addf %add3A_1223, %mul3A_1229 : vector<16xf32>
          %swap3A_1231 = arith.index_cast %scan3A_704 : i32 to index
          %swap3A_1232 = arith.constant 272 : index
          %swap3A_1233 = tpu.vector_load %arg15[%swap3A_1231, %swap3A_1232] {strides = array<i32>} : memref<16x384xf32, #tpu.memory_space<vmem>>, vector<16xf32>,
          tpu.vector_store %arg15[%swap3A_1231, %swap3A_1232], %add3A_1230 {strides = array<i32>} : memref<16x384xf32, #tpu.memory_space<vmem>>, vector<16xf32>,
          %get3A_1234 = arith.index_cast %scan3A_704 : i32 to index
          %get3A_1235 = arith.constant 288 : index
          %get3A_1236 = tpu.vector_load %arg13[%get3A_1234, %get3A_1235] {strides = array<i32>} : memref<64x384xf32, #tpu.memory_space<vmem>>, vector<16xf32>,
          %mul3A_1237 = arith.mulf %gather3A_717, %get3A_1236 : vector<16xf32>
          %add3A_1238 = arith.constant 16 : i32
          %add3A_1239 = arith.addi %scan3A_704, %add3A_1238 : i32
          %get3A_1240 = arith.index_cast %add3A_1239 : i32 to index
          %get3A_1241 = arith.constant 288 : index
          %get3A_1242 = tpu.vector_load %arg13[%get3A_1240, %get3A_1241] {strides = array<i32>} : memref<64x384xf32, #tpu.memory_space<vmem>>, vector<16xf32>,
          %mul3A_1243 = arith.mulf %gather3A_721, %get3A_1242 : vector<16xf32>
          %add3A_1244 = arith.addf %mul3A_1237, %mul3A_1243 : vector<16xf32>
          %add3A_1245 = arith.constant 32 : i32
          %add3A_1246 = arith.addi %scan3A_704, %add3A_1245 : i32
          %get3A_1247 = arith.index_cast %add3A_1246 : i32 to index
          %get3A_1248 = arith.constant 288 : index
          %get3A_1249 = tpu.vector_load %arg13[%get3A_1247, %get3A_1248] {strides = array<i32>} : memref<64x384xf32, #tpu.memory_space<vmem>>, vector<16xf32>,
          %mul3A_1250 = arith.mulf %gather3A_725, %get3A_1249 : vector<16xf32>
          %add3A_1251 = arith.addf %add3A_1244, %mul3A_1250 : vector<16xf32>
          %add3A_1252 = arith.constant 48 : i32
          %add3A_1253 = arith.addi %scan3A_704, %add3A_1252 : i32
          %get3A_1254 = arith.index_cast %add3A_1253 : i32 to index
          %get3A_1255 = arith.constant 288 : index
          %get3A_1256 = tpu.vector_load %arg13[%get3A_1254, %get3A_1255] {strides = array<i32>} : memref<64x384xf32, #tpu.memory_space<vmem>>, vector<16xf32>,
          %mul3A_1257 = arith.mulf %gather3A_729, %get3A_1256 : vector<16xf32>
          %add3A_1258 = arith.addf %add3A_1251, %mul3A_1257 : vector<16xf32>
          %swap3A_1259 = arith.index_cast %scan3A_704 : i32 to index
          %swap3A_1260 = arith.constant 288 : index
          %swap3A_1261 = tpu.vector_load %arg15[%swap3A_1259, %swap3A_1260] {strides = array<i32>} : memref<16x384xf32, #tpu.memory_space<vmem>>, vector<16xf32>,
          tpu.vector_store %arg15[%swap3A_1259, %swap3A_1260], %add3A_1258 {strides = array<i32>} : memref<16x384xf32, #tpu.memory_space<vmem>>, vector<16xf32>,
          %get3A_1262 = arith.index_cast %scan3A_704 : i32 to index
          %get3A_1263 = arith.constant 304 : index
          %get3A_1264 = tpu.vector_load %arg13[%get3A_1262, %get3A_1263] {strides = array<i32>} : memref<64x384xf32, #tpu.memory_space<vmem>>, vector<16xf32>,
          %mul3A_1265 = arith.mulf %gather3A_717, %get3A_1264 : vector<16xf32>
          %add3A_1266 = arith.constant 16 : i32
          %add3A_1267 = arith.addi %scan3A_704, %add3A_1266 : i32
          %get3A_1268 = arith.index_cast %add3A_1267 : i32 to index
          %get3A_1269 = arith.constant 304 : index
          %get3A_1270 = tpu.vector_load %arg13[%get3A_1268, %get3A_1269] {strides = array<i32>} : memref<64x384xf32, #tpu.memory_space<vmem>>, vector<16xf32>,
          %mul3A_1271 = arith.mulf %gather3A_721, %get3A_1270 : vector<16xf32>
          %add3A_1272 = arith.addf %mul3A_1265, %mul3A_1271 : vector<16xf32>
          %add3A_1273 = arith.constant 32 : i32
          %add3A_1274 = arith.addi %scan3A_704, %add3A_1273 : i32
          %get3A_1275 = arith.index_cast %add3A_1274 : i32 to index
          %get3A_1276 = arith.constant 304 : index
          %get3A_1277 = tpu.vector_load %arg13[%get3A_1275, %get3A_1276] {strides = array<i32>} : memref<64x384xf32, #tpu.memory_space<vmem>>, vector<16xf32>,
          %mul3A_1278 = arith.mulf %gather3A_725, %get3A_1277 : vector<16xf32>
          %add3A_1279 = arith.addf %add3A_1272, %mul3A_1278 : vector<16xf32>
          %add3A_1280 = arith.constant 48 : i32
          %add3A_1281 = arith.addi %scan3A_704, %add3A_1280 : i32
          %get3A_1282 = arith.index_cast %add3A_1281 : i32 to index
          %get3A_1283 = arith.constant 304 : index
          %get3A_1284 = tpu.vector_load %arg13[%get3A_1282, %get3A_1283] {strides = array<i32>} : memref<64x384xf32, #tpu.memory_space<vmem>>, vector<16xf32>,
          %mul3A_1285 = arith.mulf %gather3A_729, %get3A_1284 : vector<16xf32>
          %add3A_1286 = arith.addf %add3A_1279, %mul3A_1285 : vector<16xf32>
          %swap3A_1287 = arith.index_cast %scan3A_704 : i32 to index
          %swap3A_1288 = arith.constant 304 : index
          %swap3A_1289 = tpu.vector_load %arg15[%swap3A_1287, %swap3A_1288] {strides = array<i32>} : memref<16x384xf32, #tpu.memory_space<vmem>>, vector<16xf32>,
          tpu.vector_store %arg15[%swap3A_1287, %swap3A_1288], %add3A_1286 {strides = array<i32>} : memref<16x384xf32, #tpu.memory_space<vmem>>, vector<16xf32>,
          %get3A_1290 = arith.index_cast %scan3A_704 : i32 to index
          %get3A_1291 = arith.constant 320 : index
          %get3A_1292 = tpu.vector_load %arg13[%get3A_1290, %get3A_1291] {strides = array<i32>} : memref<64x384xf32, #tpu.memory_space<vmem>>, vector<16xf32>,
          %mul3A_1293 = arith.mulf %gather3A_717, %get3A_1292 : vector<16xf32>
          %add3A_1294 = arith.constant 16 : i32
          %add3A_1295 = arith.addi %scan3A_704, %add3A_1294 : i32
          %get3A_1296 = arith.index_cast %add3A_1295 : i32 to index
          %get3A_1297 = arith.constant 320 : index
          %get3A_1298 = tpu.vector_load %arg13[%get3A_1296, %get3A_1297] {strides = array<i32>} : memref<64x384xf32, #tpu.memory_space<vmem>>, vector<16xf32>,
          %mul3A_1299 = arith.mulf %gather3A_721, %get3A_1298 : vector<16xf32>
          %add3A_1300 = arith.addf %mul3A_1293, %mul3A_1299 : vector<16xf32>
          %add3A_1301 = arith.constant 32 : i32
          %add3A_1302 = arith.addi %scan3A_704, %add3A_1301 : i32
          %get3A_1303 = arith.index_cast %add3A_1302 : i32 to index
          %get3A_1304 = arith.constant 320 : index
          %get3A_1305 = tpu.vector_load %arg13[%get3A_1303, %get3A_1304] {strides = array<i32>} : memref<64x384xf32, #tpu.memory_space<vmem>>, vector<16xf32>,
          %mul3A_1306 = arith.mulf %gather3A_725, %get3A_1305 : vector<16xf32>
          %add3A_1307 = arith.addf %add3A_1300, %mul3A_1306 : vector<16xf32>
          %add3A_1308 = arith.constant 48 : i32
          %add3A_1309 = arith.addi %scan3A_704, %add3A_1308 : i32
          %get3A_1310 = arith.index_cast %add3A_1309 : i32 to index
          %get3A_1311 = arith.constant 320 : index
          %get3A_1312 = tpu.vector_load %arg13[%get3A_1310, %get3A_1311] {strides = array<i32>} : memref<64x384xf32, #tpu.memory_space<vmem>>, vector<16xf32>,
          %mul3A_1313 = arith.mulf %gather3A_729, %get3A_1312 : vector<16xf32>
          %add3A_1314 = arith.addf %add3A_1307, %mul3A_1313 : vector<16xf32>
          %swap3A_1315 = arith.index_cast %scan3A_704 : i32 to index
          %swap3A_1316 = arith.constant 320 : index
          %swap3A_1317 = tpu.vector_load %arg15[%swap3A_1315, %swap3A_1316] {strides = array<i32>} : memref<16x384xf32, #tpu.memory_space<vmem>>, vector<16xf32>,
          tpu.vector_store %arg15[%swap3A_1315, %swap3A_1316], %add3A_1314 {strides = array<i32>} : memref<16x384xf32, #tpu.memory_space<vmem>>, vector<16xf32>,
          %get3A_1318 = arith.index_cast %scan3A_704 : i32 to index
          %get3A_1319 = arith.constant 336 : index
          %get3A_1320 = tpu.vector_load %arg13[%get3A_1318, %get3A_1319] {strides = array<i32>} : memref<64x384xf32, #tpu.memory_space<vmem>>, vector<16xf32>,
          %mul3A_1321 = arith.mulf %gather3A_717, %get3A_1320 : vector<16xf32>
          %add3A_1322 = arith.constant 16 : i32
          %add3A_1323 = arith.addi %scan3A_704, %add3A_1322 : i32
          %get3A_1324 = arith.index_cast %add3A_1323 : i32 to index
          %get3A_1325 = arith.constant 336 : index
          %get3A_1326 = tpu.vector_load %arg13[%get3A_1324, %get3A_1325] {strides = array<i32>} : memref<64x384xf32, #tpu.memory_space<vmem>>, vector<16xf32>,
          %mul3A_1327 = arith.mulf %gather3A_721, %get3A_1326 : vector<16xf32>
          %add3A_1328 = arith.addf %mul3A_1321, %mul3A_1327 : vector<16xf32>
          %add3A_1329 = arith.constant 32 : i32
          %add3A_1330 = arith.addi %scan3A_704, %add3A_1329 : i32
          %get3A_1331 = arith.index_cast %add3A_1330 : i32 to index
          %get3A_1332 = arith.constant 336 : index
          %get3A_1333 = tpu.vector_load %arg13[%get3A_1331, %get3A_1332] {strides = array<i32>} : memref<64x384xf32, #tpu.memory_space<vmem>>, vector<16xf32>,
          %mul3A_1334 = arith.mulf %gather3A_725, %get3A_1333 : vector<16xf32>
          %add3A_1335 = arith.addf %add3A_1328, %mul3A_1334 : vector<16xf32>
          %add3A_1336 = arith.constant 48 : i32
          %add3A_1337 = arith.addi %scan3A_704, %add3A_1336 : i32
          %get3A_1338 = arith.index_cast %add3A_1337 : i32 to index
          %get3A_1339 = arith.constant 336 : index
          %get3A_1340 = tpu.vector_load %arg13[%get3A_1338, %get3A_1339] {strides = array<i32>} : memref<64x384xf32, #tpu.memory_space<vmem>>, vector<16xf32>,
          %mul3A_1341 = arith.mulf %gather3A_729, %get3A_1340 : vector<16xf32>
          %add3A_1342 = arith.addf %add3A_1335, %mul3A_1341 : vector<16xf32>
          %swap3A_1343 = arith.index_cast %scan3A_704 : i32 to index
          %swap3A_1344 = arith.constant 336 : index
          %swap3A_1345 = tpu.vector_load %arg15[%swap3A_1343, %swap3A_1344] {strides = array<i32>} : memref<16x384xf32, #tpu.memory_space<vmem>>, vector<16xf32>,
          tpu.vector_store %arg15[%swap3A_1343, %swap3A_1344], %add3A_1342 {strides = array<i32>} : memref<16x384xf32, #tpu.memory_space<vmem>>, vector<16xf32>,
          %get3A_1346 = arith.index_cast %scan3A_704 : i32 to index
          %get3A_1347 = arith.constant 352 : index
          %get3A_1348 = tpu.vector_load %arg13[%get3A_1346, %get3A_1347] {strides = array<i32>} : memref<64x384xf32, #tpu.memory_space<vmem>>, vector<16xf32>,
          %mul3A_1349 = arith.mulf %gather3A_717, %get3A_1348 : vector<16xf32>
          %add3A_1350 = arith.constant 16 : i32
          %add3A_1351 = arith.addi %scan3A_704, %add3A_1350 : i32
          %get3A_1352 = arith.index_cast %add3A_1351 : i32 to index
          %get3A_1353 = arith.constant 352 : index
          %get3A_1354 = tpu.vector_load %arg13[%get3A_1352, %get3A_1353] {strides = array<i32>} : memref<64x384xf32, #tpu.memory_space<vmem>>, vector<16xf32>,
          %mul3A_1355 = arith.mulf %gather3A_721, %get3A_1354 : vector<16xf32>
          %add3A_1356 = arith.addf %mul3A_1349, %mul3A_1355 : vector<16xf32>
          %add3A_1357 = arith.constant 32 : i32
          %add3A_1358 = arith.addi %scan3A_704, %add3A_1357 : i32
          %get3A_1359 = arith.index_cast %add3A_1358 : i32 to index
          %get3A_1360 = arith.constant 352 : index
          %get3A_1361 = tpu.vector_load %arg13[%get3A_1359, %get3A_1360] {strides = array<i32>} : memref<64x384xf32, #tpu.memory_space<vmem>>, vector<16xf32>,
          %mul3A_1362 = arith.mulf %gather3A_725, %get3A_1361 : vector<16xf32>
          %add3A_1363 = arith.addf %add3A_1356, %mul3A_1362 : vector<16xf32>
          %add3A_1364 = arith.constant 48 : i32
          %add3A_1365 = arith.addi %scan3A_704, %add3A_1364 : i32
          %get3A_1366 = arith.index_cast %add3A_1365 : i32 to index
          %get3A_1367 = arith.constant 352 : index
          %get3A_1368 = tpu.vector_load %arg13[%get3A_1366, %get3A_1367] {strides = array<i32>} : memref<64x384xf32, #tpu.memory_space<vmem>>, vector<16xf32>,
          %mul3A_1369 = arith.mulf %gather3A_729, %get3A_1368 : vector<16xf32>
          %add3A_1370 = arith.addf %add3A_1363, %mul3A_1369 : vector<16xf32>
          %swap3A_1371 = arith.index_cast %scan3A_704 : i32 to index
          %swap3A_1372 = arith.constant 352 : index
          %swap3A_1373 = tpu.vector_load %arg15[%swap3A_1371, %swap3A_1372] {strides = array<i32>} : memref<16x384xf32, #tpu.memory_space<vmem>>, vector<16xf32>,
          tpu.vector_store %arg15[%swap3A_1371, %swap3A_1372], %add3A_1370 {strides = array<i32>} : memref<16x384xf32, #tpu.memory_space<vmem>>, vector<16xf32>,
          %get3A_1374 = arith.index_cast %scan3A_704 : i32 to index
          %get3A_1375 = arith.constant 368 : index
          %get3A_1376 = tpu.vector_load %arg13[%get3A_1374, %get3A_1375] {strides = array<i32>} : memref<64x384xf32, #tpu.memory_space<vmem>>, vector<16xf32>,
          %mul3A_1377 = arith.mulf %gather3A_717, %get3A_1376 : vector<16xf32>
          %add3A_1378 = arith.constant 16 : i32
          %add3A_1379 = arith.addi %scan3A_704, %add3A_1378 : i32
          %get3A_1380 = arith.index_cast %add3A_1379 : i32 to index
          %get3A_1381 = arith.constant 368 : index
          %get3A_1382 = tpu.vector_load %arg13[%get3A_1380, %get3A_1381] {strides = array<i32>} : memref<64x384xf32, #tpu.memory_space<vmem>>, vector<16xf32>,
          %mul3A_1383 = arith.mulf %gather3A_721, %get3A_1382 : vector<16xf32>
          %add3A_1384 = arith.addf %mul3A_1377, %mul3A_1383 : vector<16xf32>
          %add3A_1385 = arith.constant 32 : i32
          %add3A_1386 = arith.addi %scan3A_704, %add3A_1385 : i32
          %get3A_1387 = arith.index_cast %add3A_1386 : i32 to index
          %get3A_1388 = arith.constant 368 : index
          %get3A_1389 = tpu.vector_load %arg13[%get3A_1387, %get3A_1388] {strides = array<i32>} : memref<64x384xf32, #tpu.memory_space<vmem>>, vector<16xf32>,
          %mul3A_1390 = arith.mulf %gather3A_725, %get3A_1389 : vector<16xf32>
          %add3A_1391 = arith.addf %add3A_1384, %mul3A_1390 : vector<16xf32>
          %add3A_1392 = arith.constant 48 : i32
          %add3A_1393 = arith.addi %scan3A_704, %add3A_1392 : i32
          %get3A_1394 = arith.index_cast %add3A_1393 : i32 to index
          %get3A_1395 = arith.constant 368 : index
          %get3A_1396 = tpu.vector_load %arg13[%get3A_1394, %get3A_1395] {strides = array<i32>} : memref<64x384xf32, #tpu.memory_space<vmem>>, vector<16xf32>,
          %mul3A_1397 = arith.mulf %gather3A_729, %get3A_1396 : vector<16xf32>
          %add3A_1398 = arith.addf %add3A_1391, %mul3A_1397 : vector<16xf32>
          %swap3A_1399 = arith.index_cast %scan3A_704 : i32 to index
          %swap3A_1400 = arith.constant 368 : index
          %swap3A_1401 = tpu.vector_load %arg15[%swap3A_1399, %swap3A_1400] {strides = array<i32>} : memref<16x384xf32, #tpu.memory_space<vmem>>, vector<16xf32>,
          tpu.vector_store %arg15[%swap3A_1399, %swap3A_1400], %add3A_1398 {strides = array<i32>} : memref<16x384xf32, #tpu.memory_space<vmem>>, vector<16xf32>,
          %scan3A_1402 = arith.constant 0 : i32
          scf.yield %scan3A_1402 : i32
        }
        %scan3A_700 = arith.constant 16 : i32
        %dma_start3A_701 = arith.constant 0 : i32
        %dma_start3A_702 = arith.constant 0 : i32
        %dma_start3A_703 = tpu.memref_slice %arg5[%dma_start3A_701, %dma_start3A_702] : memref<65536x384xf32, #tpu.memory_space<hbm>> -> memref<65536x384xf32, #tpu.memory_space<hbm>>
        tpu.enqueue_indirect_dma source(%arg15 : memref<16x384xf32, #tpu.memory_space<vmem>>) target(%dma_start3A_703 : memref<65536x384xf32, #tpu.memory_space<hbm>>) offsets(%add3A_542 : vector<16xi32>) semaphore(%arg22 : memref<!tpu.dma_semaphore, #tpu.memory_space<semaphore_mem>>)
      } else {
      }
      %not3A = arith.constant true
      %not3A_566 = arith.xori %reduce_or3A_562, %not3A : i1
      %convert_element_type3A_567 = arith.extui %not3A_566 : i1 to i32
      %cond3A_568 = arith.constant 0 : i32
      %cond3A_569 = arith.cmpi ne, %convert_element_type3A_567, %cond3A_568 : i32
      scf.if %cond3A_569 {
        %dma_start3A = arith.constant 0 : i32
        %dma_start3A_615 = arith.constant 0 : i32
        %dma_start3A_616 = tpu.memref_slice %arg5[%dma_start3A, %dma_start3A_615] : memref<65536x384xf32, #tpu.memory_space<hbm>> -> memref<65536x384xf32, #tpu.memory_space<hbm>>
        tpu.enqueue_indirect_dma source(%arg12 : memref<16x384xf32, #tpu.memory_space<vmem>>) target(%dma_start3A_616 : memref<65536x384xf32, #tpu.memory_space<hbm>>) offsets(%add3A_542 : vector<16xi32>) semaphore(%arg22 : memref<!tpu.dma_semaphore, #tpu.memory_space<semaphore_mem>>)
      } else {
      }
      %gt3A_570 = arith.constant 0 : i32
      %gt3A_571 = arith.cmpi sgt, %scan3A_531, %gt3A_570 : i32
      %convert_element_type3A_572 = arith.extui %gt3A_571 : i1 to i32
      %cond3A_573 = arith.constant 0 : i32
      %cond3A_574 = arith.cmpi ne, %convert_element_type3A_572, %cond3A_573 : i32
      scf.if %cond3A_574 {
        %dma_wait3A_615 = arith.constant 0 : i32
        %dma_wait3A_616 = tpu.memref_slice %arg5[%mul3A_34, %dma_wait3A_615] : memref<65536x384xf32, #tpu.memory_space<hbm>> -> memref<16x384xf32, #tpu.memory_space<hbm>>
        %dma_wait3A_617 = arith.constant 0 : i32
        %dma_wait3A_618 = tpu.memref_slice %arg5[%mul3A_34, %dma_wait3A_617] : memref<65536x384xf32, #tpu.memory_space<hbm>> -> memref<16x384xf32, #tpu.memory_space<hbm>>
        tpu.wait_dma2 semaphore(%arg23 : memref<!tpu.dma_semaphore, #tpu.memory_space<semaphore_mem>>) src(%arg16 : memref<16x384xf32, #tpu.memory_space<vmem>>) dst(%dma_wait3A_618 : memref<16x384xf32, #tpu.memory_space<hbm>>)
      } else {
      }
      %mul3A_575 = arith.constant 2 : i32
      %mul3A_576 = arith.muli %mul3A_575, %scan3A_531 : i32
      %add3A_577 = arith.constant 1 : i32
      %add3A_578 = arith.addi %mul3A_576, %add3A_577 : i32
      %mul3A_579 = arith.constant 16 : i32
      %mul3A_580 = arith.muli %add3A_578, %mul3A_579 : i32
      %get3A_581 = arith.index_cast %mul3A_580 : i32 to index
      %get3A_582 = tpu.vector_load %arg11[%get3A_581] {strides = array<i32>} : memref<2048xi32, #tpu.memory_space<vmem>>, vector<16xi32>,
      %add3A_583 = vector.broadcast %mul3A_34 : i32 to vector<16xi32>
      %add3A_584 = arith.addi %add3A_583, %get3A_582 : vector<16xi32>
      %shift_right_arithmetic3A_585 = arith.constant 4 : i32
      %shift_right_arithmetic3A_586 = vector.broadcast %shift_right_arithmetic3A_585 : i32 to vector<16xi32>
      %shift_right_arithmetic3A_587 = arith.shrsi %get3A_582, %shift_right_arithmetic3A_586 : vector<16xi32>
      %and3A_588 = arith.constant 15 : i32
      %and3A_589 = vector.broadcast %and3A_588 : i32 to vector<16xi32>
      %and3A_590 = arith.andi %get3A_582, %and3A_589 : vector<16xi32>
      %mul3A_591 = arith.constant 16 : i32
      %mul3A_592 = arith.muli %add3A_578, %mul3A_591 : i32
      %gt3A_593 = vector.broadcast %mul3A_592 : i32 to vector<16xi32>
      %gt3A_594 = arith.cmpi sgt, %scan3A_508#0, %gt3A_593 : vector<16xi32>
      %reduce_or3A_595 = arith.constant 1.000000e+00 : f32
      %reduce_or3A_596 = arith.constant 0.000000e+00 : f32
      %reduce_or3A_597 = vector.broadcast %reduce_or3A_595 : f32 to vector<16xf32>
      %reduce_or3A_598 = vector.broadcast %reduce_or3A_596 : f32 to vector<16xf32>
      %reduce_or3A_599 = arith.select %gt3A_594, %reduce_or3A_597, %reduce_or3A_598 : vector<16xi1>, vector<16xf32>
      %reduce_or3A_600 = arith.constant true
      %reduce_or3A_601 = vector.broadcast %reduce_or3A_600 : i1 to vector<16xi1>
      %reduce_or3A_602 = tpu.scan <max>, %reduce_or3A_599 masked %reduce_or3A_601 : vector<16xf32>, vector<16xi1> -> vector<16xf32>
      %reduce_or3A_603 = vector.extract %reduce_or3A_602[15] : f32 from vector<16xf32>
      %reduce_or3A_604 = arith.constant 0.000000e+00 : f32
      %reduce_or3A_605 = arith.cmpf ogt, %reduce_or3A_603, %reduce_or3A_604 : f32
      %convert_element_type3A_606 = arith.extui %reduce_or3A_605 : i1 to i32
      %cond3A_607 = arith.constant 0 : i32
      %cond3A_608 = arith.cmpi ne, %convert_element_type3A_606, %cond3A_607 : i32
      scf.if %cond3A_608 {
        %add3A_615 = arith.constant 0 : i32
        %add3A_616 = vector.broadcast %add3A_615 : i32 to vector<16xi32>
        %add3A_617 = arith.addi %and3A_590, %add3A_616 : vector<16xi32>
        %gather3A_618 = tpu.vector_load_idx %arg9[%shift_right_arithmetic3A_587, %add3A_617] : memref<128x64xi32, #tpu.memory_space<vmem>>[vector<16xi32>, vector<16xi32>], vector<16xi32>,
        %dma_start3A = arith.constant 0 : i32
        %dma_start3A_619 = arith.constant 0 : i32
        %dma_start3A_620 = tpu.memref_slice %arg14[%dma_start3A, %dma_start3A_619] : memref<64x384xf32, #tpu.memory_space<vmem>> -> memref<16x384xf32, #tpu.memory_space<vmem>>
        %dma_start3A_621 = arith.constant 0 : i32
        %dma_start3A_622 = arith.constant 0 : i32
        %dma_start3A_623 = tpu.memref_slice %arg3[%dma_start3A_621, %dma_start3A_622] : memref<73728x384xf32, #tpu.memory_space<hbm>> -> memref<73728x384xf32, #tpu.memory_space<hbm>>
        tpu.enqueue_indirect_dma source(%dma_start3A_623 : memref<73728x384xf32, #tpu.memory_space<hbm>>) target(%dma_start3A_620 : memref<16x384xf32, #tpu.memory_space<vmem>>) offsets(%gather3A_618 : vector<16xi32>) semaphore(%arg21 : memref<!tpu.dma_semaphore, #tpu.memory_space<semaphore_mem>>)
        %add3A_624 = arith.constant 16 : i32
        %add3A_625 = vector.broadcast %add3A_624 : i32 to vector<16xi32>
        %add3A_626 = arith.addi %and3A_590, %add3A_625 : vector<16xi32>
        %gather3A_627 = tpu.vector_load_idx %arg9[%shift_right_arithmetic3A_587, %add3A_626] : memref<128x64xi32, #tpu.memory_space<vmem>>[vector<16xi32>, vector<16xi32>], vector<16xi32>,
        %dma_start3A_628 = arith.constant 16 : i32
        %dma_start3A_629 = arith.constant 0 : i32
        %dma_start3A_630 = tpu.memref_slice %arg14[%dma_start3A_628, %dma_start3A_629] : memref<64x384xf32, #tpu.memory_space<vmem>> -> memref<16x384xf32, #tpu.memory_space<vmem>>
        %dma_start3A_631 = arith.constant 0 : i32
        %dma_start3A_632 = arith.constant 0 : i32
        %dma_start3A_633 = tpu.memref_slice %arg3[%dma_start3A_631, %dma_start3A_632] : memref<73728x384xf32, #tpu.memory_space<hbm>> -> memref<73728x384xf32, #tpu.memory_space<hbm>>
        tpu.enqueue_indirect_dma source(%dma_start3A_633 : memref<73728x384xf32, #tpu.memory_space<hbm>>) target(%dma_start3A_630 : memref<16x384xf32, #tpu.memory_space<vmem>>) offsets(%gather3A_627 : vector<16xi32>) semaphore(%arg21 : memref<!tpu.dma_semaphore, #tpu.memory_space<semaphore_mem>>)
        %add3A_634 = arith.constant 32 : i32
        %add3A_635 = vector.broadcast %add3A_634 : i32 to vector<16xi32>
        %add3A_636 = arith.addi %and3A_590, %add3A_635 : vector<16xi32>
        %gather3A_637 = tpu.vector_load_idx %arg9[%shift_right_arithmetic3A_587, %add3A_636] : memref<128x64xi32, #tpu.memory_space<vmem>>[vector<16xi32>, vector<16xi32>], vector<16xi32>,
        %dma_start3A_638 = arith.constant 32 : i32
        %dma_start3A_639 = arith.constant 0 : i32
        %dma_start3A_640 = tpu.memref_slice %arg14[%dma_start3A_638, %dma_start3A_639] : memref<64x384xf32, #tpu.memory_space<vmem>> -> memref<16x384xf32, #tpu.memory_space<vmem>>
        %dma_start3A_641 = arith.constant 0 : i32
        %dma_start3A_642 = arith.constant 0 : i32
        %dma_start3A_643 = tpu.memref_slice %arg3[%dma_start3A_641, %dma_start3A_642] : memref<73728x384xf32, #tpu.memory_space<hbm>> -> memref<73728x384xf32, #tpu.memory_space<hbm>>
        tpu.enqueue_indirect_dma source(%dma_start3A_643 : memref<73728x384xf32, #tpu.memory_space<hbm>>) target(%dma_start3A_640 : memref<16x384xf32, #tpu.memory_space<vmem>>) offsets(%gather3A_637 : vector<16xi32>) semaphore(%arg21 : memref<!tpu.dma_semaphore, #tpu.memory_space<semaphore_mem>>)
        %add3A_644 = arith.constant 48 : i32
        %add3A_645 = vector.broadcast %add3A_644 : i32 to vector<16xi32>
        %add3A_646 = arith.addi %and3A_590, %add3A_645 : vector<16xi32>
        %gather3A_647 = tpu.vector_load_idx %arg9[%shift_right_arithmetic3A_587, %add3A_646] : memref<128x64xi32, #tpu.memory_space<vmem>>[vector<16xi32>, vector<16xi32>], vector<16xi32>,
        %dma_start3A_648 = arith.constant 48 : i32
        %dma_start3A_649 = arith.constant 0 : i32
        %dma_start3A_650 = tpu.memref_slice %arg14[%dma_start3A_648, %dma_start3A_649] : memref<64x384xf32, #tpu.memory_space<vmem>> -> memref<16x384xf32, #tpu.memory_space<vmem>>
        %dma_start3A_651 = arith.constant 0 : i32
        %dma_start3A_652 = arith.constant 0 : i32
        %dma_start3A_653 = tpu.memref_slice %arg3[%dma_start3A_651, %dma_start3A_652] : memref<73728x384xf32, #tpu.memory_space<hbm>> -> memref<73728x384xf32, #tpu.memory_space<hbm>>
        tpu.enqueue_indirect_dma source(%dma_start3A_653 : memref<73728x384xf32, #tpu.memory_space<hbm>>) target(%dma_start3A_650 : memref<16x384xf32, #tpu.memory_space<vmem>>) offsets(%gather3A_647 : vector<16xi32>) semaphore(%arg21 : memref<!tpu.dma_semaphore, #tpu.memory_space<semaphore_mem>>)
        %add3A_654 = arith.constant 0 : i32
        %add3A_655 = vector.broadcast %add3A_654 : i32 to vector<16xi32>
        %add3A_656 = arith.addi %and3A_590, %add3A_655 : vector<16xi32>
        %gather3A_657 = tpu.vector_load_idx %arg9[%shift_right_arithmetic3A_587, %add3A_656] : memref<128x64xi32, #tpu.memory_space<vmem>>[vector<16xi32>, vector<16xi32>], vector<16xi32>,
        %dma_wait3A_658 = arith.constant 0 : i32
        %dma_wait3A_659 = arith.constant 0 : i32
        %dma_wait3A_660 = tpu.memref_slice %arg14[%dma_wait3A_658, %dma_wait3A_659] : memref<64x384xf32, #tpu.memory_space<vmem>> -> memref<16x384xf32, #tpu.memory_space<vmem>>
        %dma_wait3A_661 = arith.constant 0 : i32
        %dma_wait3A_662 = arith.constant 0 : i32
        %dma_wait3A_663 = tpu.memref_slice %arg3[%dma_wait3A_661, %dma_wait3A_662] : memref<73728x384xf32, #tpu.memory_space<hbm>> -> memref<73728x384xf32, #tpu.memory_space<hbm>>
        tpu.wait_indirect_dma semaphore(%arg21 : memref<!tpu.dma_semaphore, #tpu.memory_space<semaphore_mem>>) src(%dma_wait3A_663 : memref<73728x384xf32, #tpu.memory_space<hbm>>) dst(%dma_wait3A_660 : memref<16x384xf32, #tpu.memory_space<vmem>>)
        %add3A_664 = arith.constant 16 : i32
        %add3A_665 = vector.broadcast %add3A_664 : i32 to vector<16xi32>
        %add3A_666 = arith.addi %and3A_590, %add3A_665 : vector<16xi32>
        %gather3A_667 = tpu.vector_load_idx %arg9[%shift_right_arithmetic3A_587, %add3A_666] : memref<128x64xi32, #tpu.memory_space<vmem>>[vector<16xi32>, vector<16xi32>], vector<16xi32>,
        %dma_wait3A_668 = arith.constant 16 : i32
        %dma_wait3A_669 = arith.constant 0 : i32
        %dma_wait3A_670 = tpu.memref_slice %arg14[%dma_wait3A_668, %dma_wait3A_669] : memref<64x384xf32, #tpu.memory_space<vmem>> -> memref<16x384xf32, #tpu.memory_space<vmem>>
        %dma_wait3A_671 = arith.constant 0 : i32
        %dma_wait3A_672 = arith.constant 0 : i32
        %dma_wait3A_673 = tpu.memref_slice %arg3[%dma_wait3A_671, %dma_wait3A_672] : memref<73728x384xf32, #tpu.memory_space<hbm>> -> memref<73728x384xf32, #tpu.memory_space<hbm>>
        tpu.wait_indirect_dma semaphore(%arg21 : memref<!tpu.dma_semaphore, #tpu.memory_space<semaphore_mem>>) src(%dma_wait3A_673 : memref<73728x384xf32, #tpu.memory_space<hbm>>) dst(%dma_wait3A_670 : memref<16x384xf32, #tpu.memory_space<vmem>>)
        %add3A_674 = arith.constant 32 : i32
        %add3A_675 = vector.broadcast %add3A_674 : i32 to vector<16xi32>
        %add3A_676 = arith.addi %and3A_590, %add3A_675 : vector<16xi32>
        %gather3A_677 = tpu.vector_load_idx %arg9[%shift_right_arithmetic3A_587, %add3A_676] : memref<128x64xi32, #tpu.memory_space<vmem>>[vector<16xi32>, vector<16xi32>], vector<16xi32>,
        %dma_wait3A_678 = arith.constant 32 : i32
        %dma_wait3A_679 = arith.constant 0 : i32
        %dma_wait3A_680 = tpu.memref_slice %arg14[%dma_wait3A_678, %dma_wait3A_679] : memref<64x384xf32, #tpu.memory_space<vmem>> -> memref<16x384xf32, #tpu.memory_space<vmem>>
        %dma_wait3A_681 = arith.constant 0 : i32
        %dma_wait3A_682 = arith.constant 0 : i32
        %dma_wait3A_683 = tpu.memref_slice %arg3[%dma_wait3A_681, %dma_wait3A_682] : memref<73728x384xf32, #tpu.memory_space<hbm>> -> memref<73728x384xf32, #tpu.memory_space<hbm>>
        tpu.wait_indirect_dma semaphore(%arg21 : memref<!tpu.dma_semaphore, #tpu.memory_space<semaphore_mem>>) src(%dma_wait3A_683 : memref<73728x384xf32, #tpu.memory_space<hbm>>) dst(%dma_wait3A_680 : memref<16x384xf32, #tpu.memory_space<vmem>>)
        %add3A_684 = arith.constant 48 : i32
        %add3A_685 = vector.broadcast %add3A_684 : i32 to vector<16xi32>
        %add3A_686 = arith.addi %and3A_590, %add3A_685 : vector<16xi32>
        %gather3A_687 = tpu.vector_load_idx %arg9[%shift_right_arithmetic3A_587, %add3A_686] : memref<128x64xi32, #tpu.memory_space<vmem>>[vector<16xi32>, vector<16xi32>], vector<16xi32>,
        %dma_wait3A_688 = arith.constant 48 : i32
        %dma_wait3A_689 = arith.constant 0 : i32
        %dma_wait3A_690 = tpu.memref_slice %arg14[%dma_wait3A_688, %dma_wait3A_689] : memref<64x384xf32, #tpu.memory_space<vmem>> -> memref<16x384xf32, #tpu.memory_space<vmem>>
        %dma_wait3A_691 = arith.constant 0 : i32
        %dma_wait3A_692 = arith.constant 0 : i32
        %dma_wait3A_693 = tpu.memref_slice %arg3[%dma_wait3A_691, %dma_wait3A_692] : memref<73728x384xf32, #tpu.memory_space<hbm>> -> memref<73728x384xf32, #tpu.memory_space<hbm>>
        tpu.wait_indirect_dma semaphore(%arg21 : memref<!tpu.dma_semaphore, #tpu.memory_space<semaphore_mem>>) src(%dma_wait3A_693 : memref<73728x384xf32, #tpu.memory_space<hbm>>) dst(%dma_wait3A_690 : memref<16x384xf32, #tpu.memory_space<vmem>>)
        %scan3A_694 = arith.constant 0 : i32
        %scan3A_695 = arith.constant 0 : i32
        %scan3A_696 = arith.constant 16 : i32
        %scan3A_697 = arith.addi %scan3A_695, %scan3A_696 : i32
        %scan3A_698 = arith.constant 1 : i32
        %scan3A_699 = scf.for %scan3A_704 = %scan3A_695 to %scan3A_697 step %scan3A_698 iter_args(%scan3A_705 = %scan3A_694) -> (i32)  : i32 {
          %mul3A_706 = arith.constant 16 : i32
          %mul3A_707 = arith.muli %add3A_578, %mul3A_706 : i32
          %add3A_708 = arith.addi %mul3A_707, %scan3A_704 : i32
          %broadcast_in_dim3A_709 = vector.broadcast %add3A_708 : i32 to vector<16xi32>
          %gather3A_710 = tpu.vector_load_idx %arg11[%broadcast_in_dim3A_709] : memref<2048xi32, #tpu.memory_space<vmem>>[vector<16xi32>], vector<16xi32>,
          %shift_right_arithmetic3A_711 = arith.constant 4 : i32
          %shift_right_arithmetic3A_712 = vector.broadcast %shift_right_arithmetic3A_711 : i32 to vector<16xi32>
          %shift_right_arithmetic3A_713 = arith.shrsi %gather3A_710, %shift_right_arithmetic3A_712 : vector<16xi32>
          %and3A_714 = arith.constant 15 : i32
          %and3A_715 = vector.broadcast %and3A_714 : i32 to vector<16xi32>
          %and3A_716 = arith.andi %gather3A_710, %and3A_715 : vector<16xi32>
          %gather3A_717 = tpu.vector_load_idx %arg10[%shift_right_arithmetic3A_713, %and3A_716] : memref<128x64xf32, #tpu.memory_space<vmem>>[vector<16xi32>, vector<16xi32>], vector<16xf32>,
          %add3A_718 = arith.constant 16 : i32
          %add3A_719 = vector.broadcast %add3A_718 : i32 to vector<16xi32>
          %add3A_720 = arith.addi %and3A_716, %add3A_719 : vector<16xi32>
          %gather3A_721 = tpu.vector_load_idx %arg10[%shift_right_arithmetic3A_713, %add3A_720] : memref<128x64xf32, #tpu.memory_space<vmem>>[vector<16xi32>, vector<16xi32>], vector<16xf32>,
          %add3A_722 = arith.constant 32 : i32
          %add3A_723 = vector.broadcast %add3A_722 : i32 to vector<16xi32>
          %add3A_724 = arith.addi %and3A_716, %add3A_723 : vector<16xi32>
          %gather3A_725 = tpu.vector_load_idx %arg10[%shift_right_arithmetic3A_713, %add3A_724] : memref<128x64xf32, #tpu.memory_space<vmem>>[vector<16xi32>, vector<16xi32>], vector<16xf32>,
          %add3A_726 = arith.constant 48 : i32
          %add3A_727 = vector.broadcast %add3A_726 : i32 to vector<16xi32>
          %add3A_728 = arith.addi %and3A_716, %add3A_727 : vector<16xi32>
          %gather3A_729 = tpu.vector_load_idx %arg10[%shift_right_arithmetic3A_713, %add3A_728] : memref<128x64xf32, #tpu.memory_space<vmem>>[vector<16xi32>, vector<16xi32>], vector<16xf32>,
          %get3A_730 = arith.index_cast %scan3A_704 : i32 to index
          %get3A_731 = arith.constant 0 : index
          %get3A_732 = tpu.vector_load %arg14[%get3A_730, %get3A_731] {strides = array<i32>} : memref<64x384xf32, #tpu.memory_space<vmem>>, vector<16xf32>,
          %mul3A_733 = arith.mulf %gather3A_717, %get3A_732 : vector<16xf32>
          %add3A_734 = arith.constant 16 : i32
          %add3A_735 = arith.addi %scan3A_704, %add3A_734 : i32
          %get3A_736 = arith.index_cast %add3A_735 : i32 to index
          %get3A_737 = arith.constant 0 : index
          %get3A_738 = tpu.vector_load %arg14[%get3A_736, %get3A_737] {strides = array<i32>} : memref<64x384xf32, #tpu.memory_space<vmem>>, vector<16xf32>,
          %mul3A_739 = arith.mulf %gather3A_721, %get3A_738 : vector<16xf32>
          %add3A_740 = arith.addf %mul3A_733, %mul3A_739 : vector<16xf32>
          %add3A_741 = arith.constant 32 : i32
          %add3A_742 = arith.addi %scan3A_704, %add3A_741 : i32
          %get3A_743 = arith.index_cast %add3A_742 : i32 to index
          %get3A_744 = arith.constant 0 : index
          %get3A_745 = tpu.vector_load %arg14[%get3A_743, %get3A_744] {strides = array<i32>} : memref<64x384xf32, #tpu.memory_space<vmem>>, vector<16xf32>,
          %mul3A_746 = arith.mulf %gather3A_725, %get3A_745 : vector<16xf32>
          %add3A_747 = arith.addf %add3A_740, %mul3A_746 : vector<16xf32>
          %add3A_748 = arith.constant 48 : i32
          %add3A_749 = arith.addi %scan3A_704, %add3A_748 : i32
          %get3A_750 = arith.index_cast %add3A_749 : i32 to index
          %get3A_751 = arith.constant 0 : index
          %get3A_752 = tpu.vector_load %arg14[%get3A_750, %get3A_751] {strides = array<i32>} : memref<64x384xf32, #tpu.memory_space<vmem>>, vector<16xf32>,
          %mul3A_753 = arith.mulf %gather3A_729, %get3A_752 : vector<16xf32>
          %add3A_754 = arith.addf %add3A_747, %mul3A_753 : vector<16xf32>
          %swap3A_755 = arith.index_cast %scan3A_704 : i32 to index
          %swap3A_756 = arith.constant 0 : index
          %swap3A_757 = tpu.vector_load %arg16[%swap3A_755, %swap3A_756] {strides = array<i32>} : memref<16x384xf32, #tpu.memory_space<vmem>>, vector<16xf32>,
          tpu.vector_store %arg16[%swap3A_755, %swap3A_756], %add3A_754 {strides = array<i32>} : memref<16x384xf32, #tpu.memory_space<vmem>>, vector<16xf32>,
          %get3A_758 = arith.index_cast %scan3A_704 : i32 to index
          %get3A_759 = arith.constant 16 : index
          %get3A_760 = tpu.vector_load %arg14[%get3A_758, %get3A_759] {strides = array<i32>} : memref<64x384xf32, #tpu.memory_space<vmem>>, vector<16xf32>,
          %mul3A_761 = arith.mulf %gather3A_717, %get3A_760 : vector<16xf32>
          %add3A_762 = arith.constant 16 : i32
          %add3A_763 = arith.addi %scan3A_704, %add3A_762 : i32
          %get3A_764 = arith.index_cast %add3A_763 : i32 to index
          %get3A_765 = arith.constant 16 : index
          %get3A_766 = tpu.vector_load %arg14[%get3A_764, %get3A_765] {strides = array<i32>} : memref<64x384xf32, #tpu.memory_space<vmem>>, vector<16xf32>,
          %mul3A_767 = arith.mulf %gather3A_721, %get3A_766 : vector<16xf32>
          %add3A_768 = arith.addf %mul3A_761, %mul3A_767 : vector<16xf32>
          %add3A_769 = arith.constant 32 : i32
          %add3A_770 = arith.addi %scan3A_704, %add3A_769 : i32
          %get3A_771 = arith.index_cast %add3A_770 : i32 to index
          %get3A_772 = arith.constant 16 : index
          %get3A_773 = tpu.vector_load %arg14[%get3A_771, %get3A_772] {strides = array<i32>} : memref<64x384xf32, #tpu.memory_space<vmem>>, vector<16xf32>,
          %mul3A_774 = arith.mulf %gather3A_725, %get3A_773 : vector<16xf32>
          %add3A_775 = arith.addf %add3A_768, %mul3A_774 : vector<16xf32>
          %add3A_776 = arith.constant 48 : i32
          %add3A_777 = arith.addi %scan3A_704, %add3A_776 : i32
          %get3A_778 = arith.index_cast %add3A_777 : i32 to index
          %get3A_779 = arith.constant 16 : index
          %get3A_780 = tpu.vector_load %arg14[%get3A_778, %get3A_779] {strides = array<i32>} : memref<64x384xf32, #tpu.memory_space<vmem>>, vector<16xf32>,
          %mul3A_781 = arith.mulf %gather3A_729, %get3A_780 : vector<16xf32>
          %add3A_782 = arith.addf %add3A_775, %mul3A_781 : vector<16xf32>
          %swap3A_783 = arith.index_cast %scan3A_704 : i32 to index
          %swap3A_784 = arith.constant 16 : index
          %swap3A_785 = tpu.vector_load %arg16[%swap3A_783, %swap3A_784] {strides = array<i32>} : memref<16x384xf32, #tpu.memory_space<vmem>>, vector<16xf32>,
          tpu.vector_store %arg16[%swap3A_783, %swap3A_784], %add3A_782 {strides = array<i32>} : memref<16x384xf32, #tpu.memory_space<vmem>>, vector<16xf32>,
          %get3A_786 = arith.index_cast %scan3A_704 : i32 to index
          %get3A_787 = arith.constant 32 : index
          %get3A_788 = tpu.vector_load %arg14[%get3A_786, %get3A_787] {strides = array<i32>} : memref<64x384xf32, #tpu.memory_space<vmem>>, vector<16xf32>,
          %mul3A_789 = arith.mulf %gather3A_717, %get3A_788 : vector<16xf32>
          %add3A_790 = arith.constant 16 : i32
          %add3A_791 = arith.addi %scan3A_704, %add3A_790 : i32
          %get3A_792 = arith.index_cast %add3A_791 : i32 to index
          %get3A_793 = arith.constant 32 : index
          %get3A_794 = tpu.vector_load %arg14[%get3A_792, %get3A_793] {strides = array<i32>} : memref<64x384xf32, #tpu.memory_space<vmem>>, vector<16xf32>,
          %mul3A_795 = arith.mulf %gather3A_721, %get3A_794 : vector<16xf32>
          %add3A_796 = arith.addf %mul3A_789, %mul3A_795 : vector<16xf32>
          %add3A_797 = arith.constant 32 : i32
          %add3A_798 = arith.addi %scan3A_704, %add3A_797 : i32
          %get3A_799 = arith.index_cast %add3A_798 : i32 to index
          %get3A_800 = arith.constant 32 : index
          %get3A_801 = tpu.vector_load %arg14[%get3A_799, %get3A_800] {strides = array<i32>} : memref<64x384xf32, #tpu.memory_space<vmem>>, vector<16xf32>,
          %mul3A_802 = arith.mulf %gather3A_725, %get3A_801 : vector<16xf32>
          %add3A_803 = arith.addf %add3A_796, %mul3A_802 : vector<16xf32>
          %add3A_804 = arith.constant 48 : i32
          %add3A_805 = arith.addi %scan3A_704, %add3A_804 : i32
          %get3A_806 = arith.index_cast %add3A_805 : i32 to index
          %get3A_807 = arith.constant 32 : index
          %get3A_808 = tpu.vector_load %arg14[%get3A_806, %get3A_807] {strides = array<i32>} : memref<64x384xf32, #tpu.memory_space<vmem>>, vector<16xf32>,
          %mul3A_809 = arith.mulf %gather3A_729, %get3A_808 : vector<16xf32>
          %add3A_810 = arith.addf %add3A_803, %mul3A_809 : vector<16xf32>
          %swap3A_811 = arith.index_cast %scan3A_704 : i32 to index
          %swap3A_812 = arith.constant 32 : index
          %swap3A_813 = tpu.vector_load %arg16[%swap3A_811, %swap3A_812] {strides = array<i32>} : memref<16x384xf32, #tpu.memory_space<vmem>>, vector<16xf32>,
          tpu.vector_store %arg16[%swap3A_811, %swap3A_812], %add3A_810 {strides = array<i32>} : memref<16x384xf32, #tpu.memory_space<vmem>>, vector<16xf32>,
          %get3A_814 = arith.index_cast %scan3A_704 : i32 to index
          %get3A_815 = arith.constant 48 : index
          %get3A_816 = tpu.vector_load %arg14[%get3A_814, %get3A_815] {strides = array<i32>} : memref<64x384xf32, #tpu.memory_space<vmem>>, vector<16xf32>,
          %mul3A_817 = arith.mulf %gather3A_717, %get3A_816 : vector<16xf32>
          %add3A_818 = arith.constant 16 : i32
          %add3A_819 = arith.addi %scan3A_704, %add3A_818 : i32
          %get3A_820 = arith.index_cast %add3A_819 : i32 to index
          %get3A_821 = arith.constant 48 : index
          %get3A_822 = tpu.vector_load %arg14[%get3A_820, %get3A_821] {strides = array<i32>} : memref<64x384xf32, #tpu.memory_space<vmem>>, vector<16xf32>,
          %mul3A_823 = arith.mulf %gather3A_721, %get3A_822 : vector<16xf32>
          %add3A_824 = arith.addf %mul3A_817, %mul3A_823 : vector<16xf32>
          %add3A_825 = arith.constant 32 : i32
          %add3A_826 = arith.addi %scan3A_704, %add3A_825 : i32
          %get3A_827 = arith.index_cast %add3A_826 : i32 to index
          %get3A_828 = arith.constant 48 : index
          %get3A_829 = tpu.vector_load %arg14[%get3A_827, %get3A_828] {strides = array<i32>} : memref<64x384xf32, #tpu.memory_space<vmem>>, vector<16xf32>,
          %mul3A_830 = arith.mulf %gather3A_725, %get3A_829 : vector<16xf32>
          %add3A_831 = arith.addf %add3A_824, %mul3A_830 : vector<16xf32>
          %add3A_832 = arith.constant 48 : i32
          %add3A_833 = arith.addi %scan3A_704, %add3A_832 : i32
          %get3A_834 = arith.index_cast %add3A_833 : i32 to index
          %get3A_835 = arith.constant 48 : index
          %get3A_836 = tpu.vector_load %arg14[%get3A_834, %get3A_835] {strides = array<i32>} : memref<64x384xf32, #tpu.memory_space<vmem>>, vector<16xf32>,
          %mul3A_837 = arith.mulf %gather3A_729, %get3A_836 : vector<16xf32>
          %add3A_838 = arith.addf %add3A_831, %mul3A_837 : vector<16xf32>
          %swap3A_839 = arith.index_cast %scan3A_704 : i32 to index
          %swap3A_840 = arith.constant 48 : index
          %swap3A_841 = tpu.vector_load %arg16[%swap3A_839, %swap3A_840] {strides = array<i32>} : memref<16x384xf32, #tpu.memory_space<vmem>>, vector<16xf32>,
          tpu.vector_store %arg16[%swap3A_839, %swap3A_840], %add3A_838 {strides = array<i32>} : memref<16x384xf32, #tpu.memory_space<vmem>>, vector<16xf32>,
          %get3A_842 = arith.index_cast %scan3A_704 : i32 to index
          %get3A_843 = arith.constant 64 : index
          %get3A_844 = tpu.vector_load %arg14[%get3A_842, %get3A_843] {strides = array<i32>} : memref<64x384xf32, #tpu.memory_space<vmem>>, vector<16xf32>,
          %mul3A_845 = arith.mulf %gather3A_717, %get3A_844 : vector<16xf32>
          %add3A_846 = arith.constant 16 : i32
          %add3A_847 = arith.addi %scan3A_704, %add3A_846 : i32
          %get3A_848 = arith.index_cast %add3A_847 : i32 to index
          %get3A_849 = arith.constant 64 : index
          %get3A_850 = tpu.vector_load %arg14[%get3A_848, %get3A_849] {strides = array<i32>} : memref<64x384xf32, #tpu.memory_space<vmem>>, vector<16xf32>,
          %mul3A_851 = arith.mulf %gather3A_721, %get3A_850 : vector<16xf32>
          %add3A_852 = arith.addf %mul3A_845, %mul3A_851 : vector<16xf32>
          %add3A_853 = arith.constant 32 : i32
          %add3A_854 = arith.addi %scan3A_704, %add3A_853 : i32
          %get3A_855 = arith.index_cast %add3A_854 : i32 to index
          %get3A_856 = arith.constant 64 : index
          %get3A_857 = tpu.vector_load %arg14[%get3A_855, %get3A_856] {strides = array<i32>} : memref<64x384xf32, #tpu.memory_space<vmem>>, vector<16xf32>,
          %mul3A_858 = arith.mulf %gather3A_725, %get3A_857 : vector<16xf32>
          %add3A_859 = arith.addf %add3A_852, %mul3A_858 : vector<16xf32>
          %add3A_860 = arith.constant 48 : i32
          %add3A_861 = arith.addi %scan3A_704, %add3A_860 : i32
          %get3A_862 = arith.index_cast %add3A_861 : i32 to index
          %get3A_863 = arith.constant 64 : index
          %get3A_864 = tpu.vector_load %arg14[%get3A_862, %get3A_863] {strides = array<i32>} : memref<64x384xf32, #tpu.memory_space<vmem>>, vector<16xf32>,
          %mul3A_865 = arith.mulf %gather3A_729, %get3A_864 : vector<16xf32>
          %add3A_866 = arith.addf %add3A_859, %mul3A_865 : vector<16xf32>
          %swap3A_867 = arith.index_cast %scan3A_704 : i32 to index
          %swap3A_868 = arith.constant 64 : index
          %swap3A_869 = tpu.vector_load %arg16[%swap3A_867, %swap3A_868] {strides = array<i32>} : memref<16x384xf32, #tpu.memory_space<vmem>>, vector<16xf32>,
          tpu.vector_store %arg16[%swap3A_867, %swap3A_868], %add3A_866 {strides = array<i32>} : memref<16x384xf32, #tpu.memory_space<vmem>>, vector<16xf32>,
          %get3A_870 = arith.index_cast %scan3A_704 : i32 to index
          %get3A_871 = arith.constant 80 : index
          %get3A_872 = tpu.vector_load %arg14[%get3A_870, %get3A_871] {strides = array<i32>} : memref<64x384xf32, #tpu.memory_space<vmem>>, vector<16xf32>,
          %mul3A_873 = arith.mulf %gather3A_717, %get3A_872 : vector<16xf32>
          %add3A_874 = arith.constant 16 : i32
          %add3A_875 = arith.addi %scan3A_704, %add3A_874 : i32
          %get3A_876 = arith.index_cast %add3A_875 : i32 to index
          %get3A_877 = arith.constant 80 : index
          %get3A_878 = tpu.vector_load %arg14[%get3A_876, %get3A_877] {strides = array<i32>} : memref<64x384xf32, #tpu.memory_space<vmem>>, vector<16xf32>,
          %mul3A_879 = arith.mulf %gather3A_721, %get3A_878 : vector<16xf32>
          %add3A_880 = arith.addf %mul3A_873, %mul3A_879 : vector<16xf32>
          %add3A_881 = arith.constant 32 : i32
          %add3A_882 = arith.addi %scan3A_704, %add3A_881 : i32
          %get3A_883 = arith.index_cast %add3A_882 : i32 to index
          %get3A_884 = arith.constant 80 : index
          %get3A_885 = tpu.vector_load %arg14[%get3A_883, %get3A_884] {strides = array<i32>} : memref<64x384xf32, #tpu.memory_space<vmem>>, vector<16xf32>,
          %mul3A_886 = arith.mulf %gather3A_725, %get3A_885 : vector<16xf32>
          %add3A_887 = arith.addf %add3A_880, %mul3A_886 : vector<16xf32>
          %add3A_888 = arith.constant 48 : i32
          %add3A_889 = arith.addi %scan3A_704, %add3A_888 : i32
          %get3A_890 = arith.index_cast %add3A_889 : i32 to index
          %get3A_891 = arith.constant 80 : index
          %get3A_892 = tpu.vector_load %arg14[%get3A_890, %get3A_891] {strides = array<i32>} : memref<64x384xf32, #tpu.memory_space<vmem>>, vector<16xf32>,
          %mul3A_893 = arith.mulf %gather3A_729, %get3A_892 : vector<16xf32>
          %add3A_894 = arith.addf %add3A_887, %mul3A_893 : vector<16xf32>
          %swap3A_895 = arith.index_cast %scan3A_704 : i32 to index
          %swap3A_896 = arith.constant 80 : index
          %swap3A_897 = tpu.vector_load %arg16[%swap3A_895, %swap3A_896] {strides = array<i32>} : memref<16x384xf32, #tpu.memory_space<vmem>>, vector<16xf32>,
          tpu.vector_store %arg16[%swap3A_895, %swap3A_896], %add3A_894 {strides = array<i32>} : memref<16x384xf32, #tpu.memory_space<vmem>>, vector<16xf32>,
          %get3A_898 = arith.index_cast %scan3A_704 : i32 to index
          %get3A_899 = arith.constant 96 : index
          %get3A_900 = tpu.vector_load %arg14[%get3A_898, %get3A_899] {strides = array<i32>} : memref<64x384xf32, #tpu.memory_space<vmem>>, vector<16xf32>,
          %mul3A_901 = arith.mulf %gather3A_717, %get3A_900 : vector<16xf32>
          %add3A_902 = arith.constant 16 : i32
          %add3A_903 = arith.addi %scan3A_704, %add3A_902 : i32
          %get3A_904 = arith.index_cast %add3A_903 : i32 to index
          %get3A_905 = arith.constant 96 : index
          %get3A_906 = tpu.vector_load %arg14[%get3A_904, %get3A_905] {strides = array<i32>} : memref<64x384xf32, #tpu.memory_space<vmem>>, vector<16xf32>,
          %mul3A_907 = arith.mulf %gather3A_721, %get3A_906 : vector<16xf32>
          %add3A_908 = arith.addf %mul3A_901, %mul3A_907 : vector<16xf32>
          %add3A_909 = arith.constant 32 : i32
          %add3A_910 = arith.addi %scan3A_704, %add3A_909 : i32
          %get3A_911 = arith.index_cast %add3A_910 : i32 to index
          %get3A_912 = arith.constant 96 : index
          %get3A_913 = tpu.vector_load %arg14[%get3A_911, %get3A_912] {strides = array<i32>} : memref<64x384xf32, #tpu.memory_space<vmem>>, vector<16xf32>,
          %mul3A_914 = arith.mulf %gather3A_725, %get3A_913 : vector<16xf32>
          %add3A_915 = arith.addf %add3A_908, %mul3A_914 : vector<16xf32>
          %add3A_916 = arith.constant 48 : i32
          %add3A_917 = arith.addi %scan3A_704, %add3A_916 : i32
          %get3A_918 = arith.index_cast %add3A_917 : i32 to index
          %get3A_919 = arith.constant 96 : index
          %get3A_920 = tpu.vector_load %arg14[%get3A_918, %get3A_919] {strides = array<i32>} : memref<64x384xf32, #tpu.memory_space<vmem>>, vector<16xf32>,
          %mul3A_921 = arith.mulf %gather3A_729, %get3A_920 : vector<16xf32>
          %add3A_922 = arith.addf %add3A_915, %mul3A_921 : vector<16xf32>
          %swap3A_923 = arith.index_cast %scan3A_704 : i32 to index
          %swap3A_924 = arith.constant 96 : index
          %swap3A_925 = tpu.vector_load %arg16[%swap3A_923, %swap3A_924] {strides = array<i32>} : memref<16x384xf32, #tpu.memory_space<vmem>>, vector<16xf32>,
          tpu.vector_store %arg16[%swap3A_923, %swap3A_924], %add3A_922 {strides = array<i32>} : memref<16x384xf32, #tpu.memory_space<vmem>>, vector<16xf32>,
          %get3A_926 = arith.index_cast %scan3A_704 : i32 to index
          %get3A_927 = arith.constant 112 : index
          %get3A_928 = tpu.vector_load %arg14[%get3A_926, %get3A_927] {strides = array<i32>} : memref<64x384xf32, #tpu.memory_space<vmem>>, vector<16xf32>,
          %mul3A_929 = arith.mulf %gather3A_717, %get3A_928 : vector<16xf32>
          %add3A_930 = arith.constant 16 : i32
          %add3A_931 = arith.addi %scan3A_704, %add3A_930 : i32
          %get3A_932 = arith.index_cast %add3A_931 : i32 to index
          %get3A_933 = arith.constant 112 : index
          %get3A_934 = tpu.vector_load %arg14[%get3A_932, %get3A_933] {strides = array<i32>} : memref<64x384xf32, #tpu.memory_space<vmem>>, vector<16xf32>,
          %mul3A_935 = arith.mulf %gather3A_721, %get3A_934 : vector<16xf32>
          %add3A_936 = arith.addf %mul3A_929, %mul3A_935 : vector<16xf32>
          %add3A_937 = arith.constant 32 : i32
          %add3A_938 = arith.addi %scan3A_704, %add3A_937 : i32
          %get3A_939 = arith.index_cast %add3A_938 : i32 to index
          %get3A_940 = arith.constant 112 : index
          %get3A_941 = tpu.vector_load %arg14[%get3A_939, %get3A_940] {strides = array<i32>} : memref<64x384xf32, #tpu.memory_space<vmem>>, vector<16xf32>,
          %mul3A_942 = arith.mulf %gather3A_725, %get3A_941 : vector<16xf32>
          %add3A_943 = arith.addf %add3A_936, %mul3A_942 : vector<16xf32>
          %add3A_944 = arith.constant 48 : i32
          %add3A_945 = arith.addi %scan3A_704, %add3A_944 : i32
          %get3A_946 = arith.index_cast %add3A_945 : i32 to index
          %get3A_947 = arith.constant 112 : index
          %get3A_948 = tpu.vector_load %arg14[%get3A_946, %get3A_947] {strides = array<i32>} : memref<64x384xf32, #tpu.memory_space<vmem>>, vector<16xf32>,
          %mul3A_949 = arith.mulf %gather3A_729, %get3A_948 : vector<16xf32>
          %add3A_950 = arith.addf %add3A_943, %mul3A_949 : vector<16xf32>
          %swap3A_951 = arith.index_cast %scan3A_704 : i32 to index
          %swap3A_952 = arith.constant 112 : index
          %swap3A_953 = tpu.vector_load %arg16[%swap3A_951, %swap3A_952] {strides = array<i32>} : memref<16x384xf32, #tpu.memory_space<vmem>>, vector<16xf32>,
          tpu.vector_store %arg16[%swap3A_951, %swap3A_952], %add3A_950 {strides = array<i32>} : memref<16x384xf32, #tpu.memory_space<vmem>>, vector<16xf32>,
          %get3A_954 = arith.index_cast %scan3A_704 : i32 to index
          %get3A_955 = arith.constant 128 : index
          %get3A_956 = tpu.vector_load %arg14[%get3A_954, %get3A_955] {strides = array<i32>} : memref<64x384xf32, #tpu.memory_space<vmem>>, vector<16xf32>,
          %mul3A_957 = arith.mulf %gather3A_717, %get3A_956 : vector<16xf32>
          %add3A_958 = arith.constant 16 : i32
          %add3A_959 = arith.addi %scan3A_704, %add3A_958 : i32
          %get3A_960 = arith.index_cast %add3A_959 : i32 to index
          %get3A_961 = arith.constant 128 : index
          %get3A_962 = tpu.vector_load %arg14[%get3A_960, %get3A_961] {strides = array<i32>} : memref<64x384xf32, #tpu.memory_space<vmem>>, vector<16xf32>,
          %mul3A_963 = arith.mulf %gather3A_721, %get3A_962 : vector<16xf32>
          %add3A_964 = arith.addf %mul3A_957, %mul3A_963 : vector<16xf32>
          %add3A_965 = arith.constant 32 : i32
          %add3A_966 = arith.addi %scan3A_704, %add3A_965 : i32
          %get3A_967 = arith.index_cast %add3A_966 : i32 to index
          %get3A_968 = arith.constant 128 : index
          %get3A_969 = tpu.vector_load %arg14[%get3A_967, %get3A_968] {strides = array<i32>} : memref<64x384xf32, #tpu.memory_space<vmem>>, vector<16xf32>,
          %mul3A_970 = arith.mulf %gather3A_725, %get3A_969 : vector<16xf32>
          %add3A_971 = arith.addf %add3A_964, %mul3A_970 : vector<16xf32>
          %add3A_972 = arith.constant 48 : i32
          %add3A_973 = arith.addi %scan3A_704, %add3A_972 : i32
          %get3A_974 = arith.index_cast %add3A_973 : i32 to index
          %get3A_975 = arith.constant 128 : index
          %get3A_976 = tpu.vector_load %arg14[%get3A_974, %get3A_975] {strides = array<i32>} : memref<64x384xf32, #tpu.memory_space<vmem>>, vector<16xf32>,
          %mul3A_977 = arith.mulf %gather3A_729, %get3A_976 : vector<16xf32>
          %add3A_978 = arith.addf %add3A_971, %mul3A_977 : vector<16xf32>
          %swap3A_979 = arith.index_cast %scan3A_704 : i32 to index
          %swap3A_980 = arith.constant 128 : index
          %swap3A_981 = tpu.vector_load %arg16[%swap3A_979, %swap3A_980] {strides = array<i32>} : memref<16x384xf32, #tpu.memory_space<vmem>>, vector<16xf32>,
          tpu.vector_store %arg16[%swap3A_979, %swap3A_980], %add3A_978 {strides = array<i32>} : memref<16x384xf32, #tpu.memory_space<vmem>>, vector<16xf32>,
          %get3A_982 = arith.index_cast %scan3A_704 : i32 to index
          %get3A_983 = arith.constant 144 : index
          %get3A_984 = tpu.vector_load %arg14[%get3A_982, %get3A_983] {strides = array<i32>} : memref<64x384xf32, #tpu.memory_space<vmem>>, vector<16xf32>,
          %mul3A_985 = arith.mulf %gather3A_717, %get3A_984 : vector<16xf32>
          %add3A_986 = arith.constant 16 : i32
          %add3A_987 = arith.addi %scan3A_704, %add3A_986 : i32
          %get3A_988 = arith.index_cast %add3A_987 : i32 to index
          %get3A_989 = arith.constant 144 : index
          %get3A_990 = tpu.vector_load %arg14[%get3A_988, %get3A_989] {strides = array<i32>} : memref<64x384xf32, #tpu.memory_space<vmem>>, vector<16xf32>,
          %mul3A_991 = arith.mulf %gather3A_721, %get3A_990 : vector<16xf32>
          %add3A_992 = arith.addf %mul3A_985, %mul3A_991 : vector<16xf32>
          %add3A_993 = arith.constant 32 : i32
          %add3A_994 = arith.addi %scan3A_704, %add3A_993 : i32
          %get3A_995 = arith.index_cast %add3A_994 : i32 to index
          %get3A_996 = arith.constant 144 : index
          %get3A_997 = tpu.vector_load %arg14[%get3A_995, %get3A_996] {strides = array<i32>} : memref<64x384xf32, #tpu.memory_space<vmem>>, vector<16xf32>,
          %mul3A_998 = arith.mulf %gather3A_725, %get3A_997 : vector<16xf32>
          %add3A_999 = arith.addf %add3A_992, %mul3A_998 : vector<16xf32>
          %add3A_1000 = arith.constant 48 : i32
          %add3A_1001 = arith.addi %scan3A_704, %add3A_1000 : i32
          %get3A_1002 = arith.index_cast %add3A_1001 : i32 to index
          %get3A_1003 = arith.constant 144 : index
          %get3A_1004 = tpu.vector_load %arg14[%get3A_1002, %get3A_1003] {strides = array<i32>} : memref<64x384xf32, #tpu.memory_space<vmem>>, vector<16xf32>,
          %mul3A_1005 = arith.mulf %gather3A_729, %get3A_1004 : vector<16xf32>
          %add3A_1006 = arith.addf %add3A_999, %mul3A_1005 : vector<16xf32>
          %swap3A_1007 = arith.index_cast %scan3A_704 : i32 to index
          %swap3A_1008 = arith.constant 144 : index
          %swap3A_1009 = tpu.vector_load %arg16[%swap3A_1007, %swap3A_1008] {strides = array<i32>} : memref<16x384xf32, #tpu.memory_space<vmem>>, vector<16xf32>,
          tpu.vector_store %arg16[%swap3A_1007, %swap3A_1008], %add3A_1006 {strides = array<i32>} : memref<16x384xf32, #tpu.memory_space<vmem>>, vector<16xf32>,
          %get3A_1010 = arith.index_cast %scan3A_704 : i32 to index
          %get3A_1011 = arith.constant 160 : index
          %get3A_1012 = tpu.vector_load %arg14[%get3A_1010, %get3A_1011] {strides = array<i32>} : memref<64x384xf32, #tpu.memory_space<vmem>>, vector<16xf32>,
          %mul3A_1013 = arith.mulf %gather3A_717, %get3A_1012 : vector<16xf32>
          %add3A_1014 = arith.constant 16 : i32
          %add3A_1015 = arith.addi %scan3A_704, %add3A_1014 : i32
          %get3A_1016 = arith.index_cast %add3A_1015 : i32 to index
          %get3A_1017 = arith.constant 160 : index
          %get3A_1018 = tpu.vector_load %arg14[%get3A_1016, %get3A_1017] {strides = array<i32>} : memref<64x384xf32, #tpu.memory_space<vmem>>, vector<16xf32>,
          %mul3A_1019 = arith.mulf %gather3A_721, %get3A_1018 : vector<16xf32>
          %add3A_1020 = arith.addf %mul3A_1013, %mul3A_1019 : vector<16xf32>
          %add3A_1021 = arith.constant 32 : i32
          %add3A_1022 = arith.addi %scan3A_704, %add3A_1021 : i32
          %get3A_1023 = arith.index_cast %add3A_1022 : i32 to index
          %get3A_1024 = arith.constant 160 : index
          %get3A_1025 = tpu.vector_load %arg14[%get3A_1023, %get3A_1024] {strides = array<i32>} : memref<64x384xf32, #tpu.memory_space<vmem>>, vector<16xf32>,
          %mul3A_1026 = arith.mulf %gather3A_725, %get3A_1025 : vector<16xf32>
          %add3A_1027 = arith.addf %add3A_1020, %mul3A_1026 : vector<16xf32>
          %add3A_1028 = arith.constant 48 : i32
          %add3A_1029 = arith.addi %scan3A_704, %add3A_1028 : i32
          %get3A_1030 = arith.index_cast %add3A_1029 : i32 to index
          %get3A_1031 = arith.constant 160 : index
          %get3A_1032 = tpu.vector_load %arg14[%get3A_1030, %get3A_1031] {strides = array<i32>} : memref<64x384xf32, #tpu.memory_space<vmem>>, vector<16xf32>,
          %mul3A_1033 = arith.mulf %gather3A_729, %get3A_1032 : vector<16xf32>
          %add3A_1034 = arith.addf %add3A_1027, %mul3A_1033 : vector<16xf32>
          %swap3A_1035 = arith.index_cast %scan3A_704 : i32 to index
          %swap3A_1036 = arith.constant 160 : index
          %swap3A_1037 = tpu.vector_load %arg16[%swap3A_1035, %swap3A_1036] {strides = array<i32>} : memref<16x384xf32, #tpu.memory_space<vmem>>, vector<16xf32>,
          tpu.vector_store %arg16[%swap3A_1035, %swap3A_1036], %add3A_1034 {strides = array<i32>} : memref<16x384xf32, #tpu.memory_space<vmem>>, vector<16xf32>,
          %get3A_1038 = arith.index_cast %scan3A_704 : i32 to index
          %get3A_1039 = arith.constant 176 : index
          %get3A_1040 = tpu.vector_load %arg14[%get3A_1038, %get3A_1039] {strides = array<i32>} : memref<64x384xf32, #tpu.memory_space<vmem>>, vector<16xf32>,
          %mul3A_1041 = arith.mulf %gather3A_717, %get3A_1040 : vector<16xf32>
          %add3A_1042 = arith.constant 16 : i32
          %add3A_1043 = arith.addi %scan3A_704, %add3A_1042 : i32
          %get3A_1044 = arith.index_cast %add3A_1043 : i32 to index
          %get3A_1045 = arith.constant 176 : index
          %get3A_1046 = tpu.vector_load %arg14[%get3A_1044, %get3A_1045] {strides = array<i32>} : memref<64x384xf32, #tpu.memory_space<vmem>>, vector<16xf32>,
          %mul3A_1047 = arith.mulf %gather3A_721, %get3A_1046 : vector<16xf32>
          %add3A_1048 = arith.addf %mul3A_1041, %mul3A_1047 : vector<16xf32>
          %add3A_1049 = arith.constant 32 : i32
          %add3A_1050 = arith.addi %scan3A_704, %add3A_1049 : i32
          %get3A_1051 = arith.index_cast %add3A_1050 : i32 to index
          %get3A_1052 = arith.constant 176 : index
          %get3A_1053 = tpu.vector_load %arg14[%get3A_1051, %get3A_1052] {strides = array<i32>} : memref<64x384xf32, #tpu.memory_space<vmem>>, vector<16xf32>,
          %mul3A_1054 = arith.mulf %gather3A_725, %get3A_1053 : vector<16xf32>
          %add3A_1055 = arith.addf %add3A_1048, %mul3A_1054 : vector<16xf32>
          %add3A_1056 = arith.constant 48 : i32
          %add3A_1057 = arith.addi %scan3A_704, %add3A_1056 : i32
          %get3A_1058 = arith.index_cast %add3A_1057 : i32 to index
          %get3A_1059 = arith.constant 176 : index
          %get3A_1060 = tpu.vector_load %arg14[%get3A_1058, %get3A_1059] {strides = array<i32>} : memref<64x384xf32, #tpu.memory_space<vmem>>, vector<16xf32>,
          %mul3A_1061 = arith.mulf %gather3A_729, %get3A_1060 : vector<16xf32>
          %add3A_1062 = arith.addf %add3A_1055, %mul3A_1061 : vector<16xf32>
          %swap3A_1063 = arith.index_cast %scan3A_704 : i32 to index
          %swap3A_1064 = arith.constant 176 : index
          %swap3A_1065 = tpu.vector_load %arg16[%swap3A_1063, %swap3A_1064] {strides = array<i32>} : memref<16x384xf32, #tpu.memory_space<vmem>>, vector<16xf32>,
          tpu.vector_store %arg16[%swap3A_1063, %swap3A_1064], %add3A_1062 {strides = array<i32>} : memref<16x384xf32, #tpu.memory_space<vmem>>, vector<16xf32>,
          %get3A_1066 = arith.index_cast %scan3A_704 : i32 to index
          %get3A_1067 = arith.constant 192 : index
          %get3A_1068 = tpu.vector_load %arg14[%get3A_1066, %get3A_1067] {strides = array<i32>} : memref<64x384xf32, #tpu.memory_space<vmem>>, vector<16xf32>,
          %mul3A_1069 = arith.mulf %gather3A_717, %get3A_1068 : vector<16xf32>
          %add3A_1070 = arith.constant 16 : i32
          %add3A_1071 = arith.addi %scan3A_704, %add3A_1070 : i32
          %get3A_1072 = arith.index_cast %add3A_1071 : i32 to index
          %get3A_1073 = arith.constant 192 : index
          %get3A_1074 = tpu.vector_load %arg14[%get3A_1072, %get3A_1073] {strides = array<i32>} : memref<64x384xf32, #tpu.memory_space<vmem>>, vector<16xf32>,
          %mul3A_1075 = arith.mulf %gather3A_721, %get3A_1074 : vector<16xf32>
          %add3A_1076 = arith.addf %mul3A_1069, %mul3A_1075 : vector<16xf32>
          %add3A_1077 = arith.constant 32 : i32
          %add3A_1078 = arith.addi %scan3A_704, %add3A_1077 : i32
          %get3A_1079 = arith.index_cast %add3A_1078 : i32 to index
          %get3A_1080 = arith.constant 192 : index
          %get3A_1081 = tpu.vector_load %arg14[%get3A_1079, %get3A_1080] {strides = array<i32>} : memref<64x384xf32, #tpu.memory_space<vmem>>, vector<16xf32>,
          %mul3A_1082 = arith.mulf %gather3A_725, %get3A_1081 : vector<16xf32>
          %add3A_1083 = arith.addf %add3A_1076, %mul3A_1082 : vector<16xf32>
          %add3A_1084 = arith.constant 48 : i32
          %add3A_1085 = arith.addi %scan3A_704, %add3A_1084 : i32
          %get3A_1086 = arith.index_cast %add3A_1085 : i32 to index
          %get3A_1087 = arith.constant 192 : index
          %get3A_1088 = tpu.vector_load %arg14[%get3A_1086, %get3A_1087] {strides = array<i32>} : memref<64x384xf32, #tpu.memory_space<vmem>>, vector<16xf32>,
          %mul3A_1089 = arith.mulf %gather3A_729, %get3A_1088 : vector<16xf32>
          %add3A_1090 = arith.addf %add3A_1083, %mul3A_1089 : vector<16xf32>
          %swap3A_1091 = arith.index_cast %scan3A_704 : i32 to index
          %swap3A_1092 = arith.constant 192 : index
          %swap3A_1093 = tpu.vector_load %arg16[%swap3A_1091, %swap3A_1092] {strides = array<i32>} : memref<16x384xf32, #tpu.memory_space<vmem>>, vector<16xf32>,
          tpu.vector_store %arg16[%swap3A_1091, %swap3A_1092], %add3A_1090 {strides = array<i32>} : memref<16x384xf32, #tpu.memory_space<vmem>>, vector<16xf32>,
          %get3A_1094 = arith.index_cast %scan3A_704 : i32 to index
          %get3A_1095 = arith.constant 208 : index
          %get3A_1096 = tpu.vector_load %arg14[%get3A_1094, %get3A_1095] {strides = array<i32>} : memref<64x384xf32, #tpu.memory_space<vmem>>, vector<16xf32>,
          %mul3A_1097 = arith.mulf %gather3A_717, %get3A_1096 : vector<16xf32>
          %add3A_1098 = arith.constant 16 : i32
          %add3A_1099 = arith.addi %scan3A_704, %add3A_1098 : i32
          %get3A_1100 = arith.index_cast %add3A_1099 : i32 to index
          %get3A_1101 = arith.constant 208 : index
          %get3A_1102 = tpu.vector_load %arg14[%get3A_1100, %get3A_1101] {strides = array<i32>} : memref<64x384xf32, #tpu.memory_space<vmem>>, vector<16xf32>,
          %mul3A_1103 = arith.mulf %gather3A_721, %get3A_1102 : vector<16xf32>
          %add3A_1104 = arith.addf %mul3A_1097, %mul3A_1103 : vector<16xf32>
          %add3A_1105 = arith.constant 32 : i32
          %add3A_1106 = arith.addi %scan3A_704, %add3A_1105 : i32
          %get3A_1107 = arith.index_cast %add3A_1106 : i32 to index
          %get3A_1108 = arith.constant 208 : index
          %get3A_1109 = tpu.vector_load %arg14[%get3A_1107, %get3A_1108] {strides = array<i32>} : memref<64x384xf32, #tpu.memory_space<vmem>>, vector<16xf32>,
          %mul3A_1110 = arith.mulf %gather3A_725, %get3A_1109 : vector<16xf32>
          %add3A_1111 = arith.addf %add3A_1104, %mul3A_1110 : vector<16xf32>
          %add3A_1112 = arith.constant 48 : i32
          %add3A_1113 = arith.addi %scan3A_704, %add3A_1112 : i32
          %get3A_1114 = arith.index_cast %add3A_1113 : i32 to index
          %get3A_1115 = arith.constant 208 : index
          %get3A_1116 = tpu.vector_load %arg14[%get3A_1114, %get3A_1115] {strides = array<i32>} : memref<64x384xf32, #tpu.memory_space<vmem>>, vector<16xf32>,
          %mul3A_1117 = arith.mulf %gather3A_729, %get3A_1116 : vector<16xf32>
          %add3A_1118 = arith.addf %add3A_1111, %mul3A_1117 : vector<16xf32>
          %swap3A_1119 = arith.index_cast %scan3A_704 : i32 to index
          %swap3A_1120 = arith.constant 208 : index
          %swap3A_1121 = tpu.vector_load %arg16[%swap3A_1119, %swap3A_1120] {strides = array<i32>} : memref<16x384xf32, #tpu.memory_space<vmem>>, vector<16xf32>,
          tpu.vector_store %arg16[%swap3A_1119, %swap3A_1120], %add3A_1118 {strides = array<i32>} : memref<16x384xf32, #tpu.memory_space<vmem>>, vector<16xf32>,
          %get3A_1122 = arith.index_cast %scan3A_704 : i32 to index
          %get3A_1123 = arith.constant 224 : index
          %get3A_1124 = tpu.vector_load %arg14[%get3A_1122, %get3A_1123] {strides = array<i32>} : memref<64x384xf32, #tpu.memory_space<vmem>>, vector<16xf32>,
          %mul3A_1125 = arith.mulf %gather3A_717, %get3A_1124 : vector<16xf32>
          %add3A_1126 = arith.constant 16 : i32
          %add3A_1127 = arith.addi %scan3A_704, %add3A_1126 : i32
          %get3A_1128 = arith.index_cast %add3A_1127 : i32 to index
          %get3A_1129 = arith.constant 224 : index
          %get3A_1130 = tpu.vector_load %arg14[%get3A_1128, %get3A_1129] {strides = array<i32>} : memref<64x384xf32, #tpu.memory_space<vmem>>, vector<16xf32>,
          %mul3A_1131 = arith.mulf %gather3A_721, %get3A_1130 : vector<16xf32>
          %add3A_1132 = arith.addf %mul3A_1125, %mul3A_1131 : vector<16xf32>
          %add3A_1133 = arith.constant 32 : i32
          %add3A_1134 = arith.addi %scan3A_704, %add3A_1133 : i32
          %get3A_1135 = arith.index_cast %add3A_1134 : i32 to index
          %get3A_1136 = arith.constant 224 : index
          %get3A_1137 = tpu.vector_load %arg14[%get3A_1135, %get3A_1136] {strides = array<i32>} : memref<64x384xf32, #tpu.memory_space<vmem>>, vector<16xf32>,
          %mul3A_1138 = arith.mulf %gather3A_725, %get3A_1137 : vector<16xf32>
          %add3A_1139 = arith.addf %add3A_1132, %mul3A_1138 : vector<16xf32>
          %add3A_1140 = arith.constant 48 : i32
          %add3A_1141 = arith.addi %scan3A_704, %add3A_1140 : i32
          %get3A_1142 = arith.index_cast %add3A_1141 : i32 to index
          %get3A_1143 = arith.constant 224 : index
          %get3A_1144 = tpu.vector_load %arg14[%get3A_1142, %get3A_1143] {strides = array<i32>} : memref<64x384xf32, #tpu.memory_space<vmem>>, vector<16xf32>,
          %mul3A_1145 = arith.mulf %gather3A_729, %get3A_1144 : vector<16xf32>
          %add3A_1146 = arith.addf %add3A_1139, %mul3A_1145 : vector<16xf32>
          %swap3A_1147 = arith.index_cast %scan3A_704 : i32 to index
          %swap3A_1148 = arith.constant 224 : index
          %swap3A_1149 = tpu.vector_load %arg16[%swap3A_1147, %swap3A_1148] {strides = array<i32>} : memref<16x384xf32, #tpu.memory_space<vmem>>, vector<16xf32>,
          tpu.vector_store %arg16[%swap3A_1147, %swap3A_1148], %add3A_1146 {strides = array<i32>} : memref<16x384xf32, #tpu.memory_space<vmem>>, vector<16xf32>,
          %get3A_1150 = arith.index_cast %scan3A_704 : i32 to index
          %get3A_1151 = arith.constant 240 : index
          %get3A_1152 = tpu.vector_load %arg14[%get3A_1150, %get3A_1151] {strides = array<i32>} : memref<64x384xf32, #tpu.memory_space<vmem>>, vector<16xf32>,
          %mul3A_1153 = arith.mulf %gather3A_717, %get3A_1152 : vector<16xf32>
          %add3A_1154 = arith.constant 16 : i32
          %add3A_1155 = arith.addi %scan3A_704, %add3A_1154 : i32
          %get3A_1156 = arith.index_cast %add3A_1155 : i32 to index
          %get3A_1157 = arith.constant 240 : index
          %get3A_1158 = tpu.vector_load %arg14[%get3A_1156, %get3A_1157] {strides = array<i32>} : memref<64x384xf32, #tpu.memory_space<vmem>>, vector<16xf32>,
          %mul3A_1159 = arith.mulf %gather3A_721, %get3A_1158 : vector<16xf32>
          %add3A_1160 = arith.addf %mul3A_1153, %mul3A_1159 : vector<16xf32>
          %add3A_1161 = arith.constant 32 : i32
          %add3A_1162 = arith.addi %scan3A_704, %add3A_1161 : i32
          %get3A_1163 = arith.index_cast %add3A_1162 : i32 to index
          %get3A_1164 = arith.constant 240 : index
          %get3A_1165 = tpu.vector_load %arg14[%get3A_1163, %get3A_1164] {strides = array<i32>} : memref<64x384xf32, #tpu.memory_space<vmem>>, vector<16xf32>,
          %mul3A_1166 = arith.mulf %gather3A_725, %get3A_1165 : vector<16xf32>
          %add3A_1167 = arith.addf %add3A_1160, %mul3A_1166 : vector<16xf32>
          %add3A_1168 = arith.constant 48 : i32
          %add3A_1169 = arith.addi %scan3A_704, %add3A_1168 : i32
          %get3A_1170 = arith.index_cast %add3A_1169 : i32 to index
          %get3A_1171 = arith.constant 240 : index
          %get3A_1172 = tpu.vector_load %arg14[%get3A_1170, %get3A_1171] {strides = array<i32>} : memref<64x384xf32, #tpu.memory_space<vmem>>, vector<16xf32>,
          %mul3A_1173 = arith.mulf %gather3A_729, %get3A_1172 : vector<16xf32>
          %add3A_1174 = arith.addf %add3A_1167, %mul3A_1173 : vector<16xf32>
          %swap3A_1175 = arith.index_cast %scan3A_704 : i32 to index
          %swap3A_1176 = arith.constant 240 : index
          %swap3A_1177 = tpu.vector_load %arg16[%swap3A_1175, %swap3A_1176] {strides = array<i32>} : memref<16x384xf32, #tpu.memory_space<vmem>>, vector<16xf32>,
          tpu.vector_store %arg16[%swap3A_1175, %swap3A_1176], %add3A_1174 {strides = array<i32>} : memref<16x384xf32, #tpu.memory_space<vmem>>, vector<16xf32>,
          %get3A_1178 = arith.index_cast %scan3A_704 : i32 to index
          %get3A_1179 = arith.constant 256 : index
          %get3A_1180 = tpu.vector_load %arg14[%get3A_1178, %get3A_1179] {strides = array<i32>} : memref<64x384xf32, #tpu.memory_space<vmem>>, vector<16xf32>,
          %mul3A_1181 = arith.mulf %gather3A_717, %get3A_1180 : vector<16xf32>
          %add3A_1182 = arith.constant 16 : i32
          %add3A_1183 = arith.addi %scan3A_704, %add3A_1182 : i32
          %get3A_1184 = arith.index_cast %add3A_1183 : i32 to index
          %get3A_1185 = arith.constant 256 : index
          %get3A_1186 = tpu.vector_load %arg14[%get3A_1184, %get3A_1185] {strides = array<i32>} : memref<64x384xf32, #tpu.memory_space<vmem>>, vector<16xf32>,
          %mul3A_1187 = arith.mulf %gather3A_721, %get3A_1186 : vector<16xf32>
          %add3A_1188 = arith.addf %mul3A_1181, %mul3A_1187 : vector<16xf32>
          %add3A_1189 = arith.constant 32 : i32
          %add3A_1190 = arith.addi %scan3A_704, %add3A_1189 : i32
          %get3A_1191 = arith.index_cast %add3A_1190 : i32 to index
          %get3A_1192 = arith.constant 256 : index
          %get3A_1193 = tpu.vector_load %arg14[%get3A_1191, %get3A_1192] {strides = array<i32>} : memref<64x384xf32, #tpu.memory_space<vmem>>, vector<16xf32>,
          %mul3A_1194 = arith.mulf %gather3A_725, %get3A_1193 : vector<16xf32>
          %add3A_1195 = arith.addf %add3A_1188, %mul3A_1194 : vector<16xf32>
          %add3A_1196 = arith.constant 48 : i32
          %add3A_1197 = arith.addi %scan3A_704, %add3A_1196 : i32
          %get3A_1198 = arith.index_cast %add3A_1197 : i32 to index
          %get3A_1199 = arith.constant 256 : index
          %get3A_1200 = tpu.vector_load %arg14[%get3A_1198, %get3A_1199] {strides = array<i32>} : memref<64x384xf32, #tpu.memory_space<vmem>>, vector<16xf32>,
          %mul3A_1201 = arith.mulf %gather3A_729, %get3A_1200 : vector<16xf32>
          %add3A_1202 = arith.addf %add3A_1195, %mul3A_1201 : vector<16xf32>
          %swap3A_1203 = arith.index_cast %scan3A_704 : i32 to index
          %swap3A_1204 = arith.constant 256 : index
          %swap3A_1205 = tpu.vector_load %arg16[%swap3A_1203, %swap3A_1204] {strides = array<i32>} : memref<16x384xf32, #tpu.memory_space<vmem>>, vector<16xf32>,
          tpu.vector_store %arg16[%swap3A_1203, %swap3A_1204], %add3A_1202 {strides = array<i32>} : memref<16x384xf32, #tpu.memory_space<vmem>>, vector<16xf32>,
          %get3A_1206 = arith.index_cast %scan3A_704 : i32 to index
          %get3A_1207 = arith.constant 272 : index
          %get3A_1208 = tpu.vector_load %arg14[%get3A_1206, %get3A_1207] {strides = array<i32>} : memref<64x384xf32, #tpu.memory_space<vmem>>, vector<16xf32>,
          %mul3A_1209 = arith.mulf %gather3A_717, %get3A_1208 : vector<16xf32>
          %add3A_1210 = arith.constant 16 : i32
          %add3A_1211 = arith.addi %scan3A_704, %add3A_1210 : i32
          %get3A_1212 = arith.index_cast %add3A_1211 : i32 to index
          %get3A_1213 = arith.constant 272 : index
          %get3A_1214 = tpu.vector_load %arg14[%get3A_1212, %get3A_1213] {strides = array<i32>} : memref<64x384xf32, #tpu.memory_space<vmem>>, vector<16xf32>,
          %mul3A_1215 = arith.mulf %gather3A_721, %get3A_1214 : vector<16xf32>
          %add3A_1216 = arith.addf %mul3A_1209, %mul3A_1215 : vector<16xf32>
          %add3A_1217 = arith.constant 32 : i32
          %add3A_1218 = arith.addi %scan3A_704, %add3A_1217 : i32
          %get3A_1219 = arith.index_cast %add3A_1218 : i32 to index
          %get3A_1220 = arith.constant 272 : index
          %get3A_1221 = tpu.vector_load %arg14[%get3A_1219, %get3A_1220] {strides = array<i32>} : memref<64x384xf32, #tpu.memory_space<vmem>>, vector<16xf32>,
          %mul3A_1222 = arith.mulf %gather3A_725, %get3A_1221 : vector<16xf32>
          %add3A_1223 = arith.addf %add3A_1216, %mul3A_1222 : vector<16xf32>
          %add3A_1224 = arith.constant 48 : i32
          %add3A_1225 = arith.addi %scan3A_704, %add3A_1224 : i32
          %get3A_1226 = arith.index_cast %add3A_1225 : i32 to index
          %get3A_1227 = arith.constant 272 : index
          %get3A_1228 = tpu.vector_load %arg14[%get3A_1226, %get3A_1227] {strides = array<i32>} : memref<64x384xf32, #tpu.memory_space<vmem>>, vector<16xf32>,
          %mul3A_1229 = arith.mulf %gather3A_729, %get3A_1228 : vector<16xf32>
          %add3A_1230 = arith.addf %add3A_1223, %mul3A_1229 : vector<16xf32>
          %swap3A_1231 = arith.index_cast %scan3A_704 : i32 to index
          %swap3A_1232 = arith.constant 272 : index
          %swap3A_1233 = tpu.vector_load %arg16[%swap3A_1231, %swap3A_1232] {strides = array<i32>} : memref<16x384xf32, #tpu.memory_space<vmem>>, vector<16xf32>,
          tpu.vector_store %arg16[%swap3A_1231, %swap3A_1232], %add3A_1230 {strides = array<i32>} : memref<16x384xf32, #tpu.memory_space<vmem>>, vector<16xf32>,
          %get3A_1234 = arith.index_cast %scan3A_704 : i32 to index
          %get3A_1235 = arith.constant 288 : index
          %get3A_1236 = tpu.vector_load %arg14[%get3A_1234, %get3A_1235] {strides = array<i32>} : memref<64x384xf32, #tpu.memory_space<vmem>>, vector<16xf32>,
          %mul3A_1237 = arith.mulf %gather3A_717, %get3A_1236 : vector<16xf32>
          %add3A_1238 = arith.constant 16 : i32
          %add3A_1239 = arith.addi %scan3A_704, %add3A_1238 : i32
          %get3A_1240 = arith.index_cast %add3A_1239 : i32 to index
          %get3A_1241 = arith.constant 288 : index
          %get3A_1242 = tpu.vector_load %arg14[%get3A_1240, %get3A_1241] {strides = array<i32>} : memref<64x384xf32, #tpu.memory_space<vmem>>, vector<16xf32>,
          %mul3A_1243 = arith.mulf %gather3A_721, %get3A_1242 : vector<16xf32>
          %add3A_1244 = arith.addf %mul3A_1237, %mul3A_1243 : vector<16xf32>
          %add3A_1245 = arith.constant 32 : i32
          %add3A_1246 = arith.addi %scan3A_704, %add3A_1245 : i32
          %get3A_1247 = arith.index_cast %add3A_1246 : i32 to index
          %get3A_1248 = arith.constant 288 : index
          %get3A_1249 = tpu.vector_load %arg14[%get3A_1247, %get3A_1248] {strides = array<i32>} : memref<64x384xf32, #tpu.memory_space<vmem>>, vector<16xf32>,
          %mul3A_1250 = arith.mulf %gather3A_725, %get3A_1249 : vector<16xf32>
          %add3A_1251 = arith.addf %add3A_1244, %mul3A_1250 : vector<16xf32>
          %add3A_1252 = arith.constant 48 : i32
          %add3A_1253 = arith.addi %scan3A_704, %add3A_1252 : i32
          %get3A_1254 = arith.index_cast %add3A_1253 : i32 to index
          %get3A_1255 = arith.constant 288 : index
          %get3A_1256 = tpu.vector_load %arg14[%get3A_1254, %get3A_1255] {strides = array<i32>} : memref<64x384xf32, #tpu.memory_space<vmem>>, vector<16xf32>,
          %mul3A_1257 = arith.mulf %gather3A_729, %get3A_1256 : vector<16xf32>
          %add3A_1258 = arith.addf %add3A_1251, %mul3A_1257 : vector<16xf32>
          %swap3A_1259 = arith.index_cast %scan3A_704 : i32 to index
          %swap3A_1260 = arith.constant 288 : index
          %swap3A_1261 = tpu.vector_load %arg16[%swap3A_1259, %swap3A_1260] {strides = array<i32>} : memref<16x384xf32, #tpu.memory_space<vmem>>, vector<16xf32>,
          tpu.vector_store %arg16[%swap3A_1259, %swap3A_1260], %add3A_1258 {strides = array<i32>} : memref<16x384xf32, #tpu.memory_space<vmem>>, vector<16xf32>,
          %get3A_1262 = arith.index_cast %scan3A_704 : i32 to index
          %get3A_1263 = arith.constant 304 : index
          %get3A_1264 = tpu.vector_load %arg14[%get3A_1262, %get3A_1263] {strides = array<i32>} : memref<64x384xf32, #tpu.memory_space<vmem>>, vector<16xf32>,
          %mul3A_1265 = arith.mulf %gather3A_717, %get3A_1264 : vector<16xf32>
          %add3A_1266 = arith.constant 16 : i32
          %add3A_1267 = arith.addi %scan3A_704, %add3A_1266 : i32
          %get3A_1268 = arith.index_cast %add3A_1267 : i32 to index
          %get3A_1269 = arith.constant 304 : index
          %get3A_1270 = tpu.vector_load %arg14[%get3A_1268, %get3A_1269] {strides = array<i32>} : memref<64x384xf32, #tpu.memory_space<vmem>>, vector<16xf32>,
          %mul3A_1271 = arith.mulf %gather3A_721, %get3A_1270 : vector<16xf32>
          %add3A_1272 = arith.addf %mul3A_1265, %mul3A_1271 : vector<16xf32>
          %add3A_1273 = arith.constant 32 : i32
          %add3A_1274 = arith.addi %scan3A_704, %add3A_1273 : i32
          %get3A_1275 = arith.index_cast %add3A_1274 : i32 to index
          %get3A_1276 = arith.constant 304 : index
          %get3A_1277 = tpu.vector_load %arg14[%get3A_1275, %get3A_1276] {strides = array<i32>} : memref<64x384xf32, #tpu.memory_space<vmem>>, vector<16xf32>,
          %mul3A_1278 = arith.mulf %gather3A_725, %get3A_1277 : vector<16xf32>
          %add3A_1279 = arith.addf %add3A_1272, %mul3A_1278 : vector<16xf32>
          %add3A_1280 = arith.constant 48 : i32
          %add3A_1281 = arith.addi %scan3A_704, %add3A_1280 : i32
          %get3A_1282 = arith.index_cast %add3A_1281 : i32 to index
          %get3A_1283 = arith.constant 304 : index
          %get3A_1284 = tpu.vector_load %arg14[%get3A_1282, %get3A_1283] {strides = array<i32>} : memref<64x384xf32, #tpu.memory_space<vmem>>, vector<16xf32>,
          %mul3A_1285 = arith.mulf %gather3A_729, %get3A_1284 : vector<16xf32>
          %add3A_1286 = arith.addf %add3A_1279, %mul3A_1285 : vector<16xf32>
          %swap3A_1287 = arith.index_cast %scan3A_704 : i32 to index
          %swap3A_1288 = arith.constant 304 : index
          %swap3A_1289 = tpu.vector_load %arg16[%swap3A_1287, %swap3A_1288] {strides = array<i32>} : memref<16x384xf32, #tpu.memory_space<vmem>>, vector<16xf32>,
          tpu.vector_store %arg16[%swap3A_1287, %swap3A_1288], %add3A_1286 {strides = array<i32>} : memref<16x384xf32, #tpu.memory_space<vmem>>, vector<16xf32>,
          %get3A_1290 = arith.index_cast %scan3A_704 : i32 to index
          %get3A_1291 = arith.constant 320 : index
          %get3A_1292 = tpu.vector_load %arg14[%get3A_1290, %get3A_1291] {strides = array<i32>} : memref<64x384xf32, #tpu.memory_space<vmem>>, vector<16xf32>,
          %mul3A_1293 = arith.mulf %gather3A_717, %get3A_1292 : vector<16xf32>
          %add3A_1294 = arith.constant 16 : i32
          %add3A_1295 = arith.addi %scan3A_704, %add3A_1294 : i32
          %get3A_1296 = arith.index_cast %add3A_1295 : i32 to index
          %get3A_1297 = arith.constant 320 : index
          %get3A_1298 = tpu.vector_load %arg14[%get3A_1296, %get3A_1297] {strides = array<i32>} : memref<64x384xf32, #tpu.memory_space<vmem>>, vector<16xf32>,
          %mul3A_1299 = arith.mulf %gather3A_721, %get3A_1298 : vector<16xf32>
          %add3A_1300 = arith.addf %mul3A_1293, %mul3A_1299 : vector<16xf32>
          %add3A_1301 = arith.constant 32 : i32
          %add3A_1302 = arith.addi %scan3A_704, %add3A_1301 : i32
          %get3A_1303 = arith.index_cast %add3A_1302 : i32 to index
          %get3A_1304 = arith.constant 320 : index
          %get3A_1305 = tpu.vector_load %arg14[%get3A_1303, %get3A_1304] {strides = array<i32>} : memref<64x384xf32, #tpu.memory_space<vmem>>, vector<16xf32>,
          %mul3A_1306 = arith.mulf %gather3A_725, %get3A_1305 : vector<16xf32>
          %add3A_1307 = arith.addf %add3A_1300, %mul3A_1306 : vector<16xf32>
          %add3A_1308 = arith.constant 48 : i32
          %add3A_1309 = arith.addi %scan3A_704, %add3A_1308 : i32
          %get3A_1310 = arith.index_cast %add3A_1309 : i32 to index
          %get3A_1311 = arith.constant 320 : index
          %get3A_1312 = tpu.vector_load %arg14[%get3A_1310, %get3A_1311] {strides = array<i32>} : memref<64x384xf32, #tpu.memory_space<vmem>>, vector<16xf32>,
          %mul3A_1313 = arith.mulf %gather3A_729, %get3A_1312 : vector<16xf32>
          %add3A_1314 = arith.addf %add3A_1307, %mul3A_1313 : vector<16xf32>
          %swap3A_1315 = arith.index_cast %scan3A_704 : i32 to index
          %swap3A_1316 = arith.constant 320 : index
          %swap3A_1317 = tpu.vector_load %arg16[%swap3A_1315, %swap3A_1316] {strides = array<i32>} : memref<16x384xf32, #tpu.memory_space<vmem>>, vector<16xf32>,
          tpu.vector_store %arg16[%swap3A_1315, %swap3A_1316], %add3A_1314 {strides = array<i32>} : memref<16x384xf32, #tpu.memory_space<vmem>>, vector<16xf32>,
          %get3A_1318 = arith.index_cast %scan3A_704 : i32 to index
          %get3A_1319 = arith.constant 336 : index
          %get3A_1320 = tpu.vector_load %arg14[%get3A_1318, %get3A_1319] {strides = array<i32>} : memref<64x384xf32, #tpu.memory_space<vmem>>, vector<16xf32>,
          %mul3A_1321 = arith.mulf %gather3A_717, %get3A_1320 : vector<16xf32>
          %add3A_1322 = arith.constant 16 : i32
          %add3A_1323 = arith.addi %scan3A_704, %add3A_1322 : i32
          %get3A_1324 = arith.index_cast %add3A_1323 : i32 to index
          %get3A_1325 = arith.constant 336 : index
          %get3A_1326 = tpu.vector_load %arg14[%get3A_1324, %get3A_1325] {strides = array<i32>} : memref<64x384xf32, #tpu.memory_space<vmem>>, vector<16xf32>,
          %mul3A_1327 = arith.mulf %gather3A_721, %get3A_1326 : vector<16xf32>
          %add3A_1328 = arith.addf %mul3A_1321, %mul3A_1327 : vector<16xf32>
          %add3A_1329 = arith.constant 32 : i32
          %add3A_1330 = arith.addi %scan3A_704, %add3A_1329 : i32
          %get3A_1331 = arith.index_cast %add3A_1330 : i32 to index
          %get3A_1332 = arith.constant 336 : index
          %get3A_1333 = tpu.vector_load %arg14[%get3A_1331, %get3A_1332] {strides = array<i32>} : memref<64x384xf32, #tpu.memory_space<vmem>>, vector<16xf32>,
          %mul3A_1334 = arith.mulf %gather3A_725, %get3A_1333 : vector<16xf32>
          %add3A_1335 = arith.addf %add3A_1328, %mul3A_1334 : vector<16xf32>
          %add3A_1336 = arith.constant 48 : i32
          %add3A_1337 = arith.addi %scan3A_704, %add3A_1336 : i32
          %get3A_1338 = arith.index_cast %add3A_1337 : i32 to index
          %get3A_1339 = arith.constant 336 : index
          %get3A_1340 = tpu.vector_load %arg14[%get3A_1338, %get3A_1339] {strides = array<i32>} : memref<64x384xf32, #tpu.memory_space<vmem>>, vector<16xf32>,
          %mul3A_1341 = arith.mulf %gather3A_729, %get3A_1340 : vector<16xf32>
          %add3A_1342 = arith.addf %add3A_1335, %mul3A_1341 : vector<16xf32>
          %swap3A_1343 = arith.index_cast %scan3A_704 : i32 to index
          %swap3A_1344 = arith.constant 336 : index
          %swap3A_1345 = tpu.vector_load %arg16[%swap3A_1343, %swap3A_1344] {strides = array<i32>} : memref<16x384xf32, #tpu.memory_space<vmem>>, vector<16xf32>,
          tpu.vector_store %arg16[%swap3A_1343, %swap3A_1344], %add3A_1342 {strides = array<i32>} : memref<16x384xf32, #tpu.memory_space<vmem>>, vector<16xf32>,
          %get3A_1346 = arith.index_cast %scan3A_704 : i32 to index
          %get3A_1347 = arith.constant 352 : index
          %get3A_1348 = tpu.vector_load %arg14[%get3A_1346, %get3A_1347] {strides = array<i32>} : memref<64x384xf32, #tpu.memory_space<vmem>>, vector<16xf32>,
          %mul3A_1349 = arith.mulf %gather3A_717, %get3A_1348 : vector<16xf32>
          %add3A_1350 = arith.constant 16 : i32
          %add3A_1351 = arith.addi %scan3A_704, %add3A_1350 : i32
          %get3A_1352 = arith.index_cast %add3A_1351 : i32 to index
          %get3A_1353 = arith.constant 352 : index
          %get3A_1354 = tpu.vector_load %arg14[%get3A_1352, %get3A_1353] {strides = array<i32>} : memref<64x384xf32, #tpu.memory_space<vmem>>, vector<16xf32>,
          %mul3A_1355 = arith.mulf %gather3A_721, %get3A_1354 : vector<16xf32>
          %add3A_1356 = arith.addf %mul3A_1349, %mul3A_1355 : vector<16xf32>
          %add3A_1357 = arith.constant 32 : i32
          %add3A_1358 = arith.addi %scan3A_704, %add3A_1357 : i32
          %get3A_1359 = arith.index_cast %add3A_1358 : i32 to index
          %get3A_1360 = arith.constant 352 : index
          %get3A_1361 = tpu.vector_load %arg14[%get3A_1359, %get3A_1360] {strides = array<i32>} : memref<64x384xf32, #tpu.memory_space<vmem>>, vector<16xf32>,
          %mul3A_1362 = arith.mulf %gather3A_725, %get3A_1361 : vector<16xf32>
          %add3A_1363 = arith.addf %add3A_1356, %mul3A_1362 : vector<16xf32>
          %add3A_1364 = arith.constant 48 : i32
          %add3A_1365 = arith.addi %scan3A_704, %add3A_1364 : i32
          %get3A_1366 = arith.index_cast %add3A_1365 : i32 to index
          %get3A_1367 = arith.constant 352 : index
          %get3A_1368 = tpu.vector_load %arg14[%get3A_1366, %get3A_1367] {strides = array<i32>} : memref<64x384xf32, #tpu.memory_space<vmem>>, vector<16xf32>,
          %mul3A_1369 = arith.mulf %gather3A_729, %get3A_1368 : vector<16xf32>
          %add3A_1370 = arith.addf %add3A_1363, %mul3A_1369 : vector<16xf32>
          %swap3A_1371 = arith.index_cast %scan3A_704 : i32 to index
          %swap3A_1372 = arith.constant 352 : index
          %swap3A_1373 = tpu.vector_load %arg16[%swap3A_1371, %swap3A_1372] {strides = array<i32>} : memref<16x384xf32, #tpu.memory_space<vmem>>, vector<16xf32>,
          tpu.vector_store %arg16[%swap3A_1371, %swap3A_1372], %add3A_1370 {strides = array<i32>} : memref<16x384xf32, #tpu.memory_space<vmem>>, vector<16xf32>,
          %get3A_1374 = arith.index_cast %scan3A_704 : i32 to index
          %get3A_1375 = arith.constant 368 : index
          %get3A_1376 = tpu.vector_load %arg14[%get3A_1374, %get3A_1375] {strides = array<i32>} : memref<64x384xf32, #tpu.memory_space<vmem>>, vector<16xf32>,
          %mul3A_1377 = arith.mulf %gather3A_717, %get3A_1376 : vector<16xf32>
          %add3A_1378 = arith.constant 16 : i32
          %add3A_1379 = arith.addi %scan3A_704, %add3A_1378 : i32
          %get3A_1380 = arith.index_cast %add3A_1379 : i32 to index
          %get3A_1381 = arith.constant 368 : index
          %get3A_1382 = tpu.vector_load %arg14[%get3A_1380, %get3A_1381] {strides = array<i32>} : memref<64x384xf32, #tpu.memory_space<vmem>>, vector<16xf32>,
          %mul3A_1383 = arith.mulf %gather3A_721, %get3A_1382 : vector<16xf32>
          %add3A_1384 = arith.addf %mul3A_1377, %mul3A_1383 : vector<16xf32>
          %add3A_1385 = arith.constant 32 : i32
          %add3A_1386 = arith.addi %scan3A_704, %add3A_1385 : i32
          %get3A_1387 = arith.index_cast %add3A_1386 : i32 to index
          %get3A_1388 = arith.constant 368 : index
          %get3A_1389 = tpu.vector_load %arg14[%get3A_1387, %get3A_1388] {strides = array<i32>} : memref<64x384xf32, #tpu.memory_space<vmem>>, vector<16xf32>,
          %mul3A_1390 = arith.mulf %gather3A_725, %get3A_1389 : vector<16xf32>
          %add3A_1391 = arith.addf %add3A_1384, %mul3A_1390 : vector<16xf32>
          %add3A_1392 = arith.constant 48 : i32
          %add3A_1393 = arith.addi %scan3A_704, %add3A_1392 : i32
          %get3A_1394 = arith.index_cast %add3A_1393 : i32 to index
          %get3A_1395 = arith.constant 368 : index
          %get3A_1396 = tpu.vector_load %arg14[%get3A_1394, %get3A_1395] {strides = array<i32>} : memref<64x384xf32, #tpu.memory_space<vmem>>, vector<16xf32>,
          %mul3A_1397 = arith.mulf %gather3A_729, %get3A_1396 : vector<16xf32>
          %add3A_1398 = arith.addf %add3A_1391, %mul3A_1397 : vector<16xf32>
          %swap3A_1399 = arith.index_cast %scan3A_704 : i32 to index
          %swap3A_1400 = arith.constant 368 : index
          %swap3A_1401 = tpu.vector_load %arg16[%swap3A_1399, %swap3A_1400] {strides = array<i32>} : memref<16x384xf32, #tpu.memory_space<vmem>>, vector<16xf32>,
          tpu.vector_store %arg16[%swap3A_1399, %swap3A_1400], %add3A_1398 {strides = array<i32>} : memref<16x384xf32, #tpu.memory_space<vmem>>, vector<16xf32>,
          %scan3A_1402 = arith.constant 0 : i32
          scf.yield %scan3A_1402 : i32
        }
        %scan3A_700 = arith.constant 16 : i32
        %dma_start3A_701 = arith.constant 0 : i32
        %dma_start3A_702 = arith.constant 0 : i32
        %dma_start3A_703 = tpu.memref_slice %arg5[%dma_start3A_701, %dma_start3A_702] : memref<65536x384xf32, #tpu.memory_space<hbm>> -> memref<65536x384xf32, #tpu.memory_space<hbm>>
        tpu.enqueue_indirect_dma source(%arg16 : memref<16x384xf32, #tpu.memory_space<vmem>>) target(%dma_start3A_703 : memref<65536x384xf32, #tpu.memory_space<hbm>>) offsets(%add3A_584 : vector<16xi32>) semaphore(%arg23 : memref<!tpu.dma_semaphore, #tpu.memory_space<semaphore_mem>>)
      } else {
      }
      %not3A_609 = arith.constant true
      %not3A_610 = arith.xori %reduce_or3A_605, %not3A_609 : i1
      %convert_element_type3A_611 = arith.extui %not3A_610 : i1 to i32
      %cond3A_612 = arith.constant 0 : i32
      %cond3A_613 = arith.cmpi ne, %convert_element_type3A_611, %cond3A_612 : i32
      scf.if %cond3A_613 {
        %dma_start3A = arith.constant 0 : i32
        %dma_start3A_615 = arith.constant 0 : i32
        %dma_start3A_616 = tpu.memref_slice %arg5[%dma_start3A, %dma_start3A_615] : memref<65536x384xf32, #tpu.memory_space<hbm>> -> memref<65536x384xf32, #tpu.memory_space<hbm>>
        tpu.enqueue_indirect_dma source(%arg12 : memref<16x384xf32, #tpu.memory_space<vmem>>) target(%dma_start3A_616 : memref<65536x384xf32, #tpu.memory_space<hbm>>) offsets(%add3A_584 : vector<16xi32>) semaphore(%arg23 : memref<!tpu.dma_semaphore, #tpu.memory_space<semaphore_mem>>)
      } else {
      }
      %scan3A_614 = arith.constant 0 : i32
      scf.yield %scan3A_614 : i32
    }
    %scan3A_523 = arith.constant 64 : i32
    %dma_wait3A = arith.constant 0 : i32
    %dma_wait3A_524 = tpu.memref_slice %arg5[%mul3A_34, %dma_wait3A] : memref<65536x384xf32, #tpu.memory_space<hbm>> -> memref<16x384xf32, #tpu.memory_space<hbm>>
    %dma_wait3A_525 = arith.constant 0 : i32
    %dma_wait3A_526 = tpu.memref_slice %arg5[%mul3A_34, %dma_wait3A_525] : memref<65536x384xf32, #tpu.memory_space<hbm>> -> memref<16x384xf32, #tpu.memory_space<hbm>>
    tpu.wait_dma2 semaphore(%arg22 : memref<!tpu.dma_semaphore, #tpu.memory_space<semaphore_mem>>) src(%arg15 : memref<16x384xf32, #tpu.memory_space<vmem>>) dst(%dma_wait3A_526 : memref<16x384xf32, #tpu.memory_space<hbm>>)
    %dma_wait3A_527 = arith.constant 0 : i32
    %dma_wait3A_528 = tpu.memref_slice %arg5[%mul3A_34, %dma_wait3A_527] : memref<65536x384xf32, #tpu.memory_space<hbm>> -> memref<16x384xf32, #tpu.memory_space<hbm>>
    %dma_wait3A_529 = arith.constant 0 : i32
    %dma_wait3A_530 = tpu.memref_slice %arg5[%mul3A_34, %dma_wait3A_529] : memref<65536x384xf32, #tpu.memory_space<hbm>> -> memref<16x384xf32, #tpu.memory_space<hbm>>
    tpu.wait_dma2 semaphore(%arg23 : memref<!tpu.dma_semaphore, #tpu.memory_space<semaphore_mem>>) src(%arg16 : memref<16x384xf32, #tpu.memory_space<vmem>>) dst(%dma_wait3A_530 : memref<16x384xf32, #tpu.memory_space<hbm>>)
    return
  }
}

</mosaic_0001>

<sc_bundles>
// kernel: _run.3.cloned.1.call-start
scs
__scs_entry_jumppad:
0x0: {  	(pc) =	sbr.rel $0x88, $3  }
0x1: {  	(tag) =	ssettag $0x0;
	lr =	simm.s32 $0x1  }
0x2: {  	[smem:$0x3F9E] =	sst lr;
	_ =	strace $0xD0000000  }
0x3: {  	_ = 	snop  }
0x4: {  	_ = 	snop  }
0x5: {  	_ = 	snop  }
0x6: {  	_ = 	snop  }
0x7: {  	_ = 	snop  }
__scs_overlays_trampoline_lowered:
0x8: {  	[smem:$0x3FAD] =	sst s0  }
0x9: {  	[smem:$0x3FAE] =	sst s1  }
0xa: {  	[smem:$0x3FAF] =	sst s2  }
0xb: {  	[smem:$0x3FB0] =	sst s3  }
0xc: {  	[smem:$0x3FB1] =	sst s4  }
0xd: {  	[smem:$0x3FB2] =	sst s5  }
0xe: {  	[smem:$0x3FB3] =	sst s6  }
0xf: {  	[smem:$0x3FB4] =	sst s7  }
0x10: {  	[smem:$0x3FB5] =	sst s8  }
0x11: {  	[smem:$0x3FB6] =	sst s9;
	s0 =	simm.s32 @!p0 $0x0  }
0x12: {  	s1 =	sld [smem:$0x3F9C];
	s0 =	simm.s32 @p0 $0x1  }
0x13: {  	[smem:$0x3FB7] =	sst s0;
	s0 =	simm.s32 @!p1 $0x0  }
0x14: {  	s2 =	sld [smem:$0x3F9B];
	s0 =	simm.s32 @p1 $0x1  }
0x15: {  	[smem:$0x3FB8] =	sst s0;
	s0 =	simm.s32 @!p2 $0x0  }
0x16: {  	s3 =	sld [smem:$0x3FDB];
	s0 =	simm.s32 @p2 $0x1  }
0x17: {  	s4 =	simm.s32 $0x1BF5;
	[smem:$0x3FBA] =	sst s0  }
0x18: {  	s0 =	sld [smem:$0x3F9D];
	_ =	swait.ge [sflag:s4], $0x0  }
0x19: {  	s7 =	sld [smem:$0x3F9E]  }
0x1a: {  	s8 =	sadd.s32 $0xFFFFE003, lr  }
0x1b: {  	s9 =	sadd.s32 $0xFFFFFEF7, lr;
	s5 =	simm.s32 $0xFFFFFFFF;
	p2 =	slt.u32 s8, $0xFFFFF086  }
0x1c: {  	p1 =	slt.u32 s9, $0xF7A;
	s5 =	simm.s32 @!p2 $0x0  }
0x1d: {  	s5 =	simm.s32 @p1 $0x1;
	p0 =	seq.s32 s7, s2  }
0x1e: {  	s7 =	smul.u32 @!p0 $0xF7A, s2;
	p2 =	seq.s32 @!p0 s5, $0x0  }
0x1f: {  	s9 =	smul.u32 $0xF7A, s1;
	s8 =	simm.s32 @!p0 $0x1BF5;
	p2 =	por !p2, p0  }
0x20: {  	[sflag:s8] =	ssyncset.s32 @!p0 $0xFFFFF086;
	s6 =	sadd.s32 @!p0 s3, s7;
	s7 =	simm.s32 @!p0 $0x108  }
0x21: {  	s3 =	sadd.s32 s3, s9;
	s6 =	sadd.s32 @!p0 $0x88, s6;
	s7 =	simm.s32 @p2 $0x1082  }
0x22: {  	[simem:s7], [sflag:s8] =	dma.local @!p0 [hbm:s6], $0xF7A  }
0x23: {  	s9 =	sor.u32 $0xD0000000, s2;
	s6 =	simm.s32 $0x108;
	_ =	swait.ge @!p0 [sflag:s8], $0x0  }
0x24: {  	s3 =	sadd.s32 $0x88, s3;
	s6 =	simm.s32 @!p1 $0x1082;
	[sflag:s4] =	ssyncset.s32 $0xFFFFF086  }
0x25: {  	[simem:s6], [sflag:s4] =	dma.local [hbm:s3], $0xF7A  }
0x26: {  	[smem:$0x3F9E] =	sst s1;
	(tag) =	ssettag s2;
	_ =	strace s9  }
0x27: {  	s1 =	sld [smem:$0x3FAE]  }
0x28: {  	s2 =	sld [smem:$0x3FAF]  }
0x29: {  	s4 =	sld [smem:$0x3FB1]  }
0x2a: {  	p0 =	seq.s32 s5, $0x0;
	s5 =	sld [smem:$0x3FB2]  }
0x2b: {  	s6 =	sld [smem:$0x3FB3]  }
0x2c: {  	s7 =	sld [smem:$0x3FB4]  }
0x2d: {  	s3 =	simm.s32 $0x108;
	s8 =	sld [smem:$0x3FB5]  }
0x2e: {  	s3 =	simm.s32 @!p0 $0x1082;
	s9 =	sld [smem:$0x3FB6]  }
0x2f: {  	lr =	sadd.s32 s0, s3;
	s0 =	sld [smem:$0x3FAD]  }
0x30: {  	s3 =	sld [smem:$0x3FB0]  }
0x31: {  	[smem:$0x3FB9] =	sst s10  }
0x32: {  	s10 =	sld [smem:$0x3FB7];
	_ =	sdelay $0x3  }
0x33: {  	p0 =	seq.s32 s10, $0x1;
	s10 =	sld [smem:$0x3FB9];
	_ =	sdelay $0x3  }
0x34: {  	[smem:$0x3FB9] =	sst s10  }
0x35: {  	s10 =	sld [smem:$0x3FB8];
	_ =	sdelay $0x3  }
0x36: {  	p1 =	seq.s32 s10, $0x1;
	s10 =	sld [smem:$0x3FB9];
	_ =	sdelay $0x3  }
0x37: {  	[smem:$0x3FB9] =	sst s10  }
0x38: {  	s10 =	sld [smem:$0x3FBA]  }
0x39: {  	_ = 	snop;
	(pc) =	sbr.ind lr, $3  }
0x3a: {  	_ = 	snop  }
0x3b: {  	_ = 	snop  }
0x3c: {  	p2 =	seq.s32 s10, $0x1;
	s10 =	sld [smem:$0x3FB9]  }
0x3d: {  	_ =	shalt  }
0x3e: {  	_ =	shalt  }
0x3f: {  	_ =	shalt  }
0x40: {  	_ =	shalt  }
0x41: {  	_ =	shalt  }
0x42: {  	_ =	shalt  }
0x43: {  	_ =	shalt  }
0x44: {  	_ =	shalt  }
0x45: {  	_ =	shalt  }
0x46: {  	_ =	shalt  }
0x47: {  	_ =	shalt  }
0x48: {  	_ =	shalt  }
0x49: {  	_ =	shalt  }
0x4a: {  	_ =	shalt  }
0x4b: {  	_ =	shalt  }
0x4c: {  	_ =	shalt  }
0x4d: {  	_ =	shalt  }
0x4e: {  	_ =	shalt  }
0x4f: {  	_ =	shalt  }
0x50: {  	_ =	shalt  }
0x51: {  	_ =	shalt  }
0x52: {  	_ =	shalt  }
0x53: {  	_ =	shalt  }
0x54: {  	_ =	shalt  }
0x55: {  	_ =	shalt  }
0x56: {  	_ =	shalt  }
0x57: {  	_ =	shalt  }
0x58: {  	_ =	shalt  }
0x59: {  	_ =	shalt  }
0x5a: {  	_ =	shalt  }
0x5b: {  	_ =	shalt  }
0x5c: {  	_ =	shalt  }
0x5d: {  	_ =	shalt  }
0x5e: {  	_ =	shalt  }
0x5f: {  	_ =	shalt  }
0x60: {  	_ =	shalt  }
0x61: {  	_ =	shalt  }
0x62: {  	_ =	shalt  }
0x63: {  	_ =	shalt  }
0x64: {  	_ =	shalt  }
0x65: {  	_ =	shalt  }
0x66: {  	_ =	shalt  }
0x67: {  	_ =	shalt  }
0x68: {  	_ =	shalt  }
0x69: {  	_ =	shalt  }
0x6a: {  	_ =	shalt  }
0x6b: {  	_ =	shalt  }
0x6c: {  	_ =	shalt  }
0x6d: {  	_ =	shalt  }
0x6e: {  	_ =	shalt  }
0x6f: {  	_ =	shalt  }
0x70: {  	_ =	shalt  }
0x71: {  	_ =	shalt  }
0x72: {  	_ =	shalt  }
0x73: {  	_ =	shalt  }
0x74: {  	_ =	shalt  }
0x75: {  	_ =	shalt  }
0x76: {  	_ =	shalt  }
0x77: {  	_ =	shalt  }
0x78: {  	_ =	shalt  }
0x79: {  	_ =	shalt  }
0x7a: {  	_ =	shalt  }
0x7b: {  	_ =	shalt  }
0x7c: {  	_ =	shalt  }
0x7d: {  	_ =	shalt  }
0x7e: {  	_ =	shalt  }
0x7f: {  	_ =	shalt  }
0x80: {  	_ =	shalt  }
0x81: {  	_ =	shalt  }
0x82: {  	_ =	shalt  }
0x83: {  	_ =	shalt  }
0x84: {  	_ =	shalt  }
0x85: {  	_ =	shalt  }
0x86: {  	_ =	shalt  }
0x87: {  	_ =	shalt  }
.Lfunc_end0:
.L_simem_size_0:
called_computation_lowered:
.L_overlay_start_0:
0x88: {  	s2 =	sld [smem:$0x3FD9]  }
0x89: {  	s3 =	sld [smem:$0x3FFE];
	_ =	sdelay $0x1  }
0x8a: {  	s1 =	srdreg.scid  }
0x8b: {  	s0 =	sand.u32 $0x1, s1  }
0x8c: {  	s14 =	sshll.u32 s0, $0xA;
	s2 =	sadd.s32 s3, s2  }
0x8d: {  	s2 =	sadd.s32 s2, s14  }
0x8e: {  	[smem:$0x3FC5] =	sst s2  }
0x8f: {  	_ = 	snop  }
0x90: {  	s2 =	sld [smem:$0x3FD0];
	_ =	sdelay $0x1  }
0x91: {  	s15 =	sld [smem:$0x3FC8]  }
0x92: {  	s5 =	simm.s32 $0xA;
	s6 =	simm.s32 $0x10;
	s4 =	sld [smem:$0x3FC7]  }
0x93: {  	[smem:s6], [sflag:s5] =	dma.local [hbm:s2], $0x1  }
0x94: {  	_ =	swait.eq [sflag:s5], $0x1  }
0x95: {  	[sflag:s5] =	ssyncset.done $0x0  }
0x96: {  	[sflag:s5] =	ssyncadd.s32 $0xFFFFFFFF  }
0x97: {  	s16 =	sld [smem:$0x10];
	(tm) =	ssettm $0x1  }
0x98: {  	s17 =	sld [smem:$0x3FFB];
	_ =	sdelay $0x3  }
0x99: {  	_ =	strace s17  }
0x9a: {  	s5 =	sld [smem:$0x3FFC];
	_ =	sdelay $0x3  }
0x9b: {  	_ =	strace s5  }
0x9c: {  	s5 =	sld [smem:$0x3FFD];
	_ =	sdelay $0x3  }
0x9d: {  	_ =	strace s5  }
0x9e: {  	_ =	strace $0x8FFFFFFF  }
0x9f: {  	s18 =	sld [smem:$0x3FDB];
	_ =	sdelay $0x1  }
0xa0: {  	s19 =	simm.s32 $_scs_section_size  }
0xa1: {  	s7 =	simm.s32 $_size__tile_overlayer_lowered;
	s8 =	simm.s32 $_tile_overlayer_lowered  }
0xa2: {  	s22 =	simm.s32 $0x1BFF;
	s21 =	sshll.u32 s8, $0x1;
	s5 =	sadd.s32 s19, s18  }
0xa3: {  	s9 =	simm.s32 $0x0;
	s20 =	sshll.u32 s7, $0x1;
	s7 =	sadd.s32 s21, s5  }
0xa4: {  	[timem:s9], [sflag:s22] =	dma.local [hbm:s7], s20  }
0xa5: {  	_ =	swait.ge [sflag:s22], s20  }
0xa6: {  	s6 =	ssub.s32 $0x0, s20;
	[sflag:s22] =	ssyncset.done $0x0  }
0xa7: {  	[sflag:s22] =	ssyncadd.s32 s6;
	_ =	sdelay $0x1  }
0xa8: {  	s23 =	simm.s32 $0x1B8B  }
0xa9: {  	_ =	swait.ge [sflag:s23], $0x1  }
0xaa: {  	[sflag:s23] =	ssyncset.done $0x0  }
0xab: {  	s25 =	simm.s32 $0x1B8E;
	s24 =	sld [smem:$0x3FFE];
	[sflag:s23] =	ssyncadd.s32 $0xFFFFFFFF  }
0xac: {  	s26 =	simm.s32 $execute0_lowered;
	[smem:$0x3FD2] =	sst s25  }
0xad: {  	s7 =	sshll.u32 s26, $0x1;
	_ =	strace $0x80000046;
	[dreg:$0x1] =	wrdreg $0xFFFFFFFF  }
0xae: {  	s28 =	simm.s32 $_size_execute0_lowered;
	s5 =	sadd.s32 s5, s7;
	[dreg:$0x0] =	wrdreg $0x0  }
0xaf: {  	s7 =	sshll.u32 s28, $0x1;
	[dreg:$0x2] =	wrdreg s5  }
0xb0: {  	[dreg:$0x3] =	wrdreg s7  }
0xb1: {  	[dreg:$0x4] =	wrdreg $0xC0  }
0xb2: {  	_ =	task [dreg:s9], $0x5FFFF  }
0xb3: {  	[dreg:$0x1] =	wrdreg $0xFFFFFFFF  }
0xb4: {  	[dreg:$0x0] =	wrdreg $0x60  }
0xb5: {  	[dreg:$0x2] =	wrdreg s24  }
0xb6: {  	[dreg:$0x3] =	wrdreg s15  }
0xb7: {  	[dreg:$0x4] =	wrdreg s4  }
0xb8: {  	[dreg:$0x5] =	wrdreg s16  }
0xb9: {  	[dreg:$0x6] =	wrdreg $0x9  }
0xba: {  	_ =	task.clear_ibuf [dreg:s9], $0x7FFFF;
	_ =	strace $0x90000046  }
0xbb: {  	s29 =	simm.s32 $0x9;
	_ =	strace $0x80000048  }
0xbc: {  	_ =	swait.ge [sflag:s29], $0x1  }
0xbd: {  	[sflag:s29] =	ssyncadd.s32 $0xFFFFFFFF  }
0xbe: {  	_ =	strace $0x90000048  }
0xbf: {  	_ =	sfence  }
0xc0: {  	s30 =	sld [smem:$0x0];
	_ =	sdelay $0x2  }
0xc1: {  	s31 =	sshll.u32 s1, $0xD;
	s1 =	sshrl.u32 s1, $0x2  }
0xc2: {  	s3 =	sand.u32 $0x4000, s31;
	s1 =	sadd.s32 s1, s30  }
0xc3: {  	s0 =	sor.u32 s3, s0;
	s1 =	sshll.u32 s1, $0x11  }
0xc4: {  	s0 =	sor.u32 s1, s0  }
0xc5: {  	s0 =	sadd.s32 $0x8F2B, s0  }
0xc6: {  	[sflag:s0] =	ssyncadd.remote.s32 $0x1  }
0xc7: {  	_ =	sfence.sel $0xFFFF  }
0xc8: {  	[dreg:$0x0] =	wrdreg $0xFFFFFFFF;
	(pc) =	sbr.abs _section_cstart, $3  }
0xc9: {  	[dreg:$0x1] =	wrdreg $0xFFFFFFFF  }
0xca: {  	_ =	task.clear_ibuf [dreg:s9], $0x2FFFF;
	_ =	strace $0x9FFFFFFF  }
0xcb: {  	(tm) =	ssettm $0x7FFFFFFF  }
tec
execute0_lowered:
.L_overlay_start_1:
0x0: {  	(tag) =	ssettag $0x1  }
0x1: {  	s0 =	srdreg.scid;
	s6 =	rddreg [dreg:$0x0]  }
0x2: {  	s3 =	stileid.u32;
	s7 =	rddreg [dreg:$0x2];
	s8 =	simm.s32 $0x1  }
0x3: {  	s4 =	simm.s32 $0x0;
	s15 =	simm.s32 $0x5;
	s17 =	simm.s32 $0xC000  }
0x4: {  	s20 =	simm.s32 $0x4000;
	s31 =	simm.s32 $0x13400;
	s0 =	sand.u32 $0x1, s0  }
0x5: {  	s5 =	sand.u32 $0x3, s3;
	[smem:$0x7FF] =	sst s4;
	s1 =	sshll.u32 s0, $0x4  }
0x6: {  	p1 =	sne.s32 s5, $0x0;
	s5 =	sshll.u32 s5, $0xD;
	s2 =	sor.u32 s3, s1  }
0x7: {  	v1 =	vimm.s32 $0x76543210;
	s0 =	ssub.s32 $0x2, s0;
	s1 =	rddreg [dreg:$0x1];
	p0 =	seq.s32 s2, $0x0  }
0x8: {  	v2 =	vimm.s32 $0xFEDCBA98;
	v3 =	vimm.s32 $0xBA98FEDC;
	s3 =	rddreg [dreg:$0x3];
	_ =	strace $0x80000047;
	p0 =	por !p1, !p0  }
0x9: {  	v4 =	vimm.s32 $0x32107654;
	v5 =	vimm.s32 $0xDCFE98BA;
	v6 =	vimm.s32 $0x54761032;
	s10 =	sshrl.u32 s0, $0x1;
	s9 =	sshrl.u32 s2, $0x2;
	p0 =	por !p0, !p0  }
0xa: {  	v7 =	vimm.s32 $0xEFCDAB89;
	v8 =	vimm.s32 $0x67452301;
	vm0 =	vmmov $0xffff;
	s12 =	ssub.s32 s0, s10;
	s24 =	sshll.u32 s2, $0xB;
	s8 =	simm.s32 @!p0 $0x0  }
0xb: {  	vm1 =	vmmov $0xff;
	v1 =	vunpack.c.l.s4.s8 v1;
	v2 =	vunpack.c.l.s4.s8 v2;
	s2 =	sshll.u32 s2, $0x5;
	s10 =	sadd.s32 $0x100, s1;
	s8 =	ssub.s32 s9, s8  }
0xc: {  	v3 =	vunpack.c.l.s4.s8 v3;
	v4 =	vunpack.c.l.s4.s8 v4;
	v5 =	vunpack.c.l.s4.s8 v5;
	s11 =	sadd.s32 $0x100, s3;
	s30 =	smax.u32 s12, $0x1;
	s9 =	sshll.u32 s8, $0xF  }
0xd: {  	v6 =	vunpack.c.l.s4.s8 v6;
	v7 =	vunpack.c.l.s4.s8 v7;
	v8 =	vunpack.c.l.s4.s8 v8;
	[dreg:$0x9] =	wrdreg s30;
	s25 =	sshll.u32 s8, $0x8;
	s9 =	sor.u32 s5, s9  }
0xe: {  	v3 =	vunpack.c.0.s8.s32 v3;
	v4 =	vunpack.c.0.s8.s32 v4;
	v5 =	vunpack.c.0.s8.s32 v5;
	s26 =	sshll.u32 s8, $0x7;
	s29 =	smul.u32 $0x2400, s8;
	s9 =	sshrl.u32 s9, $0x3  }
0xf: {  	v6 =	vunpack.c.0.s8.s32 v6;
	v2 =	vunpack.c.0.s8.s32 v2;
	v7 =	vunpack.c.0.s8.s32 v7;
	s8 =	simm.s32 $0x2;
	s5 =	simm.s32 $0x1;
	s9 =	sadd.s32 s9, s6  }
.Ltmp0:
0x10: {  	v8 =	vunpack.c.0.s8.s32 v8;
	v9 =	vunpack.c.0.s8.s32 v1;
	v3 =	vcombine.low v4, v3;
	s6 =	sadd.s32 $0x8800, s6;
	s9 =	sadd.s32 $0x800, s9;
	(pc) =	sbr.rel .LBB2_1-.Ltmp0, $4  }
0x11: {  	v4 =	vcombine.low v6, v5;
	v1 =	vmov s24;
	v2 =	vand.u32 $0xF, v2;
	s28 =	sand.u32 $0x1FFFFF80, s26;
	s2 =	sadd.s32 s6, s2;
	[dreg:$0x5] =	wrdreg s9  }
0x12: {  	v5 =	vcombine.low v8, v7;
	v6 =	vimm.s32 $0x0;
	v7 =	vlaneseq.u32;
	s9 =	sand.u32 $0x1FFFFF00, s25;
	[dreg:$0x7] =	wrdreg s2;
	s2 =	sadd.s32 s6, s28  }
0x13: {  	v8 =	vimm.f32 $0.0e+00;
	v2 =	vcombine.low v2, v9;
	v3 =	vand.u32 $0xF, v3;
	s7 =	sadd.s32 s7, s9;
	[dreg:$0x8] =	wrdreg s2;
	s9 =	simm.s32 $0x8000  }
0x14: {  	v4 =	vand.u32 $0xF, v4;
	v5 =	vand.u32 $0xF, v5;
	v0 =	vmov s29;
	s2 =	simm.s32 $0x13C00;
	[dreg:$0x6] =	wrdreg s7;
	s7 =	simm.s32 $0x0  }
.LBB2_17:
0x15: {  	s0 =	simm.s32 $0x3  }
0x16: {  	_ =	swait.ge [sflag:s0], $0x1800  }
0x17: {  	[sflag:s0] =	ssyncset.done $0x0  }
0x18: {  	s6 =	simm.s32 $0x4;
	[sflag:s0] =	ssyncadd.s32 $0xFFFFE800  }
0x19: {  	_ =	swait.ge [sflag:s6], $0x1800  }
0x1a: {  	s7 =	rddreg [dreg:$0xa]  }
0x1b: {  	s30 =	rddreg [dreg:$0x9];
	s7 =	sadd.s32 $0x1, s7  }
0x1c: {  	p0 =	sne.s32 s7, s30  }
.Ltmp1:
0x1d: {  	_ = 	snop;
	(pc) =	sbr.rel @!p0 .LBB2_18-.Ltmp1, $3  }
0x1e: {  	_ =	sdelay $0x1  }
0x1f: {  	[sflag:s6] =	ssyncset.done $0x0  }
0x20: {  	s15 =	simm.s32 $0x5;
	[sflag:s6] =	ssyncadd.s32 $0xFFFFE800  }
.LBB2_1:
0x21: {  	[dreg:$0xa] =	wrdreg s7  }
0x22: {  	s0 =	rddreg [dreg:$0x5]  }
0x23: {  	[tilespmem:s4], [sflag:$0x5] =	stream.linear.gather [hbm4b:s0+s4], $0x2000, $0x38;
	[tilespmem:$0x1DD00] =	vst v63  }
0x24: {  	_ =	swait.ge [sflag:s15], $0x2000  }
0x25: {  	[sflag:s15] =	ssyncset.done $0x0  }
0x26: {  	s6 =	simm.s32 $0x1D000;
	s24 =	rddreg [dreg:$0x6];
	[sflag:s15] =	ssyncadd.s32 $0xFFFFE000  }
0x27: {  	[tilespmem:s6], [sflag:$0x5] =	stream.linear.gather [hbm4b:s24+s4], $0x800, $0x38;
	[tilespmem:$0x1DD00] =	vst v63  }
0x28: {  	_ =	swait.ge [sflag:s15], $0x800  }
0x29: {  	[sflag:s15] =	ssyncset.done $0x0  }
0x2a: {  	[sflag:s15] =	ssyncadd.s32 $0xFFFFF800  }
0x2b: {  	v9 =	vld [tilespmem:$0x1D000]  }
0x2c: {  	v11 =	vld [tilespmem:$0x1D080]  }
0x2d: {  	v12 =	vld [tilespmem:$0x1D100]  }
0x2e: {  	v17 =	vld [tilespmem:$0x1D280]  }
0x2f: {  	v19 =	vld [tilespmem:$0x1D400]  }
0x30: {  	v22 =	vld [tilespmem:$0x1D680]  }
0x31: {  	v26 =	vld [tilespmem:$0x1D500]  }
0x32: {  	s28 =	simm.s32 $0x10;
	s29 =	simm.s32 $0x40;
	v13 =	vld [tilespmem:$0x1D180]  }
0x33: {  	s7 =	sand.u32 $0x1E00, s29;
	s6 =	sand.u32 $0x70, s28;
	v14 =	vld [tilespmem:$0x1D200];
	v10 =	vshrl.u32 v9, $0x10  }
0x34: {  	s6 =	sor.u32 s6, s7;
	v25 =	vld [tilespmem:$0x1D700];
	v15 =	vshrl.u32 v11, $0x10;
	v16 =	vshrl.u32 v12, $0x10;
	v10 =	vand.u32 $0x1, v10  }
0x35: {  	v33 =	vld [tilespmem:s6+$0x0];
	v18 =	vshrl.u32 v17, $0x10;
	v21 =	vshrl.u32 v19, $0x10;
	v9 =	vadd.s32 v10, v9  }
0x36: {  	v35 =	vld [tilespmem:s6+$0x80];
	v23 =	vshrl.u32 v22, $0x10;
	v24 =	vshrl.u32 v26, $0x10;
	v9 =	vadd.s32 $0x7FFF, v9  }
0x37: {  	v10 =	vand.u32 $0xFFFF0000, v9;
	v9 =	vand.u32 $0x1, v15;
	v15 =	vand.u32 $0x1, v16  }
0x38: {  	v16 =	vld [tilespmem:$0x1D300];
	v9 =	vadd.s32 v9, v11;
	v11 =	vadd.s32 v15, v12;
	v12 =	vshrl.u32 v13, $0x10  }
0x39: {  	v29 =	vshrl.u32 v25, $0x10;
	v9 =	vadd.s32 $0x7FFF, v9;
	v15 =	vand.u32 $0x1, v12  }
0x3a: {  	v52 =	vshrl.u32 v33, $0x10;
	v12 =	vand.u32 $0xFFFF0000, v9;
	v9 =	vadd.s32 v15, v13;
	v13 =	vld [tilespmem:$0x1D380]  }
0x3b: {  	v53 =	vshrl.u32 v35, $0x10;
	v18 =	vand.u32 $0x1, v18;
	v15 =	vshrl.u32 v14, $0x10  }
0x3c: {  	v21 =	vand.u32 $0x1, v21;
	v23 =	vand.u32 $0x1, v23;
	v15 =	vand.u32 $0x1, v15  }
0x3d: {  	v14 =	vadd.s32 v15, v14;
	v15 =	vadd.s32 v18, v17;
	v17 =	vshrl.u32 v16, $0x10;
	v18 =	vld [tilespmem:$0x1D480]  }
0x3e: {  	v28 =	vand.u32 $0x1, v24;
	v54 =	vand.u32 $0x1, v53;
	v17 =	vand.u32 $0x1, v17  }
0x3f: {  	v20 =	vld [tilespmem:$0x1D600];
	v11 =	vadd.s32 $0x7FFF, v11;
	v16 =	vadd.s32 v17, v16;
	v17 =	vshrl.u32 v13, $0x10  }
0x40: {  	v11 =	vand.u32 $0xFFFF0000, v11;
	v9 =	vadd.s32 $0x7FFF, v9;
	v17 =	vand.u32 $0x1, v17  }
0x41: {  	s25 =	sand.u32 $0x70, s4;
	s26 =	sand.u32 $0x1E00, s4;
	v14 =	vadd.s32 $0x7FFF, v14;
	v15 =	vadd.s32 $0x7FFF, v15;
	v13 =	vadd.s32 v17, v13  }
0x42: {  	s0 =	sor.u32 s25, s26;
	v17 =	vadd.s32 v21, v19;
	v19 =	vshrl.u32 v18, $0x10;
	v13 =	vadd.s32 $0x7FFF, v13  }
0x43: {  	v27 =	vld [tilespmem:s0+$0x80];
	v21 =	vadd.s32 $0x7FFF, v17;
	v19 =	vand.u32 $0x1, v19;
	v17 =	vand.u32 $0xFFFF0000, v13  }
0x44: {  	v13 =	vand.u32 $0xFFFF0000, v21;
	v18 =	vadd.s32 v19, v18;
	v19 =	vld [tilespmem:s0+$0x0];
	v21 =	vshrl.u32 v20, $0x10  }
0x45: {  	v14 =	vand.u32 $0xFFFF0000, v14;
	v15 =	vand.u32 $0xFFFF0000, v15;
	v21 =	vand.u32 $0x1, v21  }
0x46: {  	v16 =	vadd.s32 $0x7FFF, v16;
	v20 =	vadd.s32 v21, v20;
	v21 =	vadd.s32 v23, v22;
	v22 =	vld [tilespmem:s0+$0x100]  }
0x47: {  	v18 =	vadd.s32 $0x7FFF, v18;
	v20 =	vadd.s32 $0x7FFF, v20;
	v21 =	vadd.s32 $0x7FFF, v21  }
0x48: {  	v23 =	vand.u32 $0xFFFF0000, v20;
	v24 =	vand.u32 $0xFFFF0000, v21;
	v20 =	vand.u32 $0x1, v29  }
0x49: {  	v20 =	vadd.s32 v20, v25;
	v21 =	vshrl.u32 v19, $0x10;
	v25 =	vshrl.u32 v27, $0x10  }
0x4a: {  	v29 =	vld [tilespmem:$0x1D780];
	v20 =	vadd.s32 $0x7FFF, v20;
	v21 =	vand.u32 $0x1, v21;
	v25 =	vand.u32 $0x1, v25  }
0x4b: {  	v30 =	vshrl.u32 v22, $0x10;
	v19 =	vadd.s32 v21, v19;
	v21 =	vadd.s32 v25, v27  }
0x4c: {  	v25 =	vand.u32 $0x1, v30;
	v19 =	vadd.s32 $0x7FFF, v19;
	v21 =	vadd.s32 $0x7FFF, v21  }
0x4d: {  	v27 =	vld [tilespmem:$0x1D580];
	v22 =	vadd.s32 v25, v22;
	v30 =	vand.u32 $0xFFFF0000, v19;
	v31 =	vand.u32 $0xFFFF0000, v21  }
0x4e: {  	v19 =	vadd.s32 $0x7FFF, v22;
	v21 =	vmul.f32 v30, v23;
	v22 =	vmul.f32 v31, v24  }
0x4f: {  	v25 =	vand.u32 $0xFFFF0000, v20;
	v20 =	vshrl.u32 v29, $0x10;
	v32 =	vand.u32 $0xFFFF0000, v19  }
0x50: {  	v19 =	vand.u32 $0x1, v20;
	v20 =	vadd.f32 v22, v21;
	v22 =	vmul.f32 v32, v25  }
0x51: {  	v21 =	vand.u32 $0xFFFF0000, v18;
	v18 =	vadd.s32 v28, v26;
	v19 =	vadd.s32 v19, v29  }
0x52: {  	v26 =	vshrl.u32 v27, $0x10;
	v19 =	vadd.s32 $0x7FFF, v19;
	v20 =	vadd.f32 v22, v20  }
0x53: {  	v18 =	vadd.s32 $0x7FFF, v18;
	v28 =	vand.u32 $0x1, v26;
	v26 =	vand.u32 $0xFFFF0000, v19  }
0x54: {  	v22 =	vand.u32 $0xFFFF0000, v18;
	v18 =	vadd.s32 v28, v27;
	v19 =	vadd.f32 v26, v20  }
0x55: {  	v27 =	vmul.f32 v30, v10;
	v28 =	vmul.f32 v31, v12;
	v18 =	vadd.s32 $0x7FFF, v18  }
0x56: {  	v29 =	vld [tilespmem:s6+$0x100];
	v34 =	vmul.f32 v31, v21;
	v20 =	vand.u32 $0xFFFF0000, v18;
	(erf) = vrcp.f32 v19  }
0x57: {  	v18 =	vmul.f32 v32, v11;
	v27 =	vadd.f32 v28, v27;
	v28 =	vmul.f32 v30, v13  }
0x58: {  	v16 =	vand.u32 $0xFFFF0000, v16;
	v31 =	vmul.f32 v31, v15;
	v30 =	vmul.f32 v30, v14  }
0x59: {  	v36 =	vmul.f32 v32, v22;
	v27 =	vadd.f32 v18, v27;
	v28 =	vadd.f32 v34, v28  }
0x5a: {  	v9 =	vand.u32 $0xFFFF0000, v9;
	v30 =	vadd.f32 v31, v30;
	v31 =	vmul.f32 v32, v16  }
0x5b: {  	v51 =	vadd.f32 v9, v27;
	v27 =	vadd.f32 v36, v28;
	v28 =	vshrl.u32 v29, $0x10  }
0x5c: {  	v30 =	vadd.f32 v31, v30;
	v31 =	vand.u32 $0x1, v52;
	v28 =	vand.u32 $0x1, v28  }
0x5d: {  	v55 =	vadd.s32 v54, v35;
	v31 =	vadd.s32 v31, v33  }
0x5e: {  	v19 =	vimm.f32 $3.000000010e+38;
	v56 =	vadd.f32 v17, v30;
	v30 =	vadd.s32 $0x7FFF, v31  }
0x5f: {  	v31 =	vadd.s32 $0x7FFF, v55;
	v29 =	vadd.s32 v28, v29;
	v30 =	vand.u32 $0xFFFF0000, v30;
	v28 =	vpop (erf)  }
0x60: {  	v31 =	vand.u32 $0xFFFF0000, v31;
	v29 =	vadd.s32 $0x7FFF, v29;
	v57 =	vmul.f32 v28, v56  }
0x61: {  	v58 =	vmul.f32 v30, v23;
	v59 =	vmul.f32 v31, v24;
	v29 =	vand.u32 $0xFFFF0000, v29  }
0x62: {  	v60 =	vmul.f32 v30, v10;
	v37 =	vmul.f32 v31, v12;
	v33 =	vadd.f32 $1.000000000e+00, v57  }
0x63: {  	v63 =	vmul.f32 v30, v13;
	v61 =	vmul.f32 v29, v25;
	v34 =	vadd.f32 v59, v58  }
0x64: {  	v27 =	vadd.f32 v20, v27;
	v39 =	vmul.f32 v31, v21;
	v33 =	vmul.f32 $5.000000000e-01, v33  }
0x65: {  	s30 =	simm.s32 $0x20;
	s12 =	simm.s32 $0x80;
	v38 =	vmul.f32 v29, v11;
	v36 =	vadd.f32 v37, v60;
	v34 =	vadd.f32 v61, v34  }
0x66: {  	s13 =	sand.u32 $0x1E00, s12;
	s7 =	sand.u32 $0x70, s30;
	v37 =	vadd.f32 v39, v63;
	v62 =	vmul.f32 v28, v51;
	v40 =	vsub.f32 $1.000000000e+00, v33  }
0x67: {  	s7 =	sor.u32 s7, s13;
	v18 =	vimm.f32 $-3.000000010e+38;
	v36 =	vadd.f32 v38, v36;
	v38 =	vadd.f32 v26, v34  }
0x68: {  	s13 =	simm.s32 $0x30;
	v32 =	vld [tilespmem:s7+$0x100];
	v34 =	vadd.f32 $1.000000000e+00, v62;
	v33 =	vmul.f32 v29, v22;
	v35 =	vmul.f32 $9.600000000e+01, v40  }
.LBB2_2:
0x69: {  	p0 =	sne.s32 s13, $0x7F0;
	v39 =	vld [tilespmem:s7+$0x0];
	v36 =	vadd.f32 v9, v36;
	(erf) = vrcp.f32 v38;
	v28 =	vmul.f32 v28, v27  }
0x6a: {  	v38 =	vld [tilespmem:s7+$0x80];
	v27 =	vadd.f32 v33, v37;
	v33 =	vmul.f32 $5.000000000e-01, v34;
	v34 =	vmax.f32 v35, $0.0e+00  }
0x6b: {  	v30 =	vmul.f32 v30, v14;
	v31 =	vmul.f32 v31, v15;
	v34 =	vmin.f32 v34, $9.500000000e+01;
	[tilespmem:s0+$0x2100] =	vst v28  }
0x6c: {  	v19 =	vmin.f32 v19, v28;
	v27 =	vadd.f32 v20, v27;
	v33 =	vmul.f32 $9.600000000e+01, v33;
	[tilespmem:s0+$0x2080] =	vst v34  }
0x6d: {  	v29 =	vmul.f32 v29, v16;
	v30 =	vadd.f32 v31, v30;
	v18 =	vmax.f32 v18, v28  }
0x6e: {  	v28 =	vshrl.u32 v32, $0x10;
	v33 =	vmax.f32 v33, $0.0e+00  }
0x6f: {  	v29 =	vadd.f32 v29, v30;
	v31 =	vshrl.u32 v39, $0x10;
	v34 =	vshrl.u32 v38, $0x10  }
0x70: {  	v30 =	vand.u32 $0x1, v31;
	v31 =	vand.u32 $0x1, v34;
	v34 =	vand.u32 $0x1, v28  }
0x71: {  	v29 =	vadd.f32 v17, v29;
	v30 =	vadd.s32 v30, v39;
	v31 =	vadd.s32 v31, v38  }
0x72: {  	v30 =	vadd.s32 $0x7FFF, v30;
	v32 =	vadd.s32 v34, v32;
	v31 =	vadd.s32 $0x7FFF, v31;
	v28 =	vpop (erf)  }
0x73: {  	v30 =	vand.u32 $0xFFFF0000, v30;
	v31 =	vand.u32 $0xFFFF0000, v31;
	v34 =	vmul.f32 v28, v29  }
0x74: {  	v29 =	vadd.s32 $0x7FFF, v32;
	v32 =	vmul.f32 v30, v23;
	v35 =	vmul.f32 v31, v24  }
0x75: {  	v37 =	vmul.f32 v30, v10;
	v29 =	vand.u32 $0xFFFF0000, v29;
	v34 =	vadd.f32 $1.000000000e+00, v34  }
0x76: {  	v38 =	vmul.f32 v31, v12;
	v32 =	vadd.f32 v35, v32;
	v35 =	vmul.f32 v29, v25  }
.Ltmp2:
0x77: {  	v33 =	vmin.f32 v33, $9.500000000e+01;
	v39 =	vmul.f32 v29, v11;
	v34 =	vmul.f32 $5.000000000e-01, v34;
	(pc) =	sbr.rel @p0 .LBB2_2-.Ltmp2, $4  }
0x78: {  	s12 =	sadd.s32 $0x40, s12;
	v37 =	vadd.f32 v38, v37;
	v32 =	vadd.f32 v35, v32;
	v35 =	vmul.f32 v28, v36;
	[tilespmem:s0+$0x2000] =	vst v33;
	s0 =	smov.u32 s6;
	s6 =	smov.u32 s7  }
0x79: {  	s14 =	sand.u32 $0x1E00, s12;
	v40 =	vmul.f32 v30, v13;
	v41 =	vmul.f32 v31, v21;
	s7 =	sand.u32 $0x70, s13;
	v42 =	vsub.f32 $1.000000000e+00, v34  }
0x7a: {  	v36 =	vadd.f32 v39, v37;
	v33 =	vmul.f32 v29, v22;
	s7 =	sor.u32 s7, s14;
	v38 =	vadd.f32 v26, v32  }
0x7b: {  	s13 =	sadd.s32 $0x10, s13;
	v37 =	vadd.f32 v41, v40;
	v34 =	vadd.f32 $1.000000000e+00, v35;
	v32 =	vld [tilespmem:s7+$0x100];
	v35 =	vmul.f32 $9.600000000e+01, v42  }
0x7c: {  	v39 =	vld [tilespmem:s7+$0x0]  }
0x7d: {  	v40 =	vld [tilespmem:s7+$0x80];
	_ =	sdelay $0x4  }
0x7e: {  	v41 =	vshrl.u32 v39, $0x10;
	v42 =	vshrl.u32 v40, $0x10  }
0x7f: {  	v41 =	vand.u32 $0x1, v41;
	v42 =	vand.u32 $0x1, v42  }
0x80: {  	v60 =	vshrl.u32 v32, $0x10;
	v39 =	vadd.s32 v41, v39;
	v40 =	vadd.s32 v42, v40  }
0x81: {  	v41 =	vand.u32 $0x1, v60;
	v39 =	vadd.s32 $0x7FFF, v39;
	v40 =	vadd.s32 $0x7FFF, v40  }
0x82: {  	v61 =	vadd.s32 v41, v32;
	v39 =	vand.u32 $0xFFFF0000, v39;
	v40 =	vand.u32 $0xFFFF0000, v40  }
0x83: {  	v32 =	vadd.s32 $0x7FFF, v61;
	v23 =	vmul.f32 v39, v23;
	v24 =	vmul.f32 v40, v24  }
0x84: {  	v32 =	vand.u32 $0xFFFF0000, v32  }
0x85: {  	v23 =	vadd.f32 v24, v23;
	v24 =	vmul.f32 v32, v25;
	_ =	sdelay $0x1  }
0x86: {  	v23 =	vadd.f32 v24, v23  }
0x87: {  	(erf) = vrcp.f32 v38  }
0x88: {  	v62 =	vmul.f32 v31, v15;
	v25 =	vmul.f32 v30, v14;
	v23 =	vadd.f32 v26, v23  }
0x89: {  	v15 =	vmul.f32 v40, v15  }
0x8a: {  	v24 =	vadd.f32 v62, v25;
	v25 =	vmul.f32 v29, v16;
	(erf) = vrcp.f32 v23  }
0x8b: {  	v10 =	vmul.f32 v39, v10;
	v12 =	vmul.f32 v40, v12  }
0x8c: {  	v13 =	vmul.f32 v39, v13;
	v14 =	vmul.f32 v39, v14;
	v24 =	vadd.f32 v25, v24  }
0x8d: {  	v63 =	vmax.f32 v35, $0.0e+00;
	v21 =	vmul.f32 v40, v21;
	v11 =	vmul.f32 v32, v11  }
0x8e: {  	v10 =	vadd.f32 v12, v10;
	v14 =	vadd.f32 v15, v14;
	v15 =	vmul.f32 v32, v16  }
0x8f: {  	v22 =	vmul.f32 v32, v22;
	v13 =	vadd.f32 v21, v13;
	v23 =	vadd.f32 v17, v24  }
0x90: {  	v12 =	vmin.f32 v63, $9.500000000e+01;
	v16 =	vadd.f32 v33, v37;
	v14 =	vadd.f32 v15, v14;
	v24 =	vpop (erf)  }
0x91: {  	v10 =	vadd.f32 v11, v10;
	v13 =	vadd.f32 v22, v13;
	v23 =	vmul.f32 v24, v23  }
0x92: {  	v25 =	vadd.f32 v9, v36;
	v26 =	vmul.f32 v28, v27;
	v14 =	vadd.f32 v17, v14  }
0x93: {  	v27 =	vmul.f32 $5.000000000e-01, v34;
	v9 =	vadd.f32 v9, v10;
	v15 =	vadd.f32 $1.000000000e+00, v23;
	v11 =	vpop (erf)  }
0x94: {  	v16 =	vadd.f32 v20, v16;
	v17 =	vmul.f32 v24, v25;
	v14 =	vmul.f32 v11, v14  }
0x95: {  	v13 =	vadd.f32 v20, v13;
	v15 =	vmul.f32 $5.000000000e-01, v15;
	v9 =	vmul.f32 v11, v9  }
0x96: {  	v23 =	vmul.f32 $9.600000000e+01, v27;
	v17 =	vadd.f32 $1.000000000e+00, v17;
	v14 =	vadd.f32 $1.000000000e+00, v14  }
0x97: {  	[tilespmem:s0+$0x2080] =	vst v12;
	v12 =	vmul.f32 v24, v16;
	v15 =	vsub.f32 $1.000000000e+00, v15;
	v9 =	vadd.f32 $1.000000000e+00, v9  }
0x98: {  	v10 =	vmax.f32 v23, $0.0e+00;
	v17 =	vmul.f32 $5.000000000e-01, v17;
	v14 =	vmul.f32 $5.000000000e-01, v14  }
0x99: {  	[tilespmem:s0+$0x2100] =	vst v26;
	v10 =	vmin.f32 v10, $9.500000000e+01;
	v15 =	vmul.f32 $9.600000000e+01, v15;
	v9 =	vmul.f32 $5.000000000e-01, v9  }
0x9a: {  	[tilespmem:s6+$0x2100] =	vst v12;
	v16 =	vmul.f32 $9.600000000e+01, v17;
	v11 =	vmul.f32 v11, v13;
	v14 =	vsub.f32 $1.000000000e+00, v14  }
0x9b: {  	[tilespmem:s0+$0x2000] =	vst v10;
	v10 =	vmax.f32 v15, $0.0e+00;
	v9 =	vmul.f32 $9.600000000e+01, v9  }
0x9c: {  	[tilespmem:s7+$0x2100] =	vst v11;
	v15 =	vmax.f32 v16, $0.0e+00;
	v10 =	vmin.f32 v10, $9.500000000e+01;
	v14 =	vmul.f32 $9.600000000e+01, v14  }
0x9d: {  	[tilespmem:s6+$0x2080] =	vst v10;
	v10 =	vmin.f32 v15, $9.500000000e+01;
	v9 =	vmax.f32 v9, $0.0e+00  }
0x9e: {  	v13 =	vmin.f32 v19, v26;
	[tilespmem:s6+$0x2000] =	vst v10;
	v9 =	vmin.f32 v9, $9.500000000e+01;
	v10 =	vmax.f32 v14, $0.0e+00  }
0x9f: {  	v13 =	vmin.f32 v13, v12;
	[tilespmem:s7+$0x2000] =	vst v9;
	v10 =	vmin.f32 v10, $9.500000000e+01  }
0xa0: {  	[tilespmem:s7+$0x2080] =	vst v10;
	v10 =	vmin.f32 v13, v11  }
0xa1: {  	s19 =	simm.s32 $0x1D800;
	[tilespmem:$0x1D800] =	vst v10  }
0xa2: {  	v9 =	vld.idx.msk [tilespmem:v2+s19+$0x0], $0xffff;
	_ =	sdelay $0x4  }
0xa3: {  	v9 =	vmin.f32 v10, v9  }
0xa4: {  	[tilespmem:$0x1D800] =	vst v9  }
0xa5: {  	v10 =	vld.idx.msk [tilespmem:v3+s19+$0x0], $0xffff;
	_ =	sdelay $0x4  }
0xa6: {  	v9 =	vmin.f32 v9, v10  }
0xa7: {  	[tilespmem:$0x1D800] =	vst v9  }
0xa8: {  	v10 =	vld.idx.msk [tilespmem:v4+s19+$0x0], $0xffff;
	_ =	sdelay $0x3  }
0xa9: {  	v13 =	vmax.f32 v18, v26  }
0xaa: {  	v9 =	vmin.f32 v9, v10;
	v10 =	vmax.f32 v13, v12  }
0xab: {  	[tilespmem:$0x1D800] =	vst v9;
	v10 =	vmax.f32 v10, v11  }
0xac: {  	v11 =	vld.idx.msk [tilespmem:v5+s19+$0x0], $0xffff;
	[tilespmem:$0x1D800] =	vst v10  }
0xad: {  	v12 =	vld.idx.msk [tilespmem:v2+s19+$0x0], $0xffff;
	_ =	sdelay $0x4  }
0xae: {  	v10 =	vmax.f32 v10, v12  }
0xaf: {  	[tilespmem:$0x1D800] =	vst v10  }
0xb0: {  	v12 =	vld.idx.msk [tilespmem:v3+s19+$0x0], $0xffff;
	_ =	sdelay $0x4  }
0xb1: {  	v10 =	vmax.f32 v10, v12  }
0xb2: {  	[tilespmem:$0x1D800] =	vst v10  }
0xb3: {  	v12 =	vld.idx.msk [tilespmem:v4+s19+$0x0], $0xffff;
	_ =	sdelay $0x4  }
0xb4: {  	v10 =	vmax.f32 v10, v12  }
0xb5: {  	[tilespmem:$0x1D800] =	vst v10  }
0xb6: {  	v12 =	vld.idx.msk [tilespmem:v5+s19+$0x0], $0xffff;
	_ =	sdelay $0x3  }
0xb7: {  	v9 =	vmin.f32 v9, v11  }
0xb8: {  	[tilespmem:$0x1D800] =	vst v9;
	v10 =	vmax.f32 v10, v12  }
0xb9: {  	s21 =	rddreg [dreg:$0x7];
	s0 =	simm.s32 $0x0;
	[tilespmem:$0x1D880] =	vst v10  }
0xba: {  	[hbm4b:s21+s0] =	stream.linear.scatter [tilespmem:s19], [sflag:$0x5], $0x100, $0x38;
	[tilespmem:$0x1DD00] =	vst v63  }
0xbb: {  	_ =	swait.ge [sflag:s15], $0x100  }
0xbc: {  	[sflag:s15] =	ssyncset.done $0x0  }
0xbd: {  	[sflag:s15] =	ssyncadd.s32 $0xFFFFFF00  }
0xbe: {  	[bflag:$0x0] =	sbarrier.arrive $0xFFFF  }
0xbf: {  	s23 =	simm.s32 $0x1D900;
	s22 =	rddreg [dreg:$0x8]  }
0xc0: {  	[tilespmem:s23], [sflag:$0x5] =	stream.linear.gather [hbm4b:s22+s0], $0x400, $0x38;
	[tilespmem:$0x1DD00] =	vst v63  }
0xc1: {  	_ =	swait.ge [sflag:s15], $0x400  }
0xc2: {  	[sflag:s15] =	ssyncset.done $0x0  }
0xc3: {  	[sflag:s15] =	ssyncadd.s32 $0xFFFFFC00  }
0xc4: {  	v9 =	vld [tilespmem:$0x1D900]  }
0xc5: {  	v10 =	vld [tilespmem:$0x1DA00]  }
0xc6: {  	v11 =	vld [tilespmem:$0x1DB00]  }
0xc7: {  	v12 =	vld [tilespmem:$0x1DC00]  }
0xc8: {  	v13 =	vld [tilespmem:$0x1D980]  }
0xc9: {  	v14 =	vld [tilespmem:$0x1DA80]  }
0xca: {  	v15 =	vld [tilespmem:$0x1DB80]  }
0xcb: {  	v16 =	vld [tilespmem:$0x1DC80];
	_ =	sdelay $0x3  }
0xcc: {  	v9 =	vmin.f32 v9, v10  }
0xcd: {  	v10 =	vmin.f32 v11, v12;
	v11 =	vmax.f32 v13, v14;
	v12 =	vmax.f32 v15, v16  }
0xce: {  	v9 =	vmin.f32 v9, v10;
	v10 =	vmax.f32 v11, v12  }
0xcf: {  	v10 =	vsub.f32 v10, v9;
	_ =	sdelay $0x1  }
0xd0: {  	s24 =	sand.u32 $0x70, s0;
	s25 =	sand.u32 $0x1E00, s0;
	(erf) = vrcp.f32 v10  }
0xd1: {  	s6 =	sor.u32 s24, s25  }
0xd2: {  	v12 =	vld [tilespmem:s6+$0x2000]  }
0xd3: {  	v10 =	vld [tilespmem:s6+$0x2100]  }
0xd4: {  	v11 =	vld [tilespmem:s6+$0x2080];
	_ =	sdelay $0x3  }
0xd5: {  	v15 =	vtrunc.f32 v12;
	v13 =	vsub.f32 v9, v10  }
0xd6: {  	v14 =	vtrunc.f32 v11;
	v15 =	vcvt.f32.s32 v15;
	v10 =	vpop (erf)  }
0xd7: {  	v14 =	vcvt.f32.s32 v14;
	v13 =	vmul.f32 v13, v10  }
0xd8: {  	v17 =	vcvt.s32.f32 v15  }
0xd9: {  	v18 =	vcvt.s32.f32 v14;
	v13 =	vmul.f32 $1.442695020e+00, v13  }
0xda: {  	v19 =	vmul.u32 $0x60, v14;
	vm2 =	vne.f32 v12, v17  }
0xdb: {  	vm3 =	vne.f32 v11, v18;
	v17 =	vsub.f32 v12, v17;
	(erf) = vpow2.f32 v13  }
0xdc: {  	v24 =	vsub.f32 v11, v18;
	v16 =	vsel vm2, $0x1, v6;
	v20 =	vsel vm3, $0x1, v6  }
0xdd: {  	vm2 =	vmand vm2, vm3;
	v16 =	vadd.s32 v15, v16;
	v14 =	vadd.s32 v14, v20  }
0xde: {  	v20 =	vsel vm2, $0x1, v6;
	v21 =	vcvt.s32.f32 v16;
	v22 =	vcvt.s32.f32 v14  }
0xdf: {  	s18 =	simm.s32 $0x4020;
	s13 =	simm.s32 $0x10;
	vm3 =	vmneg vm2;
	v18 =	vmpcnt.ones.xlane vm2;
	(xrf0) =	vadd.scan.msk.s32 $0xffff, v20  }
0xe0: {  	s26 =	simm.s32 $0x40;
	s14 =	simm.s32 $0x40A0;
	s28 =	sand.u32 $0x70, s13;
	v27 =	vmul.f32 v24, v17;
	v12 =	vsub.f32 v21, v12;
	v20 =	vsub.f32 v22, v11  }
0xe1: {  	s12 =	sand.u32 $0x1E00, s26;
	s26 =	simm.s32 $0x30;
	s24 =	simm.s32 $0x8120;
	v26 =	vsel vm3, $0x1, v6;
	v21 =	vmul.u32 $0x60, v14;
	v14 =	vmpcnt.ones.xlane vm3  }
0xe2: {  	s25 =	simm.s32 $0x4120;
	s7 =	simm.s32 $0x4120;
	s21 =	simm.s32 $0x8020;
	(xrf0) =	vadd.scan.msk.s32 $0xffff, v26;
	v13 =	vimm.s32 $0x0;
	v25 =	vmul.f32 v20, v12;
	v22 =	vmul.f32 v20, v17  }
0xe3: {  	s19 =	sor.u32 s28, s12;
	s23 =	simm.s32 $0x80;
	s6 =	simm.s32 $0x20;
	v11 =	vadd.s32 v13, v18;
	v18 =	vadd.s32 v0, v19;
	v19 =	vadd.s32 v0, v21  }
0xe4: {  	s12 =	simm.s32 $0x8120;
	s30 =	sand.u32 $0x1E00, s23;
	s29 =	sand.u32 $0x70, s6;
	v24 =	vmul.f32 v12, v24;
	v12 =	vimm.s32 $0x0;
	v17 =	vadd.s32 v16, v19;
	v23 =	vpop (erf)  }
0xe5: {  	s22 =	simm.s32 $0x0;
	s15 =	simm.s32 $0x80A0;
	s16 =	sor.u32 s29, s30;
	v20, _, _ =	vpop (xrf0);
	vm4 =	vgt.s32 v17, $0x0;
	v25 =	vmul.f32 v25, v23;
	v21 =	vmul.f32 v23, v27  }
.LBB2_4:
0xe6: {  	s23 =	sadd.s32 $0x40, s23;
	s24 =	sadd.s32 $0x80, s24;
	s25 =	sadd.s32 $0x80, s25;
	v22 =	vmul.f32 v22, v23;
	v23 =	vmul.f32 v24, v23;
	v24 =	vadd.s32 v15, v19  }
0xe7: {  	p0 =	sne.s32 s26, $0x7F0;
	v15 =	vadd.s32 v15, v18;
	v16 =	vadd.s32 v18, v16;
	s28 =	smov.u32 s26;
	s26 =	sadd.s32 $0x10, s26;
	[tilespmem:s21+$0xFFFFFFE0] =	vst v25;
	vm5 =	vgt.s32 v24, $0x0  }
0xe8: {  	vm6 =	vgt.s32 v15, $0x0;
	[tilespmem:s21+$0x10] =	vst v21;
	v18 =	vnsel vm5, $0x0, v24;
	v21 =	vadd.s32 v20, v13;
	v19, _, _ =	vpop (xrf0)  }
0xe9: {  	v15 =	vnsel vm6, $0x0, v15;
	v13 =	vmovc v11;
	[tilespmem:s21+$0xFFFFFFF0] =	vst v22;
	v20 =	vadd.s32 $0xFFFFFFFF, v21;
	v19 =	vadd.s32 v19, v12  }
0xea: {  	v17 =	vnsel vm4, $0x0, v17;
	s29 =	sand.u32 $0x70, s28;
	s30 =	sand.u32 $0x1E00, s23;
	v15 =	vmin.u32 v15, $0x11FFF;
	[tilespmem:s21+$0x0] =	vst v23;
	v19 =	vsub.s32 $0x800, v19;
	s21 =	smov.u32 s15  }
0xeb: {  	vm4 =	vgt.s32 v16, $0x0;
	s29 =	sor.u32 s29, s30;
	v12 =	vadd.s32 v12, v14;
	s15 =	smov.u32 s12;
	s12 =	smov.u32 s24;
	[tilespmem:s18+$0xFFFFFFE0] =	vst v15;
	v15 =	vmin.u32 v17, $0x11FFF  }
0xec: {  	v14 =	vnsel vm4, $0x0, v16;
	v16 =	vmin.u32 v18, $0x11FFF;
	[tilespmem:s18+$0x10] =	vst v15  }
0xed: {  	v14 =	vmin.u32 v14, $0x11FFF;
	[tilespmem:s18+$0x0] =	vst v16  }
0xee: {  	[tilespmem:s18+$0xFFFFFFF0] =	vst v14;
	v14 =	vor.u32 s22, v7;
	s18 =	smov.u32 s14;
	s14 =	smov.u32 s7;
	s7 =	smov.u32 s25  }
0xef: {  	s22 =	smov.u32 s13;
	s13 =	smov.u32 s6;
	s6 =	smov.u32 s28;
	[tilespmem:v20+s17+$0x0] =	vst.idx.msk vm2, v14  }
0xf0: {  	[tilespmem:v19+s17+$0x0] =	vst.idx.msk vm3, v14  }
0xf1: {  	v14 =	vld [tilespmem:s19+$0x2100]  }
0xf2: {  	v17 =	vld [tilespmem:s19+$0x2080]  }
0xf3: {  	v18 =	vld [tilespmem:s19+$0x2000];
	s19 =	smov.u32 s16;
	s16 =	smov.u32 s29;
	_ =	sdelay $0x2  }
0xf4: {  	v14 =	vsub.f32 v9, v14  }
0xf5: {  	v16 =	vtrunc.f32 v17  }
0xf6: {  	v15 =	vtrunc.f32 v18;
	v14 =	vmul.f32 v14, v10  }
0xf7: {  	v19 =	vcvt.f32.s32 v16;
	v15 =	vcvt.f32.s32 v15  }
0xf8: {  	v14 =	vmul.f32 $1.442695020e+00, v14  }
0xf9: {  	v20 =	vcvt.s32.f32 v19;
	v21 =	vmul.u32 $0x60, v19;
	v16 =	vcvt.s32.f32 v15  }
0xfa: {  	(erf) = vpow2.f32 v14  }
0xfb: {  	vm3 =	vne.f32 v17, v20;
	vm2 =	vne.f32 v18, v16;
	v22 =	vsub.f32 v18, v16  }
0xfc: {  	v23 =	vsel vm3, $0x1, v6;
	v14 =	vsel vm2, $0x1, v6;
	vm2 =	vmand vm2, vm3  }
0xfd: {  	v16 =	vadd.s32 v15, v14;
	v14 =	vadd.s32 v19, v23;
	v19 =	vsel vm2, $0x1, v6  }
0xfe: {  	v20 =	vsub.f32 v17, v20;
	v23 =	vcvt.s32.f32 v16;
	v24 =	vcvt.s32.f32 v14;
	(xrf0) =	vadd.scan.msk.s32 $0xffff, v19  }
0xff: {  	vm3 =	vmneg vm2;
	v19 =	vmul.u32 $0x60, v14;
	v14 =	vmpcnt.ones.xlane vm2  }
.Ltmp3:
0x100: {  	v27 =	vsub.f32 v23, v18;
	v17 =	vsub.f32 v24, v17;
	v18 =	vsel vm3, $0x1, v6;
	(pc) =	sbr.rel @p0 .LBB2_4-.Ltmp3, $4  }
0x101: {  	v26 =	vmul.f32 v20, v22;
	v11 =	vadd.s32 v11, v14;
	v14 =	vmpcnt.ones.xlane vm3;
	(xrf0) =	vadd.scan.msk.s32 $0xffff, v18  }
0x102: {  	v19 =	vadd.s32 v0, v19;
	v18 =	vadd.s32 v0, v21;
	v25 =	vmul.f32 v17, v27  }
0x103: {  	v22 =	vmul.f32 v17, v22;
	v24 =	vmul.f32 v27, v20;
	v17 =	vadd.s32 v16, v19;
	v23 =	vpop (erf)  }
0x104: {  	vm4 =	vgt.s32 v17, $0x0;
	v25 =	vmul.f32 v25, v23;
	v21 =	vmul.f32 v23, v26;
	v20, _, _ =	vpop (xrf0)  }
0x105: {  	v22 =	vmul.f32 v22, v23;
	v45 =	vmul.f32 v24, v23  }
0x106: {  	v19 =	vadd.s32 v15, v19;
	v46 =	vadd.s32 v15, v18;
	v16 =	vadd.s32 v18, v16;
	[tilespmem:s21+$0xFFFFFFE0] =	vst v25  }
0x107: {  	v13 =	vadd.s32 v20, v13;
	v17 =	vnsel vm4, $0x0, v17;
	vm5 =	vgt.s32 v19, $0x0;
	[tilespmem:s21+$0x10] =	vst v21  }
0x108: {  	vm6 =	vgt.s32 v46, $0x0;
	v13 =	vadd.s32 $0xFFFFFFFF, v13;
	v49 =	vmin.u32 v17, $0x11FFF;
	v48, _, _ =	vpop (xrf0);
	[tilespmem:s21+$0xFFFFFFF0] =	vst v22  }
0x109: {  	v47 =	vnsel vm5, $0x0, v19;
	v15 =	vnsel vm6, $0x0, v46;
	[tilespmem:s21+$0x0] =	vst v45;
	v19 =	vadd.s32 v48, v12  }
0x10a: {  	vm13 =	vgt.s32 v16, $0x0;
	v15 =	vmin.u32 v15, $0x11FFF;
	[tilespmem:s18+$0x10] =	vst v49;
	v19 =	vsub.s32 $0x800, v19  }
0x10b: {  	v16 =	vnsel vm13, $0x0, v16;
	v50 =	vmin.u32 v47, $0x11FFF;
	[tilespmem:s18+$0xFFFFFFE0] =	vst v15  }
0x10c: {  	v51 =	vmin.u32 v16, $0x11FFF;
	[tilespmem:s18+$0x0] =	vst v50  }
0x10d: {  	v52 =	vor.u32 s22, v7;
	[tilespmem:s18+$0xFFFFFFF0] =	vst v51  }
0x10e: {  	[tilespmem:v13+s17+$0x0] =	vst.idx.msk vm2, v52  }
0x10f: {  	[tilespmem:v19+s17+$0x0] =	vst.idx.msk vm3, v52  }
0x110: {  	v13 =	vld [tilespmem:s19+$0x2100]  }
0x111: {  	v15 =	vld [tilespmem:s19+$0x2080]  }
0x112: {  	v53 =	vld [tilespmem:s19+$0x2000];
	_ =	sdelay $0x2  }
0x113: {  	v13 =	vsub.f32 v9, v13  }
0x114: {  	v54 =	vtrunc.f32 v15  }
0x115: {  	v55 =	vtrunc.f32 v53;
	v13 =	vmul.f32 v13, v10  }
0x116: {  	v18 =	vcvt.f32.s32 v55;
	v17 =	vcvt.f32.s32 v54  }
0x117: {  	v13 =	vmul.f32 $1.442695020e+00, v13  }
0x118: {  	v56 =	vcvt.s32.f32 v18;
	v57 =	vcvt.s32.f32 v17  }
0x119: {  	(erf) = vpow2.f32 v13  }
0x11a: {  	vm2 =	vne.f32 v53, v56;
	vm3 =	vne.f32 v15, v57  }
0x11b: {  	v58 =	vsel vm2, $0x1, v6;
	v59 =	vsel vm3, $0x1, v6  }
0x11c: {  	v60 =	vmul.u32 $0x60, v17;
	v13 =	vadd.s32 v18, v58;
	v17 =	vadd.s32 v17, v59  }
0x11d: {  	vm3 =	vmand vm2, vm3;
	v61 =	vcvt.s32.f32 v13;
	v62 =	vcvt.s32.f32 v17  }
0x11e: {  	v20 =	vsub.f32 v15, v57;
	v22 =	vadd.s32 v0, v60;
	v63 =	vsel vm3, $0x1, v6  }
0x11f: {  	vm2 =	vmneg vm3;
	v16 =	vsub.f32 v61, v53;
	v15 =	vsub.f32 v62, v15  }
0x120: {  	v19 =	vsub.f32 v53, v56;
	v32 =	vadd.s32 v18, v22;
	(xrf0) =	vadd.scan.msk.s32 $0xffff, v63;
	v26 =	vsel vm2, $0x1, v6  }
0x121: {  	vm9 =	vgt.s32 v32, $0x0;
	v25 =	vmul.u32 $0x60, v17;
	(xrf0) =	vadd.scan.msk.s32 $0xffff, v26;
	v28 =	vmul.f32 v15, v16  }
0x122: {  	v24 =	vadd.s32 v12, v14;
	v27 =	vmul.f32 v20, v19;
	v35 =	vnsel vm9, $0x0, v32;
	v29 =	vpop (erf)  }
0x123: {  	v14 =	vadd.s32 v0, v25;
	v15 =	vmul.f32 v15, v19;
	v17 =	vmul.f32 v28, v29  }
0x124: {  	v30 =	vadd.s32 v13, v14;
	v16 =	vmul.f32 v16, v20;
	v21 =	vmul.f32 v29, v27  }
0x125: {  	v14 =	vadd.s32 v18, v14;
	v13 =	vadd.s32 v22, v13;
	v15 =	vmul.f32 v15, v29;
	[tilespmem:s15+$0xFFFFFFE0] =	vst v17  }
0x126: {  	vm14 =	vgt.s32 v30, $0x0;
	vm15 =	vgt.s32 v14, $0x0;
	v31, _, _ =	vpop (xrf0);
	v16 =	vmul.f32 v16, v29;
	[tilespmem:s15+$0x10] =	vst v21  }
0x127: {  	vm10 =	vgt.s32 v13, $0x0;
	v38 =	vnsel vm14, $0x0, v30;
	v33 =	vadd.s32 v31, v11;
	v34, _, _ =	vpop (xrf0);
	[tilespmem:s15+$0xFFFFFFF0] =	vst v15  }
0x128: {  	v36 =	vadd.s32 $0xFFFFFFFF, v33;
	v37 =	vadd.s32 v34, v24;
	[tilespmem:s15+$0x0] =	vst v16;
	v15 =	vmin.u32 v35, $0x11FFF  }
0x129: {  	v14 =	vnsel vm15, $0x0, v14;
	v39 =	vmin.u32 v38, $0x11FFF;
	v18 =	vsub.s32 $0x800, v37;
	[tilespmem:s14+$0xFFFFFFE0] =	vst v15  }
0x12a: {  	v13 =	vnsel vm10, $0x0, v13;
	v14 =	vmin.u32 v14, $0x11FFF;
	[tilespmem:s14+$0x10] =	vst v39  }
0x12b: {  	v13 =	vmin.u32 v13, $0x11FFF;
	[tilespmem:s14+$0x0] =	vst v14  }
0x12c: {  	v40 =	vor.u32 s13, v7;
	[tilespmem:s14+$0xFFFFFFF0] =	vst v13  }
0x12d: {  	[tilespmem:v36+s17+$0x0] =	vst.idx.msk vm3, v40  }
0x12e: {  	[tilespmem:v18+s17+$0x0] =	vst.idx.msk vm2, v40  }
0x12f: {  	v13 =	vld [tilespmem:s16+$0x2100]  }
0x130: {  	v14 =	vld [tilespmem:s16+$0x2080]  }
0x131: {  	v15 =	vld [tilespmem:s16+$0x2000];
	_ =	sdelay $0x2  }
0x132: {  	v9 =	vsub.f32 v9, v13  }
0x133: {  	v41 =	vtrunc.f32 v14  }
0x134: {  	v42 =	vtrunc.f32 v15;
	v9 =	vmul.f32 v9, v10  }
0x135: {  	v13 =	vcvt.f32.s32 v41;
	v10 =	vcvt.f32.s32 v42  }
0x136: {  	v9 =	vmul.f32 $1.442695020e+00, v9  }
0x137: {  	v45 =	vcvt.s32.f32 v13;
	v44 =	vcvt.s32.f32 v10  }
0x138: {  	v43 =	vmpcnt.ones.xlane vm3;
	(erf) = vpow2.f32 v9  }
0x139: {  	v48 =	vmul.u32 $0x60, v13;
	vm11 =	vne.f32 v14, v45;
	vm3 =	vne.f32 v15, v44  }
0x13a: {  	v9 =	vadd.s32 v11, v43;
	v47 =	vsel vm11, $0x1, v6;
	v46 =	vsel vm3, $0x1, v6  }
0x13b: {  	v11 =	vmpcnt.ones.xlane vm2;
	v13 =	vadd.s32 v13, v47;
	v16 =	vadd.s32 v10, v46  }
0x13c: {  	vm2 =	vmand vm3, vm11;
	v50 =	vcvt.s32.f32 v13;
	v49 =	vcvt.s32.f32 v16  }
0x13d: {  	v18 =	vsub.f32 v14, v45;
	v17 =	vsub.f32 v15, v44;
	v51 =	vsel vm2, $0x1, v6  }
0x13e: {  	vm3 =	vmneg vm2;
	v14 =	vsub.f32 v50, v14;
	v15 =	vsub.f32 v49, v15  }
0x13f: {  	v20 =	vadd.s32 v0, v48;
	v52 =	vmul.u32 $0x60, v13;
	(xrf0) =	vadd.scan.msk.s32 $0xffff, v51;
	v53 =	vsel vm3, $0x1, v6  }
0x140: {  	v11 =	vadd.s32 v24, v11;
	v59 =	vadd.s32 v20, v16;
	(xrf0) =	vadd.scan.msk.s32 $0xffff, v53;
	v55 =	vmul.f32 v14, v15  }
0x141: {  	v54 =	vmul.f32 v18, v17;
	v12 =	vadd.s32 v0, v52;
	vm15 =	vgt.s32 v59, $0x0;
	v56 =	vpop (erf)  }
0x142: {  	v57 =	vadd.s32 v16, v12;
	v14 =	vmul.f32 v14, v17;
	v13 =	vmul.f32 v55, v56  }
0x143: {  	v12 =	vadd.s32 v10, v12;
	v15 =	vmul.f32 v15, v18;
	v19 =	vmul.f32 v56, v54  }
0x144: {  	v10 =	vadd.s32 v10, v20;
	vm12 =	vgt.s32 v57, $0x0;
	v14 =	vmul.f32 v14, v56;
	[tilespmem:s12+$0xFFFFFFE0] =	vst v13  }
0x145: {  	vm13 =	vgt.s32 v12, $0x0;
	vm14 =	vgt.s32 v10, $0x0;
	v58, _, _ =	vpop (xrf0);
	v15 =	vmul.f32 v15, v56;
	[tilespmem:s12+$0x10] =	vst v19  }
0x146: {  	v12 =	vnsel vm13, $0x0, v12;
	v10 =	vnsel vm14, $0x0, v10;
	v60 =	vadd.s32 v58, v9;
	v61, _, _ =	vpop (xrf0);
	[tilespmem:s12+$0xFFFFFFF0] =	vst v14  }
0x147: {  	v10 =	vmin.u32 v10, $0x11FFF;
	v62 =	vadd.s32 $0xFFFFFFFF, v60;
	v11 =	vadd.s32 v61, v11;
	[tilespmem:s12+$0x0] =	vst v15  }
0x148: {  	v63 =	vnsel vm12, $0x0, v57;
	v12 =	vmin.u32 v12, $0x11FFF;
	v11 =	vsub.s32 $0x800, v11;
	[tilespmem:s7+$0xFFFFFFE0] =	vst v10  }
0x149: {  	s28 =	simm.s32 $0x0;
	v13 =	vnsel vm15, $0x0, v59;
	v10 =	vmin.u32 v63, $0x11FFF;
	[tilespmem:s7+$0x0] =	vst v12  }
0x14a: {  	s12 =	smul.u32 $0x3000, s28;
	[tilespmem:s7+$0x10] =	vst v10;
	v10 =	vmin.u32 v13, $0x11FFF  }
0x14b: {  	[tilespmem:s7+$0xFFFFFFF0] =	vst v10;
	v10 =	vor.u32 s6, v7  }
0x14c: {  	s29 =	sand.u32 $0x380, s0;
	s30 =	sshra.s32 s12, $0x2;
	[tilespmem:v62+s17+$0x0] =	vst.idx.msk vm2, v10  }
0x14d: {  	s6 =	sor.u32 s29, s30;
	[tilespmem:v11+s17+$0x0] =	vst.idx.msk vm3, v10  }
0x14e: {  	[tilespmem:s6+$0xD070] =	vst v8  }
0x14f: {  	[tilespmem:s6+$0xC800] =	vst v8  }
0x150: {  	[tilespmem:s6+$0xC810] =	vst v8  }
0x151: {  	[tilespmem:s6+$0xC820] =	vst v8  }
0x152: {  	[tilespmem:s6+$0xC830] =	vst v8  }
0x153: {  	[tilespmem:s6+$0xC840] =	vst v8  }
0x154: {  	[tilespmem:s6+$0xC850] =	vst v8  }
0x155: {  	[tilespmem:s6+$0xC860] =	vst v8  }
0x156: {  	[tilespmem:s6+$0xC870] =	vst v8  }
0x157: {  	[tilespmem:s6+$0xCC00] =	vst v8  }
0x158: {  	[tilespmem:s6+$0xCC10] =	vst v8  }
0x159: {  	[tilespmem:s6+$0xCC20] =	vst v8  }
0x15a: {  	[tilespmem:s6+$0xCC30] =	vst v8  }
0x15b: {  	[tilespmem:s6+$0xCC40] =	vst v8  }
0x15c: {  	[tilespmem:s6+$0xCC50] =	vst v8  }
0x15d: {  	[tilespmem:s6+$0xCC60] =	vst v8  }
0x15e: {  	[tilespmem:s6+$0xCC70] =	vst v8  }
0x15f: {  	v10 =	vmpcnt.ones.xlane vm2;
	[tilespmem:s6+$0xD000] =	vst v8  }
0x160: {  	[tilespmem:s6+$0xD010] =	vst v8  }
0x161: {  	s12 =	simm.s32 $0x0;
	s7 =	simm.s32 $0x2;
	[tilespmem:s6+$0xD020] =	vst v8;
	v9 =	vadd.s32 v9, v10  }
.LBB2_6:
0x162: {  	p0 =	sne.s32 s7, $0xF;
	s12 =	smul.u32 $0x3000, s12;
	[tilespmem:s6+$0xD030] =	vst v8  }
0x163: {  	s0 =	sadd.s32 $0x80, s0;
	[tilespmem:s6+$0xD040] =	vst v8  }
0x164: {  	s13 =	sand.u32 $0x380, s0;
	s12 =	sshra.s32 s12, $0x2;
	[tilespmem:s6+$0xD050] =	vst v8  }
0x165: {  	[tilespmem:s6+$0xD060] =	vst v8;
	s6 =	sor.u32 s13, s12  }
0x166: {  	[tilespmem:s6+$0xD070] =	vst v8  }
0x167: {  	[tilespmem:s6+$0xC800] =	vst v8  }
0x168: {  	[tilespmem:s6+$0xC810] =	vst v8  }
0x169: {  	[tilespmem:s6+$0xC820] =	vst v8  }
0x16a: {  	[tilespmem:s6+$0xC830] =	vst v8  }
0x16b: {  	[tilespmem:s6+$0xC840] =	vst v8  }
0x16c: {  	[tilespmem:s6+$0xC850] =	vst v8  }
0x16d: {  	[tilespmem:s6+$0xC860] =	vst v8  }
0x16e: {  	[tilespmem:s6+$0xC870] =	vst v8  }
0x16f: {  	[tilespmem:s6+$0xCC00] =	vst v8  }
0x170: {  	[tilespmem:s6+$0xCC10] =	vst v8  }
0x171: {  	[tilespmem:s6+$0xCC20] =	vst v8  }
0x172: {  	[tilespmem:s6+$0xCC30] =	vst v8  }
0x173: {  	[tilespmem:s6+$0xCC40] =	vst v8  }
0x174: {  	[tilespmem:s6+$0xCC50] =	vst v8  }
.Ltmp4:
0x175: {  	[tilespmem:s6+$0xCC60] =	vst v8;
	(pc) =	sbr.rel @p0 .LBB2_6-.Ltmp4, $4  }
0x176: {  	[tilespmem:s6+$0xCC70] =	vst v8  }
0x177: {  	[tilespmem:s6+$0xD000] =	vst v8  }
0x178: {  	[tilespmem:s6+$0xD010] =	vst v8  }
0x179: {  	s12 =	sshrl.u32 s7, $0x3;
	s7 =	sadd.s32 $0x1, s7;
	[tilespmem:s6+$0xD020] =	vst v8  }
0x17a: {  	s7 =	smul.u32 $0x3000, s12;
	[tilespmem:s6+$0xD030] =	vst v8  }
0x17b: {  	[tilespmem:s6+$0xD040] =	vst v8;
	s0 =	sadd.s32 $0x80, s0  }
0x17c: {  	[tilespmem:s6+$0xD050] =	vst v8;
	s0 =	sand.u32 $0x380, s0;
	s7 =	sshra.s32 s7, $0x2  }
0x17d: {  	[tilespmem:s6+$0xD060] =	vst v8;
	s0 =	sor.u32 s0, s7  }
0x17e: {  	[tilespmem:s0+$0xD070] =	vst v8  }
0x17f: {  	[tilespmem:s0+$0xC800] =	vst v8  }
0x180: {  	[tilespmem:s0+$0xC810] =	vst v8  }
0x181: {  	[tilespmem:s0+$0xC820] =	vst v8  }
0x182: {  	[tilespmem:s0+$0xC830] =	vst v8  }
0x183: {  	[tilespmem:s0+$0xC840] =	vst v8  }
0x184: {  	[tilespmem:s0+$0xC850] =	vst v8  }
0x185: {  	[tilespmem:s0+$0xC860] =	vst v8  }
0x186: {  	[tilespmem:s0+$0xC870] =	vst v8  }
0x187: {  	[tilespmem:s0+$0xCC00] =	vst v8  }
0x188: {  	[tilespmem:s0+$0xCC10] =	vst v8  }
0x189: {  	[tilespmem:s0+$0xCC20] =	vst v8  }
0x18a: {  	[tilespmem:s0+$0xCC30] =	vst v8  }
0x18b: {  	[tilespmem:s0+$0xCC40] =	vst v8  }
0x18c: {  	[tilespmem:s0+$0xCC50] =	vst v8  }
0x18d: {  	[tilespmem:s0+$0xCC60] =	vst v8  }
0x18e: {  	[tilespmem:s0+$0xCC70] =	vst v8  }
0x18f: {  	[tilespmem:s0+$0xD000] =	vst v8  }
0x190: {  	[tilespmem:s0+$0xD010] =	vst v8  }
.Ltmp5:
0x191: {  	[tilespmem:s0+$0xD020] =	vst v8;
	(pc) =	sbr.rel .LBB2_8-.Ltmp5, $4  }
0x192: {  	[tilespmem:s0+$0xD030] =	vst v8  }
0x193: {  	s13 =	simm.s32 $0x10;
	s16 =	simm.s32 $0x0;
	s24 =	simm.s32 $0x14000;
	[tilespmem:s0+$0xD040] =	vst v8  }
0x194: {  	s25 =	simm.s32 $0x14800;
	s26 =	simm.s32 $0x14C00;
	s28 =	simm.s32 $0x15400;
	[tilespmem:s0+$0xD050] =	vst v8  }
0x195: {  	s29 =	simm.s32 $0x15800;
	s30 =	simm.s32 $0x16000;
	[tilespmem:s0+$0xD060] =	vst v8;
	s0 =	simm.s32 $0x0  }
.LBB2_16:
0x196: {  	v14 =	vadd.s32 v1, v13  }
0x197: {  	v14 =	vshrl.u32 v14, $0x3  }
0x198: {  	v14 =	vmul.u32 $0x18, v14  }
0x199: {  	v63 =	vand.u32 $0x7, v13  }
0x19a: {  	v13 =	vor.u32 v63, v14  }
0x19b: {  	v10 =	vperm.xlane v13, v10;
	_ =	sdelay $0x1  }
0x19c: {  	v10 =	vadd.s32 v11, v10;
	_ =	sdelay $0x2  }
0x19d: {  	v12 =	vperm.xlane v13, v12  }
0x19e: {  	s16 =	sadd.s32 $0x1, s16  }
0x19f: {  	v11 =	vadd.s32 v11, v12;
	[hbm4b:s3+s4] =	stream.indirect_vreg.scatter [tilespmem:s19], [sflag:$0x4], $0x80, v10, vm0, $0xb8;
	[tilespmem:$0x1DD00] =	vst v63  }
0x1a0: {  	p0 =	sne.s32 s16, $0x40  }
0x1a1: {  	[hbm4b:s11+s4] =	stream.indirect_vreg.scatter [tilespmem:s12], [sflag:$0x4], $0x80, v10, vm1, $0xb8;
	[tilespmem:$0x1DD00] =	vst v63  }
.Ltmp6:
0x1a2: {  	_ = 	snop;
	(pc) =	sbr.rel @!p0 .LBB2_17-.Ltmp6, $4  }
0x1a3: {  	_ = 	snop  }
0x1a4: {  	[hbm4b:s3+s4] =	stream.indirect_vreg.scatter [tilespmem:s7], [sflag:$0x4], $0x80, v11, vm0, $0xb8;
	[tilespmem:$0x1DD00] =	vst v63  }
0x1a5: {  	s0 =	sadd.s32 $0x20, s0;
	s13 =	sadd.s32 $0x20, s13  }
0x1a6: {  	[hbm4b:s11+s4] =	stream.indirect_vreg.scatter [tilespmem:s6], [sflag:$0x4], $0x80, v11, vm1, $0xb8;
	[tilespmem:$0x1DD00] =	vst v63  }
.LBB2_8:
0x1a7: {  	p0 =	seq.s32 s16, $0x0;
	s18 =	sshll.u32 s16, $0x5  }
0x1a8: {  	s6 =	simm.s32 @!p0 $0x3;
	vm2 =	vgt.s32 v9, s18  }
0x1a9: {  	_ =	swait.ge @!p0 [sflag:s6], $0x1800;
	v10 =	vsel vm2, $0x3F800000, v8  }
0x1aa: {  	(xrf0) =	vmax.scan.msk.f32 $0xffff, v10;
	_ =	sdelay $0x5  }
0x1ab: {  	v10, _, _ =	vpop (xrf0)  }
0x1ac: {  	(v2sf) =	vpush v10, $0xF;
	_ =	sdelay $0xe  }
0x1ad: {  	s23 =	spop (v2sf)  }
0x1ae: {  	p1 =	sgt.f32 s23, $0.0e+00  }
.Ltmp7:
0x1af: {  	_ = 	snop;
	(pc) =	sbr.rel @!p1 .LBB2_12-.Ltmp7, $4  }
0x1b0: {  	s7 =	simm.s32 $0xD400  }
0x1b1: {  	s12 =	simm.s32 $0xD000;
	s19 =	simm.s32 $0xC800;
	[sflag:s6] =	ssyncset.done @!p0 $0x0  }
0x1b2: {  	s21 =	simm.s32 $0xC800;
	s22 =	simm.s32 $0xD000;
	[sflag:s6] =	ssyncadd.s32 @!p0 $0xFFFFE800  }
0x1b3: {  	s15 =	simm.s32 $0xD400;
	s14 =	simm.s32 $0xDC00;
	s6 =	simm.s32 $0xDC00;
	v10 =	vld [tilespmem:s18+$0xC000]  }
0x1b4: {  	_ =	sdelay $0x3  }
0x1b5: {  	v11 =	vshll.u32 v10, $0x3  }
0x1b6: {  	v12 =	vand.u32 $0xF, v10;
	v11 =	vand.u32 $0xFFFFFF80, v11  }
0x1b7: {  	v11 =	vor.u32 v12, v11;
	_ =	sdelay $0x4  }
0x1b8: {  	v12 =	vld.idx.msk [tilespmem:v11+s20+$0x0], $0xffff;
	_ =	sdelay $0x4  }
0x1b9: {  	v13 =	vshrl.u32 v12, $0x3  }
0x1ba: {  	v13 =	vmul.u32 $0x18, v13  }
0x1bb: {  	v12 =	vand.u32 $0x7, v12  }
0x1bc: {  	v60 =	vand.u32 $0x7, v7;
	v14 =	vshrl.u32 v7, $0x3;
	v12 =	vor.u32 v12, v13  }
0x1bd: {  	v14 =	vmul.u32 $0x8, v14;
	v15 =	vperm.xlane v12, v60;
	_ =	sdelay $0x1  }
0x1be: {  	v15 =	vadd.s32 v14, v15  }
0x1bf: {  	v16 =	vor.u32 $0x8, v7  }
0x1c0: {  	v12 =	vperm.xlane v12, v16;
	_ =	sdelay $0x1  }
0x1c1: {  	s15 =	simm.s32 $0x0;
	s14 =	simm.s32 $0xE000;
	v12 =	vadd.s32 v14, v12  }
0x1c2: {  	[tilespmem:s14], [sflag:$0x1] =	stream.indirect_vreg.gather [hbm4b:s1+s15], $0x80, v15, vm0, $0xb8;
	[tilespmem:$0x1DD00] =	vst v63  }
0x1c3: {  	s23 =	simm.s32 $0xE800  }
0x1c4: {  	v61 =	vor.u32 $0x10, v11;
	[tilespmem:s23], [sflag:$0x1] =	stream.indirect_vreg.gather [hbm4b:s10+s15], $0x80, v15, vm1, $0xb8;
	[tilespmem:$0x1DD00] =	vst v63  }
0x1c5: {  	s21 =	simm.s32 $0xEC00  }
0x1c6: {  	[tilespmem:s21], [sflag:$0x1] =	stream.indirect_vreg.gather [hbm4b:s1+s15], $0x80, v12, vm0, $0xb8;
	[tilespmem:$0x1DD00] =	vst v63  }
0x1c7: {  	s22 =	simm.s32 $0xF400  }
0x1c8: {  	[tilespmem:s22], [sflag:$0x1] =	stream.indirect_vreg.gather [hbm4b:s10+s15], $0x80, v12, vm1, $0xb8;
	[tilespmem:$0x1DD00] =	vst v63  }
0x1c9: {  	v12 =	vld.idx.msk [tilespmem:v61+s20+$0x0], $0xffff;
	_ =	sdelay $0x4  }
0x1ca: {  	v15 =	vshrl.u32 v12, $0x3  }
0x1cb: {  	v15 =	vmul.u32 $0x18, v15  }
0x1cc: {  	v12 =	vand.u32 $0x7, v12  }
0x1cd: {  	v12 =	vor.u32 v12, v15  }
0x1ce: {  	v15 =	vperm.xlane v12, v60;
	_ =	sdelay $0x1  }
0x1cf: {  	v15 =	vadd.s32 v14, v15;
	_ =	sdelay $0x1  }
0x1d0: {  	v12 =	vperm.xlane v12, v16;
	_ =	sdelay $0x1  }
0x1d1: {  	s23 =	simm.s32 $0xF800;
	v12 =	vadd.s32 v14, v12  }
0x1d2: {  	[tilespmem:s23], [sflag:$0x1] =	stream.indirect_vreg.gather [hbm4b:s1+s15], $0x80, v15, vm0, $0xb8;
	[tilespmem:$0x1DD00] =	vst v63  }
0x1d3: {  	s21 =	simm.s32 $0x10000  }
0x1d4: {  	v62 =	vor.u32 $0x20, v11;
	[tilespmem:s21], [sflag:$0x1] =	stream.indirect_vreg.gather [hbm4b:s10+s15], $0x80, v15, vm1, $0xb8;
	[tilespmem:$0x1DD00] =	vst v63  }
0x1d5: {  	s22 =	simm.s32 $0x10400  }
0x1d6: {  	[tilespmem:s22], [sflag:$0x1] =	stream.indirect_vreg.gather [hbm4b:s1+s15], $0x80, v12, vm0, $0xb8;
	[tilespmem:$0x1DD00] =	vst v63  }
0x1d7: {  	s23 =	simm.s32 $0x10C00  }
0x1d8: {  	[tilespmem:s23], [sflag:$0x1] =	stream.indirect_vreg.gather [hbm4b:s10+s15], $0x80, v12, vm1, $0xb8;
	[tilespmem:$0x1DD00] =	vst v63  }
0x1d9: {  	v12 =	vld.idx.msk [tilespmem:v62+s20+$0x0], $0xffff;
	_ =	sdelay $0x4  }
0x1da: {  	v15 =	vshrl.u32 v12, $0x3  }
0x1db: {  	v15 =	vmul.u32 $0x18, v15  }
0x1dc: {  	v12 =	vand.u32 $0x7, v12  }
0x1dd: {  	v12 =	vor.u32 v12, v15  }
0x1de: {  	v15 =	vperm.xlane v12, v60;
	_ =	sdelay $0x1  }
0x1df: {  	v15 =	vadd.s32 v14, v15;
	_ =	sdelay $0x1  }
0x1e0: {  	v12 =	vperm.xlane v12, v16;
	_ =	sdelay $0x1  }
0x1e1: {  	s21 =	simm.s32 $0x11000;
	v12 =	vadd.s32 v14, v12  }
0x1e2: {  	[tilespmem:s21], [sflag:$0x1] =	stream.indirect_vreg.gather [hbm4b:s1+s15], $0x80, v15, vm0, $0xb8;
	[tilespmem:$0x1DD00] =	vst v63  }
0x1e3: {  	s22 =	simm.s32 $0x11800  }
0x1e4: {  	v11 =	vor.u32 $0x30, v11;
	[tilespmem:s22], [sflag:$0x1] =	stream.indirect_vreg.gather [hbm4b:s10+s15], $0x80, v15, vm1, $0xb8;
	[tilespmem:$0x1DD00] =	vst v63  }
0x1e5: {  	s23 =	simm.s32 $0x11C00  }
0x1e6: {  	[tilespmem:s23], [sflag:$0x1] =	stream.indirect_vreg.gather [hbm4b:s1+s15], $0x80, v12, vm0, $0xb8;
	[tilespmem:$0x1DD00] =	vst v63  }
0x1e7: {  	s21 =	simm.s32 $0x12400  }
0x1e8: {  	[tilespmem:s21], [sflag:$0x1] =	stream.indirect_vreg.gather [hbm4b:s10+s15], $0x80, v12, vm1, $0xb8;
	[tilespmem:$0x1DD00] =	vst v63  }
0x1e9: {  	v11 =	vld.idx.msk [tilespmem:v11+s20+$0x0], $0xffff;
	_ =	sdelay $0x4  }
0x1ea: {  	v63 =	vshrl.u32 v11, $0x3  }
0x1eb: {  	v12 =	vmul.u32 $0x18, v63  }
0x1ec: {  	v11 =	vand.u32 $0x7, v11  }
0x1ed: {  	v11 =	vor.u32 v11, v12  }
0x1ee: {  	v12 =	vperm.xlane v11, v60;
	_ =	sdelay $0x1  }
0x1ef: {  	v12 =	vadd.s32 v14, v12;
	_ =	sdelay $0x1  }
0x1f0: {  	v11 =	vperm.xlane v11, v16;
	_ =	sdelay $0x1  }
0x1f1: {  	s22 =	simm.s32 $0x12800;
	v11 =	vadd.s32 v14, v11  }
0x1f2: {  	[tilespmem:s22], [sflag:$0x1] =	stream.indirect_vreg.gather [hbm4b:s1+s15], $0x80, v12, vm0, $0xb8;
	[tilespmem:$0x1DD00] =	vst v63  }
0x1f3: {  	s23 =	simm.s32 $0x13000  }
0x1f4: {  	[tilespmem:s23], [sflag:$0x1] =	stream.indirect_vreg.gather [hbm4b:s10+s15], $0x80, v12, vm1, $0xb8;
	[tilespmem:$0x1DD00] =	vst v63  }
0x1f5: {  	_ = 	snop  }
0x1f6: {  	[tilespmem:s31], [sflag:$0x1] =	stream.indirect_vreg.gather [hbm4b:s1+s15], $0x80, v11, vm0, $0xb8;
	[tilespmem:$0x1DD00] =	vst v63  }
0x1f7: {  	_ = 	snop  }
0x1f8: {  	[tilespmem:s2], [sflag:$0x1] =	stream.indirect_vreg.gather [hbm4b:s10+s15], $0x80, v11, vm1, $0xb8;
	[tilespmem:$0x1DD00] =	vst v63  }
0x1f9: {  	_ =	swait.ge [sflag:s5], $0x1800  }
0x1fa: {  	[sflag:s5] =	ssyncset.done $0x0  }
0x1fb: {  	[sflag:s5] =	ssyncadd.s32 $0xFFFFE800  }
0x1fc: {  	_ =	swait.ge [sflag:s5], $0x1800  }
0x1fd: {  	[sflag:s5] =	ssyncset.done $0x0  }
0x1fe: {  	[sflag:s5] =	ssyncadd.s32 $0xFFFFE800  }
0x1ff: {  	_ =	swait.ge [sflag:s5], $0x1800  }
0x200: {  	[sflag:s5] =	ssyncset.done $0x0  }
0x201: {  	[sflag:s5] =	ssyncadd.s32 $0xFFFFE800  }
0x202: {  	_ =	swait.ge [sflag:s5], $0x1800  }
0x203: {  	[sflag:s5] =	ssyncset.done $0x0  }
0x204: {  	s14 =	simm.s32 $0x0;
	[sflag:s5] =	ssyncadd.s32 $0xFFFFE800  }
.LBB2_10:
0x205: {  	s21 =	sadd.s32 s14, s0  }
0x206: {  	v11 =	vmov s21;
	_ =	sdelay $0x4  }
0x207: {  	v11 =	vld.idx.msk [tilespmem:v11+s17+$0x0], $0xffff;
	_ =	sdelay $0x4  }
0x208: {  	v12 =	vshll.u32 v11, $0x3  }
0x209: {  	s22 =	sshrl.u32 s14, $0x3;
	v11 =	vand.u32 $0xF, v11;
	v12 =	vand.u32 $0xFFFFFF80, v12  }
0x20a: {  	s21 =	smul.u32 $0xC00, s22;
	v13 =	vor.u32 v11, v12  }
0x20b: {  	s22 =	sand.u32 $0x380, s15;
	v12 =	vor.u32 $0x10, v13  }
0x20c: {  	s21 =	sor.u32 s22, s21  }
0x20d: {  	v16 =	vld [tilespmem:s21+$0xE000];
	v14 =	vor.u32 $0x20, v13  }
0x20e: {  	v17 =	vld [tilespmem:s21+$0xF800]  }
0x20f: {  	v15 =	vor.u32 $0x30, v13;
	v11 =	vld.idx.msk [tilespmem:v13+s9+$0x0], $0xffff  }
0x210: {  	v12 =	vld.idx.msk [tilespmem:v12+s9+$0x0], $0xffff  }
0x211: {  	v18 =	vld [tilespmem:s21+$0x11000]  }
0x212: {  	v13 =	vld.idx.msk [tilespmem:v14+s9+$0x0], $0xffff  }
0x213: {  	v55 =	vld [tilespmem:s21+$0x12800]  }
0x214: {  	v14 =	vld.idx.msk [tilespmem:v15+s9+$0x0], $0xffff  }
0x215: {  	v16 =	vmul.f32 v16, v11;
	v17 =	vmul.f32 v17, v12;
	_ =	sdelay $0x1  }
0x216: {  	v56 =	vmul.f32 v18, v13;
	v16 =	vadd.f32 v17, v16;
	_ =	sdelay $0x1  }
0x217: {  	v57 =	vld [tilespmem:s21+$0xE010];
	v15 =	vmul.f32 v55, v14;
	v16 =	vadd.f32 v56, v16  }
0x218: {  	v58 =	vld [tilespmem:s21+$0xF810]  }
0x219: {  	v15 =	vadd.f32 v15, v16  }
0x21a: {  	v59 =	vld [tilespmem:s21+$0x11010]  }
0x21b: {  	s22 =	sadd.s32 $0x12800, s21;
	[tilespmem:s21+$0x1A000] =	vst v15  }
0x21c: {  	v15 =	vld [tilespmem:s22+$0x10]  }
0x21d: {  	v18 =	vmul.f32 v58, v12;
	v17 =	vmul.f32 v57, v11;
	_ =	sdelay $0x1  }
0x21e: {  	v17 =	vadd.f32 v18, v17;
	v16 =	vmul.f32 v59, v13;
	_ =	sdelay $0x1  }
0x21f: {  	v60 =	vld [tilespmem:s21+$0xE020];
	v16 =	vadd.f32 v16, v17;
	v15 =	vmul.f32 v15, v14  }
0x220: {  	v61 =	vld [tilespmem:s21+$0xF820]  }
0x221: {  	v15 =	vadd.f32 v15, v16  }
0x222: {  	v62 =	vld [tilespmem:s21+$0x11020]  }
0x223: {  	[tilespmem:s21+$0x1A010] =	vst v15  }
0x224: {  	v15 =	vld [tilespmem:s22+$0x20]  }
0x225: {  	v18 =	vmul.f32 v61, v12;
	v17 =	vmul.f32 v60, v11;
	_ =	sdelay $0x1  }
0x226: {  	v17 =	vadd.f32 v18, v17;
	v16 =	vmul.f32 v62, v13;
	_ =	sdelay $0x1  }
0x227: {  	v63 =	vld [tilespmem:s21+$0xE030];
	v16 =	vadd.f32 v16, v17;
	v15 =	vmul.f32 v15, v14  }
0x228: {  	v21 =	vld [tilespmem:s21+$0xF830]  }
0x229: {  	v15 =	vadd.f32 v15, v16  }
0x22a: {  	v22 =	vld [tilespmem:s21+$0x11030]  }
0x22b: {  	[tilespmem:s21+$0x1A020] =	vst v15  }
0x22c: {  	v15 =	vld [tilespmem:s22+$0x30]  }
0x22d: {  	v18 =	vmul.f32 v21, v12;
	v17 =	vmul.f32 v63, v11;
	_ =	sdelay $0x1  }
0x22e: {  	v17 =	vadd.f32 v18, v17;
	v16 =	vmul.f32 v22, v13;
	_ =	sdelay $0x1  }
0x22f: {  	v23 =	vld [tilespmem:s21+$0xE040];
	v16 =	vadd.f32 v16, v17;
	v15 =	vmul.f32 v15, v14  }
0x230: {  	v24 =	vld [tilespmem:s21+$0xF840]  }
0x231: {  	v15 =	vadd.f32 v15, v16  }
0x232: {  	v25 =	vld [tilespmem:s21+$0x11040]  }
0x233: {  	[tilespmem:s21+$0x1A030] =	vst v15  }
0x234: {  	v15 =	vld [tilespmem:s22+$0x40]  }
0x235: {  	v18 =	vmul.f32 v24, v12;
	v17 =	vmul.f32 v23, v11;
	_ =	sdelay $0x1  }
0x236: {  	v17 =	vadd.f32 v18, v17;
	v16 =	vmul.f32 v25, v13;
	_ =	sdelay $0x1  }
0x237: {  	v26 =	vld [tilespmem:s21+$0xE050];
	v16 =	vadd.f32 v16, v17;
	v15 =	vmul.f32 v15, v14  }
0x238: {  	v27 =	vld [tilespmem:s21+$0xF850]  }
0x239: {  	v15 =	vadd.f32 v15, v16  }
0x23a: {  	v28 =	vld [tilespmem:s21+$0x11050]  }
0x23b: {  	[tilespmem:s21+$0x1A040] =	vst v15  }
0x23c: {  	v15 =	vld [tilespmem:s22+$0x50]  }
0x23d: {  	v18 =	vmul.f32 v27, v12;
	v17 =	vmul.f32 v26, v11;
	_ =	sdelay $0x1  }
0x23e: {  	v17 =	vadd.f32 v18, v17;
	v16 =	vmul.f32 v28, v13;
	_ =	sdelay $0x1  }
0x23f: {  	v29 =	vld [tilespmem:s21+$0xE060];
	v16 =	vadd.f32 v16, v17;
	v15 =	vmul.f32 v15, v14  }
0x240: {  	v30 =	vld [tilespmem:s21+$0xF860]  }
0x241: {  	v15 =	vadd.f32 v15, v16  }
0x242: {  	v31 =	vld [tilespmem:s21+$0x11060]  }
0x243: {  	[tilespmem:s21+$0x1A050] =	vst v15  }
0x244: {  	v15 =	vld [tilespmem:s22+$0x60]  }
0x245: {  	v18 =	vmul.f32 v30, v12;
	v17 =	vmul.f32 v29, v11;
	_ =	sdelay $0x1  }
0x246: {  	v32 =	vld [tilespmem:s21+$0xE070];
	v17 =	vadd.f32 v18, v17;
	v16 =	vmul.f32 v31, v13  }
0x247: {  	v19 =	vld [tilespmem:s21+$0xE400]  }
0x248: {  	v34 =	vld [tilespmem:s21+$0xFC00];
	v16 =	vadd.f32 v16, v17;
	v15 =	vmul.f32 v15, v14  }
0x249: {  	v33 =	vld [tilespmem:s21+$0xF870]  }
0x24a: {  	v35 =	vld [tilespmem:s21+$0x11400];
	v15 =	vadd.f32 v15, v16  }
0x24b: {  	v20 =	vld [tilespmem:s21+$0x11070]  }
0x24c: {  	v22 =	vld [tilespmem:s21+$0x12C00];
	[tilespmem:s21+$0x1A060] =	vst v15  }
0x24d: {  	v19 =	vmul.f32 v19, v11;
	v16 =	vmul.f32 v34, v12;
	v21 =	vld [tilespmem:s22+$0x70]  }
0x24e: {  	v18 =	vmul.f32 v32, v11;
	v17 =	vmul.f32 v33, v12  }
0x24f: {  	v16 =	vadd.f32 v16, v19;
	v15 =	vmul.f32 v35, v13  }
0x250: {  	v36 =	vmul.f32 v20, v13;
	v17 =	vadd.f32 v17, v18  }
0x251: {  	v38 =	vmul.f32 v22, v14;
	v15 =	vadd.f32 v15, v16  }
0x252: {  	v17 =	vadd.f32 v36, v17;
	v37 =	vmul.f32 v21, v14  }
0x253: {  	v15 =	vadd.f32 v38, v15  }
0x254: {  	v39 =	vld [tilespmem:s21+$0xE410];
	v17 =	vadd.f32 v37, v17  }
0x255: {  	v40 =	vld [tilespmem:s21+$0xFC10];
	[tilespmem:s21+$0x1A400] =	vst v15  }
0x256: {  	s22 =	sadd.s32 $0x11400, s21;
	[tilespmem:s21+$0x1A070] =	vst v17  }
0x257: {  	v15 =	vld [tilespmem:s22+$0x10]  }
0x258: {  	s23 =	sadd.s32 $0x12C00, s21  }
0x259: {  	v41 =	vld [tilespmem:s23+$0x10]  }
0x25a: {  	v16 =	vmul.f32 v39, v11;
	v17 =	vmul.f32 v40, v12;
	_ =	sdelay $0x1  }
0x25b: {  	v16 =	vadd.f32 v17, v16;
	v15 =	vmul.f32 v15, v13;
	_ =	sdelay $0x1  }
0x25c: {  	v42 =	vmul.f32 v41, v14;
	v15 =	vadd.f32 v15, v16;
	_ =	sdelay $0x1  }
0x25d: {  	v43 =	vld [tilespmem:s21+$0xE420];
	v15 =	vadd.f32 v42, v15  }
0x25e: {  	v44 =	vld [tilespmem:s21+$0xFC20]  }
0x25f: {  	[tilespmem:s21+$0x1A410] =	vst v15  }
0x260: {  	v15 =	vld [tilespmem:s22+$0x20];
	_ =	sdelay $0x1  }
0x261: {  	v45 =	vld [tilespmem:s23+$0x20]  }
0x262: {  	v17 =	vmul.f32 v44, v12;
	v16 =	vmul.f32 v43, v11;
	_ =	sdelay $0x1  }
0x263: {  	v16 =	vadd.f32 v17, v16;
	v15 =	vmul.f32 v15, v13;
	_ =	sdelay $0x1  }
0x264: {  	v46 =	vmul.f32 v45, v14;
	v15 =	vadd.f32 v15, v16;
	_ =	sdelay $0x1  }
0x265: {  	v47 =	vld [tilespmem:s21+$0xE430];
	v15 =	vadd.f32 v46, v15  }
0x266: {  	v48 =	vld [tilespmem:s21+$0xFC30]  }
0x267: {  	[tilespmem:s21+$0x1A420] =	vst v15  }
0x268: {  	v15 =	vld [tilespmem:s22+$0x30];
	_ =	sdelay $0x1  }
0x269: {  	v49 =	vld [tilespmem:s23+$0x30]  }
0x26a: {  	v17 =	vmul.f32 v48, v12;
	v16 =	vmul.f32 v47, v11;
	_ =	sdelay $0x1  }
0x26b: {  	v16 =	vadd.f32 v17, v16;
	v15 =	vmul.f32 v15, v13;
	_ =	sdelay $0x1  }
0x26c: {  	v50 =	vmul.f32 v49, v14;
	v15 =	vadd.f32 v15, v16;
	_ =	sdelay $0x1  }
0x26d: {  	v51 =	vld [tilespmem:s21+$0xE440];
	v15 =	vadd.f32 v50, v15  }
0x26e: {  	v52 =	vld [tilespmem:s21+$0xFC40]  }
0x26f: {  	[tilespmem:s21+$0x1A430] =	vst v15  }
0x270: {  	v15 =	vld [tilespmem:s22+$0x40];
	_ =	sdelay $0x1  }
0x271: {  	v53 =	vld [tilespmem:s23+$0x40]  }
0x272: {  	v17 =	vmul.f32 v52, v12;
	v16 =	vmul.f32 v51, v11;
	_ =	sdelay $0x1  }
0x273: {  	v16 =	vadd.f32 v17, v16;
	v15 =	vmul.f32 v15, v13;
	_ =	sdelay $0x1  }
0x274: {  	v54 =	vmul.f32 v53, v14;
	v15 =	vadd.f32 v15, v16;
	_ =	sdelay $0x1  }
0x275: {  	v55 =	vld [tilespmem:s21+$0xE450];
	v15 =	vadd.f32 v54, v15  }
0x276: {  	v56 =	vld [tilespmem:s21+$0xFC50]  }
0x277: {  	[tilespmem:s21+$0x1A440] =	vst v15  }
0x278: {  	v15 =	vld [tilespmem:s22+$0x50];
	_ =	sdelay $0x1  }
0x279: {  	v57 =	vld [tilespmem:s23+$0x50]  }
0x27a: {  	v17 =	vmul.f32 v56, v12;
	v16 =	vmul.f32 v55, v11;
	_ =	sdelay $0x1  }
0x27b: {  	v16 =	vadd.f32 v17, v16;
	v15 =	vmul.f32 v15, v13;
	_ =	sdelay $0x1  }
0x27c: {  	v58 =	vmul.f32 v57, v14;
	v15 =	vadd.f32 v15, v16;
	_ =	sdelay $0x1  }
0x27d: {  	v59 =	vld [tilespmem:s21+$0xE460];
	v15 =	vadd.f32 v58, v15  }
0x27e: {  	v60 =	vld [tilespmem:s21+$0xFC60]  }
0x27f: {  	[tilespmem:s21+$0x1A450] =	vst v15  }
0x280: {  	v15 =	vld [tilespmem:s22+$0x60];
	_ =	sdelay $0x1  }
0x281: {  	v61 =	vld [tilespmem:s23+$0x60]  }
0x282: {  	v17 =	vmul.f32 v60, v12;
	v16 =	vmul.f32 v59, v11;
	_ =	sdelay $0x1  }
0x283: {  	v16 =	vadd.f32 v17, v16;
	v15 =	vmul.f32 v15, v13;
	_ =	sdelay $0x1  }
0x284: {  	v63 =	vld [tilespmem:s21+$0xE470];
	v62 =	vmul.f32 v61, v14;
	v15 =	vadd.f32 v15, v16  }
0x285: {  	v25 =	vld [tilespmem:s21+$0xE800]  }
0x286: {  	v26 =	vld [tilespmem:s21+$0x10000];
	v15 =	vadd.f32 v62, v15  }
0x287: {  	v24 =	vld [tilespmem:s21+$0xFC70]  }
0x288: {  	v28 =	vld [tilespmem:s21+$0x11800];
	[tilespmem:s21+$0x1A460] =	vst v15  }
0x289: {  	v27 =	vld [tilespmem:s22+$0x70]  }
0x28a: {  	v30 =	vld [tilespmem:s21+$0x13000]  }
0x28b: {  	v18 =	vmul.f32 v25, v11;
	v15 =	vmul.f32 v26, v12;
	v29 =	vld [tilespmem:s23+$0x70]  }
0x28c: {  	v17 =	vmul.f32 v63, v11;
	v16 =	vmul.f32 v24, v12  }
0x28d: {  	v32 =	vmul.f32 v28, v13;
	v15 =	vadd.f32 v15, v18  }
0x28e: {  	v16 =	vadd.f32 v16, v17;
	v31 =	vmul.f32 v27, v13  }
0x28f: {  	v34 =	vmul.f32 v30, v14;
	v15 =	vadd.f32 v32, v15  }
0x290: {  	v33 =	vmul.f32 v29, v14;
	v16 =	vadd.f32 v31, v16  }
0x291: {  	v15 =	vadd.f32 v34, v15  }
0x292: {  	v36 =	vld [tilespmem:s21+$0x10010];
	v16 =	vadd.f32 v33, v16  }
0x293: {  	v35 =	vld [tilespmem:s21+$0xE810];
	[tilespmem:s21+$0x1A800] =	vst v15  }
0x294: {  	s23 =	sadd.s32 $0x11800, s21;
	[tilespmem:s21+$0x1A470] =	vst v16  }
0x295: {  	v15 =	vld [tilespmem:s23+$0x10];
	_ =	sdelay $0x1  }
0x296: {  	v37 =	vld [tilespmem:s21+$0x13010]  }
0x297: {  	v17 =	vmul.f32 v35, v11;
	v16 =	vmul.f32 v36, v12;
	_ =	sdelay $0x1  }
0x298: {  	v16 =	vadd.f32 v16, v17;
	v15 =	vmul.f32 v15, v13;
	_ =	sdelay $0x1  }
0x299: {  	v38 =	vmul.f32 v37, v14;
	v15 =	vadd.f32 v15, v16;
	_ =	sdelay $0x1  }
0x29a: {  	v39 =	vld [tilespmem:s21+$0xE820];
	v15 =	vadd.f32 v38, v15  }
0x29b: {  	v40 =	vld [tilespmem:s21+$0x10020]  }
0x29c: {  	[tilespmem:s21+$0x1A810] =	vst v15  }
0x29d: {  	v15 =	vld [tilespmem:s23+$0x20];
	_ =	sdelay $0x1  }
0x29e: {  	v41 =	vld [tilespmem:s21+$0x13020]  }
0x29f: {  	v17 =	vmul.f32 v40, v12;
	v16 =	vmul.f32 v39, v11;
	_ =	sdelay $0x1  }
0x2a0: {  	v16 =	vadd.f32 v17, v16;
	v15 =	vmul.f32 v15, v13;
	_ =	sdelay $0x1  }
0x2a1: {  	v42 =	vmul.f32 v41, v14;
	v15 =	vadd.f32 v15, v16;
	_ =	sdelay $0x1  }
0x2a2: {  	v44 =	vld [tilespmem:s21+$0x10030];
	v15 =	vadd.f32 v42, v15  }
0x2a3: {  	v43 =	vld [tilespmem:s21+$0xE830]  }
0x2a4: {  	[tilespmem:s21+$0x1A820] =	vst v15  }
0x2a5: {  	v15 =	vld [tilespmem:s23+$0x30];
	_ =	sdelay $0x1  }
0x2a6: {  	v45 =	vld [tilespmem:s21+$0x13030]  }
0x2a7: {  	v17 =	vmul.f32 v44, v12;
	v16 =	vmul.f32 v43, v11;
	_ =	sdelay $0x1  }
0x2a8: {  	v16 =	vadd.f32 v17, v16;
	v15 =	vmul.f32 v15, v13;
	_ =	sdelay $0x1  }
0x2a9: {  	v46 =	vmul.f32 v45, v14;
	v15 =	vadd.f32 v15, v16;
	_ =	sdelay $0x1  }
0x2aa: {  	v48 =	vld [tilespmem:s21+$0x10040];
	v15 =	vadd.f32 v46, v15  }
0x2ab: {  	v47 =	vld [tilespmem:s21+$0xE840]  }
0x2ac: {  	[tilespmem:s21+$0x1A830] =	vst v15  }
0x2ad: {  	v15 =	vld [tilespmem:s23+$0x40];
	_ =	sdelay $0x1  }
0x2ae: {  	v49 =	vld [tilespmem:s21+$0x13040]  }
0x2af: {  	v17 =	vmul.f32 v48, v12;
	v16 =	vmul.f32 v47, v11;
	_ =	sdelay $0x1  }
0x2b0: {  	v16 =	vadd.f32 v17, v16;
	v15 =	vmul.f32 v15, v13;
	_ =	sdelay $0x1  }
0x2b1: {  	v50 =	vmul.f32 v49, v14;
	v15 =	vadd.f32 v15, v16;
	_ =	sdelay $0x1  }
0x2b2: {  	v52 =	vld [tilespmem:s21+$0x10050];
	v15 =	vadd.f32 v50, v15  }
0x2b3: {  	v51 =	vld [tilespmem:s21+$0xE850]  }
0x2b4: {  	[tilespmem:s21+$0x1A840] =	vst v15  }
0x2b5: {  	v15 =	vld [tilespmem:s23+$0x50];
	_ =	sdelay $0x1  }
0x2b6: {  	v53 =	vld [tilespmem:s21+$0x13050]  }
0x2b7: {  	v17 =	vmul.f32 v52, v12;
	v16 =	vmul.f32 v51, v11;
	_ =	sdelay $0x1  }
0x2b8: {  	v16 =	vadd.f32 v17, v16;
	v15 =	vmul.f32 v15, v13;
	_ =	sdelay $0x1  }
0x2b9: {  	v54 =	vmul.f32 v53, v14;
	v15 =	vadd.f32 v15, v16;
	_ =	sdelay $0x1  }
0x2ba: {  	v56 =	vld [tilespmem:s21+$0x10060];
	v15 =	vadd.f32 v54, v15  }
0x2bb: {  	v55 =	vld [tilespmem:s21+$0xE860]  }
0x2bc: {  	[tilespmem:s21+$0x1A850] =	vst v15  }
0x2bd: {  	v15 =	vld [tilespmem:s23+$0x60];
	_ =	sdelay $0x1  }
0x2be: {  	v57 =	vld [tilespmem:s21+$0x13060]  }
0x2bf: {  	v17 =	vmul.f32 v56, v12;
	v16 =	vmul.f32 v55, v11;
	_ =	sdelay $0x1  }
0x2c0: {  	v16 =	vadd.f32 v17, v16;
	v15 =	vmul.f32 v15, v13;
	_ =	sdelay $0x1  }
0x2c1: {  	v58 =	vmul.f32 v57, v14;
	v15 =	vadd.f32 v15, v16;
	_ =	sdelay $0x1  }
0x2c2: {  	v60 =	vld [tilespmem:s21+$0x10070];
	v15 =	vadd.f32 v58, v15  }
0x2c3: {  	v59 =	vld [tilespmem:s21+$0xE870]  }
0x2c4: {  	[tilespmem:s21+$0x1A860] =	vst v15  }
0x2c5: {  	v15 =	vld [tilespmem:s23+$0x70];
	_ =	sdelay $0x1  }
0x2c6: {  	v61 =	vld [tilespmem:s21+$0x13070]  }
0x2c7: {  	v12 =	vmul.f32 v60, v12;
	v11 =	vmul.f32 v59, v11;
	_ =	sdelay $0x1  }
0x2c8: {  	v11 =	vadd.f32 v12, v11;
	v62 =	vmul.f32 v15, v13  }
0x2c9: {  	p1 =	sne.s32 s14, $0xF  }
.Ltmp8:
0x2ca: {  	v63 =	vmul.f32 v61, v14;
	v11 =	vadd.f32 v62, v11;
	(pc) =	sbr.rel @p1 .LBB2_10-.Ltmp8, $3  }
0x2cb: {  	_ = 	snop  }
0x2cc: {  	v11 =	vadd.f32 v63, v11;
	_ =	sdelay $0x1  }
0x2cd: {  	s14 =	sadd.s32 $0x1, s14;
	s15 =	sadd.s32 $0x80, s15;
	[tilespmem:s21+$0x1A870] =	vst v11  }
0x2ce: {  	s14 =	simm.s32 $0x1B400  }
0x2cf: {  	s15 =	simm.s32 $0x1AC00;
	s22 =	simm.s32 $0x1A800;
	s21 =	simm.s32 $0x1A000  }
.LBB2_12:
0x2d0: {  	_ =	sdelay $0x3  }
0x2d1: {  	v11 =	vadd.s32 v1, v10  }
0x2d2: {  	v11 =	vshrl.u32 v11, $0x3  }
0x2d3: {  	v11 =	vmul.u32 $0x18, v11  }
0x2d4: {  	v10 =	vand.u32 $0x7, v10  }
0x2d5: {  	v13 =	vor.u32 v10, v11;
	v10 =	vand.u32 $0x7, v7;
	v11 =	vshrl.u32 v7, $0x3  }
0x2d6: {  	v12 =	vperm.xlane v13, v10;
	v11 =	vmul.u32 $0x8, v11;
	_ =	sdelay $0x1  }
0x2d7: {  	v14 =	vadd.s32 v11, v12  }
0x2d8: {  	v12 =	vor.u32 $0x8, v7  }
0x2d9: {  	v13 =	vperm.xlane v13, v12;
	_ =	sdelay $0x1  }
0x2da: {  	v13 =	vadd.s32 v11, v13  }
0x2db: {  	[hbm4b:s3+s4] =	stream.indirect_vreg.scatter [tilespmem:s21], [sflag:$0x3], $0x80, v14, vm0, $0xb8;
	[tilespmem:$0x1DD00] =	vst v63  }
0x2dc: {  	_ = 	snop  }
0x2dd: {  	[hbm4b:s11+s4] =	stream.indirect_vreg.scatter [tilespmem:s22], [sflag:$0x3], $0x80, v14, vm1, $0xb8;
	[tilespmem:$0x1DD00] =	vst v63  }
0x2de: {  	_ = 	snop  }
0x2df: {  	[hbm4b:s3+s4] =	stream.indirect_vreg.scatter [tilespmem:s15], [sflag:$0x3], $0x80, v13, vm0, $0xb8;
	[tilespmem:$0x1DD00] =	vst v63  }
0x2e0: {  	s22 =	sor.u32 $0x10, s18;
	s15 =	simm.s32 @!p0 $0x4  }
0x2e1: {  	vm2 =	vgt.s32 v9, s22;
	[hbm4b:s11+s4] =	stream.indirect_vreg.scatter [tilespmem:s14], [sflag:$0x3], $0x80, v13, vm1, $0xb8;
	[tilespmem:$0x1DD00] =	vst v63  }
0x2e2: {  	v13 =	vsel vm2, $0x3F800000, v8;
	_ =	swait.ge @!p0 [sflag:s15], $0x1800  }
0x2e3: {  	(xrf0) =	vmax.scan.msk.f32 $0xffff, v13;
	_ =	sdelay $0x5  }
0x2e4: {  	v13, _, _ =	vpop (xrf0)  }
0x2e5: {  	(v2sf) =	vpush v13, $0xF;
	_ =	sdelay $0xe  }
0x2e6: {  	[sflag:s15] =	ssyncset.done @!p0 $0x0;
	s23 =	spop (v2sf)  }
0x2e7: {  	[sflag:s15] =	ssyncadd.s32 @!p0 $0xFFFFE800;
	p1 =	sgt.f32 s23, $0.0e+00  }
.Ltmp9:
0x2e8: {  	v13 =	vld [tilespmem:s18+$0xC010];
	(pc) =	sbr.rel @!p1 .LBB2_16-.Ltmp9, $1  }
0x2e9: {  	_ =	sdelay $0x3  }
0x2ea: {  	v14 =	vshll.u32 v13, $0x3  }
0x2eb: {  	v15 =	vand.u32 $0xF, v13;
	v14 =	vand.u32 $0xFFFFFF80, v14  }
0x2ec: {  	v14 =	vor.u32 v15, v14;
	_ =	sdelay $0x4  }
0x2ed: {  	v15 =	vld.idx.msk [tilespmem:v14+s20+$0x0], $0xffff;
	_ =	sdelay $0x4  }
0x2ee: {  	v16 =	vshrl.u32 v15, $0x3  }
0x2ef: {  	v16 =	vmul.u32 $0x18, v16  }
0x2f0: {  	v15 =	vand.u32 $0x7, v15  }
0x2f1: {  	v15 =	vor.u32 v15, v16  }
0x2f2: {  	v16 =	vperm.xlane v15, v10;
	_ =	sdelay $0x1  }
0x2f3: {  	v16 =	vadd.s32 v11, v16;
	_ =	sdelay $0x1  }
0x2f4: {  	v15 =	vperm.xlane v15, v12;
	_ =	sdelay $0x1  }
0x2f5: {  	s6 =	simm.s32 $0x0;
	v15 =	vadd.s32 v11, v15  }
0x2f6: {  	[tilespmem:s24], [sflag:$0x2] =	stream.indirect_vreg.gather [hbm4b:s1+s6], $0x80, v16, vm0, $0xb8;
	[tilespmem:$0x1DD00] =	vst v63  }
0x2f7: {  	_ = 	snop  }
0x2f8: {  	v62 =	vor.u32 $0x10, v14;
	[tilespmem:s25], [sflag:$0x2] =	stream.indirect_vreg.gather [hbm4b:s10+s6], $0x80, v16, vm1, $0xb8;
	[tilespmem:$0x1DD00] =	vst v63  }
0x2f9: {  	_ = 	snop  }
0x2fa: {  	[tilespmem:s26], [sflag:$0x2] =	stream.indirect_vreg.gather [hbm4b:s1+s6], $0x80, v15, vm0, $0xb8;
	[tilespmem:$0x1DD00] =	vst v63  }
0x2fb: {  	_ = 	snop  }
0x2fc: {  	[tilespmem:s28], [sflag:$0x2] =	stream.indirect_vreg.gather [hbm4b:s10+s6], $0x80, v15, vm1, $0xb8;
	[tilespmem:$0x1DD00] =	vst v63  }
0x2fd: {  	v15 =	vld.idx.msk [tilespmem:v62+s20+$0x0], $0xffff;
	_ =	sdelay $0x4  }
0x2fe: {  	v16 =	vshrl.u32 v15, $0x3  }
0x2ff: {  	v16 =	vmul.u32 $0x18, v16  }
0x300: {  	v15 =	vand.u32 $0x7, v15  }
0x301: {  	v15 =	vor.u32 v15, v16  }
0x302: {  	v16 =	vperm.xlane v15, v10;
	_ =	sdelay $0x1  }
0x303: {  	v16 =	vadd.s32 v11, v16;
	_ =	sdelay $0x1  }
0x304: {  	v15 =	vperm.xlane v15, v12;
	_ =	sdelay $0x1  }
0x305: {  	v15 =	vadd.s32 v11, v15  }
0x306: {  	[tilespmem:s29], [sflag:$0x2] =	stream.indirect_vreg.gather [hbm4b:s1+s6], $0x80, v16, vm0, $0xb8;
	[tilespmem:$0x1DD00] =	vst v63  }
0x307: {  	_ = 	snop  }
0x308: {  	v63 =	vor.u32 $0x20, v14;
	[tilespmem:s30], [sflag:$0x2] =	stream.indirect_vreg.gather [hbm4b:s10+s6], $0x80, v16, vm1, $0xb8;
	[tilespmem:$0x1DD00] =	vst v63  }
0x309: {  	s7 =	simm.s32 $0x16400  }
0x30a: {  	[tilespmem:s7], [sflag:$0x2] =	stream.indirect_vreg.gather [hbm4b:s1+s6], $0x80, v15, vm0, $0xb8;
	[tilespmem:$0x1DD00] =	vst v63  }
0x30b: {  	s23 =	simm.s32 $0x16C00  }
0x30c: {  	[tilespmem:s23], [sflag:$0x2] =	stream.indirect_vreg.gather [hbm4b:s10+s6], $0x80, v15, vm1, $0xb8;
	[tilespmem:$0x1DD00] =	vst v63  }
0x30d: {  	v15 =	vld.idx.msk [tilespmem:v63+s20+$0x0], $0xffff;
	_ =	sdelay $0x4  }
0x30e: {  	v16 =	vshrl.u32 v15, $0x3  }
0x30f: {  	v16 =	vmul.u32 $0x18, v16  }
0x310: {  	v15 =	vand.u32 $0x7, v15  }
0x311: {  	v15 =	vor.u32 v15, v16  }
0x312: {  	v16 =	vperm.xlane v15, v10;
	_ =	sdelay $0x1  }
0x313: {  	v16 =	vadd.s32 v11, v16;
	_ =	sdelay $0x1  }
0x314: {  	v15 =	vperm.xlane v15, v12;
	_ =	sdelay $0x1  }
0x315: {  	s12 =	simm.s32 $0x17000;
	v15 =	vadd.s32 v11, v15  }
0x316: {  	[tilespmem:s12], [sflag:$0x2] =	stream.indirect_vreg.gather [hbm4b:s1+s6], $0x80, v16, vm0, $0xb8;
	[tilespmem:$0x1DD00] =	vst v63  }
0x317: {  	s14 =	simm.s32 $0x17800  }
0x318: {  	v14 =	vor.u32 $0x30, v14;
	[tilespmem:s14], [sflag:$0x2] =	stream.indirect_vreg.gather [hbm4b:s10+s6], $0x80, v16, vm1, $0xb8;
	[tilespmem:$0x1DD00] =	vst v63  }
0x319: {  	s15 =	simm.s32 $0x17C00  }
0x31a: {  	[tilespmem:s15], [sflag:$0x2] =	stream.indirect_vreg.gather [hbm4b:s1+s6], $0x80, v15, vm0, $0xb8;
	[tilespmem:$0x1DD00] =	vst v63  }
0x31b: {  	s18 =	simm.s32 $0x18400  }
0x31c: {  	[tilespmem:s18], [sflag:$0x2] =	stream.indirect_vreg.gather [hbm4b:s10+s6], $0x80, v15, vm1, $0xb8;
	[tilespmem:$0x1DD00] =	vst v63  }
0x31d: {  	v14 =	vld.idx.msk [tilespmem:v14+s20+$0x0], $0xffff;
	_ =	sdelay $0x4  }
0x31e: {  	v15 =	vshrl.u32 v14, $0x3  }
0x31f: {  	v15 =	vmul.u32 $0x18, v15  }
0x320: {  	v14 =	vand.u32 $0x7, v14  }
0x321: {  	v14 =	vor.u32 v14, v15  }
0x322: {  	v15 =	vperm.xlane v14, v10;
	_ =	sdelay $0x1  }
0x323: {  	v15 =	vadd.s32 v11, v15;
	_ =	sdelay $0x1  }
0x324: {  	v14 =	vperm.xlane v14, v12;
	_ =	sdelay $0x1  }
0x325: {  	s19 =	simm.s32 $0x18800;
	v14 =	vadd.s32 v11, v14  }
0x326: {  	[tilespmem:s19], [sflag:$0x2] =	stream.indirect_vreg.gather [hbm4b:s1+s6], $0x80, v15, vm0, $0xb8;
	[tilespmem:$0x1DD00] =	vst v63  }
0x327: {  	s21 =	simm.s32 $0x19000  }
0x328: {  	[tilespmem:s21], [sflag:$0x2] =	stream.indirect_vreg.gather [hbm4b:s10+s6], $0x80, v15, vm1, $0xb8;
	[tilespmem:$0x1DD00] =	vst v63  }
0x329: {  	s22 =	simm.s32 $0x19400  }
0x32a: {  	[tilespmem:s22], [sflag:$0x2] =	stream.indirect_vreg.gather [hbm4b:s1+s6], $0x80, v14, vm0, $0xb8;
	[tilespmem:$0x1DD00] =	vst v63  }
0x32b: {  	s23 =	simm.s32 $0x19C00  }
0x32c: {  	[tilespmem:s23], [sflag:$0x2] =	stream.indirect_vreg.gather [hbm4b:s10+s6], $0x80, v14, vm1, $0xb8;
	[tilespmem:$0x1DD00] =	vst v63  }
0x32d: {  	_ =	swait.ge [sflag:s8], $0x1800  }
0x32e: {  	[sflag:s8] =	ssyncset.done $0x0  }
0x32f: {  	[sflag:s8] =	ssyncadd.s32 $0xFFFFE800  }
0x330: {  	_ =	swait.ge [sflag:s8], $0x1800  }
0x331: {  	[sflag:s8] =	ssyncset.done $0x0  }
0x332: {  	[sflag:s8] =	ssyncadd.s32 $0xFFFFE800  }
0x333: {  	_ =	swait.ge [sflag:s8], $0x1800  }
0x334: {  	[sflag:s8] =	ssyncset.done $0x0  }
0x335: {  	[sflag:s8] =	ssyncadd.s32 $0xFFFFE800  }
0x336: {  	_ =	swait.ge [sflag:s8], $0x1800  }
0x337: {  	[sflag:s8] =	ssyncset.done $0x0  }
0x338: {  	s7 =	simm.s32 $0x0;
	[sflag:s8] =	ssyncadd.s32 $0xFFFFE800  }
.LBB2_14:
0x339: {  	s12 =	sadd.s32 s7, s13  }
0x33a: {  	v14 =	vmov s12;
	_ =	sdelay $0x4  }
0x33b: {  	v14 =	vld.idx.msk [tilespmem:v14+s17+$0x0], $0xffff;
	_ =	sdelay $0x4  }
0x33c: {  	v15 =	vshll.u32 v14, $0x3  }
0x33d: {  	s19 =	sshrl.u32 s7, $0x3;
	v14 =	vand.u32 $0xF, v14;
	v15 =	vand.u32 $0xFFFFFF80, v15  }
0x33e: {  	s12 =	smul.u32 $0xC00, s19;
	v16 =	vor.u32 v14, v15  }
0x33f: {  	s14 =	sand.u32 $0x380, s6;
	v15 =	vor.u32 $0x10, v16  }
0x340: {  	s12 =	sor.u32 s14, s12  }
0x341: {  	v19 =	vld [tilespmem:s12+$0x14000];
	v17 =	vor.u32 $0x20, v16  }
0x342: {  	v20 =	vld [tilespmem:s12+$0x15800]  }
0x343: {  	v18 =	vor.u32 $0x30, v16;
	v14 =	vld.idx.msk [tilespmem:v16+s9+$0x0], $0xffff  }
0x344: {  	v15 =	vld.idx.msk [tilespmem:v15+s9+$0x0], $0xffff  }
0x345: {  	v21 =	vld [tilespmem:s12+$0x17000]  }
0x346: {  	v16 =	vld.idx.msk [tilespmem:v17+s9+$0x0], $0xffff  }
0x347: {  	v58 =	vld [tilespmem:s12+$0x18800]  }
0x348: {  	v17 =	vld.idx.msk [tilespmem:v18+s9+$0x0], $0xffff  }
0x349: {  	v19 =	vmul.f32 v19, v14;
	v20 =	vmul.f32 v20, v15;
	_ =	sdelay $0x1  }
0x34a: {  	v59 =	vmul.f32 v21, v16;
	v19 =	vadd.f32 v20, v19;
	_ =	sdelay $0x1  }
0x34b: {  	v18 =	vmul.f32 v58, v17;
	v19 =	vadd.f32 v59, v19;
	_ =	sdelay $0x1  }
0x34c: {  	v18 =	vadd.f32 v18, v19;
	_ =	sdelay $0x1  }
0x34d: {  	s14 =	sadd.s32 $0x15800, s12;
	v60 =	vld [tilespmem:s12+$0x14010];
	[tilespmem:s12+$0x1B800] =	vst v18  }
0x34e: {  	v61 =	vld [tilespmem:s14+$0x10];
	_ =	sdelay $0x1  }
0x34f: {  	v62 =	vld [tilespmem:s12+$0x17010]  }
0x350: {  	s15 =	sadd.s32 $0x18800, s12  }
0x351: {  	v63 =	vld [tilespmem:s15+$0x10]  }
0x352: {  	v18 =	vmul.f32 v60, v14;
	v19 =	vmul.f32 v61, v15;
	_ =	sdelay $0x1  }
0x353: {  	v24 =	vmul.f32 v62, v16;
	v18 =	vadd.f32 v19, v18;
	_ =	sdelay $0x1  }
0x354: {  	v25 =	vmul.f32 v63, v17;
	v18 =	vadd.f32 v24, v18;
	_ =	sdelay $0x1  }
0x355: {  	v18 =	vadd.f32 v25, v18;
	_ =	sdelay $0x1  }
0x356: {  	v26 =	vld [tilespmem:s12+$0x14020];
	[tilespmem:s12+$0x1B810] =	vst v18  }
0x357: {  	v27 =	vld [tilespmem:s14+$0x20];
	_ =	sdelay $0x1  }
0x358: {  	v28 =	vld [tilespmem:s12+$0x17020];
	_ =	sdelay $0x1  }
0x359: {  	v29 =	vld [tilespmem:s15+$0x20]  }
0x35a: {  	v18 =	vmul.f32 v26, v14;
	v19 =	vmul.f32 v27, v15;
	_ =	sdelay $0x1  }
0x35b: {  	v30 =	vmul.f32 v28, v16;
	v18 =	vadd.f32 v19, v18;
	_ =	sdelay $0x1  }
0x35c: {  	v31 =	vmul.f32 v29, v17;
	v18 =	vadd.f32 v30, v18;
	_ =	sdelay $0x1  }
0x35d: {  	v18 =	vadd.f32 v31, v18;
	_ =	sdelay $0x1  }
0x35e: {  	v32 =	vld [tilespmem:s12+$0x14030];
	[tilespmem:s12+$0x1B820] =	vst v18  }
0x35f: {  	v33 =	vld [tilespmem:s14+$0x30];
	_ =	sdelay $0x1  }
0x360: {  	v34 =	vld [tilespmem:s12+$0x17030];
	_ =	sdelay $0x1  }
0x361: {  	v35 =	vld [tilespmem:s15+$0x30]  }
0x362: {  	v18 =	vmul.f32 v32, v14;
	v19 =	vmul.f32 v33, v15;
	_ =	sdelay $0x1  }
0x363: {  	v36 =	vmul.f32 v34, v16;
	v18 =	vadd.f32 v19, v18;
	_ =	sdelay $0x1  }
0x364: {  	v37 =	vmul.f32 v35, v17;
	v18 =	vadd.f32 v36, v18;
	_ =	sdelay $0x1  }
0x365: {  	v18 =	vadd.f32 v37, v18;
	_ =	sdelay $0x1  }
0x366: {  	v38 =	vld [tilespmem:s12+$0x14040];
	[tilespmem:s12+$0x1B830] =	vst v18  }
0x367: {  	v39 =	vld [tilespmem:s14+$0x40];
	_ =	sdelay $0x1  }
0x368: {  	v40 =	vld [tilespmem:s12+$0x17040];
	_ =	sdelay $0x1  }
0x369: {  	v41 =	vld [tilespmem:s15+$0x40]  }
0x36a: {  	v18 =	vmul.f32 v38, v14;
	v19 =	vmul.f32 v39, v15;
	_ =	sdelay $0x1  }
0x36b: {  	v42 =	vmul.f32 v40, v16;
	v18 =	vadd.f32 v19, v18;
	_ =	sdelay $0x1  }
0x36c: {  	v43 =	vmul.f32 v41, v17;
	v18 =	vadd.f32 v42, v18;
	_ =	sdelay $0x1  }
0x36d: {  	v18 =	vadd.f32 v43, v18;
	_ =	sdelay $0x1  }
0x36e: {  	v44 =	vld [tilespmem:s12+$0x14050];
	[tilespmem:s12+$0x1B840] =	vst v18  }
0x36f: {  	v45 =	vld [tilespmem:s14+$0x50];
	_ =	sdelay $0x1  }
0x370: {  	v46 =	vld [tilespmem:s12+$0x17050];
	_ =	sdelay $0x1  }
0x371: {  	v47 =	vld [tilespmem:s15+$0x50]  }
0x372: {  	v18 =	vmul.f32 v44, v14;
	v19 =	vmul.f32 v45, v15;
	_ =	sdelay $0x1  }
0x373: {  	v48 =	vmul.f32 v46, v16;
	v18 =	vadd.f32 v19, v18;
	_ =	sdelay $0x1  }
0x374: {  	v49 =	vmul.f32 v47, v17;
	v18 =	vadd.f32 v48, v18;
	_ =	sdelay $0x1  }
0x375: {  	v18 =	vadd.f32 v49, v18;
	_ =	sdelay $0x1  }
0x376: {  	v50 =	vld [tilespmem:s12+$0x14060];
	[tilespmem:s12+$0x1B850] =	vst v18  }
0x377: {  	v51 =	vld [tilespmem:s14+$0x60];
	_ =	sdelay $0x1  }
0x378: {  	v52 =	vld [tilespmem:s12+$0x17060];
	_ =	sdelay $0x1  }
0x379: {  	v53 =	vld [tilespmem:s15+$0x60]  }
0x37a: {  	v18 =	vmul.f32 v50, v14;
	v19 =	vmul.f32 v51, v15;
	_ =	sdelay $0x1  }
0x37b: {  	v54 =	vmul.f32 v52, v16;
	v18 =	vadd.f32 v19, v18;
	_ =	sdelay $0x1  }
0x37c: {  	v55 =	vmul.f32 v53, v17;
	v18 =	vadd.f32 v54, v18;
	_ =	sdelay $0x1  }
0x37d: {  	v56 =	vld [tilespmem:s12+$0x14070];
	v18 =	vadd.f32 v55, v18  }
0x37e: {  	v58 =	vld [tilespmem:s12+$0x14400]  }
0x37f: {  	v59 =	vld [tilespmem:s12+$0x15C00];
	[tilespmem:s12+$0x1B860] =	vst v18  }
0x380: {  	v57 =	vld [tilespmem:s14+$0x70]  }
0x381: {  	v23 =	vld [tilespmem:s12+$0x17400]  }
0x382: {  	v22 =	vld [tilespmem:s12+$0x17070]  }
0x383: {  	v25 =	vld [tilespmem:s12+$0x18C00]  }
0x384: {  	v20 =	vmul.f32 v58, v14;
	v21 =	vmul.f32 v59, v15;
	v24 =	vld [tilespmem:s15+$0x70]  }
0x385: {  	v18 =	vmul.f32 v56, v14;
	v19 =	vmul.f32 v57, v15  }
0x386: {  	v20 =	vadd.f32 v21, v20;
	v61 =	vmul.f32 v23, v16  }
0x387: {  	v60 =	vmul.f32 v22, v16;
	v18 =	vadd.f32 v19, v18  }
0x388: {  	v20 =	vadd.f32 v61, v20;
	v63 =	vmul.f32 v25, v17  }
0x389: {  	v62 =	vmul.f32 v24, v17;
	v18 =	vadd.f32 v60, v18  }
0x38a: {  	v24 =	vadd.f32 v63, v20  }
0x38b: {  	v18 =	vadd.f32 v62, v18  }
0x38c: {  	[tilespmem:s12+$0x1BC00] =	vst v24  }
0x38d: {  	s21 =	sadd.s32 $0x15C00, s12;
	v25 =	vld [tilespmem:s12+$0x14410];
	[tilespmem:s12+$0x1B870] =	vst v18  }
0x38e: {  	v19 =	vld [tilespmem:s21+$0x10]  }
0x38f: {  	s22 =	sadd.s32 $0x17400, s12  }
0x390: {  	v26 =	vld [tilespmem:s22+$0x10]  }
0x391: {  	s18 =	sadd.s32 $0x18C00, s12  }
0x392: {  	v27 =	vld [tilespmem:s18+$0x10]  }
0x393: {  	v18 =	vmul.f32 v25, v14;
	v19 =	vmul.f32 v19, v15;
	_ =	sdelay $0x1  }
0x394: {  	v28 =	vmul.f32 v26, v16;
	v18 =	vadd.f32 v19, v18;
	_ =	sdelay $0x1  }
0x395: {  	v29 =	vmul.f32 v27, v17;
	v18 =	vadd.f32 v28, v18;
	_ =	sdelay $0x1  }
0x396: {  	v18 =	vadd.f32 v29, v18;
	_ =	sdelay $0x1  }
0x397: {  	v30 =	vld [tilespmem:s12+$0x14420];
	[tilespmem:s12+$0x1BC10] =	vst v18  }
0x398: {  	v31 =	vld [tilespmem:s21+$0x20];
	_ =	sdelay $0x1  }
0x399: {  	v32 =	vld [tilespmem:s22+$0x20];
	_ =	sdelay $0x1  }
0x39a: {  	v33 =	vld [tilespmem:s18+$0x20]  }
0x39b: {  	v18 =	vmul.f32 v30, v14;
	v19 =	vmul.f32 v31, v15;
	_ =	sdelay $0x1  }
0x39c: {  	v34 =	vmul.f32 v32, v16;
	v18 =	vadd.f32 v19, v18;
	_ =	sdelay $0x1  }
0x39d: {  	v35 =	vmul.f32 v33, v17;
	v18 =	vadd.f32 v34, v18;
	_ =	sdelay $0x1  }
0x39e: {  	v18 =	vadd.f32 v35, v18;
	_ =	sdelay $0x1  }
0x39f: {  	v36 =	vld [tilespmem:s12+$0x14430];
	[tilespmem:s12+$0x1BC20] =	vst v18  }
0x3a0: {  	v37 =	vld [tilespmem:s21+$0x30];
	_ =	sdelay $0x1  }
0x3a1: {  	v38 =	vld [tilespmem:s22+$0x30];
	_ =	sdelay $0x1  }
0x3a2: {  	v39 =	vld [tilespmem:s18+$0x30]  }
0x3a3: {  	v18 =	vmul.f32 v36, v14;
	v19 =	vmul.f32 v37, v15;
	_ =	sdelay $0x1  }
0x3a4: {  	v40 =	vmul.f32 v38, v16;
	v18 =	vadd.f32 v19, v18;
	_ =	sdelay $0x1  }
0x3a5: {  	v41 =	vmul.f32 v39, v17;
	v18 =	vadd.f32 v40, v18;
	_ =	sdelay $0x1  }
0x3a6: {  	v18 =	vadd.f32 v41, v18;
	_ =	sdelay $0x1  }
0x3a7: {  	v42 =	vld [tilespmem:s12+$0x14440];
	[tilespmem:s12+$0x1BC30] =	vst v18  }
0x3a8: {  	v43 =	vld [tilespmem:s21+$0x40];
	_ =	sdelay $0x1  }
0x3a9: {  	v44 =	vld [tilespmem:s22+$0x40];
	_ =	sdelay $0x1  }
0x3aa: {  	v45 =	vld [tilespmem:s18+$0x40]  }
0x3ab: {  	v18 =	vmul.f32 v42, v14;
	v19 =	vmul.f32 v43, v15;
	_ =	sdelay $0x1  }
0x3ac: {  	v46 =	vmul.f32 v44, v16;
	v18 =	vadd.f32 v19, v18;
	_ =	sdelay $0x1  }
0x3ad: {  	v47 =	vmul.f32 v45, v17;
	v18 =	vadd.f32 v46, v18;
	_ =	sdelay $0x1  }
0x3ae: {  	v18 =	vadd.f32 v47, v18;
	_ =	sdelay $0x1  }
0x3af: {  	v48 =	vld [tilespmem:s12+$0x14450];
	[tilespmem:s12+$0x1BC40] =	vst v18  }
0x3b0: {  	v49 =	vld [tilespmem:s21+$0x50];
	_ =	sdelay $0x1  }
0x3b1: {  	v50 =	vld [tilespmem:s22+$0x50];
	_ =	sdelay $0x1  }
0x3b2: {  	v51 =	vld [tilespmem:s18+$0x50]  }
0x3b3: {  	v18 =	vmul.f32 v48, v14;
	v19 =	vmul.f32 v49, v15;
	_ =	sdelay $0x1  }
0x3b4: {  	v52 =	vmul.f32 v50, v16;
	v18 =	vadd.f32 v19, v18;
	_ =	sdelay $0x1  }
0x3b5: {  	v53 =	vmul.f32 v51, v17;
	v18 =	vadd.f32 v52, v18;
	_ =	sdelay $0x1  }
0x3b6: {  	v18 =	vadd.f32 v53, v18;
	_ =	sdelay $0x1  }
0x3b7: {  	v54 =	vld [tilespmem:s12+$0x14460];
	[tilespmem:s12+$0x1BC50] =	vst v18  }
0x3b8: {  	v55 =	vld [tilespmem:s21+$0x60];
	_ =	sdelay $0x1  }
0x3b9: {  	v56 =	vld [tilespmem:s22+$0x60];
	_ =	sdelay $0x1  }
0x3ba: {  	v57 =	vld [tilespmem:s18+$0x60]  }
0x3bb: {  	v18 =	vmul.f32 v54, v14;
	v19 =	vmul.f32 v55, v15;
	_ =	sdelay $0x1  }
0x3bc: {  	v58 =	vmul.f32 v56, v16;
	v18 =	vadd.f32 v19, v18;
	_ =	sdelay $0x1  }
0x3bd: {  	v59 =	vmul.f32 v57, v17;
	v18 =	vadd.f32 v58, v18;
	_ =	sdelay $0x1  }
0x3be: {  	v63 =	vld [tilespmem:s12+$0x16000];
	v18 =	vadd.f32 v59, v18  }
0x3bf: {  	v60 =	vld [tilespmem:s12+$0x14470]  }
0x3c0: {  	v62 =	vld [tilespmem:s12+$0x14800];
	[tilespmem:s12+$0x1BC60] =	vst v18  }
0x3c1: {  	v61 =	vld [tilespmem:s21+$0x70]  }
0x3c2: {  	v29 =	vld [tilespmem:s12+$0x17800]  }
0x3c3: {  	v28 =	vld [tilespmem:s22+$0x70]  }
0x3c4: {  	v31 =	vld [tilespmem:s12+$0x19000]  }
0x3c5: {  	v21 =	vmul.f32 v63, v15;
	v20 =	vmul.f32 v62, v14;
	v30 =	vld [tilespmem:s18+$0x70]  }
0x3c6: {  	v18 =	vmul.f32 v60, v14;
	v19 =	vmul.f32 v61, v15  }
0x3c7: {  	v20 =	vadd.f32 v21, v20;
	v33 =	vmul.f32 v29, v16  }
0x3c8: {  	v32 =	vmul.f32 v28, v16;
	v18 =	vadd.f32 v19, v18  }
0x3c9: {  	v20 =	vadd.f32 v33, v20;
	v35 =	vmul.f32 v31, v17  }
0x3ca: {  	v34 =	vmul.f32 v30, v17;
	v18 =	vadd.f32 v32, v18  }
0x3cb: {  	v36 =	vadd.f32 v35, v20  }
0x3cc: {  	v37 =	vld [tilespmem:s12+$0x14810];
	v18 =	vadd.f32 v34, v18  }
0x3cd: {  	v38 =	vld [tilespmem:s12+$0x16010];
	[tilespmem:s12+$0x1C000] =	vst v36  }
0x3ce: {  	s23 =	sadd.s32 $0x17800, s12;
	[tilespmem:s12+$0x1BC70] =	vst v18  }
0x3cf: {  	v19 =	vld [tilespmem:s23+$0x10];
	_ =	sdelay $0x1  }
0x3d0: {  	v39 =	vld [tilespmem:s12+$0x19010]  }
0x3d1: {  	v20 =	vmul.f32 v37, v14;
	v18 =	vmul.f32 v38, v15;
	_ =	sdelay $0x1  }
0x3d2: {  	v18 =	vadd.f32 v18, v20;
	v19 =	vmul.f32 v19, v16;
	_ =	sdelay $0x1  }
0x3d3: {  	v40 =	vmul.f32 v39, v17;
	v18 =	vadd.f32 v19, v18;
	_ =	sdelay $0x1  }
0x3d4: {  	v41 =	vld [tilespmem:s12+$0x14820];
	v18 =	vadd.f32 v40, v18  }
0x3d5: {  	v42 =	vld [tilespmem:s12+$0x16020]  }
0x3d6: {  	[tilespmem:s12+$0x1C010] =	vst v18  }
0x3d7: {  	v18 =	vld [tilespmem:s23+$0x20];
	_ =	sdelay $0x1  }
0x3d8: {  	v43 =	vld [tilespmem:s12+$0x19020]  }
0x3d9: {  	v20 =	vmul.f32 v42, v15;
	v19 =	vmul.f32 v41, v14;
	_ =	sdelay $0x1  }
0x3da: {  	v19 =	vadd.f32 v20, v19;
	v18 =	vmul.f32 v18, v16;
	_ =	sdelay $0x1  }
0x3db: {  	v44 =	vmul.f32 v43, v17;
	v18 =	vadd.f32 v18, v19;
	_ =	sdelay $0x1  }
0x3dc: {  	v45 =	vld [tilespmem:s12+$0x14830];
	v18 =	vadd.f32 v44, v18  }
0x3dd: {  	v46 =	vld [tilespmem:s12+$0x16030]  }
0x3de: {  	[tilespmem:s12+$0x1C020] =	vst v18  }
0x3df: {  	v18 =	vld [tilespmem:s23+$0x30];
	_ =	sdelay $0x1  }
0x3e0: {  	v47 =	vld [tilespmem:s12+$0x19030]  }
0x3e1: {  	v20 =	vmul.f32 v46, v15;
	v19 =	vmul.f32 v45, v14;
	_ =	sdelay $0x1  }
0x3e2: {  	v19 =	vadd.f32 v20, v19;
	v18 =	vmul.f32 v18, v16;
	_ =	sdelay $0x1  }
0x3e3: {  	v48 =	vmul.f32 v47, v17;
	v18 =	vadd.f32 v18, v19;
	_ =	sdelay $0x1  }
0x3e4: {  	v49 =	vld [tilespmem:s12+$0x14840];
	v18 =	vadd.f32 v48, v18  }
0x3e5: {  	v50 =	vld [tilespmem:s12+$0x16040]  }
0x3e6: {  	[tilespmem:s12+$0x1C030] =	vst v18  }
0x3e7: {  	v18 =	vld [tilespmem:s23+$0x40];
	_ =	sdelay $0x1  }
0x3e8: {  	v51 =	vld [tilespmem:s12+$0x19040]  }
0x3e9: {  	v20 =	vmul.f32 v50, v15;
	v19 =	vmul.f32 v49, v14;
	_ =	sdelay $0x1  }
0x3ea: {  	v19 =	vadd.f32 v20, v19;
	v18 =	vmul.f32 v18, v16;
	_ =	sdelay $0x1  }
0x3eb: {  	v52 =	vmul.f32 v51, v17;
	v18 =	vadd.f32 v18, v19;
	_ =	sdelay $0x1  }
0x3ec: {  	v53 =	vld [tilespmem:s12+$0x14850];
	v18 =	vadd.f32 v52, v18  }
0x3ed: {  	v54 =	vld [tilespmem:s12+$0x16050]  }
0x3ee: {  	[tilespmem:s12+$0x1C040] =	vst v18  }
0x3ef: {  	v18 =	vld [tilespmem:s23+$0x50];
	_ =	sdelay $0x1  }
0x3f0: {  	v55 =	vld [tilespmem:s12+$0x19050]  }
0x3f1: {  	v20 =	vmul.f32 v54, v15;
	v19 =	vmul.f32 v53, v14;
	_ =	sdelay $0x1  }
0x3f2: {  	v19 =	vadd.f32 v20, v19;
	v18 =	vmul.f32 v18, v16;
	_ =	sdelay $0x1  }
0x3f3: {  	v56 =	vmul.f32 v55, v17;
	v18 =	vadd.f32 v18, v19;
	_ =	sdelay $0x1  }
0x3f4: {  	v57 =	vld [tilespmem:s12+$0x14860];
	v18 =	vadd.f32 v56, v18  }
0x3f5: {  	v58 =	vld [tilespmem:s12+$0x16060]  }
0x3f6: {  	[tilespmem:s12+$0x1C050] =	vst v18  }
0x3f7: {  	v18 =	vld [tilespmem:s23+$0x60];
	_ =	sdelay $0x1  }
0x3f8: {  	v59 =	vld [tilespmem:s12+$0x19060]  }
0x3f9: {  	v20 =	vmul.f32 v58, v15;
	v19 =	vmul.f32 v57, v14;
	_ =	sdelay $0x1  }
0x3fa: {  	v19 =	vadd.f32 v20, v19;
	v18 =	vmul.f32 v18, v16;
	_ =	sdelay $0x1  }
0x3fb: {  	v60 =	vmul.f32 v59, v17;
	v18 =	vadd.f32 v18, v19;
	_ =	sdelay $0x1  }
0x3fc: {  	v62 =	vld [tilespmem:s12+$0x16070];
	v18 =	vadd.f32 v60, v18  }
0x3fd: {  	v61 =	vld [tilespmem:s12+$0x14870]  }
0x3fe: {  	[tilespmem:s12+$0x1C060] =	vst v18  }
0x3ff: {  	v18 =	vld [tilespmem:s23+$0x70];
	_ =	sdelay $0x1  }
0x400: {  	v63 =	vld [tilespmem:s12+$0x19070]  }
0x401: {  	v15 =	vmul.f32 v62, v15;
	v14 =	vmul.f32 v61, v14;
	_ =	sdelay $0x1  }
0x402: {  	v14 =	vadd.f32 v15, v14;
	v15 =	vmul.f32 v18, v16  }
0x403: {  	p0 =	sne.s32 s7, $0xF  }
.Ltmp10:
0x404: {  	v14 =	vadd.f32 v15, v14;
	v15 =	vmul.f32 v63, v17;
	(pc) =	sbr.rel @p0 .LBB2_14-.Ltmp10, $3  }
0x405: {  	_ = 	snop  }
0x406: {  	v14 =	vadd.f32 v15, v14;
	_ =	sdelay $0x1  }
0x407: {  	s6 =	sadd.s32 $0x80, s6;
	s7 =	sadd.s32 $0x1, s7;
	[tilespmem:s12+$0x1C070] =	vst v14  }
.Ltmp11:
0x408: {  	(pc) =	sbr.rel .LBB2_16-.Ltmp11, $3  }
0x409: {  	_ =	sdelay $0x1  }
0x40a: {  	s6 =	simm.s32 $0x1CC00  }
0x40b: {  	s7 =	simm.s32 $0x1C400;
	s12 =	simm.s32 $0x1C000;
	s19 =	simm.s32 $0x1B800  }
.LBB2_18:
0x40c: {  	_ =	sfence.sel $0x180000  }
0x40d: {  	[bflag:$0x0] =	sbarrier.arrive $0xFFFF  }
0x40e: {  	_ =	strace $0x90000047  }
0x40f: {  	s0 =	stileid.u32;
	[bflag:$0x2] =	sbarrier.arrive $0xFFFF  }
0x410: {  	p0 =	sne.s32 s0, $0x0;
	s0 =	rddreg [dreg:$0x4]  }
0x411: {  	s0 =	sadd.s32 @!p0 $0x100000, s0  }
0x412: {  	[sflag:s0] =	ssyncadd.tile.s32 @!p0 $0x1;
	_ =	shalt  }
.Lfunc_end2:
_tile_overlayer_lowered:
.L_overlay_start_2:
0x413: {  	(tag) =	ssettag $0x2  }
0x414: {  	s0 =	rddreg [dreg:$0x0];
	s2 =	stileid.u32  }
0x415: {  	s1 =	rddreg [dreg:$0x1];
	p0 =	sne.s32 s2, $0x0  }
0x416: {  	s3 =	rddreg [dreg:$0x2];
	[bflag:$0x3] =	sbarrier.arrive $0xFFFF;
	s2 =	simm.s32 @!p0 $0x1C05  }
0x417: {  	[timem:s3], [sflag:s2] =	dma.local @!p0 [hbm:s0], s1  }
0x418: {  	s0 =	simm.s32 @!p0 $0x5  }
0x419: {  	_ =	swait.ge @!p0 [sflag:s0], s1  }
0x41a: {  	s1 =	ssub.s32 @!p0 $0x0, s1;
	[sflag:s0] =	ssyncset.done @!p0 $0x0  }
0x41b: {  	[sflag:s0] =	ssyncadd.s32 @!p0 s1  }
0x41c: {  	[bflag:$0x3] =	sbarrier.arrive $0xFFFF  }
0x41d: {  	_ =	shalt  }

</sc_bundles>
